<compile_context>
chip_gen: v7x
topology: tpu7x:2x2x1
jax: 0.10.2.dev20260603
libtpu: 0.0.44.dev20260713+nightly
codegen_flags: <defaults>
</compile_context>

<pallas_src>
import jax
import jax.numpy as jnp
from jax import lax
from jax.experimental import pallas as pl
from jax.experimental.pallas import tpu as pltpu, tpu_sc as plsc

BATCH = 16384
DIM = 64
NSC = 2
NSUB = 16
J_PER_SC = DIM // NSC
B_PER_SUB = BATCH // NSUB
NENT = 1000000
RELW = 1024
IDX_CHUNK = 128
NCH = B_PER_SUB // IDX_CHUNK
GW = 3 * IDX_CHUNK


def _sc_body(ent_hbm, rel_hbm, tail_hbm, h_hbm, r_hbm, t_hbm, p0_hbm, p1_hbm,
             ent0, ent1, rel0, rel1, hidx, tidx, ridx, gbuf, tailv0, tailv1, acc,
             sem_r0, sem_r1, sem_g0, sem_g1):
    c = lax.axis_index("c")
    s = lax.axis_index("s")
    jbase = c * J_PER_SC
    b0 = s * B_PER_SUB

    ent_bufs = (ent0, ent1)
    rel_bufs = (rel0, rel1)
    tail_bufs = (tailv0, tailv1)
    row_sems = (sem_r0, sem_r1)
    g_sems = (sem_g0, sem_g1)

    row_slices = [(i * 124928, 124928) for i in range(8)]
    row_slices += [(999424, 512)]
    TAIL_OFF = 999936
    TAILW = 64

    def issue_row(jj, buf, rbuf, slot, sem):
        for i, (off, ln) in enumerate(row_slices):
            @pl.when(s == i)
            def _(off=off, ln=ln):
                pltpu.async_copy(ent_hbm.at[jbase + jj, pl.ds(off, ln)],
                                 buf.at[pl.ds(off, ln)], sem)

        @pl.when(s == 9)
        def _():
            pltpu.async_copy(rel_hbm.at[jbase + jj], rbuf, sem)

        @pl.when(s == 11)
        def _():
            pltpu.async_copy(tail_hbm.at[jbase + jj], tail_bufs[slot], sem)

    def wait_row(jj, buf, rbuf, slot, sem):
        for i, (off, ln) in enumerate(row_slices):
            @pl.when(s == i)
            def _(off=off, ln=ln):
                pltpu.make_async_copy(ent_hbm.at[0, pl.ds(0, ln)],
                                      buf.at[pl.ds(0, ln)], sem).wait()

        @pl.when(s == 9)
        def _():
            pltpu.make_async_copy(rel_hbm.at[0], rbuf, sem).wait()

        @pl.when(s == 11)
        def _():
            pltpu.make_async_copy(tail_hbm.at[0], tail_bufs[slot], sem).wait()
            pltpu.sync_copy(tail_bufs[slot], buf.at[pl.ds(TAIL_OFF, TAILW)])

    issue_row(0, ent0, rel0, 0, sem_r0)
    issue_row(1, ent1, rel1, 1, sem_r1)
    pltpu.async_copy(h_hbm.at[pl.ds(b0, B_PER_SUB)], hidx, sem_g0)
    pltpu.async_copy(t_hbm.at[pl.ds(b0, B_PER_SUB)], tidx, sem_g0)
    pltpu.async_copy(r_hbm.at[pl.ds(b0, B_PER_SUB)], ridx, sem_g0)
    for i in range(B_PER_SUB // 16):
        d = pl.ds(i * 16, 16)
        acc[d] = jnp.zeros((16,), jnp.float32)
    pltpu.make_async_copy(h_hbm.at[pl.ds(0, B_PER_SUB)], hidx, sem_g0).wait()
    pltpu.make_async_copy(h_hbm.at[pl.ds(0, B_PER_SUB)], tidx, sem_g0).wait()
    pltpu.make_async_copy(h_hbm.at[pl.ds(0, B_PER_SUB)], ridx, sem_g0).wait()

    def issue_chunk(buf, rbuf, ch, slot):
        d = pl.ds(ch * IDX_CHUNK, IDX_CHUNK)
        base = slot * GW
        sem = g_sems[slot]
        pltpu.async_copy(buf.at[hidx.at[d]], gbuf.at[pl.ds(base, IDX_CHUNK)], sem)
        pltpu.async_copy(buf.at[tidx.at[d]],
                         gbuf.at[pl.ds(base + IDX_CHUNK, IDX_CHUNK)], sem)
        pltpu.async_copy(rbuf.at[ridx.at[d]],
                         gbuf.at[pl.ds(base + 2 * IDX_CHUNK, IDX_CHUNK)], sem)

    def wait_chunk(slot):
        pltpu.make_async_copy(ent_hbm.at[0, pl.ds(0, GW)],
                              gbuf.at[pl.ds(slot * GW, GW)], g_sems[slot]).wait()

    def process_j(jj, buf_id):
        buf = ent_bufs[buf_id]
        rbuf = rel_bufs[buf_id]
        wait_row(jj, buf, rbuf, buf_id, row_sems[buf_id])
        plsc.subcore_barrier()

        issue_chunk(buf, rbuf, 0, 0)
        for ch in range(NCH):
            slot = ch % 2
            if ch + 1 < NCH:
                issue_chunk(buf, rbuf, ch + 1, (ch + 1) % 2)
            wait_chunk(slot)
            base = slot * GW
            for i in range(IDX_CHUNK // 16):
                hv = gbuf[pl.ds(base + i * 16, 16)]
                tv = gbuf[pl.ds(base + IDX_CHUNK + i * 16, 16)]
                rv = gbuf[pl.ds(base + 2 * IDX_CHUNK + i * 16, 16)]
                dd = hv + rv - tv
                a = pl.ds(ch * IDX_CHUNK + i * 16, 16)
                acc[a] = acc[a] + dd * dd

        plsc.subcore_barrier()

        @pl.when(jj + 2 < J_PER_SC)
        def _():
            issue_row(jj + 2, buf, rbuf, buf_id, row_sems[buf_id])

    def loop2(i, carry):
        process_j(i * 2, 0)
        process_j(i * 2 + 1, 1)
        return carry

    lax.fori_loop(0, J_PER_SC // 2, loop2, 0)

    @pl.when(c == 0)
    def _():
        pltpu.sync_copy(acc, p0_hbm.at[pl.ds(b0, B_PER_SUB)])

    @pl.when(c == 1)
    def _():
        pltpu.sync_copy(acc, p1_hbm.at[pl.ds(b0, B_PER_SUB)])


def _combine_body(p0_ref, p1_ref, o_ref):
    o_ref[...] = jnp.sqrt(p0_ref[...] + p1_ref[...] + 1e-12)


@jax.jit
def _transe(emb_ent, emb_rel, h, r, t):
    ent_t = emb_ent.T
    rel_t = jnp.pad(emb_rel.T, ((0, 0), (0, RELW - emb_rel.shape[0])))
    tail_t = emb_ent[NENT - 64:, :].T
    mesh = plsc.VectorSubcoreMesh(core_axis_name="c", subcore_axis_name="s",
                                  num_cores=NSC, num_subcores=NSUB)
    f = pl.kernel(
        _sc_body,
        out_type=(jax.ShapeDtypeStruct((BATCH,), jnp.float32),
                  jax.ShapeDtypeStruct((BATCH,), jnp.float32)),
        mesh=mesh,
        compiler_params=pltpu.CompilerParams(
            use_tc_tiling_on_sc=True,
            needs_layout_passes=False,
            skip_device_barrier=True,
        ),
        scratch_types=[
            pltpu.VMEM_SHARED((NENT,), jnp.float32),
            pltpu.VMEM_SHARED((NENT,), jnp.float32),
            pltpu.VMEM_SHARED((RELW,), jnp.float32),
            pltpu.VMEM_SHARED((RELW,), jnp.float32),
            pltpu.VMEM((B_PER_SUB,), jnp.int32),
            pltpu.VMEM((B_PER_SUB,), jnp.int32),
            pltpu.VMEM((B_PER_SUB,), jnp.int32),
            pltpu.VMEM((2 * GW,), jnp.float32),
            pltpu.VMEM((64,), jnp.float32),
            pltpu.VMEM((64,), jnp.float32),
            pltpu.VMEM((B_PER_SUB,), jnp.float32),
            pltpu.SemaphoreType.DMA,
            pltpu.SemaphoreType.DMA,
            pltpu.SemaphoreType.DMA,
            pltpu.SemaphoreType.DMA,
        ],
    )
    p0, p1 = f(ent_t, rel_t, tail_t, h, r, t)
    out = pl.pallas_call(
        _combine_body,
        out_shape=jax.ShapeDtypeStruct((128, 128), jnp.float32),
    )(p0.reshape(128, 128), p1.reshape(128, 128))
    return out.reshape(BATCH)


def kernel(emb_ent, emb_rel, h, r, t):
    return _transe(emb_ent, emb_rel,
                   h.astype(jnp.int32), r.astype(jnp.int32),
                   t.astype(jnp.int32))

# --- scband reference (transcript-rebuilt; emitter-appended) ---
"""Pipeline reference for scband-kge-56341380989575 (READ-ONLY COPY).

The authoritative reference and input builder live on the scoring server;
editing this copy changes nothing except your own understanding.
"""

import jax, jax.numpy as jnp
import numpy as np

NUM_ENTITIES = 1000000
NUM_RELATIONS = 1000
EMBED_DIM = 64
BATCH = 16384

def setup_inputs(seed: int = 0) -> dict:
    key = jax.random.key(seed)
    k1, k2, k3, k4, k5 = jax.random.split(key, 5)
    bound = 6.0 / np.sqrt(EMBED_DIM)
    emb_ent = jax.random.uniform(k1, (NUM_ENTITIES, EMBED_DIM), dtype=jnp.float32, minval=-bound, maxval=bound)
    emb_rel = jax.random.uniform(k2, (NUM_RELATIONS, EMBED_DIM), dtype=jnp.float32, minval=-bound, maxval=bound)
    h = jax.random.randint(k3, (BATCH,), 0, NUM_ENTITIES, dtype=jnp.int64 if jax.config.read('jax_enable_x64') else jnp.int32)
    r = jax.random.randint(k4, (BATCH,), 0, NUM_RELATIONS, dtype=jnp.int64 if jax.config.read('jax_enable_x64') else jnp.int32)
    t = jax.random.randint(k5, (BATCH,), 0, NUM_ENTITIES, dtype=jnp.int64 if jax.config.read('jax_enable_x64') else jnp.int32)
    return {"emb_ent": emb_ent, "emb_rel": emb_rel, "h": h, "r": r, "t": t}

def reference(emb_ent, emb_rel, h, r, t):
    # TransE-style forward: forward(self.emb_ent, self.emb_rel, h, r, t)
    # distance = || emb_ent[h] + emb_rel[r] - emb_ent[t] ||_2
    head = jnp.take(emb_ent, h, axis=0)
    rel = jnp.take(emb_rel, r, axis=0)
    tail = jnp.take(emb_ent, t, axis=0)
    diff = head + rel - tail
    distance = jnp.sqrt(jnp.sum(diff * diff, axis=-1) + 1e-12)
    return distance

if __name__ == "__main__":
    import jax
    _d = setup_inputs()
    print(jax.jit(kernel)(*tuple(_d.values())))

</pallas_src>

<mosaic_0001>
#map = affine_map<(d0, d1) -> (0, 0)>
#map1 = affine_map<(d0, d1) -> (0)>
module attributes {stable_mosaic.version = 14 : i64} {
  func.func @_sc_body(%arg0: i32, %arg1: i32, %arg2: memref<64x1000000xf32, #tpu.memory_space<hbm>>, %arg3: memref<64x1024xf32, #tpu.memory_space<hbm>>, %arg4: memref<64x64xf32, #tpu.memory_space<hbm>>, %arg5: memref<16384xi32, #tpu.memory_space<hbm>>, %arg6: memref<16384xi32, #tpu.memory_space<hbm>>, %arg7: memref<16384xi32, #tpu.memory_space<hbm>>, %arg8: memref<16384xf32, #tpu.memory_space<hbm>>, %arg9: memref<16384xf32, #tpu.memory_space<hbm>>, %arg10: memref<1000000xf32, #tpu.memory_space<vmem_shared>>, %arg11: memref<1000000xf32, #tpu.memory_space<vmem_shared>>, %arg12: memref<1024xf32, #tpu.memory_space<vmem_shared>>, %arg13: memref<1024xf32, #tpu.memory_space<vmem_shared>>, %arg14: memref<1024xi32, #tpu.memory_space<vmem>>, %arg15: memref<1024xi32, #tpu.memory_space<vmem>>, %arg16: memref<1024xi32, #tpu.memory_space<vmem>>, %arg17: memref<768xf32, #tpu.memory_space<vmem>>, %arg18: memref<64xf32, #tpu.memory_space<vmem>>, %arg19: memref<64xf32, #tpu.memory_space<vmem>>, %arg20: memref<1024xf32, #tpu.memory_space<vmem>>, %arg21: memref<!tpu.dma_semaphore, #tpu.memory_space<semaphore_mem>>, %arg22: memref<!tpu.dma_semaphore, #tpu.memory_space<semaphore_mem>>, %arg23: memref<!tpu.dma_semaphore, #tpu.memory_space<semaphore_mem>>, %arg24: memref<!tpu.dma_semaphore, #tpu.memory_space<semaphore_mem>>) attributes {dimension_semantics = [#tpu.dimension_semantics<core_parallel>, #tpu.dimension_semantics<subcore_parallel>], iteration_bounds = array<i64: 2, 16>, scalar_prefetch = 0 : i64, scratch_operands = 15 : i64, tpu.core_type = #tpu.core_type<sc_vector_subcore>, window_params = [{transform_indices = #map}, {transform_indices = #map}, {transform_indices = #map}, {transform_indices = #map1}, {transform_indices = #map1}, {transform_indices = #map1}, {transform_indices = #map1}, {transform_indices = #map1}]} {
    %mul3A = arith.constant 32 : i32
    %mul3A_0 = arith.muli %arg0, %mul3A : i32
    %mul3A_1 = arith.constant 1024 : i32
    %mul3A_2 = arith.muli %arg1, %mul3A_1 : i32
    %eq3A = arith.constant 0 : i32
    %eq3A_3 = arith.cmpi eq, %arg1, %eq3A : i32
    %convert_element_type3A = arith.extui %eq3A_3 : i1 to i32
    %cond3A = arith.constant 0 : i32
    %cond3A_4 = arith.cmpi ne, %convert_element_type3A, %cond3A : i32
    scf.if %cond3A_4 {
      %add3A = arith.constant 0 : i32
      %add3A_395 = arith.addi %mul3A_0, %add3A : i32
      %dma_start3A_396 = arith.constant 0 : i32
      %dma_start3A_397 = tpu.memref_slice %arg10[%dma_start3A_396] : memref<1000000xf32, #tpu.memory_space<vmem_shared>> -> memref<124928xf32, #tpu.memory_space<vmem_shared>>
      %dma_start3A_398 = arith.constant 0 : i32
      %dma_start3A_399 = tpu.memref_slice %arg2[%add3A_395, %dma_start3A_398] : memref<64x1000000xf32, #tpu.memory_space<hbm>> -> memref<1x124928xf32, #tpu.memory_space<hbm>>
      %dma_start3A_400 = tpu.memref_squeeze %dma_start3A_399 : memref<1x124928xf32, #tpu.memory_space<hbm>> -> memref<124928xf32, #tpu.memory_space<hbm>>
      tpu.enqueue_dma source(%dma_start3A_400 : memref<124928xf32, #tpu.memory_space<hbm>>) target(%dma_start3A_397 : memref<124928xf32, #tpu.memory_space<vmem_shared>>) target_semaphore(%arg21 : memref<!tpu.dma_semaphore, #tpu.memory_space<semaphore_mem>>)
    } else {
    }
    %eq3A_5 = arith.constant 1 : i32
    %eq3A_6 = arith.cmpi eq, %arg1, %eq3A_5 : i32
    %convert_element_type3A_7 = arith.extui %eq3A_6 : i1 to i32
    %cond3A_8 = arith.constant 0 : i32
    %cond3A_9 = arith.cmpi ne, %convert_element_type3A_7, %cond3A_8 : i32
    scf.if %cond3A_9 {
      %add3A = arith.constant 0 : i32
      %add3A_395 = arith.addi %mul3A_0, %add3A : i32
      %dma_start3A_396 = arith.constant 124928 : i32
      %dma_start3A_397 = tpu.memref_slice %arg10[%dma_start3A_396] : memref<1000000xf32, #tpu.memory_space<vmem_shared>> -> memref<124928xf32, #tpu.memory_space<vmem_shared>>
      %dma_start3A_398 = arith.constant 124928 : i32
      %dma_start3A_399 = tpu.memref_slice %arg2[%add3A_395, %dma_start3A_398] : memref<64x1000000xf32, #tpu.memory_space<hbm>> -> memref<1x124928xf32, #tpu.memory_space<hbm>>
      %dma_start3A_400 = tpu.memref_squeeze %dma_start3A_399 : memref<1x124928xf32, #tpu.memory_space<hbm>> -> memref<124928xf32, #tpu.memory_space<hbm>>
      tpu.enqueue_dma source(%dma_start3A_400 : memref<124928xf32, #tpu.memory_space<hbm>>) target(%dma_start3A_397 : memref<124928xf32, #tpu.memory_space<vmem_shared>>) target_semaphore(%arg21 : memref<!tpu.dma_semaphore, #tpu.memory_space<semaphore_mem>>)
    } else {
    }
    %eq3A_10 = arith.constant 2 : i32
    %eq3A_11 = arith.cmpi eq, %arg1, %eq3A_10 : i32
    %convert_element_type3A_12 = arith.extui %eq3A_11 : i1 to i32
    %cond3A_13 = arith.constant 0 : i32
    %cond3A_14 = arith.cmpi ne, %convert_element_type3A_12, %cond3A_13 : i32
    scf.if %cond3A_14 {
      %add3A = arith.constant 0 : i32
      %add3A_395 = arith.addi %mul3A_0, %add3A : i32
      %dma_start3A_396 = arith.constant 249856 : i32
      %dma_start3A_397 = tpu.memref_slice %arg10[%dma_start3A_396] : memref<1000000xf32, #tpu.memory_space<vmem_shared>> -> memref<124928xf32, #tpu.memory_space<vmem_shared>>
      %dma_start3A_398 = arith.constant 249856 : i32
      %dma_start3A_399 = tpu.memref_slice %arg2[%add3A_395, %dma_start3A_398] : memref<64x1000000xf32, #tpu.memory_space<hbm>> -> memref<1x124928xf32, #tpu.memory_space<hbm>>
      %dma_start3A_400 = tpu.memref_squeeze %dma_start3A_399 : memref<1x124928xf32, #tpu.memory_space<hbm>> -> memref<124928xf32, #tpu.memory_space<hbm>>
      tpu.enqueue_dma source(%dma_start3A_400 : memref<124928xf32, #tpu.memory_space<hbm>>) target(%dma_start3A_397 : memref<124928xf32, #tpu.memory_space<vmem_shared>>) target_semaphore(%arg21 : memref<!tpu.dma_semaphore, #tpu.memory_space<semaphore_mem>>)
    } else {
    }
    %eq3A_15 = arith.constant 3 : i32
    %eq3A_16 = arith.cmpi eq, %arg1, %eq3A_15 : i32
    %convert_element_type3A_17 = arith.extui %eq3A_16 : i1 to i32
    %cond3A_18 = arith.constant 0 : i32
    %cond3A_19 = arith.cmpi ne, %convert_element_type3A_17, %cond3A_18 : i32
    scf.if %cond3A_19 {
      %add3A = arith.constant 0 : i32
      %add3A_395 = arith.addi %mul3A_0, %add3A : i32
      %dma_start3A_396 = arith.constant 374784 : i32
      %dma_start3A_397 = tpu.memref_slice %arg10[%dma_start3A_396] : memref<1000000xf32, #tpu.memory_space<vmem_shared>> -> memref<124928xf32, #tpu.memory_space<vmem_shared>>
      %dma_start3A_398 = arith.constant 374784 : i32
      %dma_start3A_399 = tpu.memref_slice %arg2[%add3A_395, %dma_start3A_398] : memref<64x1000000xf32, #tpu.memory_space<hbm>> -> memref<1x124928xf32, #tpu.memory_space<hbm>>
      %dma_start3A_400 = tpu.memref_squeeze %dma_start3A_399 : memref<1x124928xf32, #tpu.memory_space<hbm>> -> memref<124928xf32, #tpu.memory_space<hbm>>
      tpu.enqueue_dma source(%dma_start3A_400 : memref<124928xf32, #tpu.memory_space<hbm>>) target(%dma_start3A_397 : memref<124928xf32, #tpu.memory_space<vmem_shared>>) target_semaphore(%arg21 : memref<!tpu.dma_semaphore, #tpu.memory_space<semaphore_mem>>)
    } else {
    }
    %eq3A_20 = arith.constant 4 : i32
    %eq3A_21 = arith.cmpi eq, %arg1, %eq3A_20 : i32
    %convert_element_type3A_22 = arith.extui %eq3A_21 : i1 to i32
    %cond3A_23 = arith.constant 0 : i32
    %cond3A_24 = arith.cmpi ne, %convert_element_type3A_22, %cond3A_23 : i32
    scf.if %cond3A_24 {
      %add3A = arith.constant 0 : i32
      %add3A_395 = arith.addi %mul3A_0, %add3A : i32
      %dma_start3A_396 = arith.constant 499712 : i32
      %dma_start3A_397 = tpu.memref_slice %arg10[%dma_start3A_396] : memref<1000000xf32, #tpu.memory_space<vmem_shared>> -> memref<124928xf32, #tpu.memory_space<vmem_shared>>
      %dma_start3A_398 = arith.constant 499712 : i32
      %dma_start3A_399 = tpu.memref_slice %arg2[%add3A_395, %dma_start3A_398] : memref<64x1000000xf32, #tpu.memory_space<hbm>> -> memref<1x124928xf32, #tpu.memory_space<hbm>>
      %dma_start3A_400 = tpu.memref_squeeze %dma_start3A_399 : memref<1x124928xf32, #tpu.memory_space<hbm>> -> memref<124928xf32, #tpu.memory_space<hbm>>
      tpu.enqueue_dma source(%dma_start3A_400 : memref<124928xf32, #tpu.memory_space<hbm>>) target(%dma_start3A_397 : memref<124928xf32, #tpu.memory_space<vmem_shared>>) target_semaphore(%arg21 : memref<!tpu.dma_semaphore, #tpu.memory_space<semaphore_mem>>)
    } else {
    }
    %eq3A_25 = arith.constant 5 : i32
    %eq3A_26 = arith.cmpi eq, %arg1, %eq3A_25 : i32
    %convert_element_type3A_27 = arith.extui %eq3A_26 : i1 to i32
    %cond3A_28 = arith.constant 0 : i32
    %cond3A_29 = arith.cmpi ne, %convert_element_type3A_27, %cond3A_28 : i32
    scf.if %cond3A_29 {
      %add3A = arith.constant 0 : i32
      %add3A_395 = arith.addi %mul3A_0, %add3A : i32
      %dma_start3A_396 = arith.constant 624640 : i32
      %dma_start3A_397 = tpu.memref_slice %arg10[%dma_start3A_396] : memref<1000000xf32, #tpu.memory_space<vmem_shared>> -> memref<124928xf32, #tpu.memory_space<vmem_shared>>
      %dma_start3A_398 = arith.constant 624640 : i32
      %dma_start3A_399 = tpu.memref_slice %arg2[%add3A_395, %dma_start3A_398] : memref<64x1000000xf32, #tpu.memory_space<hbm>> -> memref<1x124928xf32, #tpu.memory_space<hbm>>
      %dma_start3A_400 = tpu.memref_squeeze %dma_start3A_399 : memref<1x124928xf32, #tpu.memory_space<hbm>> -> memref<124928xf32, #tpu.memory_space<hbm>>
      tpu.enqueue_dma source(%dma_start3A_400 : memref<124928xf32, #tpu.memory_space<hbm>>) target(%dma_start3A_397 : memref<124928xf32, #tpu.memory_space<vmem_shared>>) target_semaphore(%arg21 : memref<!tpu.dma_semaphore, #tpu.memory_space<semaphore_mem>>)
    } else {
    }
    %eq3A_30 = arith.constant 6 : i32
    %eq3A_31 = arith.cmpi eq, %arg1, %eq3A_30 : i32
    %convert_element_type3A_32 = arith.extui %eq3A_31 : i1 to i32
    %cond3A_33 = arith.constant 0 : i32
    %cond3A_34 = arith.cmpi ne, %convert_element_type3A_32, %cond3A_33 : i32
    scf.if %cond3A_34 {
      %add3A = arith.constant 0 : i32
      %add3A_395 = arith.addi %mul3A_0, %add3A : i32
      %dma_start3A_396 = arith.constant 749568 : i32
      %dma_start3A_397 = tpu.memref_slice %arg10[%dma_start3A_396] : memref<1000000xf32, #tpu.memory_space<vmem_shared>> -> memref<124928xf32, #tpu.memory_space<vmem_shared>>
      %dma_start3A_398 = arith.constant 749568 : i32
      %dma_start3A_399 = tpu.memref_slice %arg2[%add3A_395, %dma_start3A_398] : memref<64x1000000xf32, #tpu.memory_space<hbm>> -> memref<1x124928xf32, #tpu.memory_space<hbm>>
      %dma_start3A_400 = tpu.memref_squeeze %dma_start3A_399 : memref<1x124928xf32, #tpu.memory_space<hbm>> -> memref<124928xf32, #tpu.memory_space<hbm>>
      tpu.enqueue_dma source(%dma_start3A_400 : memref<124928xf32, #tpu.memory_space<hbm>>) target(%dma_start3A_397 : memref<124928xf32, #tpu.memory_space<vmem_shared>>) target_semaphore(%arg21 : memref<!tpu.dma_semaphore, #tpu.memory_space<semaphore_mem>>)
    } else {
    }
    %eq3A_35 = arith.constant 7 : i32
    %eq3A_36 = arith.cmpi eq, %arg1, %eq3A_35 : i32
    %convert_element_type3A_37 = arith.extui %eq3A_36 : i1 to i32
    %cond3A_38 = arith.constant 0 : i32
    %cond3A_39 = arith.cmpi ne, %convert_element_type3A_37, %cond3A_38 : i32
    scf.if %cond3A_39 {
      %add3A = arith.constant 0 : i32
      %add3A_395 = arith.addi %mul3A_0, %add3A : i32
      %dma_start3A_396 = arith.constant 874496 : i32
      %dma_start3A_397 = tpu.memref_slice %arg10[%dma_start3A_396] : memref<1000000xf32, #tpu.memory_space<vmem_shared>> -> memref<124928xf32, #tpu.memory_space<vmem_shared>>
      %dma_start3A_398 = arith.constant 874496 : i32
      %dma_start3A_399 = tpu.memref_slice %arg2[%add3A_395, %dma_start3A_398] : memref<64x1000000xf32, #tpu.memory_space<hbm>> -> memref<1x124928xf32, #tpu.memory_space<hbm>>
      %dma_start3A_400 = tpu.memref_squeeze %dma_start3A_399 : memref<1x124928xf32, #tpu.memory_space<hbm>> -> memref<124928xf32, #tpu.memory_space<hbm>>
      tpu.enqueue_dma source(%dma_start3A_400 : memref<124928xf32, #tpu.memory_space<hbm>>) target(%dma_start3A_397 : memref<124928xf32, #tpu.memory_space<vmem_shared>>) target_semaphore(%arg21 : memref<!tpu.dma_semaphore, #tpu.memory_space<semaphore_mem>>)
    } else {
    }
    %eq3A_40 = arith.constant 8 : i32
    %eq3A_41 = arith.cmpi eq, %arg1, %eq3A_40 : i32
    %convert_element_type3A_42 = arith.extui %eq3A_41 : i1 to i32
    %cond3A_43 = arith.constant 0 : i32
    %cond3A_44 = arith.cmpi ne, %convert_element_type3A_42, %cond3A_43 : i32
    scf.if %cond3A_44 {
      %add3A = arith.constant 0 : i32
      %add3A_395 = arith.addi %mul3A_0, %add3A : i32
      %dma_start3A_396 = arith.constant 999424 : i32
      %dma_start3A_397 = tpu.memref_slice %arg10[%dma_start3A_396] : memref<1000000xf32, #tpu.memory_space<vmem_shared>> -> memref<512xf32, #tpu.memory_space<vmem_shared>>
      %dma_start3A_398 = arith.constant 999424 : i32
      %dma_start3A_399 = tpu.memref_slice %arg2[%add3A_395, %dma_start3A_398] : memref<64x1000000xf32, #tpu.memory_space<hbm>> -> memref<1x512xf32, #tpu.memory_space<hbm>>
      %dma_start3A_400 = tpu.memref_squeeze %dma_start3A_399 : memref<1x512xf32, #tpu.memory_space<hbm>> -> memref<512xf32, #tpu.memory_space<hbm>>
      tpu.enqueue_dma source(%dma_start3A_400 : memref<512xf32, #tpu.memory_space<hbm>>) target(%dma_start3A_397 : memref<512xf32, #tpu.memory_space<vmem_shared>>) target_semaphore(%arg21 : memref<!tpu.dma_semaphore, #tpu.memory_space<semaphore_mem>>)
    } else {
    }
    %eq3A_45 = arith.constant 9 : i32
    %eq3A_46 = arith.cmpi eq, %arg1, %eq3A_45 : i32
    %convert_element_type3A_47 = arith.extui %eq3A_46 : i1 to i32
    %cond3A_48 = arith.constant 0 : i32
    %cond3A_49 = arith.cmpi ne, %convert_element_type3A_47, %cond3A_48 : i32
    scf.if %cond3A_49 {
      %add3A = arith.constant 0 : i32
      %add3A_395 = arith.addi %mul3A_0, %add3A : i32
      %dma_start3A_396 = arith.constant 0 : i32
      %dma_start3A_397 = tpu.memref_slice %arg3[%add3A_395, %dma_start3A_396] : memref<64x1024xf32, #tpu.memory_space<hbm>> -> memref<1x1024xf32, #tpu.memory_space<hbm>>
      %dma_start3A_398 = tpu.memref_squeeze %dma_start3A_397 : memref<1x1024xf32, #tpu.memory_space<hbm>> -> memref<1024xf32, #tpu.memory_space<hbm>>
      tpu.enqueue_dma source(%dma_start3A_398 : memref<1024xf32, #tpu.memory_space<hbm>>) target(%arg12 : memref<1024xf32, #tpu.memory_space<vmem_shared>>) target_semaphore(%arg21 : memref<!tpu.dma_semaphore, #tpu.memory_space<semaphore_mem>>)
    } else {
    }
    %eq3A_50 = arith.constant 11 : i32
    %eq3A_51 = arith.cmpi eq, %arg1, %eq3A_50 : i32
    %convert_element_type3A_52 = arith.extui %eq3A_51 : i1 to i32
    %cond3A_53 = arith.constant 0 : i32
    %cond3A_54 = arith.cmpi ne, %convert_element_type3A_52, %cond3A_53 : i32
    scf.if %cond3A_54 {
      %add3A = arith.constant 0 : i32
      %add3A_395 = arith.addi %mul3A_0, %add3A : i32
      %dma_start3A_396 = arith.constant 0 : i32
      %dma_start3A_397 = tpu.memref_slice %arg4[%add3A_395, %dma_start3A_396] : memref<64x64xf32, #tpu.memory_space<hbm>> -> memref<1x64xf32, #tpu.memory_space<hbm>>
      %dma_start3A_398 = tpu.memref_squeeze %dma_start3A_397 : memref<1x64xf32, #tpu.memory_space<hbm>> -> memref<64xf32, #tpu.memory_space<hbm>>
      %dma_start3A_399 = arith.constant 0 : i32
      %dma_start3A_400 = tpu.memref_slice %arg4[%add3A_395, %dma_start3A_399] : memref<64x64xf32, #tpu.memory_space<hbm>> -> memref<1x64xf32, #tpu.memory_space<hbm>>
      %dma_start3A_401 = tpu.memref_squeeze %dma_start3A_400 : memref<1x64xf32, #tpu.memory_space<hbm>> -> memref<64xf32, #tpu.memory_space<hbm>>
      tpu.enqueue_dma source(%dma_start3A_401 : memref<64xf32, #tpu.memory_space<hbm>>) target(%arg18 : memref<64xf32, #tpu.memory_space<vmem>>) target_semaphore(%arg21 : memref<!tpu.dma_semaphore, #tpu.memory_space<semaphore_mem>>)
    } else {
    }
    %eq3A_55 = arith.constant 0 : i32
    %eq3A_56 = arith.cmpi eq, %arg1, %eq3A_55 : i32
    %convert_element_type3A_57 = arith.extui %eq3A_56 : i1 to i32
    %cond3A_58 = arith.constant 0 : i32
    %cond3A_59 = arith.cmpi ne, %convert_element_type3A_57, %cond3A_58 : i32
    scf.if %cond3A_59 {
      %add3A = arith.constant 1 : i32
      %add3A_395 = arith.addi %mul3A_0, %add3A : i32
      %dma_start3A_396 = arith.constant 0 : i32
      %dma_start3A_397 = tpu.memref_slice %arg11[%dma_start3A_396] : memref<1000000xf32, #tpu.memory_space<vmem_shared>> -> memref<124928xf32, #tpu.memory_space<vmem_shared>>
      %dma_start3A_398 = arith.constant 0 : i32
      %dma_start3A_399 = tpu.memref_slice %arg2[%add3A_395, %dma_start3A_398] : memref<64x1000000xf32, #tpu.memory_space<hbm>> -> memref<1x124928xf32, #tpu.memory_space<hbm>>
      %dma_start3A_400 = tpu.memref_squeeze %dma_start3A_399 : memref<1x124928xf32, #tpu.memory_space<hbm>> -> memref<124928xf32, #tpu.memory_space<hbm>>
      tpu.enqueue_dma source(%dma_start3A_400 : memref<124928xf32, #tpu.memory_space<hbm>>) target(%dma_start3A_397 : memref<124928xf32, #tpu.memory_space<vmem_shared>>) target_semaphore(%arg22 : memref<!tpu.dma_semaphore, #tpu.memory_space<semaphore_mem>>)
    } else {
    }
    %eq3A_60 = arith.constant 1 : i32
    %eq3A_61 = arith.cmpi eq, %arg1, %eq3A_60 : i32
    %convert_element_type3A_62 = arith.extui %eq3A_61 : i1 to i32
    %cond3A_63 = arith.constant 0 : i32
    %cond3A_64 = arith.cmpi ne, %convert_element_type3A_62, %cond3A_63 : i32
    scf.if %cond3A_64 {
      %add3A = arith.constant 1 : i32
      %add3A_395 = arith.addi %mul3A_0, %add3A : i32
      %dma_start3A_396 = arith.constant 124928 : i32
      %dma_start3A_397 = tpu.memref_slice %arg11[%dma_start3A_396] : memref<1000000xf32, #tpu.memory_space<vmem_shared>> -> memref<124928xf32, #tpu.memory_space<vmem_shared>>
      %dma_start3A_398 = arith.constant 124928 : i32
      %dma_start3A_399 = tpu.memref_slice %arg2[%add3A_395, %dma_start3A_398] : memref<64x1000000xf32, #tpu.memory_space<hbm>> -> memref<1x124928xf32, #tpu.memory_space<hbm>>
      %dma_start3A_400 = tpu.memref_squeeze %dma_start3A_399 : memref<1x124928xf32, #tpu.memory_space<hbm>> -> memref<124928xf32, #tpu.memory_space<hbm>>
      tpu.enqueue_dma source(%dma_start3A_400 : memref<124928xf32, #tpu.memory_space<hbm>>) target(%dma_start3A_397 : memref<124928xf32, #tpu.memory_space<vmem_shared>>) target_semaphore(%arg22 : memref<!tpu.dma_semaphore, #tpu.memory_space<semaphore_mem>>)
    } else {
    }
    %eq3A_65 = arith.constant 2 : i32
    %eq3A_66 = arith.cmpi eq, %arg1, %eq3A_65 : i32
    %convert_element_type3A_67 = arith.extui %eq3A_66 : i1 to i32
    %cond3A_68 = arith.constant 0 : i32
    %cond3A_69 = arith.cmpi ne, %convert_element_type3A_67, %cond3A_68 : i32
    scf.if %cond3A_69 {
      %add3A = arith.constant 1 : i32
      %add3A_395 = arith.addi %mul3A_0, %add3A : i32
      %dma_start3A_396 = arith.constant 249856 : i32
      %dma_start3A_397 = tpu.memref_slice %arg11[%dma_start3A_396] : memref<1000000xf32, #tpu.memory_space<vmem_shared>> -> memref<124928xf32, #tpu.memory_space<vmem_shared>>
      %dma_start3A_398 = arith.constant 249856 : i32
      %dma_start3A_399 = tpu.memref_slice %arg2[%add3A_395, %dma_start3A_398] : memref<64x1000000xf32, #tpu.memory_space<hbm>> -> memref<1x124928xf32, #tpu.memory_space<hbm>>
      %dma_start3A_400 = tpu.memref_squeeze %dma_start3A_399 : memref<1x124928xf32, #tpu.memory_space<hbm>> -> memref<124928xf32, #tpu.memory_space<hbm>>
      tpu.enqueue_dma source(%dma_start3A_400 : memref<124928xf32, #tpu.memory_space<hbm>>) target(%dma_start3A_397 : memref<124928xf32, #tpu.memory_space<vmem_shared>>) target_semaphore(%arg22 : memref<!tpu.dma_semaphore, #tpu.memory_space<semaphore_mem>>)
    } else {
    }
    %eq3A_70 = arith.constant 3 : i32
    %eq3A_71 = arith.cmpi eq, %arg1, %eq3A_70 : i32
    %convert_element_type3A_72 = arith.extui %eq3A_71 : i1 to i32
    %cond3A_73 = arith.constant 0 : i32
    %cond3A_74 = arith.cmpi ne, %convert_element_type3A_72, %cond3A_73 : i32
    scf.if %cond3A_74 {
      %add3A = arith.constant 1 : i32
      %add3A_395 = arith.addi %mul3A_0, %add3A : i32
      %dma_start3A_396 = arith.constant 374784 : i32
      %dma_start3A_397 = tpu.memref_slice %arg11[%dma_start3A_396] : memref<1000000xf32, #tpu.memory_space<vmem_shared>> -> memref<124928xf32, #tpu.memory_space<vmem_shared>>
      %dma_start3A_398 = arith.constant 374784 : i32
      %dma_start3A_399 = tpu.memref_slice %arg2[%add3A_395, %dma_start3A_398] : memref<64x1000000xf32, #tpu.memory_space<hbm>> -> memref<1x124928xf32, #tpu.memory_space<hbm>>
      %dma_start3A_400 = tpu.memref_squeeze %dma_start3A_399 : memref<1x124928xf32, #tpu.memory_space<hbm>> -> memref<124928xf32, #tpu.memory_space<hbm>>
      tpu.enqueue_dma source(%dma_start3A_400 : memref<124928xf32, #tpu.memory_space<hbm>>) target(%dma_start3A_397 : memref<124928xf32, #tpu.memory_space<vmem_shared>>) target_semaphore(%arg22 : memref<!tpu.dma_semaphore, #tpu.memory_space<semaphore_mem>>)
    } else {
    }
    %eq3A_75 = arith.constant 4 : i32
    %eq3A_76 = arith.cmpi eq, %arg1, %eq3A_75 : i32
    %convert_element_type3A_77 = arith.extui %eq3A_76 : i1 to i32
    %cond3A_78 = arith.constant 0 : i32
    %cond3A_79 = arith.cmpi ne, %convert_element_type3A_77, %cond3A_78 : i32
    scf.if %cond3A_79 {
      %add3A = arith.constant 1 : i32
      %add3A_395 = arith.addi %mul3A_0, %add3A : i32
      %dma_start3A_396 = arith.constant 499712 : i32
      %dma_start3A_397 = tpu.memref_slice %arg11[%dma_start3A_396] : memref<1000000xf32, #tpu.memory_space<vmem_shared>> -> memref<124928xf32, #tpu.memory_space<vmem_shared>>
      %dma_start3A_398 = arith.constant 499712 : i32
      %dma_start3A_399 = tpu.memref_slice %arg2[%add3A_395, %dma_start3A_398] : memref<64x1000000xf32, #tpu.memory_space<hbm>> -> memref<1x124928xf32, #tpu.memory_space<hbm>>
      %dma_start3A_400 = tpu.memref_squeeze %dma_start3A_399 : memref<1x124928xf32, #tpu.memory_space<hbm>> -> memref<124928xf32, #tpu.memory_space<hbm>>
      tpu.enqueue_dma source(%dma_start3A_400 : memref<124928xf32, #tpu.memory_space<hbm>>) target(%dma_start3A_397 : memref<124928xf32, #tpu.memory_space<vmem_shared>>) target_semaphore(%arg22 : memref<!tpu.dma_semaphore, #tpu.memory_space<semaphore_mem>>)
    } else {
    }
    %eq3A_80 = arith.constant 5 : i32
    %eq3A_81 = arith.cmpi eq, %arg1, %eq3A_80 : i32
    %convert_element_type3A_82 = arith.extui %eq3A_81 : i1 to i32
    %cond3A_83 = arith.constant 0 : i32
    %cond3A_84 = arith.cmpi ne, %convert_element_type3A_82, %cond3A_83 : i32
    scf.if %cond3A_84 {
      %add3A = arith.constant 1 : i32
      %add3A_395 = arith.addi %mul3A_0, %add3A : i32
      %dma_start3A_396 = arith.constant 624640 : i32
      %dma_start3A_397 = tpu.memref_slice %arg11[%dma_start3A_396] : memref<1000000xf32, #tpu.memory_space<vmem_shared>> -> memref<124928xf32, #tpu.memory_space<vmem_shared>>
      %dma_start3A_398 = arith.constant 624640 : i32
      %dma_start3A_399 = tpu.memref_slice %arg2[%add3A_395, %dma_start3A_398] : memref<64x1000000xf32, #tpu.memory_space<hbm>> -> memref<1x124928xf32, #tpu.memory_space<hbm>>
      %dma_start3A_400 = tpu.memref_squeeze %dma_start3A_399 : memref<1x124928xf32, #tpu.memory_space<hbm>> -> memref<124928xf32, #tpu.memory_space<hbm>>
      tpu.enqueue_dma source(%dma_start3A_400 : memref<124928xf32, #tpu.memory_space<hbm>>) target(%dma_start3A_397 : memref<124928xf32, #tpu.memory_space<vmem_shared>>) target_semaphore(%arg22 : memref<!tpu.dma_semaphore, #tpu.memory_space<semaphore_mem>>)
    } else {
    }
    %eq3A_85 = arith.constant 6 : i32
    %eq3A_86 = arith.cmpi eq, %arg1, %eq3A_85 : i32
    %convert_element_type3A_87 = arith.extui %eq3A_86 : i1 to i32
    %cond3A_88 = arith.constant 0 : i32
    %cond3A_89 = arith.cmpi ne, %convert_element_type3A_87, %cond3A_88 : i32
    scf.if %cond3A_89 {
      %add3A = arith.constant 1 : i32
      %add3A_395 = arith.addi %mul3A_0, %add3A : i32
      %dma_start3A_396 = arith.constant 749568 : i32
      %dma_start3A_397 = tpu.memref_slice %arg11[%dma_start3A_396] : memref<1000000xf32, #tpu.memory_space<vmem_shared>> -> memref<124928xf32, #tpu.memory_space<vmem_shared>>
      %dma_start3A_398 = arith.constant 749568 : i32
      %dma_start3A_399 = tpu.memref_slice %arg2[%add3A_395, %dma_start3A_398] : memref<64x1000000xf32, #tpu.memory_space<hbm>> -> memref<1x124928xf32, #tpu.memory_space<hbm>>
      %dma_start3A_400 = tpu.memref_squeeze %dma_start3A_399 : memref<1x124928xf32, #tpu.memory_space<hbm>> -> memref<124928xf32, #tpu.memory_space<hbm>>
      tpu.enqueue_dma source(%dma_start3A_400 : memref<124928xf32, #tpu.memory_space<hbm>>) target(%dma_start3A_397 : memref<124928xf32, #tpu.memory_space<vmem_shared>>) target_semaphore(%arg22 : memref<!tpu.dma_semaphore, #tpu.memory_space<semaphore_mem>>)
    } else {
    }
    %eq3A_90 = arith.constant 7 : i32
    %eq3A_91 = arith.cmpi eq, %arg1, %eq3A_90 : i32
    %convert_element_type3A_92 = arith.extui %eq3A_91 : i1 to i32
    %cond3A_93 = arith.constant 0 : i32
    %cond3A_94 = arith.cmpi ne, %convert_element_type3A_92, %cond3A_93 : i32
    scf.if %cond3A_94 {
      %add3A = arith.constant 1 : i32
      %add3A_395 = arith.addi %mul3A_0, %add3A : i32
      %dma_start3A_396 = arith.constant 874496 : i32
      %dma_start3A_397 = tpu.memref_slice %arg11[%dma_start3A_396] : memref<1000000xf32, #tpu.memory_space<vmem_shared>> -> memref<124928xf32, #tpu.memory_space<vmem_shared>>
      %dma_start3A_398 = arith.constant 874496 : i32
      %dma_start3A_399 = tpu.memref_slice %arg2[%add3A_395, %dma_start3A_398] : memref<64x1000000xf32, #tpu.memory_space<hbm>> -> memref<1x124928xf32, #tpu.memory_space<hbm>>
      %dma_start3A_400 = tpu.memref_squeeze %dma_start3A_399 : memref<1x124928xf32, #tpu.memory_space<hbm>> -> memref<124928xf32, #tpu.memory_space<hbm>>
      tpu.enqueue_dma source(%dma_start3A_400 : memref<124928xf32, #tpu.memory_space<hbm>>) target(%dma_start3A_397 : memref<124928xf32, #tpu.memory_space<vmem_shared>>) target_semaphore(%arg22 : memref<!tpu.dma_semaphore, #tpu.memory_space<semaphore_mem>>)
    } else {
    }
    %eq3A_95 = arith.constant 8 : i32
    %eq3A_96 = arith.cmpi eq, %arg1, %eq3A_95 : i32
    %convert_element_type3A_97 = arith.extui %eq3A_96 : i1 to i32
    %cond3A_98 = arith.constant 0 : i32
    %cond3A_99 = arith.cmpi ne, %convert_element_type3A_97, %cond3A_98 : i32
    scf.if %cond3A_99 {
      %add3A = arith.constant 1 : i32
      %add3A_395 = arith.addi %mul3A_0, %add3A : i32
      %dma_start3A_396 = arith.constant 999424 : i32
      %dma_start3A_397 = tpu.memref_slice %arg11[%dma_start3A_396] : memref<1000000xf32, #tpu.memory_space<vmem_shared>> -> memref<512xf32, #tpu.memory_space<vmem_shared>>
      %dma_start3A_398 = arith.constant 999424 : i32
      %dma_start3A_399 = tpu.memref_slice %arg2[%add3A_395, %dma_start3A_398] : memref<64x1000000xf32, #tpu.memory_space<hbm>> -> memref<1x512xf32, #tpu.memory_space<hbm>>
      %dma_start3A_400 = tpu.memref_squeeze %dma_start3A_399 : memref<1x512xf32, #tpu.memory_space<hbm>> -> memref<512xf32, #tpu.memory_space<hbm>>
      tpu.enqueue_dma source(%dma_start3A_400 : memref<512xf32, #tpu.memory_space<hbm>>) target(%dma_start3A_397 : memref<512xf32, #tpu.memory_space<vmem_shared>>) target_semaphore(%arg22 : memref<!tpu.dma_semaphore, #tpu.memory_space<semaphore_mem>>)
    } else {
    }
    %eq3A_100 = arith.constant 9 : i32
    %eq3A_101 = arith.cmpi eq, %arg1, %eq3A_100 : i32
    %convert_element_type3A_102 = arith.extui %eq3A_101 : i1 to i32
    %cond3A_103 = arith.constant 0 : i32
    %cond3A_104 = arith.cmpi ne, %convert_element_type3A_102, %cond3A_103 : i32
    scf.if %cond3A_104 {
      %add3A = arith.constant 1 : i32
      %add3A_395 = arith.addi %mul3A_0, %add3A : i32
      %dma_start3A_396 = arith.constant 0 : i32
      %dma_start3A_397 = tpu.memref_slice %arg3[%add3A_395, %dma_start3A_396] : memref<64x1024xf32, #tpu.memory_space<hbm>> -> memref<1x1024xf32, #tpu.memory_space<hbm>>
      %dma_start3A_398 = tpu.memref_squeeze %dma_start3A_397 : memref<1x1024xf32, #tpu.memory_space<hbm>> -> memref<1024xf32, #tpu.memory_space<hbm>>
      tpu.enqueue_dma source(%dma_start3A_398 : memref<1024xf32, #tpu.memory_space<hbm>>) target(%arg13 : memref<1024xf32, #tpu.memory_space<vmem_shared>>) target_semaphore(%arg22 : memref<!tpu.dma_semaphore, #tpu.memory_space<semaphore_mem>>)
    } else {
    }
    %eq3A_105 = arith.constant 11 : i32
    %eq3A_106 = arith.cmpi eq, %arg1, %eq3A_105 : i32
    %convert_element_type3A_107 = arith.extui %eq3A_106 : i1 to i32
    %cond3A_108 = arith.constant 0 : i32
    %cond3A_109 = arith.cmpi ne, %convert_element_type3A_107, %cond3A_108 : i32
    scf.if %cond3A_109 {
      %add3A = arith.constant 1 : i32
      %add3A_395 = arith.addi %mul3A_0, %add3A : i32
      %dma_start3A_396 = arith.constant 0 : i32
      %dma_start3A_397 = tpu.memref_slice %arg4[%add3A_395, %dma_start3A_396] : memref<64x64xf32, #tpu.memory_space<hbm>> -> memref<1x64xf32, #tpu.memory_space<hbm>>
      %dma_start3A_398 = tpu.memref_squeeze %dma_start3A_397 : memref<1x64xf32, #tpu.memory_space<hbm>> -> memref<64xf32, #tpu.memory_space<hbm>>
      %dma_start3A_399 = arith.constant 0 : i32
      %dma_start3A_400 = tpu.memref_slice %arg4[%add3A_395, %dma_start3A_399] : memref<64x64xf32, #tpu.memory_space<hbm>> -> memref<1x64xf32, #tpu.memory_space<hbm>>
      %dma_start3A_401 = tpu.memref_squeeze %dma_start3A_400 : memref<1x64xf32, #tpu.memory_space<hbm>> -> memref<64xf32, #tpu.memory_space<hbm>>
      tpu.enqueue_dma source(%dma_start3A_401 : memref<64xf32, #tpu.memory_space<hbm>>) target(%arg19 : memref<64xf32, #tpu.memory_space<vmem>>) target_semaphore(%arg22 : memref<!tpu.dma_semaphore, #tpu.memory_space<semaphore_mem>>)
    } else {
    }
    %dma_start3A = tpu.memref_slice %arg5[%mul3A_2] : memref<16384xi32, #tpu.memory_space<hbm>> -> memref<1024xi32, #tpu.memory_space<hbm>>
    %dma_start3A_110 = tpu.memref_slice %arg5[%mul3A_2] : memref<16384xi32, #tpu.memory_space<hbm>> -> memref<1024xi32, #tpu.memory_space<hbm>>
    tpu.enqueue_dma source(%dma_start3A_110 : memref<1024xi32, #tpu.memory_space<hbm>>) target(%arg14 : memref<1024xi32, #tpu.memory_space<vmem>>) target_semaphore(%arg23 : memref<!tpu.dma_semaphore, #tpu.memory_space<semaphore_mem>>)
    %dma_start3A_111 = tpu.memref_slice %arg7[%mul3A_2] : memref<16384xi32, #tpu.memory_space<hbm>> -> memref<1024xi32, #tpu.memory_space<hbm>>
    %dma_start3A_112 = tpu.memref_slice %arg7[%mul3A_2] : memref<16384xi32, #tpu.memory_space<hbm>> -> memref<1024xi32, #tpu.memory_space<hbm>>
    tpu.enqueue_dma source(%dma_start3A_112 : memref<1024xi32, #tpu.memory_space<hbm>>) target(%arg15 : memref<1024xi32, #tpu.memory_space<vmem>>) target_semaphore(%arg23 : memref<!tpu.dma_semaphore, #tpu.memory_space<semaphore_mem>>)
    %dma_start3A_113 = tpu.memref_slice %arg6[%mul3A_2] : memref<16384xi32, #tpu.memory_space<hbm>> -> memref<1024xi32, #tpu.memory_space<hbm>>
    %dma_start3A_114 = tpu.memref_slice %arg6[%mul3A_2] : memref<16384xi32, #tpu.memory_space<hbm>> -> memref<1024xi32, #tpu.memory_space<hbm>>
    tpu.enqueue_dma source(%dma_start3A_114 : memref<1024xi32, #tpu.memory_space<hbm>>) target(%arg16 : memref<1024xi32, #tpu.memory_space<vmem>>) target_semaphore(%arg23 : memref<!tpu.dma_semaphore, #tpu.memory_space<semaphore_mem>>)
    %broadcast_in_dim3A = arith.constant 0.000000e+00 : f32
    %broadcast_in_dim3A_115 = vector.broadcast %broadcast_in_dim3A : f32 to vector<16xf32>
    %swap3A = arith.constant 0 : index
    %swap3A_116 = tpu.vector_load %arg20[%swap3A] {strides = array<i32>} : memref<1024xf32, #tpu.memory_space<vmem>>, vector<16xf32>,
    tpu.vector_store %arg20[%swap3A], %broadcast_in_dim3A_115 {strides = array<i32>} : memref<1024xf32, #tpu.memory_space<vmem>>, vector<16xf32>,
    %broadcast_in_dim3A_117 = arith.constant 0.000000e+00 : f32
    %broadcast_in_dim3A_118 = vector.broadcast %broadcast_in_dim3A_117 : f32 to vector<16xf32>
    %swap3A_119 = arith.constant 16 : index
    %swap3A_120 = tpu.vector_load %arg20[%swap3A_119] {strides = array<i32>} : memref<1024xf32, #tpu.memory_space<vmem>>, vector<16xf32>,
    tpu.vector_store %arg20[%swap3A_119], %broadcast_in_dim3A_118 {strides = array<i32>} : memref<1024xf32, #tpu.memory_space<vmem>>, vector<16xf32>,
    %broadcast_in_dim3A_121 = arith.constant 0.000000e+00 : f32
    %broadcast_in_dim3A_122 = vector.broadcast %broadcast_in_dim3A_121 : f32 to vector<16xf32>
    %swap3A_123 = arith.constant 32 : index
    %swap3A_124 = tpu.vector_load %arg20[%swap3A_123] {strides = array<i32>} : memref<1024xf32, #tpu.memory_space<vmem>>, vector<16xf32>,
    tpu.vector_store %arg20[%swap3A_123], %broadcast_in_dim3A_122 {strides = array<i32>} : memref<1024xf32, #tpu.memory_space<vmem>>, vector<16xf32>,
    %broadcast_in_dim3A_125 = arith.constant 0.000000e+00 : f32
    %broadcast_in_dim3A_126 = vector.broadcast %broadcast_in_dim3A_125 : f32 to vector<16xf32>
    %swap3A_127 = arith.constant 48 : index
    %swap3A_128 = tpu.vector_load %arg20[%swap3A_127] {strides = array<i32>} : memref<1024xf32, #tpu.memory_space<vmem>>, vector<16xf32>,
    tpu.vector_store %arg20[%swap3A_127], %broadcast_in_dim3A_126 {strides = array<i32>} : memref<1024xf32, #tpu.memory_space<vmem>>, vector<16xf32>,
    %broadcast_in_dim3A_129 = arith.constant 0.000000e+00 : f32
    %broadcast_in_dim3A_130 = vector.broadcast %broadcast_in_dim3A_129 : f32 to vector<16xf32>
    %swap3A_131 = arith.constant 64 : index
    %swap3A_132 = tpu.vector_load %arg20[%swap3A_131] {strides = array<i32>} : memref<1024xf32, #tpu.memory_space<vmem>>, vector<16xf32>,
    tpu.vector_store %arg20[%swap3A_131], %broadcast_in_dim3A_130 {strides = array<i32>} : memref<1024xf32, #tpu.memory_space<vmem>>, vector<16xf32>,
    %broadcast_in_dim3A_133 = arith.constant 0.000000e+00 : f32
    %broadcast_in_dim3A_134 = vector.broadcast %broadcast_in_dim3A_133 : f32 to vector<16xf32>
    %swap3A_135 = arith.constant 80 : index
    %swap3A_136 = tpu.vector_load %arg20[%swap3A_135] {strides = array<i32>} : memref<1024xf32, #tpu.memory_space<vmem>>, vector<16xf32>,
    tpu.vector_store %arg20[%swap3A_135], %broadcast_in_dim3A_134 {strides = array<i32>} : memref<1024xf32, #tpu.memory_space<vmem>>, vector<16xf32>,
    %broadcast_in_dim3A_137 = arith.constant 0.000000e+00 : f32
    %broadcast_in_dim3A_138 = vector.broadcast %broadcast_in_dim3A_137 : f32 to vector<16xf32>
    %swap3A_139 = arith.constant 96 : index
    %swap3A_140 = tpu.vector_load %arg20[%swap3A_139] {strides = array<i32>} : memref<1024xf32, #tpu.memory_space<vmem>>, vector<16xf32>,
    tpu.vector_store %arg20[%swap3A_139], %broadcast_in_dim3A_138 {strides = array<i32>} : memref<1024xf32, #tpu.memory_space<vmem>>, vector<16xf32>,
    %broadcast_in_dim3A_141 = arith.constant 0.000000e+00 : f32
    %broadcast_in_dim3A_142 = vector.broadcast %broadcast_in_dim3A_141 : f32 to vector<16xf32>
    %swap3A_143 = arith.constant 112 : index
    %swap3A_144 = tpu.vector_load %arg20[%swap3A_143] {strides = array<i32>} : memref<1024xf32, #tpu.memory_space<vmem>>, vector<16xf32>,
    tpu.vector_store %arg20[%swap3A_143], %broadcast_in_dim3A_142 {strides = array<i32>} : memref<1024xf32, #tpu.memory_space<vmem>>, vector<16xf32>,
    %broadcast_in_dim3A_145 = arith.constant 0.000000e+00 : f32
    %broadcast_in_dim3A_146 = vector.broadcast %broadcast_in_dim3A_145 : f32 to vector<16xf32>
    %swap3A_147 = arith.constant 128 : index
    %swap3A_148 = tpu.vector_load %arg20[%swap3A_147] {strides = array<i32>} : memref<1024xf32, #tpu.memory_space<vmem>>, vector<16xf32>,
    tpu.vector_store %arg20[%swap3A_147], %broadcast_in_dim3A_146 {strides = array<i32>} : memref<1024xf32, #tpu.memory_space<vmem>>, vector<16xf32>,
    %broadcast_in_dim3A_149 = arith.constant 0.000000e+00 : f32
    %broadcast_in_dim3A_150 = vector.broadcast %broadcast_in_dim3A_149 : f32 to vector<16xf32>
    %swap3A_151 = arith.constant 144 : index
    %swap3A_152 = tpu.vector_load %arg20[%swap3A_151] {strides = array<i32>} : memref<1024xf32, #tpu.memory_space<vmem>>, vector<16xf32>,
    tpu.vector_store %arg20[%swap3A_151], %broadcast_in_dim3A_150 {strides = array<i32>} : memref<1024xf32, #tpu.memory_space<vmem>>, vector<16xf32>,
    %broadcast_in_dim3A_153 = arith.constant 0.000000e+00 : f32
    %broadcast_in_dim3A_154 = vector.broadcast %broadcast_in_dim3A_153 : f32 to vector<16xf32>
    %swap3A_155 = arith.constant 160 : index
    %swap3A_156 = tpu.vector_load %arg20[%swap3A_155] {strides = array<i32>} : memref<1024xf32, #tpu.memory_space<vmem>>, vector<16xf32>,
    tpu.vector_store %arg20[%swap3A_155], %broadcast_in_dim3A_154 {strides = array<i32>} : memref<1024xf32, #tpu.memory_space<vmem>>, vector<16xf32>,
    %broadcast_in_dim3A_157 = arith.constant 0.000000e+00 : f32
    %broadcast_in_dim3A_158 = vector.broadcast %broadcast_in_dim3A_157 : f32 to vector<16xf32>
    %swap3A_159 = arith.constant 176 : index
    %swap3A_160 = tpu.vector_load %arg20[%swap3A_159] {strides = array<i32>} : memref<1024xf32, #tpu.memory_space<vmem>>, vector<16xf32>,
    tpu.vector_store %arg20[%swap3A_159], %broadcast_in_dim3A_158 {strides = array<i32>} : memref<1024xf32, #tpu.memory_space<vmem>>, vector<16xf32>,
    %broadcast_in_dim3A_161 = arith.constant 0.000000e+00 : f32
    %broadcast_in_dim3A_162 = vector.broadcast %broadcast_in_dim3A_161 : f32 to vector<16xf32>
    %swap3A_163 = arith.constant 192 : index
    %swap3A_164 = tpu.vector_load %arg20[%swap3A_163] {strides = array<i32>} : memref<1024xf32, #tpu.memory_space<vmem>>, vector<16xf32>,
    tpu.vector_store %arg20[%swap3A_163], %broadcast_in_dim3A_162 {strides = array<i32>} : memref<1024xf32, #tpu.memory_space<vmem>>, vector<16xf32>,
    %broadcast_in_dim3A_165 = arith.constant 0.000000e+00 : f32
    %broadcast_in_dim3A_166 = vector.broadcast %broadcast_in_dim3A_165 : f32 to vector<16xf32>
    %swap3A_167 = arith.constant 208 : index
    %swap3A_168 = tpu.vector_load %arg20[%swap3A_167] {strides = array<i32>} : memref<1024xf32, #tpu.memory_space<vmem>>, vector<16xf32>,
    tpu.vector_store %arg20[%swap3A_167], %broadcast_in_dim3A_166 {strides = array<i32>} : memref<1024xf32, #tpu.memory_space<vmem>>, vector<16xf32>,
    %broadcast_in_dim3A_169 = arith.constant 0.000000e+00 : f32
    %broadcast_in_dim3A_170 = vector.broadcast %broadcast_in_dim3A_169 : f32 to vector<16xf32>
    %swap3A_171 = arith.constant 224 : index
    %swap3A_172 = tpu.vector_load %arg20[%swap3A_171] {strides = array<i32>} : memref<1024xf32, #tpu.memory_space<vmem>>, vector<16xf32>,
    tpu.vector_store %arg20[%swap3A_171], %broadcast_in_dim3A_170 {strides = array<i32>} : memref<1024xf32, #tpu.memory_space<vmem>>, vector<16xf32>,
    %broadcast_in_dim3A_173 = arith.constant 0.000000e+00 : f32
    %broadcast_in_dim3A_174 = vector.broadcast %broadcast_in_dim3A_173 : f32 to vector<16xf32>
    %swap3A_175 = arith.constant 240 : index
    %swap3A_176 = tpu.vector_load %arg20[%swap3A_175] {strides = array<i32>} : memref<1024xf32, #tpu.memory_space<vmem>>, vector<16xf32>,
    tpu.vector_store %arg20[%swap3A_175], %broadcast_in_dim3A_174 {strides = array<i32>} : memref<1024xf32, #tpu.memory_space<vmem>>, vector<16xf32>,
    %broadcast_in_dim3A_177 = arith.constant 0.000000e+00 : f32
    %broadcast_in_dim3A_178 = vector.broadcast %broadcast_in_dim3A_177 : f32 to vector<16xf32>
    %swap3A_179 = arith.constant 256 : index
    %swap3A_180 = tpu.vector_load %arg20[%swap3A_179] {strides = array<i32>} : memref<1024xf32, #tpu.memory_space<vmem>>, vector<16xf32>,
    tpu.vector_store %arg20[%swap3A_179], %broadcast_in_dim3A_178 {strides = array<i32>} : memref<1024xf32, #tpu.memory_space<vmem>>, vector<16xf32>,
    %broadcast_in_dim3A_181 = arith.constant 0.000000e+00 : f32
    %broadcast_in_dim3A_182 = vector.broadcast %broadcast_in_dim3A_181 : f32 to vector<16xf32>
    %swap3A_183 = arith.constant 272 : index
    %swap3A_184 = tpu.vector_load %arg20[%swap3A_183] {strides = array<i32>} : memref<1024xf32, #tpu.memory_space<vmem>>, vector<16xf32>,
    tpu.vector_store %arg20[%swap3A_183], %broadcast_in_dim3A_182 {strides = array<i32>} : memref<1024xf32, #tpu.memory_space<vmem>>, vector<16xf32>,
    %broadcast_in_dim3A_185 = arith.constant 0.000000e+00 : f32
    %broadcast_in_dim3A_186 = vector.broadcast %broadcast_in_dim3A_185 : f32 to vector<16xf32>
    %swap3A_187 = arith.constant 288 : index
    %swap3A_188 = tpu.vector_load %arg20[%swap3A_187] {strides = array<i32>} : memref<1024xf32, #tpu.memory_space<vmem>>, vector<16xf32>,
    tpu.vector_store %arg20[%swap3A_187], %broadcast_in_dim3A_186 {strides = array<i32>} : memref<1024xf32, #tpu.memory_space<vmem>>, vector<16xf32>,
    %broadcast_in_dim3A_189 = arith.constant 0.000000e+00 : f32
    %broadcast_in_dim3A_190 = vector.broadcast %broadcast_in_dim3A_189 : f32 to vector<16xf32>
    %swap3A_191 = arith.constant 304 : index
    %swap3A_192 = tpu.vector_load %arg20[%swap3A_191] {strides = array<i32>} : memref<1024xf32, #tpu.memory_space<vmem>>, vector<16xf32>,
    tpu.vector_store %arg20[%swap3A_191], %broadcast_in_dim3A_190 {strides = array<i32>} : memref<1024xf32, #tpu.memory_space<vmem>>, vector<16xf32>,
    %broadcast_in_dim3A_193 = arith.constant 0.000000e+00 : f32
    %broadcast_in_dim3A_194 = vector.broadcast %broadcast_in_dim3A_193 : f32 to vector<16xf32>
    %swap3A_195 = arith.constant 320 : index
    %swap3A_196 = tpu.vector_load %arg20[%swap3A_195] {strides = array<i32>} : memref<1024xf32, #tpu.memory_space<vmem>>, vector<16xf32>,
    tpu.vector_store %arg20[%swap3A_195], %broadcast_in_dim3A_194 {strides = array<i32>} : memref<1024xf32, #tpu.memory_space<vmem>>, vector<16xf32>,
    %broadcast_in_dim3A_197 = arith.constant 0.000000e+00 : f32
    %broadcast_in_dim3A_198 = vector.broadcast %broadcast_in_dim3A_197 : f32 to vector<16xf32>
    %swap3A_199 = arith.constant 336 : index
    %swap3A_200 = tpu.vector_load %arg20[%swap3A_199] {strides = array<i32>} : memref<1024xf32, #tpu.memory_space<vmem>>, vector<16xf32>,
    tpu.vector_store %arg20[%swap3A_199], %broadcast_in_dim3A_198 {strides = array<i32>} : memref<1024xf32, #tpu.memory_space<vmem>>, vector<16xf32>,
    %broadcast_in_dim3A_201 = arith.constant 0.000000e+00 : f32
    %broadcast_in_dim3A_202 = vector.broadcast %broadcast_in_dim3A_201 : f32 to vector<16xf32>
    %swap3A_203 = arith.constant 352 : index
    %swap3A_204 = tpu.vector_load %arg20[%swap3A_203] {strides = array<i32>} : memref<1024xf32, #tpu.memory_space<vmem>>, vector<16xf32>,
    tpu.vector_store %arg20[%swap3A_203], %broadcast_in_dim3A_202 {strides = array<i32>} : memref<1024xf32, #tpu.memory_space<vmem>>, vector<16xf32>,
    %broadcast_in_dim3A_205 = arith.constant 0.000000e+00 : f32
    %broadcast_in_dim3A_206 = vector.broadcast %broadcast_in_dim3A_205 : f32 to vector<16xf32>
    %swap3A_207 = arith.constant 368 : index
    %swap3A_208 = tpu.vector_load %arg20[%swap3A_207] {strides = array<i32>} : memref<1024xf32, #tpu.memory_space<vmem>>, vector<16xf32>,
    tpu.vector_store %arg20[%swap3A_207], %broadcast_in_dim3A_206 {strides = array<i32>} : memref<1024xf32, #tpu.memory_space<vmem>>, vector<16xf32>,
    %broadcast_in_dim3A_209 = arith.constant 0.000000e+00 : f32
    %broadcast_in_dim3A_210 = vector.broadcast %broadcast_in_dim3A_209 : f32 to vector<16xf32>
    %swap3A_211 = arith.constant 384 : index
    %swap3A_212 = tpu.vector_load %arg20[%swap3A_211] {strides = array<i32>} : memref<1024xf32, #tpu.memory_space<vmem>>, vector<16xf32>,
    tpu.vector_store %arg20[%swap3A_211], %broadcast_in_dim3A_210 {strides = array<i32>} : memref<1024xf32, #tpu.memory_space<vmem>>, vector<16xf32>,
    %broadcast_in_dim3A_213 = arith.constant 0.000000e+00 : f32
    %broadcast_in_dim3A_214 = vector.broadcast %broadcast_in_dim3A_213 : f32 to vector<16xf32>
    %swap3A_215 = arith.constant 400 : index
    %swap3A_216 = tpu.vector_load %arg20[%swap3A_215] {strides = array<i32>} : memref<1024xf32, #tpu.memory_space<vmem>>, vector<16xf32>,
    tpu.vector_store %arg20[%swap3A_215], %broadcast_in_dim3A_214 {strides = array<i32>} : memref<1024xf32, #tpu.memory_space<vmem>>, vector<16xf32>,
    %broadcast_in_dim3A_217 = arith.constant 0.000000e+00 : f32
    %broadcast_in_dim3A_218 = vector.broadcast %broadcast_in_dim3A_217 : f32 to vector<16xf32>
    %swap3A_219 = arith.constant 416 : index
    %swap3A_220 = tpu.vector_load %arg20[%swap3A_219] {strides = array<i32>} : memref<1024xf32, #tpu.memory_space<vmem>>, vector<16xf32>,
    tpu.vector_store %arg20[%swap3A_219], %broadcast_in_dim3A_218 {strides = array<i32>} : memref<1024xf32, #tpu.memory_space<vmem>>, vector<16xf32>,
    %broadcast_in_dim3A_221 = arith.constant 0.000000e+00 : f32
    %broadcast_in_dim3A_222 = vector.broadcast %broadcast_in_dim3A_221 : f32 to vector<16xf32>
    %swap3A_223 = arith.constant 432 : index
    %swap3A_224 = tpu.vector_load %arg20[%swap3A_223] {strides = array<i32>} : memref<1024xf32, #tpu.memory_space<vmem>>, vector<16xf32>,
    tpu.vector_store %arg20[%swap3A_223], %broadcast_in_dim3A_222 {strides = array<i32>} : memref<1024xf32, #tpu.memory_space<vmem>>, vector<16xf32>,
    %broadcast_in_dim3A_225 = arith.constant 0.000000e+00 : f32
    %broadcast_in_dim3A_226 = vector.broadcast %broadcast_in_dim3A_225 : f32 to vector<16xf32>
    %swap3A_227 = arith.constant 448 : index
    %swap3A_228 = tpu.vector_load %arg20[%swap3A_227] {strides = array<i32>} : memref<1024xf32, #tpu.memory_space<vmem>>, vector<16xf32>,
    tpu.vector_store %arg20[%swap3A_227], %broadcast_in_dim3A_226 {strides = array<i32>} : memref<1024xf32, #tpu.memory_space<vmem>>, vector<16xf32>,
    %broadcast_in_dim3A_229 = arith.constant 0.000000e+00 : f32
    %broadcast_in_dim3A_230 = vector.broadcast %broadcast_in_dim3A_229 : f32 to vector<16xf32>
    %swap3A_231 = arith.constant 464 : index
    %swap3A_232 = tpu.vector_load %arg20[%swap3A_231] {strides = array<i32>} : memref<1024xf32, #tpu.memory_space<vmem>>, vector<16xf32>,
    tpu.vector_store %arg20[%swap3A_231], %broadcast_in_dim3A_230 {strides = array<i32>} : memref<1024xf32, #tpu.memory_space<vmem>>, vector<16xf32>,
    %broadcast_in_dim3A_233 = arith.constant 0.000000e+00 : f32
    %broadcast_in_dim3A_234 = vector.broadcast %broadcast_in_dim3A_233 : f32 to vector<16xf32>
    %swap3A_235 = arith.constant 480 : index
    %swap3A_236 = tpu.vector_load %arg20[%swap3A_235] {strides = array<i32>} : memref<1024xf32, #tpu.memory_space<vmem>>, vector<16xf32>,
    tpu.vector_store %arg20[%swap3A_235], %broadcast_in_dim3A_234 {strides = array<i32>} : memref<1024xf32, #tpu.memory_space<vmem>>, vector<16xf32>,
    %broadcast_in_dim3A_237 = arith.constant 0.000000e+00 : f32
    %broadcast_in_dim3A_238 = vector.broadcast %broadcast_in_dim3A_237 : f32 to vector<16xf32>
    %swap3A_239 = arith.constant 496 : index
    %swap3A_240 = tpu.vector_load %arg20[%swap3A_239] {strides = array<i32>} : memref<1024xf32, #tpu.memory_space<vmem>>, vector<16xf32>,
    tpu.vector_store %arg20[%swap3A_239], %broadcast_in_dim3A_238 {strides = array<i32>} : memref<1024xf32, #tpu.memory_space<vmem>>, vector<16xf32>,
    %broadcast_in_dim3A_241 = arith.constant 0.000000e+00 : f32
    %broadcast_in_dim3A_242 = vector.broadcast %broadcast_in_dim3A_241 : f32 to vector<16xf32>
    %swap3A_243 = arith.constant 512 : index
    %swap3A_244 = tpu.vector_load %arg20[%swap3A_243] {strides = array<i32>} : memref<1024xf32, #tpu.memory_space<vmem>>, vector<16xf32>,
    tpu.vector_store %arg20[%swap3A_243], %broadcast_in_dim3A_242 {strides = array<i32>} : memref<1024xf32, #tpu.memory_space<vmem>>, vector<16xf32>,
    %broadcast_in_dim3A_245 = arith.constant 0.000000e+00 : f32
    %broadcast_in_dim3A_246 = vector.broadcast %broadcast_in_dim3A_245 : f32 to vector<16xf32>
    %swap3A_247 = arith.constant 528 : index
    %swap3A_248 = tpu.vector_load %arg20[%swap3A_247] {strides = array<i32>} : memref<1024xf32, #tpu.memory_space<vmem>>, vector<16xf32>,
    tpu.vector_store %arg20[%swap3A_247], %broadcast_in_dim3A_246 {strides = array<i32>} : memref<1024xf32, #tpu.memory_space<vmem>>, vector<16xf32>,
    %broadcast_in_dim3A_249 = arith.constant 0.000000e+00 : f32
    %broadcast_in_dim3A_250 = vector.broadcast %broadcast_in_dim3A_249 : f32 to vector<16xf32>
    %swap3A_251 = arith.constant 544 : index
    %swap3A_252 = tpu.vector_load %arg20[%swap3A_251] {strides = array<i32>} : memref<1024xf32, #tpu.memory_space<vmem>>, vector<16xf32>,
    tpu.vector_store %arg20[%swap3A_251], %broadcast_in_dim3A_250 {strides = array<i32>} : memref<1024xf32, #tpu.memory_space<vmem>>, vector<16xf32>,
    %broadcast_in_dim3A_253 = arith.constant 0.000000e+00 : f32
    %broadcast_in_dim3A_254 = vector.broadcast %broadcast_in_dim3A_253 : f32 to vector<16xf32>
    %swap3A_255 = arith.constant 560 : index
    %swap3A_256 = tpu.vector_load %arg20[%swap3A_255] {strides = array<i32>} : memref<1024xf32, #tpu.memory_space<vmem>>, vector<16xf32>,
    tpu.vector_store %arg20[%swap3A_255], %broadcast_in_dim3A_254 {strides = array<i32>} : memref<1024xf32, #tpu.memory_space<vmem>>, vector<16xf32>,
    %broadcast_in_dim3A_257 = arith.constant 0.000000e+00 : f32
    %broadcast_in_dim3A_258 = vector.broadcast %broadcast_in_dim3A_257 : f32 to vector<16xf32>
    %swap3A_259 = arith.constant 576 : index
    %swap3A_260 = tpu.vector_load %arg20[%swap3A_259] {strides = array<i32>} : memref<1024xf32, #tpu.memory_space<vmem>>, vector<16xf32>,
    tpu.vector_store %arg20[%swap3A_259], %broadcast_in_dim3A_258 {strides = array<i32>} : memref<1024xf32, #tpu.memory_space<vmem>>, vector<16xf32>,
    %broadcast_in_dim3A_261 = arith.constant 0.000000e+00 : f32
    %broadcast_in_dim3A_262 = vector.broadcast %broadcast_in_dim3A_261 : f32 to vector<16xf32>
    %swap3A_263 = arith.constant 592 : index
    %swap3A_264 = tpu.vector_load %arg20[%swap3A_263] {strides = array<i32>} : memref<1024xf32, #tpu.memory_space<vmem>>, vector<16xf32>,
    tpu.vector_store %arg20[%swap3A_263], %broadcast_in_dim3A_262 {strides = array<i32>} : memref<1024xf32, #tpu.memory_space<vmem>>, vector<16xf32>,
    %broadcast_in_dim3A_265 = arith.constant 0.000000e+00 : f32
    %broadcast_in_dim3A_266 = vector.broadcast %broadcast_in_dim3A_265 : f32 to vector<16xf32>
    %swap3A_267 = arith.constant 608 : index
    %swap3A_268 = tpu.vector_load %arg20[%swap3A_267] {strides = array<i32>} : memref<1024xf32, #tpu.memory_space<vmem>>, vector<16xf32>,
    tpu.vector_store %arg20[%swap3A_267], %broadcast_in_dim3A_266 {strides = array<i32>} : memref<1024xf32, #tpu.memory_space<vmem>>, vector<16xf32>,
    %broadcast_in_dim3A_269 = arith.constant 0.000000e+00 : f32
    %broadcast_in_dim3A_270 = vector.broadcast %broadcast_in_dim3A_269 : f32 to vector<16xf32>
    %swap3A_271 = arith.constant 624 : index
    %swap3A_272 = tpu.vector_load %arg20[%swap3A_271] {strides = array<i32>} : memref<1024xf32, #tpu.memory_space<vmem>>, vector<16xf32>,
    tpu.vector_store %arg20[%swap3A_271], %broadcast_in_dim3A_270 {strides = array<i32>} : memref<1024xf32, #tpu.memory_space<vmem>>, vector<16xf32>,
    %broadcast_in_dim3A_273 = arith.constant 0.000000e+00 : f32
    %broadcast_in_dim3A_274 = vector.broadcast %broadcast_in_dim3A_273 : f32 to vector<16xf32>
    %swap3A_275 = arith.constant 640 : index
    %swap3A_276 = tpu.vector_load %arg20[%swap3A_275] {strides = array<i32>} : memref<1024xf32, #tpu.memory_space<vmem>>, vector<16xf32>,
    tpu.vector_store %arg20[%swap3A_275], %broadcast_in_dim3A_274 {strides = array<i32>} : memref<1024xf32, #tpu.memory_space<vmem>>, vector<16xf32>,
    %broadcast_in_dim3A_277 = arith.constant 0.000000e+00 : f32
    %broadcast_in_dim3A_278 = vector.broadcast %broadcast_in_dim3A_277 : f32 to vector<16xf32>
    %swap3A_279 = arith.constant 656 : index
    %swap3A_280 = tpu.vector_load %arg20[%swap3A_279] {strides = array<i32>} : memref<1024xf32, #tpu.memory_space<vmem>>, vector<16xf32>,
    tpu.vector_store %arg20[%swap3A_279], %broadcast_in_dim3A_278 {strides = array<i32>} : memref<1024xf32, #tpu.memory_space<vmem>>, vector<16xf32>,
    %broadcast_in_dim3A_281 = arith.constant 0.000000e+00 : f32
    %broadcast_in_dim3A_282 = vector.broadcast %broadcast_in_dim3A_281 : f32 to vector<16xf32>
    %swap3A_283 = arith.constant 672 : index
    %swap3A_284 = tpu.vector_load %arg20[%swap3A_283] {strides = array<i32>} : memref<1024xf32, #tpu.memory_space<vmem>>, vector<16xf32>,
    tpu.vector_store %arg20[%swap3A_283], %broadcast_in_dim3A_282 {strides = array<i32>} : memref<1024xf32, #tpu.memory_space<vmem>>, vector<16xf32>,
    %broadcast_in_dim3A_285 = arith.constant 0.000000e+00 : f32
    %broadcast_in_dim3A_286 = vector.broadcast %broadcast_in_dim3A_285 : f32 to vector<16xf32>
    %swap3A_287 = arith.constant 688 : index
    %swap3A_288 = tpu.vector_load %arg20[%swap3A_287] {strides = array<i32>} : memref<1024xf32, #tpu.memory_space<vmem>>, vector<16xf32>,
    tpu.vector_store %arg20[%swap3A_287], %broadcast_in_dim3A_286 {strides = array<i32>} : memref<1024xf32, #tpu.memory_space<vmem>>, vector<16xf32>,
    %broadcast_in_dim3A_289 = arith.constant 0.000000e+00 : f32
    %broadcast_in_dim3A_290 = vector.broadcast %broadcast_in_dim3A_289 : f32 to vector<16xf32>
    %swap3A_291 = arith.constant 704 : index
    %swap3A_292 = tpu.vector_load %arg20[%swap3A_291] {strides = array<i32>} : memref<1024xf32, #tpu.memory_space<vmem>>, vector<16xf32>,
    tpu.vector_store %arg20[%swap3A_291], %broadcast_in_dim3A_290 {strides = array<i32>} : memref<1024xf32, #tpu.memory_space<vmem>>, vector<16xf32>,
    %broadcast_in_dim3A_293 = arith.constant 0.000000e+00 : f32
    %broadcast_in_dim3A_294 = vector.broadcast %broadcast_in_dim3A_293 : f32 to vector<16xf32>
    %swap3A_295 = arith.constant 720 : index
    %swap3A_296 = tpu.vector_load %arg20[%swap3A_295] {strides = array<i32>} : memref<1024xf32, #tpu.memory_space<vmem>>, vector<16xf32>,
    tpu.vector_store %arg20[%swap3A_295], %broadcast_in_dim3A_294 {strides = array<i32>} : memref<1024xf32, #tpu.memory_space<vmem>>, vector<16xf32>,
    %broadcast_in_dim3A_297 = arith.constant 0.000000e+00 : f32
    %broadcast_in_dim3A_298 = vector.broadcast %broadcast_in_dim3A_297 : f32 to vector<16xf32>
    %swap3A_299 = arith.constant 736 : index
    %swap3A_300 = tpu.vector_load %arg20[%swap3A_299] {strides = array<i32>} : memref<1024xf32, #tpu.memory_space<vmem>>, vector<16xf32>,
    tpu.vector_store %arg20[%swap3A_299], %broadcast_in_dim3A_298 {strides = array<i32>} : memref<1024xf32, #tpu.memory_space<vmem>>, vector<16xf32>,
    %broadcast_in_dim3A_301 = arith.constant 0.000000e+00 : f32
    %broadcast_in_dim3A_302 = vector.broadcast %broadcast_in_dim3A_301 : f32 to vector<16xf32>
    %swap3A_303 = arith.constant 752 : index
    %swap3A_304 = tpu.vector_load %arg20[%swap3A_303] {strides = array<i32>} : memref<1024xf32, #tpu.memory_space<vmem>>, vector<16xf32>,
    tpu.vector_store %arg20[%swap3A_303], %broadcast_in_dim3A_302 {strides = array<i32>} : memref<1024xf32, #tpu.memory_space<vmem>>, vector<16xf32>,
    %broadcast_in_dim3A_305 = arith.constant 0.000000e+00 : f32
    %broadcast_in_dim3A_306 = vector.broadcast %broadcast_in_dim3A_305 : f32 to vector<16xf32>
    %swap3A_307 = arith.constant 768 : index
    %swap3A_308 = tpu.vector_load %arg20[%swap3A_307] {strides = array<i32>} : memref<1024xf32, #tpu.memory_space<vmem>>, vector<16xf32>,
    tpu.vector_store %arg20[%swap3A_307], %broadcast_in_dim3A_306 {strides = array<i32>} : memref<1024xf32, #tpu.memory_space<vmem>>, vector<16xf32>,
    %broadcast_in_dim3A_309 = arith.constant 0.000000e+00 : f32
    %broadcast_in_dim3A_310 = vector.broadcast %broadcast_in_dim3A_309 : f32 to vector<16xf32>
    %swap3A_311 = arith.constant 784 : index
    %swap3A_312 = tpu.vector_load %arg20[%swap3A_311] {strides = array<i32>} : memref<1024xf32, #tpu.memory_space<vmem>>, vector<16xf32>,
    tpu.vector_store %arg20[%swap3A_311], %broadcast_in_dim3A_310 {strides = array<i32>} : memref<1024xf32, #tpu.memory_space<vmem>>, vector<16xf32>,
    %broadcast_in_dim3A_313 = arith.constant 0.000000e+00 : f32
    %broadcast_in_dim3A_314 = vector.broadcast %broadcast_in_dim3A_313 : f32 to vector<16xf32>
    %swap3A_315 = arith.constant 800 : index
    %swap3A_316 = tpu.vector_load %arg20[%swap3A_315] {strides = array<i32>} : memref<1024xf32, #tpu.memory_space<vmem>>, vector<16xf32>,
    tpu.vector_store %arg20[%swap3A_315], %broadcast_in_dim3A_314 {strides = array<i32>} : memref<1024xf32, #tpu.memory_space<vmem>>, vector<16xf32>,
    %broadcast_in_dim3A_317 = arith.constant 0.000000e+00 : f32
    %broadcast_in_dim3A_318 = vector.broadcast %broadcast_in_dim3A_317 : f32 to vector<16xf32>
    %swap3A_319 = arith.constant 816 : index
    %swap3A_320 = tpu.vector_load %arg20[%swap3A_319] {strides = array<i32>} : memref<1024xf32, #tpu.memory_space<vmem>>, vector<16xf32>,
    tpu.vector_store %arg20[%swap3A_319], %broadcast_in_dim3A_318 {strides = array<i32>} : memref<1024xf32, #tpu.memory_space<vmem>>, vector<16xf32>,
    %broadcast_in_dim3A_321 = arith.constant 0.000000e+00 : f32
    %broadcast_in_dim3A_322 = vector.broadcast %broadcast_in_dim3A_321 : f32 to vector<16xf32>
    %swap3A_323 = arith.constant 832 : index
    %swap3A_324 = tpu.vector_load %arg20[%swap3A_323] {strides = array<i32>} : memref<1024xf32, #tpu.memory_space<vmem>>, vector<16xf32>,
    tpu.vector_store %arg20[%swap3A_323], %broadcast_in_dim3A_322 {strides = array<i32>} : memref<1024xf32, #tpu.memory_space<vmem>>, vector<16xf32>,
    %broadcast_in_dim3A_325 = arith.constant 0.000000e+00 : f32
    %broadcast_in_dim3A_326 = vector.broadcast %broadcast_in_dim3A_325 : f32 to vector<16xf32>
    %swap3A_327 = arith.constant 848 : index
    %swap3A_328 = tpu.vector_load %arg20[%swap3A_327] {strides = array<i32>} : memref<1024xf32, #tpu.memory_space<vmem>>, vector<16xf32>,
    tpu.vector_store %arg20[%swap3A_327], %broadcast_in_dim3A_326 {strides = array<i32>} : memref<1024xf32, #tpu.memory_space<vmem>>, vector<16xf32>,
    %broadcast_in_dim3A_329 = arith.constant 0.000000e+00 : f32
    %broadcast_in_dim3A_330 = vector.broadcast %broadcast_in_dim3A_329 : f32 to vector<16xf32>
    %swap3A_331 = arith.constant 864 : index
    %swap3A_332 = tpu.vector_load %arg20[%swap3A_331] {strides = array<i32>} : memref<1024xf32, #tpu.memory_space<vmem>>, vector<16xf32>,
    tpu.vector_store %arg20[%swap3A_331], %broadcast_in_dim3A_330 {strides = array<i32>} : memref<1024xf32, #tpu.memory_space<vmem>>, vector<16xf32>,
    %broadcast_in_dim3A_333 = arith.constant 0.000000e+00 : f32
    %broadcast_in_dim3A_334 = vector.broadcast %broadcast_in_dim3A_333 : f32 to vector<16xf32>
    %swap3A_335 = arith.constant 880 : index
    %swap3A_336 = tpu.vector_load %arg20[%swap3A_335] {strides = array<i32>} : memref<1024xf32, #tpu.memory_space<vmem>>, vector<16xf32>,
    tpu.vector_store %arg20[%swap3A_335], %broadcast_in_dim3A_334 {strides = array<i32>} : memref<1024xf32, #tpu.memory_space<vmem>>, vector<16xf32>,
    %broadcast_in_dim3A_337 = arith.constant 0.000000e+00 : f32
    %broadcast_in_dim3A_338 = vector.broadcast %broadcast_in_dim3A_337 : f32 to vector<16xf32>
    %swap3A_339 = arith.constant 896 : index
    %swap3A_340 = tpu.vector_load %arg20[%swap3A_339] {strides = array<i32>} : memref<1024xf32, #tpu.memory_space<vmem>>, vector<16xf32>,
    tpu.vector_store %arg20[%swap3A_339], %broadcast_in_dim3A_338 {strides = array<i32>} : memref<1024xf32, #tpu.memory_space<vmem>>, vector<16xf32>,
    %broadcast_in_dim3A_341 = arith.constant 0.000000e+00 : f32
    %broadcast_in_dim3A_342 = vector.broadcast %broadcast_in_dim3A_341 : f32 to vector<16xf32>
    %swap3A_343 = arith.constant 912 : index
    %swap3A_344 = tpu.vector_load %arg20[%swap3A_343] {strides = array<i32>} : memref<1024xf32, #tpu.memory_space<vmem>>, vector<16xf32>,
    tpu.vector_store %arg20[%swap3A_343], %broadcast_in_dim3A_342 {strides = array<i32>} : memref<1024xf32, #tpu.memory_space<vmem>>, vector<16xf32>,
    %broadcast_in_dim3A_345 = arith.constant 0.000000e+00 : f32
    %broadcast_in_dim3A_346 = vector.broadcast %broadcast_in_dim3A_345 : f32 to vector<16xf32>
    %swap3A_347 = arith.constant 928 : index
    %swap3A_348 = tpu.vector_load %arg20[%swap3A_347] {strides = array<i32>} : memref<1024xf32, #tpu.memory_space<vmem>>, vector<16xf32>,
    tpu.vector_store %arg20[%swap3A_347], %broadcast_in_dim3A_346 {strides = array<i32>} : memref<1024xf32, #tpu.memory_space<vmem>>, vector<16xf32>,
    %broadcast_in_dim3A_349 = arith.constant 0.000000e+00 : f32
    %broadcast_in_dim3A_350 = vector.broadcast %broadcast_in_dim3A_349 : f32 to vector<16xf32>
    %swap3A_351 = arith.constant 944 : index
    %swap3A_352 = tpu.vector_load %arg20[%swap3A_351] {strides = array<i32>} : memref<1024xf32, #tpu.memory_space<vmem>>, vector<16xf32>,
    tpu.vector_store %arg20[%swap3A_351], %broadcast_in_dim3A_350 {strides = array<i32>} : memref<1024xf32, #tpu.memory_space<vmem>>, vector<16xf32>,
    %broadcast_in_dim3A_353 = arith.constant 0.000000e+00 : f32
    %broadcast_in_dim3A_354 = vector.broadcast %broadcast_in_dim3A_353 : f32 to vector<16xf32>
    %swap3A_355 = arith.constant 960 : index
    %swap3A_356 = tpu.vector_load %arg20[%swap3A_355] {strides = array<i32>} : memref<1024xf32, #tpu.memory_space<vmem>>, vector<16xf32>,
    tpu.vector_store %arg20[%swap3A_355], %broadcast_in_dim3A_354 {strides = array<i32>} : memref<1024xf32, #tpu.memory_space<vmem>>, vector<16xf32>,
    %broadcast_in_dim3A_357 = arith.constant 0.000000e+00 : f32
    %broadcast_in_dim3A_358 = vector.broadcast %broadcast_in_dim3A_357 : f32 to vector<16xf32>
    %swap3A_359 = arith.constant 976 : index
    %swap3A_360 = tpu.vector_load %arg20[%swap3A_359] {strides = array<i32>} : memref<1024xf32, #tpu.memory_space<vmem>>, vector<16xf32>,
    tpu.vector_store %arg20[%swap3A_359], %broadcast_in_dim3A_358 {strides = array<i32>} : memref<1024xf32, #tpu.memory_space<vmem>>, vector<16xf32>,
    %broadcast_in_dim3A_361 = arith.constant 0.000000e+00 : f32
    %broadcast_in_dim3A_362 = vector.broadcast %broadcast_in_dim3A_361 : f32 to vector<16xf32>
    %swap3A_363 = arith.constant 992 : index
    %swap3A_364 = tpu.vector_load %arg20[%swap3A_363] {strides = array<i32>} : memref<1024xf32, #tpu.memory_space<vmem>>, vector<16xf32>,
    tpu.vector_store %arg20[%swap3A_363], %broadcast_in_dim3A_362 {strides = array<i32>} : memref<1024xf32, #tpu.memory_space<vmem>>, vector<16xf32>,
    %broadcast_in_dim3A_365 = arith.constant 0.000000e+00 : f32
    %broadcast_in_dim3A_366 = vector.broadcast %broadcast_in_dim3A_365 : f32 to vector<16xf32>
    %swap3A_367 = arith.constant 1008 : index
    %swap3A_368 = tpu.vector_load %arg20[%swap3A_367] {strides = array<i32>} : memref<1024xf32, #tpu.memory_space<vmem>>, vector<16xf32>,
    tpu.vector_store %arg20[%swap3A_367], %broadcast_in_dim3A_366 {strides = array<i32>} : memref<1024xf32, #tpu.memory_space<vmem>>, vector<16xf32>,
    %dma_wait3A = arith.constant 0 : i32
    %dma_wait3A_369 = tpu.memref_slice %arg5[%dma_wait3A] : memref<16384xi32, #tpu.memory_space<hbm>> -> memref<1024xi32, #tpu.memory_space<hbm>>
    %dma_wait3A_370 = arith.constant 0 : i32
    %dma_wait3A_371 = tpu.memref_slice %arg5[%dma_wait3A_370] : memref<16384xi32, #tpu.memory_space<hbm>> -> memref<1024xi32, #tpu.memory_space<hbm>>
    tpu.wait_dma2 semaphore(%arg23 : memref<!tpu.dma_semaphore, #tpu.memory_space<semaphore_mem>>) src(%dma_wait3A_371 : memref<1024xi32, #tpu.memory_space<hbm>>) dst(%arg14 : memref<1024xi32, #tpu.memory_space<vmem>>)
    %dma_wait3A_372 = arith.constant 0 : i32
    %dma_wait3A_373 = tpu.memref_slice %arg5[%dma_wait3A_372] : memref<16384xi32, #tpu.memory_space<hbm>> -> memref<1024xi32, #tpu.memory_space<hbm>>
    %dma_wait3A_374 = arith.constant 0 : i32
    %dma_wait3A_375 = tpu.memref_slice %arg5[%dma_wait3A_374] : memref<16384xi32, #tpu.memory_space<hbm>> -> memref<1024xi32, #tpu.memory_space<hbm>>
    tpu.wait_dma2 semaphore(%arg23 : memref<!tpu.dma_semaphore, #tpu.memory_space<semaphore_mem>>) src(%dma_wait3A_375 : memref<1024xi32, #tpu.memory_space<hbm>>) dst(%arg15 : memref<1024xi32, #tpu.memory_space<vmem>>)
    %dma_wait3A_376 = arith.constant 0 : i32
    %dma_wait3A_377 = tpu.memref_slice %arg5[%dma_wait3A_376] : memref<16384xi32, #tpu.memory_space<hbm>> -> memref<1024xi32, #tpu.memory_space<hbm>>
    %dma_wait3A_378 = arith.constant 0 : i32
    %dma_wait3A_379 = tpu.memref_slice %arg5[%dma_wait3A_378] : memref<16384xi32, #tpu.memory_space<hbm>> -> memref<1024xi32, #tpu.memory_space<hbm>>
    tpu.wait_dma2 semaphore(%arg23 : memref<!tpu.dma_semaphore, #tpu.memory_space<semaphore_mem>>) src(%dma_wait3A_379 : memref<1024xi32, #tpu.memory_space<hbm>>) dst(%arg16 : memref<1024xi32, #tpu.memory_space<vmem>>)
    %scan3A = arith.constant 0 : i32
    %scan3A_380 = arith.constant 0 : i32
    %scan3A_381 = arith.constant 16 : i32
    %scan3A_382 = arith.addi %scan3A_380, %scan3A_381 : i32
    %scan3A_383 = arith.constant 1 : i32
    scf.for %scan3A_395 = %scan3A_380 to %scan3A_382 step %scan3A_383  : i32 {
      %mul3A_396 = arith.constant 2 : i32
      %mul3A_397 = arith.muli %scan3A_395, %mul3A_396 : i32
      %eq3A_398 = arith.constant 0 : i32
      %eq3A_399 = arith.cmpi eq, %arg1, %eq3A_398 : i32
      %convert_element_type3A_400 = arith.extui %eq3A_399 : i1 to i32
      %cond3A_401 = arith.constant 0 : i32
      %cond3A_402 = arith.cmpi ne, %convert_element_type3A_400, %cond3A_401 : i32
      scf.if %cond3A_402 {
        %dma_wait3A_2781 = arith.constant 0 : i32
        %dma_wait3A_2782 = arith.constant 0 : i32
        %dma_wait3A_2783 = tpu.memref_slice %arg10[%dma_wait3A_2782] : memref<1000000xf32, #tpu.memory_space<vmem_shared>> -> memref<124928xf32, #tpu.memory_space<vmem_shared>>
        %dma_wait3A_2784 = arith.constant 0 : i32
        %dma_wait3A_2785 = tpu.memref_slice %arg2[%dma_wait3A_2781, %dma_wait3A_2784] : memref<64x1000000xf32, #tpu.memory_space<hbm>> -> memref<1x124928xf32, #tpu.memory_space<hbm>>
        %dma_wait3A_2786 = tpu.memref_squeeze %dma_wait3A_2785 : memref<1x124928xf32, #tpu.memory_space<hbm>> -> memref<124928xf32, #tpu.memory_space<hbm>>
        tpu.wait_dma2 semaphore(%arg21 : memref<!tpu.dma_semaphore, #tpu.memory_space<semaphore_mem>>) src(%dma_wait3A_2786 : memref<124928xf32, #tpu.memory_space<hbm>>) dst(%dma_wait3A_2783 : memref<124928xf32, #tpu.memory_space<vmem_shared>>)
      } else {
      }
      %eq3A_403 = arith.constant 1 : i32
      %eq3A_404 = arith.cmpi eq, %arg1, %eq3A_403 : i32
      %convert_element_type3A_405 = arith.extui %eq3A_404 : i1 to i32
      %cond3A_406 = arith.constant 0 : i32
      %cond3A_407 = arith.cmpi ne, %convert_element_type3A_405, %cond3A_406 : i32
      scf.if %cond3A_407 {
        %dma_wait3A_2781 = arith.constant 0 : i32
        %dma_wait3A_2782 = arith.constant 0 : i32
        %dma_wait3A_2783 = tpu.memref_slice %arg10[%dma_wait3A_2782] : memref<1000000xf32, #tpu.memory_space<vmem_shared>> -> memref<124928xf32, #tpu.memory_space<vmem_shared>>
        %dma_wait3A_2784 = arith.constant 0 : i32
        %dma_wait3A_2785 = tpu.memref_slice %arg2[%dma_wait3A_2781, %dma_wait3A_2784] : memref<64x1000000xf32, #tpu.memory_space<hbm>> -> memref<1x124928xf32, #tpu.memory_space<hbm>>
        %dma_wait3A_2786 = tpu.memref_squeeze %dma_wait3A_2785 : memref<1x124928xf32, #tpu.memory_space<hbm>> -> memref<124928xf32, #tpu.memory_space<hbm>>
        tpu.wait_dma2 semaphore(%arg21 : memref<!tpu.dma_semaphore, #tpu.memory_space<semaphore_mem>>) src(%dma_wait3A_2786 : memref<124928xf32, #tpu.memory_space<hbm>>) dst(%dma_wait3A_2783 : memref<124928xf32, #tpu.memory_space<vmem_shared>>)
      } else {
      }
      %eq3A_408 = arith.constant 2 : i32
      %eq3A_409 = arith.cmpi eq, %arg1, %eq3A_408 : i32
      %convert_element_type3A_410 = arith.extui %eq3A_409 : i1 to i32
      %cond3A_411 = arith.constant 0 : i32
      %cond3A_412 = arith.cmpi ne, %convert_element_type3A_410, %cond3A_411 : i32
      scf.if %cond3A_412 {
        %dma_wait3A_2781 = arith.constant 0 : i32
        %dma_wait3A_2782 = arith.constant 0 : i32
        %dma_wait3A_2783 = tpu.memref_slice %arg10[%dma_wait3A_2782] : memref<1000000xf32, #tpu.memory_space<vmem_shared>> -> memref<124928xf32, #tpu.memory_space<vmem_shared>>
        %dma_wait3A_2784 = arith.constant 0 : i32
        %dma_wait3A_2785 = tpu.memref_slice %arg2[%dma_wait3A_2781, %dma_wait3A_2784] : memref<64x1000000xf32, #tpu.memory_space<hbm>> -> memref<1x124928xf32, #tpu.memory_space<hbm>>
        %dma_wait3A_2786 = tpu.memref_squeeze %dma_wait3A_2785 : memref<1x124928xf32, #tpu.memory_space<hbm>> -> memref<124928xf32, #tpu.memory_space<hbm>>
        tpu.wait_dma2 semaphore(%arg21 : memref<!tpu.dma_semaphore, #tpu.memory_space<semaphore_mem>>) src(%dma_wait3A_2786 : memref<124928xf32, #tpu.memory_space<hbm>>) dst(%dma_wait3A_2783 : memref<124928xf32, #tpu.memory_space<vmem_shared>>)
      } else {
      }
      %eq3A_413 = arith.constant 3 : i32
      %eq3A_414 = arith.cmpi eq, %arg1, %eq3A_413 : i32
      %convert_element_type3A_415 = arith.extui %eq3A_414 : i1 to i32
      %cond3A_416 = arith.constant 0 : i32
      %cond3A_417 = arith.cmpi ne, %convert_element_type3A_415, %cond3A_416 : i32
      scf.if %cond3A_417 {
        %dma_wait3A_2781 = arith.constant 0 : i32
        %dma_wait3A_2782 = arith.constant 0 : i32
        %dma_wait3A_2783 = tpu.memref_slice %arg10[%dma_wait3A_2782] : memref<1000000xf32, #tpu.memory_space<vmem_shared>> -> memref<124928xf32, #tpu.memory_space<vmem_shared>>
        %dma_wait3A_2784 = arith.constant 0 : i32
        %dma_wait3A_2785 = tpu.memref_slice %arg2[%dma_wait3A_2781, %dma_wait3A_2784] : memref<64x1000000xf32, #tpu.memory_space<hbm>> -> memref<1x124928xf32, #tpu.memory_space<hbm>>
        %dma_wait3A_2786 = tpu.memref_squeeze %dma_wait3A_2785 : memref<1x124928xf32, #tpu.memory_space<hbm>> -> memref<124928xf32, #tpu.memory_space<hbm>>
        tpu.wait_dma2 semaphore(%arg21 : memref<!tpu.dma_semaphore, #tpu.memory_space<semaphore_mem>>) src(%dma_wait3A_2786 : memref<124928xf32, #tpu.memory_space<hbm>>) dst(%dma_wait3A_2783 : memref<124928xf32, #tpu.memory_space<vmem_shared>>)
      } else {
      }
      %eq3A_418 = arith.constant 4 : i32
      %eq3A_419 = arith.cmpi eq, %arg1, %eq3A_418 : i32
      %convert_element_type3A_420 = arith.extui %eq3A_419 : i1 to i32
      %cond3A_421 = arith.constant 0 : i32
      %cond3A_422 = arith.cmpi ne, %convert_element_type3A_420, %cond3A_421 : i32
      scf.if %cond3A_422 {
        %dma_wait3A_2781 = arith.constant 0 : i32
        %dma_wait3A_2782 = arith.constant 0 : i32
        %dma_wait3A_2783 = tpu.memref_slice %arg10[%dma_wait3A_2782] : memref<1000000xf32, #tpu.memory_space<vmem_shared>> -> memref<124928xf32, #tpu.memory_space<vmem_shared>>
        %dma_wait3A_2784 = arith.constant 0 : i32
        %dma_wait3A_2785 = tpu.memref_slice %arg2[%dma_wait3A_2781, %dma_wait3A_2784] : memref<64x1000000xf32, #tpu.memory_space<hbm>> -> memref<1x124928xf32, #tpu.memory_space<hbm>>
        %dma_wait3A_2786 = tpu.memref_squeeze %dma_wait3A_2785 : memref<1x124928xf32, #tpu.memory_space<hbm>> -> memref<124928xf32, #tpu.memory_space<hbm>>
        tpu.wait_dma2 semaphore(%arg21 : memref<!tpu.dma_semaphore, #tpu.memory_space<semaphore_mem>>) src(%dma_wait3A_2786 : memref<124928xf32, #tpu.memory_space<hbm>>) dst(%dma_wait3A_2783 : memref<124928xf32, #tpu.memory_space<vmem_shared>>)
      } else {
      }
      %eq3A_423 = arith.constant 5 : i32
      %eq3A_424 = arith.cmpi eq, %arg1, %eq3A_423 : i32
      %convert_element_type3A_425 = arith.extui %eq3A_424 : i1 to i32
      %cond3A_426 = arith.constant 0 : i32
      %cond3A_427 = arith.cmpi ne, %convert_element_type3A_425, %cond3A_426 : i32
      scf.if %cond3A_427 {
        %dma_wait3A_2781 = arith.constant 0 : i32
        %dma_wait3A_2782 = arith.constant 0 : i32
        %dma_wait3A_2783 = tpu.memref_slice %arg10[%dma_wait3A_2782] : memref<1000000xf32, #tpu.memory_space<vmem_shared>> -> memref<124928xf32, #tpu.memory_space<vmem_shared>>
        %dma_wait3A_2784 = arith.constant 0 : i32
        %dma_wait3A_2785 = tpu.memref_slice %arg2[%dma_wait3A_2781, %dma_wait3A_2784] : memref<64x1000000xf32, #tpu.memory_space<hbm>> -> memref<1x124928xf32, #tpu.memory_space<hbm>>
        %dma_wait3A_2786 = tpu.memref_squeeze %dma_wait3A_2785 : memref<1x124928xf32, #tpu.memory_space<hbm>> -> memref<124928xf32, #tpu.memory_space<hbm>>
        tpu.wait_dma2 semaphore(%arg21 : memref<!tpu.dma_semaphore, #tpu.memory_space<semaphore_mem>>) src(%dma_wait3A_2786 : memref<124928xf32, #tpu.memory_space<hbm>>) dst(%dma_wait3A_2783 : memref<124928xf32, #tpu.memory_space<vmem_shared>>)
      } else {
      }
      %eq3A_428 = arith.constant 6 : i32
      %eq3A_429 = arith.cmpi eq, %arg1, %eq3A_428 : i32
      %convert_element_type3A_430 = arith.extui %eq3A_429 : i1 to i32
      %cond3A_431 = arith.constant 0 : i32
      %cond3A_432 = arith.cmpi ne, %convert_element_type3A_430, %cond3A_431 : i32
      scf.if %cond3A_432 {
        %dma_wait3A_2781 = arith.constant 0 : i32
        %dma_wait3A_2782 = arith.constant 0 : i32
        %dma_wait3A_2783 = tpu.memref_slice %arg10[%dma_wait3A_2782] : memref<1000000xf32, #tpu.memory_space<vmem_shared>> -> memref<124928xf32, #tpu.memory_space<vmem_shared>>
        %dma_wait3A_2784 = arith.constant 0 : i32
        %dma_wait3A_2785 = tpu.memref_slice %arg2[%dma_wait3A_2781, %dma_wait3A_2784] : memref<64x1000000xf32, #tpu.memory_space<hbm>> -> memref<1x124928xf32, #tpu.memory_space<hbm>>
        %dma_wait3A_2786 = tpu.memref_squeeze %dma_wait3A_2785 : memref<1x124928xf32, #tpu.memory_space<hbm>> -> memref<124928xf32, #tpu.memory_space<hbm>>
        tpu.wait_dma2 semaphore(%arg21 : memref<!tpu.dma_semaphore, #tpu.memory_space<semaphore_mem>>) src(%dma_wait3A_2786 : memref<124928xf32, #tpu.memory_space<hbm>>) dst(%dma_wait3A_2783 : memref<124928xf32, #tpu.memory_space<vmem_shared>>)
      } else {
      }
      %eq3A_433 = arith.constant 7 : i32
      %eq3A_434 = arith.cmpi eq, %arg1, %eq3A_433 : i32
      %convert_element_type3A_435 = arith.extui %eq3A_434 : i1 to i32
      %cond3A_436 = arith.constant 0 : i32
      %cond3A_437 = arith.cmpi ne, %convert_element_type3A_435, %cond3A_436 : i32
      scf.if %cond3A_437 {
        %dma_wait3A_2781 = arith.constant 0 : i32
        %dma_wait3A_2782 = arith.constant 0 : i32
        %dma_wait3A_2783 = tpu.memref_slice %arg10[%dma_wait3A_2782] : memref<1000000xf32, #tpu.memory_space<vmem_shared>> -> memref<124928xf32, #tpu.memory_space<vmem_shared>>
        %dma_wait3A_2784 = arith.constant 0 : i32
        %dma_wait3A_2785 = tpu.memref_slice %arg2[%dma_wait3A_2781, %dma_wait3A_2784] : memref<64x1000000xf32, #tpu.memory_space<hbm>> -> memref<1x124928xf32, #tpu.memory_space<hbm>>
        %dma_wait3A_2786 = tpu.memref_squeeze %dma_wait3A_2785 : memref<1x124928xf32, #tpu.memory_space<hbm>> -> memref<124928xf32, #tpu.memory_space<hbm>>
        tpu.wait_dma2 semaphore(%arg21 : memref<!tpu.dma_semaphore, #tpu.memory_space<semaphore_mem>>) src(%dma_wait3A_2786 : memref<124928xf32, #tpu.memory_space<hbm>>) dst(%dma_wait3A_2783 : memref<124928xf32, #tpu.memory_space<vmem_shared>>)
      } else {
      }
      %eq3A_438 = arith.constant 8 : i32
      %eq3A_439 = arith.cmpi eq, %arg1, %eq3A_438 : i32
      %convert_element_type3A_440 = arith.extui %eq3A_439 : i1 to i32
      %cond3A_441 = arith.constant 0 : i32
      %cond3A_442 = arith.cmpi ne, %convert_element_type3A_440, %cond3A_441 : i32
      scf.if %cond3A_442 {
        %dma_wait3A_2781 = arith.constant 0 : i32
        %dma_wait3A_2782 = arith.constant 0 : i32
        %dma_wait3A_2783 = tpu.memref_slice %arg10[%dma_wait3A_2782] : memref<1000000xf32, #tpu.memory_space<vmem_shared>> -> memref<512xf32, #tpu.memory_space<vmem_shared>>
        %dma_wait3A_2784 = arith.constant 0 : i32
        %dma_wait3A_2785 = tpu.memref_slice %arg2[%dma_wait3A_2781, %dma_wait3A_2784] : memref<64x1000000xf32, #tpu.memory_space<hbm>> -> memref<1x512xf32, #tpu.memory_space<hbm>>
        %dma_wait3A_2786 = tpu.memref_squeeze %dma_wait3A_2785 : memref<1x512xf32, #tpu.memory_space<hbm>> -> memref<512xf32, #tpu.memory_space<hbm>>
        tpu.wait_dma2 semaphore(%arg21 : memref<!tpu.dma_semaphore, #tpu.memory_space<semaphore_mem>>) src(%dma_wait3A_2786 : memref<512xf32, #tpu.memory_space<hbm>>) dst(%dma_wait3A_2783 : memref<512xf32, #tpu.memory_space<vmem_shared>>)
      } else {
      }
      %eq3A_443 = arith.constant 9 : i32
      %eq3A_444 = arith.cmpi eq, %arg1, %eq3A_443 : i32
      %convert_element_type3A_445 = arith.extui %eq3A_444 : i1 to i32
      %cond3A_446 = arith.constant 0 : i32
      %cond3A_447 = arith.cmpi ne, %convert_element_type3A_445, %cond3A_446 : i32
      scf.if %cond3A_447 {
        %dma_wait3A_2781 = arith.constant 0 : i32
        %dma_wait3A_2782 = arith.constant 0 : i32
        %dma_wait3A_2783 = tpu.memref_slice %arg3[%dma_wait3A_2781, %dma_wait3A_2782] : memref<64x1024xf32, #tpu.memory_space<hbm>> -> memref<1x1024xf32, #tpu.memory_space<hbm>>
        %dma_wait3A_2784 = tpu.memref_squeeze %dma_wait3A_2783 : memref<1x1024xf32, #tpu.memory_space<hbm>> -> memref<1024xf32, #tpu.memory_space<hbm>>
        tpu.wait_dma2 semaphore(%arg21 : memref<!tpu.dma_semaphore, #tpu.memory_space<semaphore_mem>>) src(%dma_wait3A_2784 : memref<1024xf32, #tpu.memory_space<hbm>>) dst(%arg12 : memref<1024xf32, #tpu.memory_space<vmem_shared>>)
      } else {
      }
      %eq3A_448 = arith.constant 11 : i32
      %eq3A_449 = arith.cmpi eq, %arg1, %eq3A_448 : i32
      %convert_element_type3A_450 = arith.extui %eq3A_449 : i1 to i32
      %cond3A_451 = arith.constant 0 : i32
      %cond3A_452 = arith.cmpi ne, %convert_element_type3A_450, %cond3A_451 : i32
      scf.if %cond3A_452 {
        %dma_wait3A_2781 = arith.constant 0 : i32
        %dma_wait3A_2782 = arith.constant 0 : i32
        %dma_wait3A_2783 = tpu.memref_slice %arg4[%dma_wait3A_2781, %dma_wait3A_2782] : memref<64x64xf32, #tpu.memory_space<hbm>> -> memref<1x64xf32, #tpu.memory_space<hbm>>
        %dma_wait3A_2784 = tpu.memref_squeeze %dma_wait3A_2783 : memref<1x64xf32, #tpu.memory_space<hbm>> -> memref<64xf32, #tpu.memory_space<hbm>>
        %dma_wait3A_2785 = arith.constant 0 : i32
        %dma_wait3A_2786 = tpu.memref_slice %arg4[%dma_wait3A_2781, %dma_wait3A_2785] : memref<64x64xf32, #tpu.memory_space<hbm>> -> memref<1x64xf32, #tpu.memory_space<hbm>>
        %dma_wait3A_2787 = tpu.memref_squeeze %dma_wait3A_2786 : memref<1x64xf32, #tpu.memory_space<hbm>> -> memref<64xf32, #tpu.memory_space<hbm>>
        tpu.wait_dma2 semaphore(%arg21 : memref<!tpu.dma_semaphore, #tpu.memory_space<semaphore_mem>>) src(%dma_wait3A_2787 : memref<64xf32, #tpu.memory_space<hbm>>) dst(%arg18 : memref<64xf32, #tpu.memory_space<vmem>>)
        "tpu.region"() ({
          %run_scoped3A = tpu.sem_alloc : memref<!tpu.dma_semaphore, #tpu.memory_space<semaphore_mem>>
          %dma_start3A_2788 = arith.constant 999936 : i32
          %dma_start3A_2789 = tpu.memref_slice %arg10[%dma_start3A_2788] : memref<1000000xf32, #tpu.memory_space<vmem_shared>> -> memref<64xf32, #tpu.memory_space<vmem_shared>>
          %dma_start3A_2790 = arith.constant 999936 : i32
          %dma_start3A_2791 = tpu.memref_slice %arg10[%dma_start3A_2790] : memref<1000000xf32, #tpu.memory_space<vmem_shared>> -> memref<64xf32, #tpu.memory_space<vmem_shared>>
          tpu.enqueue_dma source(%arg18 : memref<64xf32, #tpu.memory_space<vmem>>) target(%dma_start3A_2791 : memref<64xf32, #tpu.memory_space<vmem_shared>>) target_semaphore(%run_scoped3A : memref<!tpu.dma_semaphore, #tpu.memory_space<semaphore_mem>>)
          %dma_wait3A_2792 = arith.constant 999936 : i32
          %dma_wait3A_2793 = tpu.memref_slice %arg10[%dma_wait3A_2792] : memref<1000000xf32, #tpu.memory_space<vmem_shared>> -> memref<64xf32, #tpu.memory_space<vmem_shared>>
          %dma_wait3A_2794 = arith.constant 999936 : i32
          %dma_wait3A_2795 = tpu.memref_slice %arg10[%dma_wait3A_2794] : memref<1000000xf32, #tpu.memory_space<vmem_shared>> -> memref<64xf32, #tpu.memory_space<vmem_shared>>
          tpu.wait_dma2 semaphore(%run_scoped3A : memref<!tpu.dma_semaphore, #tpu.memory_space<semaphore_mem>>) src(%arg18 : memref<64xf32, #tpu.memory_space<vmem>>) dst(%dma_wait3A_2795 : memref<64xf32, #tpu.memory_space<vmem_shared>>)
          tpu.yield
        }) : () -> ()
      } else {
      }
      %barrier3A = arith.constant 0 : index
      tpu.barrier barrier_id(%barrier3A)
      %dma_start3A_453 = arith.constant 0 : i32
      %dma_start3A_454 = tpu.memref_slice %arg17[%dma_start3A_453] : memref<768xf32, #tpu.memory_space<vmem>> -> memref<128xf32, #tpu.memory_space<vmem>>
      %dma_start3A_455 = arith.constant 0 : i32
      %dma_start3A_456 = tpu.memref_slice %arg14[%dma_start3A_455] : memref<1024xi32, #tpu.memory_space<vmem>> -> memref<128xi32, #tpu.memory_space<vmem>>
      %dma_start3A_457 = arith.constant 0 : i32
      %dma_start3A_458 = tpu.memref_slice %arg10[%dma_start3A_457] : memref<1000000xf32, #tpu.memory_space<vmem_shared>> -> memref<1000000xf32, #tpu.memory_space<vmem_shared>>
      tpu.enqueue_indirect_dma source(%dma_start3A_458 : memref<1000000xf32, #tpu.memory_space<vmem_shared>>) target(%dma_start3A_454 : memref<128xf32, #tpu.memory_space<vmem>>) offsets(%dma_start3A_456 : memref<128xi32, #tpu.memory_space<vmem>>) semaphore(%arg23 : memref<!tpu.dma_semaphore, #tpu.memory_space<semaphore_mem>>)
      %dma_start3A_459 = arith.constant 128 : i32
      %dma_start3A_460 = tpu.memref_slice %arg17[%dma_start3A_459] : memref<768xf32, #tpu.memory_space<vmem>> -> memref<128xf32, #tpu.memory_space<vmem>>
      %dma_start3A_461 = arith.constant 0 : i32
      %dma_start3A_462 = tpu.memref_slice %arg15[%dma_start3A_461] : memref<1024xi32, #tpu.memory_space<vmem>> -> memref<128xi32, #tpu.memory_space<vmem>>
      %dma_start3A_463 = arith.constant 0 : i32
      %dma_start3A_464 = tpu.memref_slice %arg10[%dma_start3A_463] : memref<1000000xf32, #tpu.memory_space<vmem_shared>> -> memref<1000000xf32, #tpu.memory_space<vmem_shared>>
      tpu.enqueue_indirect_dma source(%dma_start3A_464 : memref<1000000xf32, #tpu.memory_space<vmem_shared>>) target(%dma_start3A_460 : memref<128xf32, #tpu.memory_space<vmem>>) offsets(%dma_start3A_462 : memref<128xi32, #tpu.memory_space<vmem>>) semaphore(%arg23 : memref<!tpu.dma_semaphore, #tpu.memory_space<semaphore_mem>>)
      %dma_start3A_465 = arith.constant 256 : i32
      %dma_start3A_466 = tpu.memref_slice %arg17[%dma_start3A_465] : memref<768xf32, #tpu.memory_space<vmem>> -> memref<128xf32, #tpu.memory_space<vmem>>
      %dma_start3A_467 = arith.constant 0 : i32
      %dma_start3A_468 = tpu.memref_slice %arg16[%dma_start3A_467] : memref<1024xi32, #tpu.memory_space<vmem>> -> memref<128xi32, #tpu.memory_space<vmem>>
      %dma_start3A_469 = arith.constant 0 : i32
      %dma_start3A_470 = tpu.memref_slice %arg12[%dma_start3A_469] : memref<1024xf32, #tpu.memory_space<vmem_shared>> -> memref<1024xf32, #tpu.memory_space<vmem_shared>>
      tpu.enqueue_indirect_dma source(%dma_start3A_470 : memref<1024xf32, #tpu.memory_space<vmem_shared>>) target(%dma_start3A_466 : memref<128xf32, #tpu.memory_space<vmem>>) offsets(%dma_start3A_468 : memref<128xi32, #tpu.memory_space<vmem>>) semaphore(%arg23 : memref<!tpu.dma_semaphore, #tpu.memory_space<semaphore_mem>>)
      %dma_start3A_471 = arith.constant 384 : i32
      %dma_start3A_472 = tpu.memref_slice %arg17[%dma_start3A_471] : memref<768xf32, #tpu.memory_space<vmem>> -> memref<128xf32, #tpu.memory_space<vmem>>
      %dma_start3A_473 = arith.constant 128 : i32
      %dma_start3A_474 = tpu.memref_slice %arg14[%dma_start3A_473] : memref<1024xi32, #tpu.memory_space<vmem>> -> memref<128xi32, #tpu.memory_space<vmem>>
      %dma_start3A_475 = arith.constant 0 : i32
      %dma_start3A_476 = tpu.memref_slice %arg10[%dma_start3A_475] : memref<1000000xf32, #tpu.memory_space<vmem_shared>> -> memref<1000000xf32, #tpu.memory_space<vmem_shared>>
      tpu.enqueue_indirect_dma source(%dma_start3A_476 : memref<1000000xf32, #tpu.memory_space<vmem_shared>>) target(%dma_start3A_472 : memref<128xf32, #tpu.memory_space<vmem>>) offsets(%dma_start3A_474 : memref<128xi32, #tpu.memory_space<vmem>>) semaphore(%arg24 : memref<!tpu.dma_semaphore, #tpu.memory_space<semaphore_mem>>)
      %dma_start3A_477 = arith.constant 512 : i32
      %dma_start3A_478 = tpu.memref_slice %arg17[%dma_start3A_477] : memref<768xf32, #tpu.memory_space<vmem>> -> memref<128xf32, #tpu.memory_space<vmem>>
      %dma_start3A_479 = arith.constant 128 : i32
      %dma_start3A_480 = tpu.memref_slice %arg15[%dma_start3A_479] : memref<1024xi32, #tpu.memory_space<vmem>> -> memref<128xi32, #tpu.memory_space<vmem>>
      %dma_start3A_481 = arith.constant 0 : i32
      %dma_start3A_482 = tpu.memref_slice %arg10[%dma_start3A_481] : memref<1000000xf32, #tpu.memory_space<vmem_shared>> -> memref<1000000xf32, #tpu.memory_space<vmem_shared>>
      tpu.enqueue_indirect_dma source(%dma_start3A_482 : memref<1000000xf32, #tpu.memory_space<vmem_shared>>) target(%dma_start3A_478 : memref<128xf32, #tpu.memory_space<vmem>>) offsets(%dma_start3A_480 : memref<128xi32, #tpu.memory_space<vmem>>) semaphore(%arg24 : memref<!tpu.dma_semaphore, #tpu.memory_space<semaphore_mem>>)
      %dma_start3A_483 = arith.constant 640 : i32
      %dma_start3A_484 = tpu.memref_slice %arg17[%dma_start3A_483] : memref<768xf32, #tpu.memory_space<vmem>> -> memref<128xf32, #tpu.memory_space<vmem>>
      %dma_start3A_485 = arith.constant 128 : i32
      %dma_start3A_486 = tpu.memref_slice %arg16[%dma_start3A_485] : memref<1024xi32, #tpu.memory_space<vmem>> -> memref<128xi32, #tpu.memory_space<vmem>>
      %dma_start3A_487 = arith.constant 0 : i32
      %dma_start3A_488 = tpu.memref_slice %arg12[%dma_start3A_487] : memref<1024xf32, #tpu.memory_space<vmem_shared>> -> memref<1024xf32, #tpu.memory_space<vmem_shared>>
      tpu.enqueue_indirect_dma source(%dma_start3A_488 : memref<1024xf32, #tpu.memory_space<vmem_shared>>) target(%dma_start3A_484 : memref<128xf32, #tpu.memory_space<vmem>>) offsets(%dma_start3A_486 : memref<128xi32, #tpu.memory_space<vmem>>) semaphore(%arg24 : memref<!tpu.dma_semaphore, #tpu.memory_space<semaphore_mem>>)
      %dma_wait3A_489 = arith.constant 0 : i32
      %dma_wait3A_490 = arith.constant 0 : i32
      %dma_wait3A_491 = tpu.memref_slice %arg17[%dma_wait3A_490] : memref<768xf32, #tpu.memory_space<vmem>> -> memref<384xf32, #tpu.memory_space<vmem>>
      %dma_wait3A_492 = arith.constant 0 : i32
      %dma_wait3A_493 = tpu.memref_slice %arg2[%dma_wait3A_489, %dma_wait3A_492] : memref<64x1000000xf32, #tpu.memory_space<hbm>> -> memref<1x384xf32, #tpu.memory_space<hbm>>
      %dma_wait3A_494 = tpu.memref_squeeze %dma_wait3A_493 : memref<1x384xf32, #tpu.memory_space<hbm>> -> memref<384xf32, #tpu.memory_space<hbm>>
      %dma_wait3A_495 = arith.constant 0 : i32
      %dma_wait3A_496 = tpu.memref_slice %arg17[%dma_wait3A_495] : memref<768xf32, #tpu.memory_space<vmem>> -> memref<384xf32, #tpu.memory_space<vmem>>
      %dma_wait3A_497 = arith.constant 0 : i32
      %dma_wait3A_498 = tpu.memref_slice %arg2[%dma_wait3A_489, %dma_wait3A_497] : memref<64x1000000xf32, #tpu.memory_space<hbm>> -> memref<1x384xf32, #tpu.memory_space<hbm>>
      %dma_wait3A_499 = tpu.memref_squeeze %dma_wait3A_498 : memref<1x384xf32, #tpu.memory_space<hbm>> -> memref<384xf32, #tpu.memory_space<hbm>>
      tpu.wait_dma2 semaphore(%arg23 : memref<!tpu.dma_semaphore, #tpu.memory_space<semaphore_mem>>) src(%dma_wait3A_499 : memref<384xf32, #tpu.memory_space<hbm>>) dst(%dma_wait3A_496 : memref<384xf32, #tpu.memory_space<vmem>>)
      %get3A = arith.constant 0 : index
      %get3A_500 = tpu.vector_load %arg17[%get3A] {strides = array<i32>} : memref<768xf32, #tpu.memory_space<vmem>>, vector<16xf32>,
      %get3A_501 = arith.constant 128 : index
      %get3A_502 = tpu.vector_load %arg17[%get3A_501] {strides = array<i32>} : memref<768xf32, #tpu.memory_space<vmem>>, vector<16xf32>,
      %get3A_503 = arith.constant 256 : index
      %get3A_504 = tpu.vector_load %arg17[%get3A_503] {strides = array<i32>} : memref<768xf32, #tpu.memory_space<vmem>>, vector<16xf32>,
      %add3A = arith.addf %get3A_500, %get3A_504 : vector<16xf32>
      %sub3A = arith.subf %add3A, %get3A_502 : vector<16xf32>
      %get3A_505 = arith.constant 0 : index
      %get3A_506 = tpu.vector_load %arg20[%get3A_505] {strides = array<i32>} : memref<1024xf32, #tpu.memory_space<vmem>>, vector<16xf32>,
      %mul3A_507 = arith.mulf %sub3A, %sub3A : vector<16xf32>
      %add3A_508 = arith.addf %get3A_506, %mul3A_507 : vector<16xf32>
      %swap3A_509 = arith.constant 0 : index
      %swap3A_510 = tpu.vector_load %arg20[%swap3A_509] {strides = array<i32>} : memref<1024xf32, #tpu.memory_space<vmem>>, vector<16xf32>,
      tpu.vector_store %arg20[%swap3A_509], %add3A_508 {strides = array<i32>} : memref<1024xf32, #tpu.memory_space<vmem>>, vector<16xf32>,
      %get3A_511 = arith.constant 16 : index
      %get3A_512 = tpu.vector_load %arg17[%get3A_511] {strides = array<i32>} : memref<768xf32, #tpu.memory_space<vmem>>, vector<16xf32>,
      %get3A_513 = arith.constant 144 : index
      %get3A_514 = tpu.vector_load %arg17[%get3A_513] {strides = array<i32>} : memref<768xf32, #tpu.memory_space<vmem>>, vector<16xf32>,
      %get3A_515 = arith.constant 272 : index
      %get3A_516 = tpu.vector_load %arg17[%get3A_515] {strides = array<i32>} : memref<768xf32, #tpu.memory_space<vmem>>, vector<16xf32>,
      %add3A_517 = arith.addf %get3A_512, %get3A_516 : vector<16xf32>
      %sub3A_518 = arith.subf %add3A_517, %get3A_514 : vector<16xf32>
      %get3A_519 = arith.constant 16 : index
      %get3A_520 = tpu.vector_load %arg20[%get3A_519] {strides = array<i32>} : memref<1024xf32, #tpu.memory_space<vmem>>, vector<16xf32>,
      %mul3A_521 = arith.mulf %sub3A_518, %sub3A_518 : vector<16xf32>
      %add3A_522 = arith.addf %get3A_520, %mul3A_521 : vector<16xf32>
      %swap3A_523 = arith.constant 16 : index
      %swap3A_524 = tpu.vector_load %arg20[%swap3A_523] {strides = array<i32>} : memref<1024xf32, #tpu.memory_space<vmem>>, vector<16xf32>,
      tpu.vector_store %arg20[%swap3A_523], %add3A_522 {strides = array<i32>} : memref<1024xf32, #tpu.memory_space<vmem>>, vector<16xf32>,
      %get3A_525 = arith.constant 32 : index
      %get3A_526 = tpu.vector_load %arg17[%get3A_525] {strides = array<i32>} : memref<768xf32, #tpu.memory_space<vmem>>, vector<16xf32>,
      %get3A_527 = arith.constant 160 : index
      %get3A_528 = tpu.vector_load %arg17[%get3A_527] {strides = array<i32>} : memref<768xf32, #tpu.memory_space<vmem>>, vector<16xf32>,
      %get3A_529 = arith.constant 288 : index
      %get3A_530 = tpu.vector_load %arg17[%get3A_529] {strides = array<i32>} : memref<768xf32, #tpu.memory_space<vmem>>, vector<16xf32>,
      %add3A_531 = arith.addf %get3A_526, %get3A_530 : vector<16xf32>
      %sub3A_532 = arith.subf %add3A_531, %get3A_528 : vector<16xf32>
      %get3A_533 = arith.constant 32 : index
      %get3A_534 = tpu.vector_load %arg20[%get3A_533] {strides = array<i32>} : memref<1024xf32, #tpu.memory_space<vmem>>, vector<16xf32>,
      %mul3A_535 = arith.mulf %sub3A_532, %sub3A_532 : vector<16xf32>
      %add3A_536 = arith.addf %get3A_534, %mul3A_535 : vector<16xf32>
      %swap3A_537 = arith.constant 32 : index
      %swap3A_538 = tpu.vector_load %arg20[%swap3A_537] {strides = array<i32>} : memref<1024xf32, #tpu.memory_space<vmem>>, vector<16xf32>,
      tpu.vector_store %arg20[%swap3A_537], %add3A_536 {strides = array<i32>} : memref<1024xf32, #tpu.memory_space<vmem>>, vector<16xf32>,
      %get3A_539 = arith.constant 48 : index
      %get3A_540 = tpu.vector_load %arg17[%get3A_539] {strides = array<i32>} : memref<768xf32, #tpu.memory_space<vmem>>, vector<16xf32>,
      %get3A_541 = arith.constant 176 : index
      %get3A_542 = tpu.vector_load %arg17[%get3A_541] {strides = array<i32>} : memref<768xf32, #tpu.memory_space<vmem>>, vector<16xf32>,
      %get3A_543 = arith.constant 304 : index
      %get3A_544 = tpu.vector_load %arg17[%get3A_543] {strides = array<i32>} : memref<768xf32, #tpu.memory_space<vmem>>, vector<16xf32>,
      %add3A_545 = arith.addf %get3A_540, %get3A_544 : vector<16xf32>
      %sub3A_546 = arith.subf %add3A_545, %get3A_542 : vector<16xf32>
      %get3A_547 = arith.constant 48 : index
      %get3A_548 = tpu.vector_load %arg20[%get3A_547] {strides = array<i32>} : memref<1024xf32, #tpu.memory_space<vmem>>, vector<16xf32>,
      %mul3A_549 = arith.mulf %sub3A_546, %sub3A_546 : vector<16xf32>
      %add3A_550 = arith.addf %get3A_548, %mul3A_549 : vector<16xf32>
      %swap3A_551 = arith.constant 48 : index
      %swap3A_552 = tpu.vector_load %arg20[%swap3A_551] {strides = array<i32>} : memref<1024xf32, #tpu.memory_space<vmem>>, vector<16xf32>,
      tpu.vector_store %arg20[%swap3A_551], %add3A_550 {strides = array<i32>} : memref<1024xf32, #tpu.memory_space<vmem>>, vector<16xf32>,
      %get3A_553 = arith.constant 64 : index
      %get3A_554 = tpu.vector_load %arg17[%get3A_553] {strides = array<i32>} : memref<768xf32, #tpu.memory_space<vmem>>, vector<16xf32>,
      %get3A_555 = arith.constant 192 : index
      %get3A_556 = tpu.vector_load %arg17[%get3A_555] {strides = array<i32>} : memref<768xf32, #tpu.memory_space<vmem>>, vector<16xf32>,
      %get3A_557 = arith.constant 320 : index
      %get3A_558 = tpu.vector_load %arg17[%get3A_557] {strides = array<i32>} : memref<768xf32, #tpu.memory_space<vmem>>, vector<16xf32>,
      %add3A_559 = arith.addf %get3A_554, %get3A_558 : vector<16xf32>
      %sub3A_560 = arith.subf %add3A_559, %get3A_556 : vector<16xf32>
      %get3A_561 = arith.constant 64 : index
      %get3A_562 = tpu.vector_load %arg20[%get3A_561] {strides = array<i32>} : memref<1024xf32, #tpu.memory_space<vmem>>, vector<16xf32>,
      %mul3A_563 = arith.mulf %sub3A_560, %sub3A_560 : vector<16xf32>
      %add3A_564 = arith.addf %get3A_562, %mul3A_563 : vector<16xf32>
      %swap3A_565 = arith.constant 64 : index
      %swap3A_566 = tpu.vector_load %arg20[%swap3A_565] {strides = array<i32>} : memref<1024xf32, #tpu.memory_space<vmem>>, vector<16xf32>,
      tpu.vector_store %arg20[%swap3A_565], %add3A_564 {strides = array<i32>} : memref<1024xf32, #tpu.memory_space<vmem>>, vector<16xf32>,
      %get3A_567 = arith.constant 80 : index
      %get3A_568 = tpu.vector_load %arg17[%get3A_567] {strides = array<i32>} : memref<768xf32, #tpu.memory_space<vmem>>, vector<16xf32>,
      %get3A_569 = arith.constant 208 : index
      %get3A_570 = tpu.vector_load %arg17[%get3A_569] {strides = array<i32>} : memref<768xf32, #tpu.memory_space<vmem>>, vector<16xf32>,
      %get3A_571 = arith.constant 336 : index
      %get3A_572 = tpu.vector_load %arg17[%get3A_571] {strides = array<i32>} : memref<768xf32, #tpu.memory_space<vmem>>, vector<16xf32>,
      %add3A_573 = arith.addf %get3A_568, %get3A_572 : vector<16xf32>
      %sub3A_574 = arith.subf %add3A_573, %get3A_570 : vector<16xf32>
      %get3A_575 = arith.constant 80 : index
      %get3A_576 = tpu.vector_load %arg20[%get3A_575] {strides = array<i32>} : memref<1024xf32, #tpu.memory_space<vmem>>, vector<16xf32>,
      %mul3A_577 = arith.mulf %sub3A_574, %sub3A_574 : vector<16xf32>
      %add3A_578 = arith.addf %get3A_576, %mul3A_577 : vector<16xf32>
      %swap3A_579 = arith.constant 80 : index
      %swap3A_580 = tpu.vector_load %arg20[%swap3A_579] {strides = array<i32>} : memref<1024xf32, #tpu.memory_space<vmem>>, vector<16xf32>,
      tpu.vector_store %arg20[%swap3A_579], %add3A_578 {strides = array<i32>} : memref<1024xf32, #tpu.memory_space<vmem>>, vector<16xf32>,
      %get3A_581 = arith.constant 96 : index
      %get3A_582 = tpu.vector_load %arg17[%get3A_581] {strides = array<i32>} : memref<768xf32, #tpu.memory_space<vmem>>, vector<16xf32>,
      %get3A_583 = arith.constant 224 : index
      %get3A_584 = tpu.vector_load %arg17[%get3A_583] {strides = array<i32>} : memref<768xf32, #tpu.memory_space<vmem>>, vector<16xf32>,
      %get3A_585 = arith.constant 352 : index
      %get3A_586 = tpu.vector_load %arg17[%get3A_585] {strides = array<i32>} : memref<768xf32, #tpu.memory_space<vmem>>, vector<16xf32>,
      %add3A_587 = arith.addf %get3A_582, %get3A_586 : vector<16xf32>
      %sub3A_588 = arith.subf %add3A_587, %get3A_584 : vector<16xf32>
      %get3A_589 = arith.constant 96 : index
      %get3A_590 = tpu.vector_load %arg20[%get3A_589] {strides = array<i32>} : memref<1024xf32, #tpu.memory_space<vmem>>, vector<16xf32>,
      %mul3A_591 = arith.mulf %sub3A_588, %sub3A_588 : vector<16xf32>
      %add3A_592 = arith.addf %get3A_590, %mul3A_591 : vector<16xf32>
      %swap3A_593 = arith.constant 96 : index
      %swap3A_594 = tpu.vector_load %arg20[%swap3A_593] {strides = array<i32>} : memref<1024xf32, #tpu.memory_space<vmem>>, vector<16xf32>,
      tpu.vector_store %arg20[%swap3A_593], %add3A_592 {strides = array<i32>} : memref<1024xf32, #tpu.memory_space<vmem>>, vector<16xf32>,
      %get3A_595 = arith.constant 112 : index
      %get3A_596 = tpu.vector_load %arg17[%get3A_595] {strides = array<i32>} : memref<768xf32, #tpu.memory_space<vmem>>, vector<16xf32>,
      %get3A_597 = arith.constant 240 : index
      %get3A_598 = tpu.vector_load %arg17[%get3A_597] {strides = array<i32>} : memref<768xf32, #tpu.memory_space<vmem>>, vector<16xf32>,
      %get3A_599 = arith.constant 368 : index
      %get3A_600 = tpu.vector_load %arg17[%get3A_599] {strides = array<i32>} : memref<768xf32, #tpu.memory_space<vmem>>, vector<16xf32>,
      %add3A_601 = arith.addf %get3A_596, %get3A_600 : vector<16xf32>
      %sub3A_602 = arith.subf %add3A_601, %get3A_598 : vector<16xf32>
      %get3A_603 = arith.constant 112 : index
      %get3A_604 = tpu.vector_load %arg20[%get3A_603] {strides = array<i32>} : memref<1024xf32, #tpu.memory_space<vmem>>, vector<16xf32>,
      %mul3A_605 = arith.mulf %sub3A_602, %sub3A_602 : vector<16xf32>
      %add3A_606 = arith.addf %get3A_604, %mul3A_605 : vector<16xf32>
      %swap3A_607 = arith.constant 112 : index
      %swap3A_608 = tpu.vector_load %arg20[%swap3A_607] {strides = array<i32>} : memref<1024xf32, #tpu.memory_space<vmem>>, vector<16xf32>,
      tpu.vector_store %arg20[%swap3A_607], %add3A_606 {strides = array<i32>} : memref<1024xf32, #tpu.memory_space<vmem>>, vector<16xf32>,
      %dma_start3A_609 = arith.constant 0 : i32
      %dma_start3A_610 = tpu.memref_slice %arg17[%dma_start3A_609] : memref<768xf32, #tpu.memory_space<vmem>> -> memref<128xf32, #tpu.memory_space<vmem>>
      %dma_start3A_611 = arith.constant 256 : i32
      %dma_start3A_612 = tpu.memref_slice %arg14[%dma_start3A_611] : memref<1024xi32, #tpu.memory_space<vmem>> -> memref<128xi32, #tpu.memory_space<vmem>>
      %dma_start3A_613 = arith.constant 0 : i32
      %dma_start3A_614 = tpu.memref_slice %arg10[%dma_start3A_613] : memref<1000000xf32, #tpu.memory_space<vmem_shared>> -> memref<1000000xf32, #tpu.memory_space<vmem_shared>>
      tpu.enqueue_indirect_dma source(%dma_start3A_614 : memref<1000000xf32, #tpu.memory_space<vmem_shared>>) target(%dma_start3A_610 : memref<128xf32, #tpu.memory_space<vmem>>) offsets(%dma_start3A_612 : memref<128xi32, #tpu.memory_space<vmem>>) semaphore(%arg23 : memref<!tpu.dma_semaphore, #tpu.memory_space<semaphore_mem>>)
      %dma_start3A_615 = arith.constant 128 : i32
      %dma_start3A_616 = tpu.memref_slice %arg17[%dma_start3A_615] : memref<768xf32, #tpu.memory_space<vmem>> -> memref<128xf32, #tpu.memory_space<vmem>>
      %dma_start3A_617 = arith.constant 256 : i32
      %dma_start3A_618 = tpu.memref_slice %arg15[%dma_start3A_617] : memref<1024xi32, #tpu.memory_space<vmem>> -> memref<128xi32, #tpu.memory_space<vmem>>
      %dma_start3A_619 = arith.constant 0 : i32
      %dma_start3A_620 = tpu.memref_slice %arg10[%dma_start3A_619] : memref<1000000xf32, #tpu.memory_space<vmem_shared>> -> memref<1000000xf32, #tpu.memory_space<vmem_shared>>
      tpu.enqueue_indirect_dma source(%dma_start3A_620 : memref<1000000xf32, #tpu.memory_space<vmem_shared>>) target(%dma_start3A_616 : memref<128xf32, #tpu.memory_space<vmem>>) offsets(%dma_start3A_618 : memref<128xi32, #tpu.memory_space<vmem>>) semaphore(%arg23 : memref<!tpu.dma_semaphore, #tpu.memory_space<semaphore_mem>>)
      %dma_start3A_621 = arith.constant 256 : i32
      %dma_start3A_622 = tpu.memref_slice %arg17[%dma_start3A_621] : memref<768xf32, #tpu.memory_space<vmem>> -> memref<128xf32, #tpu.memory_space<vmem>>
      %dma_start3A_623 = arith.constant 256 : i32
      %dma_start3A_624 = tpu.memref_slice %arg16[%dma_start3A_623] : memref<1024xi32, #tpu.memory_space<vmem>> -> memref<128xi32, #tpu.memory_space<vmem>>
      %dma_start3A_625 = arith.constant 0 : i32
      %dma_start3A_626 = tpu.memref_slice %arg12[%dma_start3A_625] : memref<1024xf32, #tpu.memory_space<vmem_shared>> -> memref<1024xf32, #tpu.memory_space<vmem_shared>>
      tpu.enqueue_indirect_dma source(%dma_start3A_626 : memref<1024xf32, #tpu.memory_space<vmem_shared>>) target(%dma_start3A_622 : memref<128xf32, #tpu.memory_space<vmem>>) offsets(%dma_start3A_624 : memref<128xi32, #tpu.memory_space<vmem>>) semaphore(%arg23 : memref<!tpu.dma_semaphore, #tpu.memory_space<semaphore_mem>>)
      %dma_wait3A_627 = arith.constant 0 : i32
      %dma_wait3A_628 = arith.constant 384 : i32
      %dma_wait3A_629 = tpu.memref_slice %arg17[%dma_wait3A_628] : memref<768xf32, #tpu.memory_space<vmem>> -> memref<384xf32, #tpu.memory_space<vmem>>
      %dma_wait3A_630 = arith.constant 0 : i32
      %dma_wait3A_631 = tpu.memref_slice %arg2[%dma_wait3A_627, %dma_wait3A_630] : memref<64x1000000xf32, #tpu.memory_space<hbm>> -> memref<1x384xf32, #tpu.memory_space<hbm>>
      %dma_wait3A_632 = tpu.memref_squeeze %dma_wait3A_631 : memref<1x384xf32, #tpu.memory_space<hbm>> -> memref<384xf32, #tpu.memory_space<hbm>>
      %dma_wait3A_633 = arith.constant 384 : i32
      %dma_wait3A_634 = tpu.memref_slice %arg17[%dma_wait3A_633] : memref<768xf32, #tpu.memory_space<vmem>> -> memref<384xf32, #tpu.memory_space<vmem>>
      %dma_wait3A_635 = arith.constant 0 : i32
      %dma_wait3A_636 = tpu.memref_slice %arg2[%dma_wait3A_627, %dma_wait3A_635] : memref<64x1000000xf32, #tpu.memory_space<hbm>> -> memref<1x384xf32, #tpu.memory_space<hbm>>
      %dma_wait3A_637 = tpu.memref_squeeze %dma_wait3A_636 : memref<1x384xf32, #tpu.memory_space<hbm>> -> memref<384xf32, #tpu.memory_space<hbm>>
      tpu.wait_dma2 semaphore(%arg24 : memref<!tpu.dma_semaphore, #tpu.memory_space<semaphore_mem>>) src(%dma_wait3A_637 : memref<384xf32, #tpu.memory_space<hbm>>) dst(%dma_wait3A_634 : memref<384xf32, #tpu.memory_space<vmem>>)
      %get3A_638 = arith.constant 384 : index
      %get3A_639 = tpu.vector_load %arg17[%get3A_638] {strides = array<i32>} : memref<768xf32, #tpu.memory_space<vmem>>, vector<16xf32>,
      %get3A_640 = arith.constant 512 : index
      %get3A_641 = tpu.vector_load %arg17[%get3A_640] {strides = array<i32>} : memref<768xf32, #tpu.memory_space<vmem>>, vector<16xf32>,
      %get3A_642 = arith.constant 640 : index
      %get3A_643 = tpu.vector_load %arg17[%get3A_642] {strides = array<i32>} : memref<768xf32, #tpu.memory_space<vmem>>, vector<16xf32>,
      %add3A_644 = arith.addf %get3A_639, %get3A_643 : vector<16xf32>
      %sub3A_645 = arith.subf %add3A_644, %get3A_641 : vector<16xf32>
      %get3A_646 = arith.constant 128 : index
      %get3A_647 = tpu.vector_load %arg20[%get3A_646] {strides = array<i32>} : memref<1024xf32, #tpu.memory_space<vmem>>, vector<16xf32>,
      %mul3A_648 = arith.mulf %sub3A_645, %sub3A_645 : vector<16xf32>
      %add3A_649 = arith.addf %get3A_647, %mul3A_648 : vector<16xf32>
      %swap3A_650 = arith.constant 128 : index
      %swap3A_651 = tpu.vector_load %arg20[%swap3A_650] {strides = array<i32>} : memref<1024xf32, #tpu.memory_space<vmem>>, vector<16xf32>,
      tpu.vector_store %arg20[%swap3A_650], %add3A_649 {strides = array<i32>} : memref<1024xf32, #tpu.memory_space<vmem>>, vector<16xf32>,
      %get3A_652 = arith.constant 400 : index
      %get3A_653 = tpu.vector_load %arg17[%get3A_652] {strides = array<i32>} : memref<768xf32, #tpu.memory_space<vmem>>, vector<16xf32>,
      %get3A_654 = arith.constant 528 : index
      %get3A_655 = tpu.vector_load %arg17[%get3A_654] {strides = array<i32>} : memref<768xf32, #tpu.memory_space<vmem>>, vector<16xf32>,
      %get3A_656 = arith.constant 656 : index
      %get3A_657 = tpu.vector_load %arg17[%get3A_656] {strides = array<i32>} : memref<768xf32, #tpu.memory_space<vmem>>, vector<16xf32>,
      %add3A_658 = arith.addf %get3A_653, %get3A_657 : vector<16xf32>
      %sub3A_659 = arith.subf %add3A_658, %get3A_655 : vector<16xf32>
      %get3A_660 = arith.constant 144 : index
      %get3A_661 = tpu.vector_load %arg20[%get3A_660] {strides = array<i32>} : memref<1024xf32, #tpu.memory_space<vmem>>, vector<16xf32>,
      %mul3A_662 = arith.mulf %sub3A_659, %sub3A_659 : vector<16xf32>
      %add3A_663 = arith.addf %get3A_661, %mul3A_662 : vector<16xf32>
      %swap3A_664 = arith.constant 144 : index
      %swap3A_665 = tpu.vector_load %arg20[%swap3A_664] {strides = array<i32>} : memref<1024xf32, #tpu.memory_space<vmem>>, vector<16xf32>,
      tpu.vector_store %arg20[%swap3A_664], %add3A_663 {strides = array<i32>} : memref<1024xf32, #tpu.memory_space<vmem>>, vector<16xf32>,
      %get3A_666 = arith.constant 416 : index
      %get3A_667 = tpu.vector_load %arg17[%get3A_666] {strides = array<i32>} : memref<768xf32, #tpu.memory_space<vmem>>, vector<16xf32>,
      %get3A_668 = arith.constant 544 : index
      %get3A_669 = tpu.vector_load %arg17[%get3A_668] {strides = array<i32>} : memref<768xf32, #tpu.memory_space<vmem>>, vector<16xf32>,
      %get3A_670 = arith.constant 672 : index
      %get3A_671 = tpu.vector_load %arg17[%get3A_670] {strides = array<i32>} : memref<768xf32, #tpu.memory_space<vmem>>, vector<16xf32>,
      %add3A_672 = arith.addf %get3A_667, %get3A_671 : vector<16xf32>
      %sub3A_673 = arith.subf %add3A_672, %get3A_669 : vector<16xf32>
      %get3A_674 = arith.constant 160 : index
      %get3A_675 = tpu.vector_load %arg20[%get3A_674] {strides = array<i32>} : memref<1024xf32, #tpu.memory_space<vmem>>, vector<16xf32>,
      %mul3A_676 = arith.mulf %sub3A_673, %sub3A_673 : vector<16xf32>
      %add3A_677 = arith.addf %get3A_675, %mul3A_676 : vector<16xf32>
      %swap3A_678 = arith.constant 160 : index
      %swap3A_679 = tpu.vector_load %arg20[%swap3A_678] {strides = array<i32>} : memref<1024xf32, #tpu.memory_space<vmem>>, vector<16xf32>,
      tpu.vector_store %arg20[%swap3A_678], %add3A_677 {strides = array<i32>} : memref<1024xf32, #tpu.memory_space<vmem>>, vector<16xf32>,
      %get3A_680 = arith.constant 432 : index
      %get3A_681 = tpu.vector_load %arg17[%get3A_680] {strides = array<i32>} : memref<768xf32, #tpu.memory_space<vmem>>, vector<16xf32>,
      %get3A_682 = arith.constant 560 : index
      %get3A_683 = tpu.vector_load %arg17[%get3A_682] {strides = array<i32>} : memref<768xf32, #tpu.memory_space<vmem>>, vector<16xf32>,
      %get3A_684 = arith.constant 688 : index
      %get3A_685 = tpu.vector_load %arg17[%get3A_684] {strides = array<i32>} : memref<768xf32, #tpu.memory_space<vmem>>, vector<16xf32>,
      %add3A_686 = arith.addf %get3A_681, %get3A_685 : vector<16xf32>
      %sub3A_687 = arith.subf %add3A_686, %get3A_683 : vector<16xf32>
      %get3A_688 = arith.constant 176 : index
      %get3A_689 = tpu.vector_load %arg20[%get3A_688] {strides = array<i32>} : memref<1024xf32, #tpu.memory_space<vmem>>, vector<16xf32>,
      %mul3A_690 = arith.mulf %sub3A_687, %sub3A_687 : vector<16xf32>
      %add3A_691 = arith.addf %get3A_689, %mul3A_690 : vector<16xf32>
      %swap3A_692 = arith.constant 176 : index
      %swap3A_693 = tpu.vector_load %arg20[%swap3A_692] {strides = array<i32>} : memref<1024xf32, #tpu.memory_space<vmem>>, vector<16xf32>,
      tpu.vector_store %arg20[%swap3A_692], %add3A_691 {strides = array<i32>} : memref<1024xf32, #tpu.memory_space<vmem>>, vector<16xf32>,
      %get3A_694 = arith.constant 448 : index
      %get3A_695 = tpu.vector_load %arg17[%get3A_694] {strides = array<i32>} : memref<768xf32, #tpu.memory_space<vmem>>, vector<16xf32>,
      %get3A_696 = arith.constant 576 : index
      %get3A_697 = tpu.vector_load %arg17[%get3A_696] {strides = array<i32>} : memref<768xf32, #tpu.memory_space<vmem>>, vector<16xf32>,
      %get3A_698 = arith.constant 704 : index
      %get3A_699 = tpu.vector_load %arg17[%get3A_698] {strides = array<i32>} : memref<768xf32, #tpu.memory_space<vmem>>, vector<16xf32>,
      %add3A_700 = arith.addf %get3A_695, %get3A_699 : vector<16xf32>
      %sub3A_701 = arith.subf %add3A_700, %get3A_697 : vector<16xf32>
      %get3A_702 = arith.constant 192 : index
      %get3A_703 = tpu.vector_load %arg20[%get3A_702] {strides = array<i32>} : memref<1024xf32, #tpu.memory_space<vmem>>, vector<16xf32>,
      %mul3A_704 = arith.mulf %sub3A_701, %sub3A_701 : vector<16xf32>
      %add3A_705 = arith.addf %get3A_703, %mul3A_704 : vector<16xf32>
      %swap3A_706 = arith.constant 192 : index
      %swap3A_707 = tpu.vector_load %arg20[%swap3A_706] {strides = array<i32>} : memref<1024xf32, #tpu.memory_space<vmem>>, vector<16xf32>,
      tpu.vector_store %arg20[%swap3A_706], %add3A_705 {strides = array<i32>} : memref<1024xf32, #tpu.memory_space<vmem>>, vector<16xf32>,
      %get3A_708 = arith.constant 464 : index
      %get3A_709 = tpu.vector_load %arg17[%get3A_708] {strides = array<i32>} : memref<768xf32, #tpu.memory_space<vmem>>, vector<16xf32>,
      %get3A_710 = arith.constant 592 : index
      %get3A_711 = tpu.vector_load %arg17[%get3A_710] {strides = array<i32>} : memref<768xf32, #tpu.memory_space<vmem>>, vector<16xf32>,
      %get3A_712 = arith.constant 720 : index
      %get3A_713 = tpu.vector_load %arg17[%get3A_712] {strides = array<i32>} : memref<768xf32, #tpu.memory_space<vmem>>, vector<16xf32>,
      %add3A_714 = arith.addf %get3A_709, %get3A_713 : vector<16xf32>
      %sub3A_715 = arith.subf %add3A_714, %get3A_711 : vector<16xf32>
      %get3A_716 = arith.constant 208 : index
      %get3A_717 = tpu.vector_load %arg20[%get3A_716] {strides = array<i32>} : memref<1024xf32, #tpu.memory_space<vmem>>, vector<16xf32>,
      %mul3A_718 = arith.mulf %sub3A_715, %sub3A_715 : vector<16xf32>
      %add3A_719 = arith.addf %get3A_717, %mul3A_718 : vector<16xf32>
      %swap3A_720 = arith.constant 208 : index
      %swap3A_721 = tpu.vector_load %arg20[%swap3A_720] {strides = array<i32>} : memref<1024xf32, #tpu.memory_space<vmem>>, vector<16xf32>,
      tpu.vector_store %arg20[%swap3A_720], %add3A_719 {strides = array<i32>} : memref<1024xf32, #tpu.memory_space<vmem>>, vector<16xf32>,
      %get3A_722 = arith.constant 480 : index
      %get3A_723 = tpu.vector_load %arg17[%get3A_722] {strides = array<i32>} : memref<768xf32, #tpu.memory_space<vmem>>, vector<16xf32>,
      %get3A_724 = arith.constant 608 : index
      %get3A_725 = tpu.vector_load %arg17[%get3A_724] {strides = array<i32>} : memref<768xf32, #tpu.memory_space<vmem>>, vector<16xf32>,
      %get3A_726 = arith.constant 736 : index
      %get3A_727 = tpu.vector_load %arg17[%get3A_726] {strides = array<i32>} : memref<768xf32, #tpu.memory_space<vmem>>, vector<16xf32>,
      %add3A_728 = arith.addf %get3A_723, %get3A_727 : vector<16xf32>
      %sub3A_729 = arith.subf %add3A_728, %get3A_725 : vector<16xf32>
      %get3A_730 = arith.constant 224 : index
      %get3A_731 = tpu.vector_load %arg20[%get3A_730] {strides = array<i32>} : memref<1024xf32, #tpu.memory_space<vmem>>, vector<16xf32>,
      %mul3A_732 = arith.mulf %sub3A_729, %sub3A_729 : vector<16xf32>
      %add3A_733 = arith.addf %get3A_731, %mul3A_732 : vector<16xf32>
      %swap3A_734 = arith.constant 224 : index
      %swap3A_735 = tpu.vector_load %arg20[%swap3A_734] {strides = array<i32>} : memref<1024xf32, #tpu.memory_space<vmem>>, vector<16xf32>,
      tpu.vector_store %arg20[%swap3A_734], %add3A_733 {strides = array<i32>} : memref<1024xf32, #tpu.memory_space<vmem>>, vector<16xf32>,
      %get3A_736 = arith.constant 496 : index
      %get3A_737 = tpu.vector_load %arg17[%get3A_736] {strides = array<i32>} : memref<768xf32, #tpu.memory_space<vmem>>, vector<16xf32>,
      %get3A_738 = arith.constant 624 : index
      %get3A_739 = tpu.vector_load %arg17[%get3A_738] {strides = array<i32>} : memref<768xf32, #tpu.memory_space<vmem>>, vector<16xf32>,
      %get3A_740 = arith.constant 752 : index
      %get3A_741 = tpu.vector_load %arg17[%get3A_740] {strides = array<i32>} : memref<768xf32, #tpu.memory_space<vmem>>, vector<16xf32>,
      %add3A_742 = arith.addf %get3A_737, %get3A_741 : vector<16xf32>
      %sub3A_743 = arith.subf %add3A_742, %get3A_739 : vector<16xf32>
      %get3A_744 = arith.constant 240 : index
      %get3A_745 = tpu.vector_load %arg20[%get3A_744] {strides = array<i32>} : memref<1024xf32, #tpu.memory_space<vmem>>, vector<16xf32>,
      %mul3A_746 = arith.mulf %sub3A_743, %sub3A_743 : vector<16xf32>
      %add3A_747 = arith.addf %get3A_745, %mul3A_746 : vector<16xf32>
      %swap3A_748 = arith.constant 240 : index
      %swap3A_749 = tpu.vector_load %arg20[%swap3A_748] {strides = array<i32>} : memref<1024xf32, #tpu.memory_space<vmem>>, vector<16xf32>,
      tpu.vector_store %arg20[%swap3A_748], %add3A_747 {strides = array<i32>} : memref<1024xf32, #tpu.memory_space<vmem>>, vector<16xf32>,
      %dma_start3A_750 = arith.constant 384 : i32
      %dma_start3A_751 = tpu.memref_slice %arg17[%dma_start3A_750] : memref<768xf32, #tpu.memory_space<vmem>> -> memref<128xf32, #tpu.memory_space<vmem>>
      %dma_start3A_752 = arith.constant 384 : i32
      %dma_start3A_753 = tpu.memref_slice %arg14[%dma_start3A_752] : memref<1024xi32, #tpu.memory_space<vmem>> -> memref<128xi32, #tpu.memory_space<vmem>>
      %dma_start3A_754 = arith.constant 0 : i32
      %dma_start3A_755 = tpu.memref_slice %arg10[%dma_start3A_754] : memref<1000000xf32, #tpu.memory_space<vmem_shared>> -> memref<1000000xf32, #tpu.memory_space<vmem_shared>>
      tpu.enqueue_indirect_dma source(%dma_start3A_755 : memref<1000000xf32, #tpu.memory_space<vmem_shared>>) target(%dma_start3A_751 : memref<128xf32, #tpu.memory_space<vmem>>) offsets(%dma_start3A_753 : memref<128xi32, #tpu.memory_space<vmem>>) semaphore(%arg24 : memref<!tpu.dma_semaphore, #tpu.memory_space<semaphore_mem>>)
      %dma_start3A_756 = arith.constant 512 : i32
      %dma_start3A_757 = tpu.memref_slice %arg17[%dma_start3A_756] : memref<768xf32, #tpu.memory_space<vmem>> -> memref<128xf32, #tpu.memory_space<vmem>>
      %dma_start3A_758 = arith.constant 384 : i32
      %dma_start3A_759 = tpu.memref_slice %arg15[%dma_start3A_758] : memref<1024xi32, #tpu.memory_space<vmem>> -> memref<128xi32, #tpu.memory_space<vmem>>
      %dma_start3A_760 = arith.constant 0 : i32
      %dma_start3A_761 = tpu.memref_slice %arg10[%dma_start3A_760] : memref<1000000xf32, #tpu.memory_space<vmem_shared>> -> memref<1000000xf32, #tpu.memory_space<vmem_shared>>
      tpu.enqueue_indirect_dma source(%dma_start3A_761 : memref<1000000xf32, #tpu.memory_space<vmem_shared>>) target(%dma_start3A_757 : memref<128xf32, #tpu.memory_space<vmem>>) offsets(%dma_start3A_759 : memref<128xi32, #tpu.memory_space<vmem>>) semaphore(%arg24 : memref<!tpu.dma_semaphore, #tpu.memory_space<semaphore_mem>>)
      %dma_start3A_762 = arith.constant 640 : i32
      %dma_start3A_763 = tpu.memref_slice %arg17[%dma_start3A_762] : memref<768xf32, #tpu.memory_space<vmem>> -> memref<128xf32, #tpu.memory_space<vmem>>
      %dma_start3A_764 = arith.constant 384 : i32
      %dma_start3A_765 = tpu.memref_slice %arg16[%dma_start3A_764] : memref<1024xi32, #tpu.memory_space<vmem>> -> memref<128xi32, #tpu.memory_space<vmem>>
      %dma_start3A_766 = arith.constant 0 : i32
      %dma_start3A_767 = tpu.memref_slice %arg12[%dma_start3A_766] : memref<1024xf32, #tpu.memory_space<vmem_shared>> -> memref<1024xf32, #tpu.memory_space<vmem_shared>>
      tpu.enqueue_indirect_dma source(%dma_start3A_767 : memref<1024xf32, #tpu.memory_space<vmem_shared>>) target(%dma_start3A_763 : memref<128xf32, #tpu.memory_space<vmem>>) offsets(%dma_start3A_765 : memref<128xi32, #tpu.memory_space<vmem>>) semaphore(%arg24 : memref<!tpu.dma_semaphore, #tpu.memory_space<semaphore_mem>>)
      %dma_wait3A_768 = arith.constant 0 : i32
      %dma_wait3A_769 = arith.constant 0 : i32
      %dma_wait3A_770 = tpu.memref_slice %arg17[%dma_wait3A_769] : memref<768xf32, #tpu.memory_space<vmem>> -> memref<384xf32, #tpu.memory_space<vmem>>
      %dma_wait3A_771 = arith.constant 0 : i32
      %dma_wait3A_772 = tpu.memref_slice %arg2[%dma_wait3A_768, %dma_wait3A_771] : memref<64x1000000xf32, #tpu.memory_space<hbm>> -> memref<1x384xf32, #tpu.memory_space<hbm>>
      %dma_wait3A_773 = tpu.memref_squeeze %dma_wait3A_772 : memref<1x384xf32, #tpu.memory_space<hbm>> -> memref<384xf32, #tpu.memory_space<hbm>>
      %dma_wait3A_774 = arith.constant 0 : i32
      %dma_wait3A_775 = tpu.memref_slice %arg17[%dma_wait3A_774] : memref<768xf32, #tpu.memory_space<vmem>> -> memref<384xf32, #tpu.memory_space<vmem>>
      %dma_wait3A_776 = arith.constant 0 : i32
      %dma_wait3A_777 = tpu.memref_slice %arg2[%dma_wait3A_768, %dma_wait3A_776] : memref<64x1000000xf32, #tpu.memory_space<hbm>> -> memref<1x384xf32, #tpu.memory_space<hbm>>
      %dma_wait3A_778 = tpu.memref_squeeze %dma_wait3A_777 : memref<1x384xf32, #tpu.memory_space<hbm>> -> memref<384xf32, #tpu.memory_space<hbm>>
      tpu.wait_dma2 semaphore(%arg23 : memref<!tpu.dma_semaphore, #tpu.memory_space<semaphore_mem>>) src(%dma_wait3A_778 : memref<384xf32, #tpu.memory_space<hbm>>) dst(%dma_wait3A_775 : memref<384xf32, #tpu.memory_space<vmem>>)
      %get3A_779 = arith.constant 0 : index
      %get3A_780 = tpu.vector_load %arg17[%get3A_779] {strides = array<i32>} : memref<768xf32, #tpu.memory_space<vmem>>, vector<16xf32>,
      %get3A_781 = arith.constant 128 : index
      %get3A_782 = tpu.vector_load %arg17[%get3A_781] {strides = array<i32>} : memref<768xf32, #tpu.memory_space<vmem>>, vector<16xf32>,
      %get3A_783 = arith.constant 256 : index
      %get3A_784 = tpu.vector_load %arg17[%get3A_783] {strides = array<i32>} : memref<768xf32, #tpu.memory_space<vmem>>, vector<16xf32>,
      %add3A_785 = arith.addf %get3A_780, %get3A_784 : vector<16xf32>
      %sub3A_786 = arith.subf %add3A_785, %get3A_782 : vector<16xf32>
      %get3A_787 = arith.constant 256 : index
      %get3A_788 = tpu.vector_load %arg20[%get3A_787] {strides = array<i32>} : memref<1024xf32, #tpu.memory_space<vmem>>, vector<16xf32>,
      %mul3A_789 = arith.mulf %sub3A_786, %sub3A_786 : vector<16xf32>
      %add3A_790 = arith.addf %get3A_788, %mul3A_789 : vector<16xf32>
      %swap3A_791 = arith.constant 256 : index
      %swap3A_792 = tpu.vector_load %arg20[%swap3A_791] {strides = array<i32>} : memref<1024xf32, #tpu.memory_space<vmem>>, vector<16xf32>,
      tpu.vector_store %arg20[%swap3A_791], %add3A_790 {strides = array<i32>} : memref<1024xf32, #tpu.memory_space<vmem>>, vector<16xf32>,
      %get3A_793 = arith.constant 16 : index
      %get3A_794 = tpu.vector_load %arg17[%get3A_793] {strides = array<i32>} : memref<768xf32, #tpu.memory_space<vmem>>, vector<16xf32>,
      %get3A_795 = arith.constant 144 : index
      %get3A_796 = tpu.vector_load %arg17[%get3A_795] {strides = array<i32>} : memref<768xf32, #tpu.memory_space<vmem>>, vector<16xf32>,
      %get3A_797 = arith.constant 272 : index
      %get3A_798 = tpu.vector_load %arg17[%get3A_797] {strides = array<i32>} : memref<768xf32, #tpu.memory_space<vmem>>, vector<16xf32>,
      %add3A_799 = arith.addf %get3A_794, %get3A_798 : vector<16xf32>
      %sub3A_800 = arith.subf %add3A_799, %get3A_796 : vector<16xf32>
      %get3A_801 = arith.constant 272 : index
      %get3A_802 = tpu.vector_load %arg20[%get3A_801] {strides = array<i32>} : memref<1024xf32, #tpu.memory_space<vmem>>, vector<16xf32>,
      %mul3A_803 = arith.mulf %sub3A_800, %sub3A_800 : vector<16xf32>
      %add3A_804 = arith.addf %get3A_802, %mul3A_803 : vector<16xf32>
      %swap3A_805 = arith.constant 272 : index
      %swap3A_806 = tpu.vector_load %arg20[%swap3A_805] {strides = array<i32>} : memref<1024xf32, #tpu.memory_space<vmem>>, vector<16xf32>,
      tpu.vector_store %arg20[%swap3A_805], %add3A_804 {strides = array<i32>} : memref<1024xf32, #tpu.memory_space<vmem>>, vector<16xf32>,
      %get3A_807 = arith.constant 32 : index
      %get3A_808 = tpu.vector_load %arg17[%get3A_807] {strides = array<i32>} : memref<768xf32, #tpu.memory_space<vmem>>, vector<16xf32>,
      %get3A_809 = arith.constant 160 : index
      %get3A_810 = tpu.vector_load %arg17[%get3A_809] {strides = array<i32>} : memref<768xf32, #tpu.memory_space<vmem>>, vector<16xf32>,
      %get3A_811 = arith.constant 288 : index
      %get3A_812 = tpu.vector_load %arg17[%get3A_811] {strides = array<i32>} : memref<768xf32, #tpu.memory_space<vmem>>, vector<16xf32>,
      %add3A_813 = arith.addf %get3A_808, %get3A_812 : vector<16xf32>
      %sub3A_814 = arith.subf %add3A_813, %get3A_810 : vector<16xf32>
      %get3A_815 = arith.constant 288 : index
      %get3A_816 = tpu.vector_load %arg20[%get3A_815] {strides = array<i32>} : memref<1024xf32, #tpu.memory_space<vmem>>, vector<16xf32>,
      %mul3A_817 = arith.mulf %sub3A_814, %sub3A_814 : vector<16xf32>
      %add3A_818 = arith.addf %get3A_816, %mul3A_817 : vector<16xf32>
      %swap3A_819 = arith.constant 288 : index
      %swap3A_820 = tpu.vector_load %arg20[%swap3A_819] {strides = array<i32>} : memref<1024xf32, #tpu.memory_space<vmem>>, vector<16xf32>,
      tpu.vector_store %arg20[%swap3A_819], %add3A_818 {strides = array<i32>} : memref<1024xf32, #tpu.memory_space<vmem>>, vector<16xf32>,
      %get3A_821 = arith.constant 48 : index
      %get3A_822 = tpu.vector_load %arg17[%get3A_821] {strides = array<i32>} : memref<768xf32, #tpu.memory_space<vmem>>, vector<16xf32>,
      %get3A_823 = arith.constant 176 : index
      %get3A_824 = tpu.vector_load %arg17[%get3A_823] {strides = array<i32>} : memref<768xf32, #tpu.memory_space<vmem>>, vector<16xf32>,
      %get3A_825 = arith.constant 304 : index
      %get3A_826 = tpu.vector_load %arg17[%get3A_825] {strides = array<i32>} : memref<768xf32, #tpu.memory_space<vmem>>, vector<16xf32>,
      %add3A_827 = arith.addf %get3A_822, %get3A_826 : vector<16xf32>
      %sub3A_828 = arith.subf %add3A_827, %get3A_824 : vector<16xf32>
      %get3A_829 = arith.constant 304 : index
      %get3A_830 = tpu.vector_load %arg20[%get3A_829] {strides = array<i32>} : memref<1024xf32, #tpu.memory_space<vmem>>, vector<16xf32>,
      %mul3A_831 = arith.mulf %sub3A_828, %sub3A_828 : vector<16xf32>
      %add3A_832 = arith.addf %get3A_830, %mul3A_831 : vector<16xf32>
      %swap3A_833 = arith.constant 304 : index
      %swap3A_834 = tpu.vector_load %arg20[%swap3A_833] {strides = array<i32>} : memref<1024xf32, #tpu.memory_space<vmem>>, vector<16xf32>,
      tpu.vector_store %arg20[%swap3A_833], %add3A_832 {strides = array<i32>} : memref<1024xf32, #tpu.memory_space<vmem>>, vector<16xf32>,
      %get3A_835 = arith.constant 64 : index
      %get3A_836 = tpu.vector_load %arg17[%get3A_835] {strides = array<i32>} : memref<768xf32, #tpu.memory_space<vmem>>, vector<16xf32>,
      %get3A_837 = arith.constant 192 : index
      %get3A_838 = tpu.vector_load %arg17[%get3A_837] {strides = array<i32>} : memref<768xf32, #tpu.memory_space<vmem>>, vector<16xf32>,
      %get3A_839 = arith.constant 320 : index
      %get3A_840 = tpu.vector_load %arg17[%get3A_839] {strides = array<i32>} : memref<768xf32, #tpu.memory_space<vmem>>, vector<16xf32>,
      %add3A_841 = arith.addf %get3A_836, %get3A_840 : vector<16xf32>
      %sub3A_842 = arith.subf %add3A_841, %get3A_838 : vector<16xf32>
      %get3A_843 = arith.constant 320 : index
      %get3A_844 = tpu.vector_load %arg20[%get3A_843] {strides = array<i32>} : memref<1024xf32, #tpu.memory_space<vmem>>, vector<16xf32>,
      %mul3A_845 = arith.mulf %sub3A_842, %sub3A_842 : vector<16xf32>
      %add3A_846 = arith.addf %get3A_844, %mul3A_845 : vector<16xf32>
      %swap3A_847 = arith.constant 320 : index
      %swap3A_848 = tpu.vector_load %arg20[%swap3A_847] {strides = array<i32>} : memref<1024xf32, #tpu.memory_space<vmem>>, vector<16xf32>,
      tpu.vector_store %arg20[%swap3A_847], %add3A_846 {strides = array<i32>} : memref<1024xf32, #tpu.memory_space<vmem>>, vector<16xf32>,
      %get3A_849 = arith.constant 80 : index
      %get3A_850 = tpu.vector_load %arg17[%get3A_849] {strides = array<i32>} : memref<768xf32, #tpu.memory_space<vmem>>, vector<16xf32>,
      %get3A_851 = arith.constant 208 : index
      %get3A_852 = tpu.vector_load %arg17[%get3A_851] {strides = array<i32>} : memref<768xf32, #tpu.memory_space<vmem>>, vector<16xf32>,
      %get3A_853 = arith.constant 336 : index
      %get3A_854 = tpu.vector_load %arg17[%get3A_853] {strides = array<i32>} : memref<768xf32, #tpu.memory_space<vmem>>, vector<16xf32>,
      %add3A_855 = arith.addf %get3A_850, %get3A_854 : vector<16xf32>
      %sub3A_856 = arith.subf %add3A_855, %get3A_852 : vector<16xf32>
      %get3A_857 = arith.constant 336 : index
      %get3A_858 = tpu.vector_load %arg20[%get3A_857] {strides = array<i32>} : memref<1024xf32, #tpu.memory_space<vmem>>, vector<16xf32>,
      %mul3A_859 = arith.mulf %sub3A_856, %sub3A_856 : vector<16xf32>
      %add3A_860 = arith.addf %get3A_858, %mul3A_859 : vector<16xf32>
      %swap3A_861 = arith.constant 336 : index
      %swap3A_862 = tpu.vector_load %arg20[%swap3A_861] {strides = array<i32>} : memref<1024xf32, #tpu.memory_space<vmem>>, vector<16xf32>,
      tpu.vector_store %arg20[%swap3A_861], %add3A_860 {strides = array<i32>} : memref<1024xf32, #tpu.memory_space<vmem>>, vector<16xf32>,
      %get3A_863 = arith.constant 96 : index
      %get3A_864 = tpu.vector_load %arg17[%get3A_863] {strides = array<i32>} : memref<768xf32, #tpu.memory_space<vmem>>, vector<16xf32>,
      %get3A_865 = arith.constant 224 : index
      %get3A_866 = tpu.vector_load %arg17[%get3A_865] {strides = array<i32>} : memref<768xf32, #tpu.memory_space<vmem>>, vector<16xf32>,
      %get3A_867 = arith.constant 352 : index
      %get3A_868 = tpu.vector_load %arg17[%get3A_867] {strides = array<i32>} : memref<768xf32, #tpu.memory_space<vmem>>, vector<16xf32>,
      %add3A_869 = arith.addf %get3A_864, %get3A_868 : vector<16xf32>
      %sub3A_870 = arith.subf %add3A_869, %get3A_866 : vector<16xf32>
      %get3A_871 = arith.constant 352 : index
      %get3A_872 = tpu.vector_load %arg20[%get3A_871] {strides = array<i32>} : memref<1024xf32, #tpu.memory_space<vmem>>, vector<16xf32>,
      %mul3A_873 = arith.mulf %sub3A_870, %sub3A_870 : vector<16xf32>
      %add3A_874 = arith.addf %get3A_872, %mul3A_873 : vector<16xf32>
      %swap3A_875 = arith.constant 352 : index
      %swap3A_876 = tpu.vector_load %arg20[%swap3A_875] {strides = array<i32>} : memref<1024xf32, #tpu.memory_space<vmem>>, vector<16xf32>,
      tpu.vector_store %arg20[%swap3A_875], %add3A_874 {strides = array<i32>} : memref<1024xf32, #tpu.memory_space<vmem>>, vector<16xf32>,
      %get3A_877 = arith.constant 112 : index
      %get3A_878 = tpu.vector_load %arg17[%get3A_877] {strides = array<i32>} : memref<768xf32, #tpu.memory_space<vmem>>, vector<16xf32>,
      %get3A_879 = arith.constant 240 : index
      %get3A_880 = tpu.vector_load %arg17[%get3A_879] {strides = array<i32>} : memref<768xf32, #tpu.memory_space<vmem>>, vector<16xf32>,
      %get3A_881 = arith.constant 368 : index
      %get3A_882 = tpu.vector_load %arg17[%get3A_881] {strides = array<i32>} : memref<768xf32, #tpu.memory_space<vmem>>, vector<16xf32>,
      %add3A_883 = arith.addf %get3A_878, %get3A_882 : vector<16xf32>
      %sub3A_884 = arith.subf %add3A_883, %get3A_880 : vector<16xf32>
      %get3A_885 = arith.constant 368 : index
      %get3A_886 = tpu.vector_load %arg20[%get3A_885] {strides = array<i32>} : memref<1024xf32, #tpu.memory_space<vmem>>, vector<16xf32>,
      %mul3A_887 = arith.mulf %sub3A_884, %sub3A_884 : vector<16xf32>
      %add3A_888 = arith.addf %get3A_886, %mul3A_887 : vector<16xf32>
      %swap3A_889 = arith.constant 368 : index
      %swap3A_890 = tpu.vector_load %arg20[%swap3A_889] {strides = array<i32>} : memref<1024xf32, #tpu.memory_space<vmem>>, vector<16xf32>,
      tpu.vector_store %arg20[%swap3A_889], %add3A_888 {strides = array<i32>} : memref<1024xf32, #tpu.memory_space<vmem>>, vector<16xf32>,
      %dma_start3A_891 = arith.constant 0 : i32
      %dma_start3A_892 = tpu.memref_slice %arg17[%dma_start3A_891] : memref<768xf32, #tpu.memory_space<vmem>> -> memref<128xf32, #tpu.memory_space<vmem>>
      %dma_start3A_893 = arith.constant 512 : i32
      %dma_start3A_894 = tpu.memref_slice %arg14[%dma_start3A_893] : memref<1024xi32, #tpu.memory_space<vmem>> -> memref<128xi32, #tpu.memory_space<vmem>>
      %dma_start3A_895 = arith.constant 0 : i32
      %dma_start3A_896 = tpu.memref_slice %arg10[%dma_start3A_895] : memref<1000000xf32, #tpu.memory_space<vmem_shared>> -> memref<1000000xf32, #tpu.memory_space<vmem_shared>>
      tpu.enqueue_indirect_dma source(%dma_start3A_896 : memref<1000000xf32, #tpu.memory_space<vmem_shared>>) target(%dma_start3A_892 : memref<128xf32, #tpu.memory_space<vmem>>) offsets(%dma_start3A_894 : memref<128xi32, #tpu.memory_space<vmem>>) semaphore(%arg23 : memref<!tpu.dma_semaphore, #tpu.memory_space<semaphore_mem>>)
      %dma_start3A_897 = arith.constant 128 : i32
      %dma_start3A_898 = tpu.memref_slice %arg17[%dma_start3A_897] : memref<768xf32, #tpu.memory_space<vmem>> -> memref<128xf32, #tpu.memory_space<vmem>>
      %dma_start3A_899 = arith.constant 512 : i32
      %dma_start3A_900 = tpu.memref_slice %arg15[%dma_start3A_899] : memref<1024xi32, #tpu.memory_space<vmem>> -> memref<128xi32, #tpu.memory_space<vmem>>
      %dma_start3A_901 = arith.constant 0 : i32
      %dma_start3A_902 = tpu.memref_slice %arg10[%dma_start3A_901] : memref<1000000xf32, #tpu.memory_space<vmem_shared>> -> memref<1000000xf32, #tpu.memory_space<vmem_shared>>
      tpu.enqueue_indirect_dma source(%dma_start3A_902 : memref<1000000xf32, #tpu.memory_space<vmem_shared>>) target(%dma_start3A_898 : memref<128xf32, #tpu.memory_space<vmem>>) offsets(%dma_start3A_900 : memref<128xi32, #tpu.memory_space<vmem>>) semaphore(%arg23 : memref<!tpu.dma_semaphore, #tpu.memory_space<semaphore_mem>>)
      %dma_start3A_903 = arith.constant 256 : i32
      %dma_start3A_904 = tpu.memref_slice %arg17[%dma_start3A_903] : memref<768xf32, #tpu.memory_space<vmem>> -> memref<128xf32, #tpu.memory_space<vmem>>
      %dma_start3A_905 = arith.constant 512 : i32
      %dma_start3A_906 = tpu.memref_slice %arg16[%dma_start3A_905] : memref<1024xi32, #tpu.memory_space<vmem>> -> memref<128xi32, #tpu.memory_space<vmem>>
      %dma_start3A_907 = arith.constant 0 : i32
      %dma_start3A_908 = tpu.memref_slice %arg12[%dma_start3A_907] : memref<1024xf32, #tpu.memory_space<vmem_shared>> -> memref<1024xf32, #tpu.memory_space<vmem_shared>>
      tpu.enqueue_indirect_dma source(%dma_start3A_908 : memref<1024xf32, #tpu.memory_space<vmem_shared>>) target(%dma_start3A_904 : memref<128xf32, #tpu.memory_space<vmem>>) offsets(%dma_start3A_906 : memref<128xi32, #tpu.memory_space<vmem>>) semaphore(%arg23 : memref<!tpu.dma_semaphore, #tpu.memory_space<semaphore_mem>>)
      %dma_wait3A_909 = arith.constant 0 : i32
      %dma_wait3A_910 = arith.constant 384 : i32
      %dma_wait3A_911 = tpu.memref_slice %arg17[%dma_wait3A_910] : memref<768xf32, #tpu.memory_space<vmem>> -> memref<384xf32, #tpu.memory_space<vmem>>
      %dma_wait3A_912 = arith.constant 0 : i32
      %dma_wait3A_913 = tpu.memref_slice %arg2[%dma_wait3A_909, %dma_wait3A_912] : memref<64x1000000xf32, #tpu.memory_space<hbm>> -> memref<1x384xf32, #tpu.memory_space<hbm>>
      %dma_wait3A_914 = tpu.memref_squeeze %dma_wait3A_913 : memref<1x384xf32, #tpu.memory_space<hbm>> -> memref<384xf32, #tpu.memory_space<hbm>>
      %dma_wait3A_915 = arith.constant 384 : i32
      %dma_wait3A_916 = tpu.memref_slice %arg17[%dma_wait3A_915] : memref<768xf32, #tpu.memory_space<vmem>> -> memref<384xf32, #tpu.memory_space<vmem>>
      %dma_wait3A_917 = arith.constant 0 : i32
      %dma_wait3A_918 = tpu.memref_slice %arg2[%dma_wait3A_909, %dma_wait3A_917] : memref<64x1000000xf32, #tpu.memory_space<hbm>> -> memref<1x384xf32, #tpu.memory_space<hbm>>
      %dma_wait3A_919 = tpu.memref_squeeze %dma_wait3A_918 : memref<1x384xf32, #tpu.memory_space<hbm>> -> memref<384xf32, #tpu.memory_space<hbm>>
      tpu.wait_dma2 semaphore(%arg24 : memref<!tpu.dma_semaphore, #tpu.memory_space<semaphore_mem>>) src(%dma_wait3A_919 : memref<384xf32, #tpu.memory_space<hbm>>) dst(%dma_wait3A_916 : memref<384xf32, #tpu.memory_space<vmem>>)
      %get3A_920 = arith.constant 384 : index
      %get3A_921 = tpu.vector_load %arg17[%get3A_920] {strides = array<i32>} : memref<768xf32, #tpu.memory_space<vmem>>, vector<16xf32>,
      %get3A_922 = arith.constant 512 : index
      %get3A_923 = tpu.vector_load %arg17[%get3A_922] {strides = array<i32>} : memref<768xf32, #tpu.memory_space<vmem>>, vector<16xf32>,
      %get3A_924 = arith.constant 640 : index
      %get3A_925 = tpu.vector_load %arg17[%get3A_924] {strides = array<i32>} : memref<768xf32, #tpu.memory_space<vmem>>, vector<16xf32>,
      %add3A_926 = arith.addf %get3A_921, %get3A_925 : vector<16xf32>
      %sub3A_927 = arith.subf %add3A_926, %get3A_923 : vector<16xf32>
      %get3A_928 = arith.constant 384 : index
      %get3A_929 = tpu.vector_load %arg20[%get3A_928] {strides = array<i32>} : memref<1024xf32, #tpu.memory_space<vmem>>, vector<16xf32>,
      %mul3A_930 = arith.mulf %sub3A_927, %sub3A_927 : vector<16xf32>
      %add3A_931 = arith.addf %get3A_929, %mul3A_930 : vector<16xf32>
      %swap3A_932 = arith.constant 384 : index
      %swap3A_933 = tpu.vector_load %arg20[%swap3A_932] {strides = array<i32>} : memref<1024xf32, #tpu.memory_space<vmem>>, vector<16xf32>,
      tpu.vector_store %arg20[%swap3A_932], %add3A_931 {strides = array<i32>} : memref<1024xf32, #tpu.memory_space<vmem>>, vector<16xf32>,
      %get3A_934 = arith.constant 400 : index
      %get3A_935 = tpu.vector_load %arg17[%get3A_934] {strides = array<i32>} : memref<768xf32, #tpu.memory_space<vmem>>, vector<16xf32>,
      %get3A_936 = arith.constant 528 : index
      %get3A_937 = tpu.vector_load %arg17[%get3A_936] {strides = array<i32>} : memref<768xf32, #tpu.memory_space<vmem>>, vector<16xf32>,
      %get3A_938 = arith.constant 656 : index
      %get3A_939 = tpu.vector_load %arg17[%get3A_938] {strides = array<i32>} : memref<768xf32, #tpu.memory_space<vmem>>, vector<16xf32>,
      %add3A_940 = arith.addf %get3A_935, %get3A_939 : vector<16xf32>
      %sub3A_941 = arith.subf %add3A_940, %get3A_937 : vector<16xf32>
      %get3A_942 = arith.constant 400 : index
      %get3A_943 = tpu.vector_load %arg20[%get3A_942] {strides = array<i32>} : memref<1024xf32, #tpu.memory_space<vmem>>, vector<16xf32>,
      %mul3A_944 = arith.mulf %sub3A_941, %sub3A_941 : vector<16xf32>
      %add3A_945 = arith.addf %get3A_943, %mul3A_944 : vector<16xf32>
      %swap3A_946 = arith.constant 400 : index
      %swap3A_947 = tpu.vector_load %arg20[%swap3A_946] {strides = array<i32>} : memref<1024xf32, #tpu.memory_space<vmem>>, vector<16xf32>,
      tpu.vector_store %arg20[%swap3A_946], %add3A_945 {strides = array<i32>} : memref<1024xf32, #tpu.memory_space<vmem>>, vector<16xf32>,
      %get3A_948 = arith.constant 416 : index
      %get3A_949 = tpu.vector_load %arg17[%get3A_948] {strides = array<i32>} : memref<768xf32, #tpu.memory_space<vmem>>, vector<16xf32>,
      %get3A_950 = arith.constant 544 : index
      %get3A_951 = tpu.vector_load %arg17[%get3A_950] {strides = array<i32>} : memref<768xf32, #tpu.memory_space<vmem>>, vector<16xf32>,
      %get3A_952 = arith.constant 672 : index
      %get3A_953 = tpu.vector_load %arg17[%get3A_952] {strides = array<i32>} : memref<768xf32, #tpu.memory_space<vmem>>, vector<16xf32>,
      %add3A_954 = arith.addf %get3A_949, %get3A_953 : vector<16xf32>
      %sub3A_955 = arith.subf %add3A_954, %get3A_951 : vector<16xf32>
      %get3A_956 = arith.constant 416 : index
      %get3A_957 = tpu.vector_load %arg20[%get3A_956] {strides = array<i32>} : memref<1024xf32, #tpu.memory_space<vmem>>, vector<16xf32>,
      %mul3A_958 = arith.mulf %sub3A_955, %sub3A_955 : vector<16xf32>
      %add3A_959 = arith.addf %get3A_957, %mul3A_958 : vector<16xf32>
      %swap3A_960 = arith.constant 416 : index
      %swap3A_961 = tpu.vector_load %arg20[%swap3A_960] {strides = array<i32>} : memref<1024xf32, #tpu.memory_space<vmem>>, vector<16xf32>,
      tpu.vector_store %arg20[%swap3A_960], %add3A_959 {strides = array<i32>} : memref<1024xf32, #tpu.memory_space<vmem>>, vector<16xf32>,
      %get3A_962 = arith.constant 432 : index
      %get3A_963 = tpu.vector_load %arg17[%get3A_962] {strides = array<i32>} : memref<768xf32, #tpu.memory_space<vmem>>, vector<16xf32>,
      %get3A_964 = arith.constant 560 : index
      %get3A_965 = tpu.vector_load %arg17[%get3A_964] {strides = array<i32>} : memref<768xf32, #tpu.memory_space<vmem>>, vector<16xf32>,
      %get3A_966 = arith.constant 688 : index
      %get3A_967 = tpu.vector_load %arg17[%get3A_966] {strides = array<i32>} : memref<768xf32, #tpu.memory_space<vmem>>, vector<16xf32>,
      %add3A_968 = arith.addf %get3A_963, %get3A_967 : vector<16xf32>
      %sub3A_969 = arith.subf %add3A_968, %get3A_965 : vector<16xf32>
      %get3A_970 = arith.constant 432 : index
      %get3A_971 = tpu.vector_load %arg20[%get3A_970] {strides = array<i32>} : memref<1024xf32, #tpu.memory_space<vmem>>, vector<16xf32>,
      %mul3A_972 = arith.mulf %sub3A_969, %sub3A_969 : vector<16xf32>
      %add3A_973 = arith.addf %get3A_971, %mul3A_972 : vector<16xf32>
      %swap3A_974 = arith.constant 432 : index
      %swap3A_975 = tpu.vector_load %arg20[%swap3A_974] {strides = array<i32>} : memref<1024xf32, #tpu.memory_space<vmem>>, vector<16xf32>,
      tpu.vector_store %arg20[%swap3A_974], %add3A_973 {strides = array<i32>} : memref<1024xf32, #tpu.memory_space<vmem>>, vector<16xf32>,
      %get3A_976 = arith.constant 448 : index
      %get3A_977 = tpu.vector_load %arg17[%get3A_976] {strides = array<i32>} : memref<768xf32, #tpu.memory_space<vmem>>, vector<16xf32>,
      %get3A_978 = arith.constant 576 : index
      %get3A_979 = tpu.vector_load %arg17[%get3A_978] {strides = array<i32>} : memref<768xf32, #tpu.memory_space<vmem>>, vector<16xf32>,
      %get3A_980 = arith.constant 704 : index
      %get3A_981 = tpu.vector_load %arg17[%get3A_980] {strides = array<i32>} : memref<768xf32, #tpu.memory_space<vmem>>, vector<16xf32>,
      %add3A_982 = arith.addf %get3A_977, %get3A_981 : vector<16xf32>
      %sub3A_983 = arith.subf %add3A_982, %get3A_979 : vector<16xf32>
      %get3A_984 = arith.constant 448 : index
      %get3A_985 = tpu.vector_load %arg20[%get3A_984] {strides = array<i32>} : memref<1024xf32, #tpu.memory_space<vmem>>, vector<16xf32>,
      %mul3A_986 = arith.mulf %sub3A_983, %sub3A_983 : vector<16xf32>
      %add3A_987 = arith.addf %get3A_985, %mul3A_986 : vector<16xf32>
      %swap3A_988 = arith.constant 448 : index
      %swap3A_989 = tpu.vector_load %arg20[%swap3A_988] {strides = array<i32>} : memref<1024xf32, #tpu.memory_space<vmem>>, vector<16xf32>,
      tpu.vector_store %arg20[%swap3A_988], %add3A_987 {strides = array<i32>} : memref<1024xf32, #tpu.memory_space<vmem>>, vector<16xf32>,
      %get3A_990 = arith.constant 464 : index
      %get3A_991 = tpu.vector_load %arg17[%get3A_990] {strides = array<i32>} : memref<768xf32, #tpu.memory_space<vmem>>, vector<16xf32>,
      %get3A_992 = arith.constant 592 : index
      %get3A_993 = tpu.vector_load %arg17[%get3A_992] {strides = array<i32>} : memref<768xf32, #tpu.memory_space<vmem>>, vector<16xf32>,
      %get3A_994 = arith.constant 720 : index
      %get3A_995 = tpu.vector_load %arg17[%get3A_994] {strides = array<i32>} : memref<768xf32, #tpu.memory_space<vmem>>, vector<16xf32>,
      %add3A_996 = arith.addf %get3A_991, %get3A_995 : vector<16xf32>
      %sub3A_997 = arith.subf %add3A_996, %get3A_993 : vector<16xf32>
      %get3A_998 = arith.constant 464 : index
      %get3A_999 = tpu.vector_load %arg20[%get3A_998] {strides = array<i32>} : memref<1024xf32, #tpu.memory_space<vmem>>, vector<16xf32>,
      %mul3A_1000 = arith.mulf %sub3A_997, %sub3A_997 : vector<16xf32>
      %add3A_1001 = arith.addf %get3A_999, %mul3A_1000 : vector<16xf32>
      %swap3A_1002 = arith.constant 464 : index
      %swap3A_1003 = tpu.vector_load %arg20[%swap3A_1002] {strides = array<i32>} : memref<1024xf32, #tpu.memory_space<vmem>>, vector<16xf32>,
      tpu.vector_store %arg20[%swap3A_1002], %add3A_1001 {strides = array<i32>} : memref<1024xf32, #tpu.memory_space<vmem>>, vector<16xf32>,
      %get3A_1004 = arith.constant 480 : index
      %get3A_1005 = tpu.vector_load %arg17[%get3A_1004] {strides = array<i32>} : memref<768xf32, #tpu.memory_space<vmem>>, vector<16xf32>,
      %get3A_1006 = arith.constant 608 : index
      %get3A_1007 = tpu.vector_load %arg17[%get3A_1006] {strides = array<i32>} : memref<768xf32, #tpu.memory_space<vmem>>, vector<16xf32>,
      %get3A_1008 = arith.constant 736 : index
      %get3A_1009 = tpu.vector_load %arg17[%get3A_1008] {strides = array<i32>} : memref<768xf32, #tpu.memory_space<vmem>>, vector<16xf32>,
      %add3A_1010 = arith.addf %get3A_1005, %get3A_1009 : vector<16xf32>
      %sub3A_1011 = arith.subf %add3A_1010, %get3A_1007 : vector<16xf32>
      %get3A_1012 = arith.constant 480 : index
      %get3A_1013 = tpu.vector_load %arg20[%get3A_1012] {strides = array<i32>} : memref<1024xf32, #tpu.memory_space<vmem>>, vector<16xf32>,
      %mul3A_1014 = arith.mulf %sub3A_1011, %sub3A_1011 : vector<16xf32>
      %add3A_1015 = arith.addf %get3A_1013, %mul3A_1014 : vector<16xf32>
      %swap3A_1016 = arith.constant 480 : index
      %swap3A_1017 = tpu.vector_load %arg20[%swap3A_1016] {strides = array<i32>} : memref<1024xf32, #tpu.memory_space<vmem>>, vector<16xf32>,
      tpu.vector_store %arg20[%swap3A_1016], %add3A_1015 {strides = array<i32>} : memref<1024xf32, #tpu.memory_space<vmem>>, vector<16xf32>,
      %get3A_1018 = arith.constant 496 : index
      %get3A_1019 = tpu.vector_load %arg17[%get3A_1018] {strides = array<i32>} : memref<768xf32, #tpu.memory_space<vmem>>, vector<16xf32>,
      %get3A_1020 = arith.constant 624 : index
      %get3A_1021 = tpu.vector_load %arg17[%get3A_1020] {strides = array<i32>} : memref<768xf32, #tpu.memory_space<vmem>>, vector<16xf32>,
      %get3A_1022 = arith.constant 752 : index
      %get3A_1023 = tpu.vector_load %arg17[%get3A_1022] {strides = array<i32>} : memref<768xf32, #tpu.memory_space<vmem>>, vector<16xf32>,
      %add3A_1024 = arith.addf %get3A_1019, %get3A_1023 : vector<16xf32>
      %sub3A_1025 = arith.subf %add3A_1024, %get3A_1021 : vector<16xf32>
      %get3A_1026 = arith.constant 496 : index
      %get3A_1027 = tpu.vector_load %arg20[%get3A_1026] {strides = array<i32>} : memref<1024xf32, #tpu.memory_space<vmem>>, vector<16xf32>,
      %mul3A_1028 = arith.mulf %sub3A_1025, %sub3A_1025 : vector<16xf32>
      %add3A_1029 = arith.addf %get3A_1027, %mul3A_1028 : vector<16xf32>
      %swap3A_1030 = arith.constant 496 : index
      %swap3A_1031 = tpu.vector_load %arg20[%swap3A_1030] {strides = array<i32>} : memref<1024xf32, #tpu.memory_space<vmem>>, vector<16xf32>,
      tpu.vector_store %arg20[%swap3A_1030], %add3A_1029 {strides = array<i32>} : memref<1024xf32, #tpu.memory_space<vmem>>, vector<16xf32>,
      %dma_start3A_1032 = arith.constant 384 : i32
      %dma_start3A_1033 = tpu.memref_slice %arg17[%dma_start3A_1032] : memref<768xf32, #tpu.memory_space<vmem>> -> memref<128xf32, #tpu.memory_space<vmem>>
      %dma_start3A_1034 = arith.constant 640 : i32
      %dma_start3A_1035 = tpu.memref_slice %arg14[%dma_start3A_1034] : memref<1024xi32, #tpu.memory_space<vmem>> -> memref<128xi32, #tpu.memory_space<vmem>>
      %dma_start3A_1036 = arith.constant 0 : i32
      %dma_start3A_1037 = tpu.memref_slice %arg10[%dma_start3A_1036] : memref<1000000xf32, #tpu.memory_space<vmem_shared>> -> memref<1000000xf32, #tpu.memory_space<vmem_shared>>
      tpu.enqueue_indirect_dma source(%dma_start3A_1037 : memref<1000000xf32, #tpu.memory_space<vmem_shared>>) target(%dma_start3A_1033 : memref<128xf32, #tpu.memory_space<vmem>>) offsets(%dma_start3A_1035 : memref<128xi32, #tpu.memory_space<vmem>>) semaphore(%arg24 : memref<!tpu.dma_semaphore, #tpu.memory_space<semaphore_mem>>)
      %dma_start3A_1038 = arith.constant 512 : i32
      %dma_start3A_1039 = tpu.memref_slice %arg17[%dma_start3A_1038] : memref<768xf32, #tpu.memory_space<vmem>> -> memref<128xf32, #tpu.memory_space<vmem>>
      %dma_start3A_1040 = arith.constant 640 : i32
      %dma_start3A_1041 = tpu.memref_slice %arg15[%dma_start3A_1040] : memref<1024xi32, #tpu.memory_space<vmem>> -> memref<128xi32, #tpu.memory_space<vmem>>
      %dma_start3A_1042 = arith.constant 0 : i32
      %dma_start3A_1043 = tpu.memref_slice %arg10[%dma_start3A_1042] : memref<1000000xf32, #tpu.memory_space<vmem_shared>> -> memref<1000000xf32, #tpu.memory_space<vmem_shared>>
      tpu.enqueue_indirect_dma source(%dma_start3A_1043 : memref<1000000xf32, #tpu.memory_space<vmem_shared>>) target(%dma_start3A_1039 : memref<128xf32, #tpu.memory_space<vmem>>) offsets(%dma_start3A_1041 : memref<128xi32, #tpu.memory_space<vmem>>) semaphore(%arg24 : memref<!tpu.dma_semaphore, #tpu.memory_space<semaphore_mem>>)
      %dma_start3A_1044 = arith.constant 640 : i32
      %dma_start3A_1045 = tpu.memref_slice %arg17[%dma_start3A_1044] : memref<768xf32, #tpu.memory_space<vmem>> -> memref<128xf32, #tpu.memory_space<vmem>>
      %dma_start3A_1046 = arith.constant 640 : i32
      %dma_start3A_1047 = tpu.memref_slice %arg16[%dma_start3A_1046] : memref<1024xi32, #tpu.memory_space<vmem>> -> memref<128xi32, #tpu.memory_space<vmem>>
      %dma_start3A_1048 = arith.constant 0 : i32
      %dma_start3A_1049 = tpu.memref_slice %arg12[%dma_start3A_1048] : memref<1024xf32, #tpu.memory_space<vmem_shared>> -> memref<1024xf32, #tpu.memory_space<vmem_shared>>
      tpu.enqueue_indirect_dma source(%dma_start3A_1049 : memref<1024xf32, #tpu.memory_space<vmem_shared>>) target(%dma_start3A_1045 : memref<128xf32, #tpu.memory_space<vmem>>) offsets(%dma_start3A_1047 : memref<128xi32, #tpu.memory_space<vmem>>) semaphore(%arg24 : memref<!tpu.dma_semaphore, #tpu.memory_space<semaphore_mem>>)
      %dma_wait3A_1050 = arith.constant 0 : i32
      %dma_wait3A_1051 = arith.constant 0 : i32
      %dma_wait3A_1052 = tpu.memref_slice %arg17[%dma_wait3A_1051] : memref<768xf32, #tpu.memory_space<vmem>> -> memref<384xf32, #tpu.memory_space<vmem>>
      %dma_wait3A_1053 = arith.constant 0 : i32
      %dma_wait3A_1054 = tpu.memref_slice %arg2[%dma_wait3A_1050, %dma_wait3A_1053] : memref<64x1000000xf32, #tpu.memory_space<hbm>> -> memref<1x384xf32, #tpu.memory_space<hbm>>
      %dma_wait3A_1055 = tpu.memref_squeeze %dma_wait3A_1054 : memref<1x384xf32, #tpu.memory_space<hbm>> -> memref<384xf32, #tpu.memory_space<hbm>>
      %dma_wait3A_1056 = arith.constant 0 : i32
      %dma_wait3A_1057 = tpu.memref_slice %arg17[%dma_wait3A_1056] : memref<768xf32, #tpu.memory_space<vmem>> -> memref<384xf32, #tpu.memory_space<vmem>>
      %dma_wait3A_1058 = arith.constant 0 : i32
      %dma_wait3A_1059 = tpu.memref_slice %arg2[%dma_wait3A_1050, %dma_wait3A_1058] : memref<64x1000000xf32, #tpu.memory_space<hbm>> -> memref<1x384xf32, #tpu.memory_space<hbm>>
      %dma_wait3A_1060 = tpu.memref_squeeze %dma_wait3A_1059 : memref<1x384xf32, #tpu.memory_space<hbm>> -> memref<384xf32, #tpu.memory_space<hbm>>
      tpu.wait_dma2 semaphore(%arg23 : memref<!tpu.dma_semaphore, #tpu.memory_space<semaphore_mem>>) src(%dma_wait3A_1060 : memref<384xf32, #tpu.memory_space<hbm>>) dst(%dma_wait3A_1057 : memref<384xf32, #tpu.memory_space<vmem>>)
      %get3A_1061 = arith.constant 0 : index
      %get3A_1062 = tpu.vector_load %arg17[%get3A_1061] {strides = array<i32>} : memref<768xf32, #tpu.memory_space<vmem>>, vector<16xf32>,
      %get3A_1063 = arith.constant 128 : index
      %get3A_1064 = tpu.vector_load %arg17[%get3A_1063] {strides = array<i32>} : memref<768xf32, #tpu.memory_space<vmem>>, vector<16xf32>,
      %get3A_1065 = arith.constant 256 : index
      %get3A_1066 = tpu.vector_load %arg17[%get3A_1065] {strides = array<i32>} : memref<768xf32, #tpu.memory_space<vmem>>, vector<16xf32>,
      %add3A_1067 = arith.addf %get3A_1062, %get3A_1066 : vector<16xf32>
      %sub3A_1068 = arith.subf %add3A_1067, %get3A_1064 : vector<16xf32>
      %get3A_1069 = arith.constant 512 : index
      %get3A_1070 = tpu.vector_load %arg20[%get3A_1069] {strides = array<i32>} : memref<1024xf32, #tpu.memory_space<vmem>>, vector<16xf32>,
      %mul3A_1071 = arith.mulf %sub3A_1068, %sub3A_1068 : vector<16xf32>
      %add3A_1072 = arith.addf %get3A_1070, %mul3A_1071 : vector<16xf32>
      %swap3A_1073 = arith.constant 512 : index
      %swap3A_1074 = tpu.vector_load %arg20[%swap3A_1073] {strides = array<i32>} : memref<1024xf32, #tpu.memory_space<vmem>>, vector<16xf32>,
      tpu.vector_store %arg20[%swap3A_1073], %add3A_1072 {strides = array<i32>} : memref<1024xf32, #tpu.memory_space<vmem>>, vector<16xf32>,
      %get3A_1075 = arith.constant 16 : index
      %get3A_1076 = tpu.vector_load %arg17[%get3A_1075] {strides = array<i32>} : memref<768xf32, #tpu.memory_space<vmem>>, vector<16xf32>,
      %get3A_1077 = arith.constant 144 : index
      %get3A_1078 = tpu.vector_load %arg17[%get3A_1077] {strides = array<i32>} : memref<768xf32, #tpu.memory_space<vmem>>, vector<16xf32>,
      %get3A_1079 = arith.constant 272 : index
      %get3A_1080 = tpu.vector_load %arg17[%get3A_1079] {strides = array<i32>} : memref<768xf32, #tpu.memory_space<vmem>>, vector<16xf32>,
      %add3A_1081 = arith.addf %get3A_1076, %get3A_1080 : vector<16xf32>
      %sub3A_1082 = arith.subf %add3A_1081, %get3A_1078 : vector<16xf32>
      %get3A_1083 = arith.constant 528 : index
      %get3A_1084 = tpu.vector_load %arg20[%get3A_1083] {strides = array<i32>} : memref<1024xf32, #tpu.memory_space<vmem>>, vector<16xf32>,
      %mul3A_1085 = arith.mulf %sub3A_1082, %sub3A_1082 : vector<16xf32>
      %add3A_1086 = arith.addf %get3A_1084, %mul3A_1085 : vector<16xf32>
      %swap3A_1087 = arith.constant 528 : index
      %swap3A_1088 = tpu.vector_load %arg20[%swap3A_1087] {strides = array<i32>} : memref<1024xf32, #tpu.memory_space<vmem>>, vector<16xf32>,
      tpu.vector_store %arg20[%swap3A_1087], %add3A_1086 {strides = array<i32>} : memref<1024xf32, #tpu.memory_space<vmem>>, vector<16xf32>,
      %get3A_1089 = arith.constant 32 : index
      %get3A_1090 = tpu.vector_load %arg17[%get3A_1089] {strides = array<i32>} : memref<768xf32, #tpu.memory_space<vmem>>, vector<16xf32>,
      %get3A_1091 = arith.constant 160 : index
      %get3A_1092 = tpu.vector_load %arg17[%get3A_1091] {strides = array<i32>} : memref<768xf32, #tpu.memory_space<vmem>>, vector<16xf32>,
      %get3A_1093 = arith.constant 288 : index
      %get3A_1094 = tpu.vector_load %arg17[%get3A_1093] {strides = array<i32>} : memref<768xf32, #tpu.memory_space<vmem>>, vector<16xf32>,
      %add3A_1095 = arith.addf %get3A_1090, %get3A_1094 : vector<16xf32>
      %sub3A_1096 = arith.subf %add3A_1095, %get3A_1092 : vector<16xf32>
      %get3A_1097 = arith.constant 544 : index
      %get3A_1098 = tpu.vector_load %arg20[%get3A_1097] {strides = array<i32>} : memref<1024xf32, #tpu.memory_space<vmem>>, vector<16xf32>,
      %mul3A_1099 = arith.mulf %sub3A_1096, %sub3A_1096 : vector<16xf32>
      %add3A_1100 = arith.addf %get3A_1098, %mul3A_1099 : vector<16xf32>
      %swap3A_1101 = arith.constant 544 : index
      %swap3A_1102 = tpu.vector_load %arg20[%swap3A_1101] {strides = array<i32>} : memref<1024xf32, #tpu.memory_space<vmem>>, vector<16xf32>,
      tpu.vector_store %arg20[%swap3A_1101], %add3A_1100 {strides = array<i32>} : memref<1024xf32, #tpu.memory_space<vmem>>, vector<16xf32>,
      %get3A_1103 = arith.constant 48 : index
      %get3A_1104 = tpu.vector_load %arg17[%get3A_1103] {strides = array<i32>} : memref<768xf32, #tpu.memory_space<vmem>>, vector<16xf32>,
      %get3A_1105 = arith.constant 176 : index
      %get3A_1106 = tpu.vector_load %arg17[%get3A_1105] {strides = array<i32>} : memref<768xf32, #tpu.memory_space<vmem>>, vector<16xf32>,
      %get3A_1107 = arith.constant 304 : index
      %get3A_1108 = tpu.vector_load %arg17[%get3A_1107] {strides = array<i32>} : memref<768xf32, #tpu.memory_space<vmem>>, vector<16xf32>,
      %add3A_1109 = arith.addf %get3A_1104, %get3A_1108 : vector<16xf32>
      %sub3A_1110 = arith.subf %add3A_1109, %get3A_1106 : vector<16xf32>
      %get3A_1111 = arith.constant 560 : index
      %get3A_1112 = tpu.vector_load %arg20[%get3A_1111] {strides = array<i32>} : memref<1024xf32, #tpu.memory_space<vmem>>, vector<16xf32>,
      %mul3A_1113 = arith.mulf %sub3A_1110, %sub3A_1110 : vector<16xf32>
      %add3A_1114 = arith.addf %get3A_1112, %mul3A_1113 : vector<16xf32>
      %swap3A_1115 = arith.constant 560 : index
      %swap3A_1116 = tpu.vector_load %arg20[%swap3A_1115] {strides = array<i32>} : memref<1024xf32, #tpu.memory_space<vmem>>, vector<16xf32>,
      tpu.vector_store %arg20[%swap3A_1115], %add3A_1114 {strides = array<i32>} : memref<1024xf32, #tpu.memory_space<vmem>>, vector<16xf32>,
      %get3A_1117 = arith.constant 64 : index
      %get3A_1118 = tpu.vector_load %arg17[%get3A_1117] {strides = array<i32>} : memref<768xf32, #tpu.memory_space<vmem>>, vector<16xf32>,
      %get3A_1119 = arith.constant 192 : index
      %get3A_1120 = tpu.vector_load %arg17[%get3A_1119] {strides = array<i32>} : memref<768xf32, #tpu.memory_space<vmem>>, vector<16xf32>,
      %get3A_1121 = arith.constant 320 : index
      %get3A_1122 = tpu.vector_load %arg17[%get3A_1121] {strides = array<i32>} : memref<768xf32, #tpu.memory_space<vmem>>, vector<16xf32>,
      %add3A_1123 = arith.addf %get3A_1118, %get3A_1122 : vector<16xf32>
      %sub3A_1124 = arith.subf %add3A_1123, %get3A_1120 : vector<16xf32>
      %get3A_1125 = arith.constant 576 : index
      %get3A_1126 = tpu.vector_load %arg20[%get3A_1125] {strides = array<i32>} : memref<1024xf32, #tpu.memory_space<vmem>>, vector<16xf32>,
      %mul3A_1127 = arith.mulf %sub3A_1124, %sub3A_1124 : vector<16xf32>
      %add3A_1128 = arith.addf %get3A_1126, %mul3A_1127 : vector<16xf32>
      %swap3A_1129 = arith.constant 576 : index
      %swap3A_1130 = tpu.vector_load %arg20[%swap3A_1129] {strides = array<i32>} : memref<1024xf32, #tpu.memory_space<vmem>>, vector<16xf32>,
      tpu.vector_store %arg20[%swap3A_1129], %add3A_1128 {strides = array<i32>} : memref<1024xf32, #tpu.memory_space<vmem>>, vector<16xf32>,
      %get3A_1131 = arith.constant 80 : index
      %get3A_1132 = tpu.vector_load %arg17[%get3A_1131] {strides = array<i32>} : memref<768xf32, #tpu.memory_space<vmem>>, vector<16xf32>,
      %get3A_1133 = arith.constant 208 : index
      %get3A_1134 = tpu.vector_load %arg17[%get3A_1133] {strides = array<i32>} : memref<768xf32, #tpu.memory_space<vmem>>, vector<16xf32>,
      %get3A_1135 = arith.constant 336 : index
      %get3A_1136 = tpu.vector_load %arg17[%get3A_1135] {strides = array<i32>} : memref<768xf32, #tpu.memory_space<vmem>>, vector<16xf32>,
      %add3A_1137 = arith.addf %get3A_1132, %get3A_1136 : vector<16xf32>
      %sub3A_1138 = arith.subf %add3A_1137, %get3A_1134 : vector<16xf32>
      %get3A_1139 = arith.constant 592 : index
      %get3A_1140 = tpu.vector_load %arg20[%get3A_1139] {strides = array<i32>} : memref<1024xf32, #tpu.memory_space<vmem>>, vector<16xf32>,
      %mul3A_1141 = arith.mulf %sub3A_1138, %sub3A_1138 : vector<16xf32>
      %add3A_1142 = arith.addf %get3A_1140, %mul3A_1141 : vector<16xf32>
      %swap3A_1143 = arith.constant 592 : index
      %swap3A_1144 = tpu.vector_load %arg20[%swap3A_1143] {strides = array<i32>} : memref<1024xf32, #tpu.memory_space<vmem>>, vector<16xf32>,
      tpu.vector_store %arg20[%swap3A_1143], %add3A_1142 {strides = array<i32>} : memref<1024xf32, #tpu.memory_space<vmem>>, vector<16xf32>,
      %get3A_1145 = arith.constant 96 : index
      %get3A_1146 = tpu.vector_load %arg17[%get3A_1145] {strides = array<i32>} : memref<768xf32, #tpu.memory_space<vmem>>, vector<16xf32>,
      %get3A_1147 = arith.constant 224 : index
      %get3A_1148 = tpu.vector_load %arg17[%get3A_1147] {strides = array<i32>} : memref<768xf32, #tpu.memory_space<vmem>>, vector<16xf32>,
      %get3A_1149 = arith.constant 352 : index
      %get3A_1150 = tpu.vector_load %arg17[%get3A_1149] {strides = array<i32>} : memref<768xf32, #tpu.memory_space<vmem>>, vector<16xf32>,
      %add3A_1151 = arith.addf %get3A_1146, %get3A_1150 : vector<16xf32>
      %sub3A_1152 = arith.subf %add3A_1151, %get3A_1148 : vector<16xf32>
      %get3A_1153 = arith.constant 608 : index
      %get3A_1154 = tpu.vector_load %arg20[%get3A_1153] {strides = array<i32>} : memref<1024xf32, #tpu.memory_space<vmem>>, vector<16xf32>,
      %mul3A_1155 = arith.mulf %sub3A_1152, %sub3A_1152 : vector<16xf32>
      %add3A_1156 = arith.addf %get3A_1154, %mul3A_1155 : vector<16xf32>
      %swap3A_1157 = arith.constant 608 : index
      %swap3A_1158 = tpu.vector_load %arg20[%swap3A_1157] {strides = array<i32>} : memref<1024xf32, #tpu.memory_space<vmem>>, vector<16xf32>,
      tpu.vector_store %arg20[%swap3A_1157], %add3A_1156 {strides = array<i32>} : memref<1024xf32, #tpu.memory_space<vmem>>, vector<16xf32>,
      %get3A_1159 = arith.constant 112 : index
      %get3A_1160 = tpu.vector_load %arg17[%get3A_1159] {strides = array<i32>} : memref<768xf32, #tpu.memory_space<vmem>>, vector<16xf32>,
      %get3A_1161 = arith.constant 240 : index
      %get3A_1162 = tpu.vector_load %arg17[%get3A_1161] {strides = array<i32>} : memref<768xf32, #tpu.memory_space<vmem>>, vector<16xf32>,
      %get3A_1163 = arith.constant 368 : index
      %get3A_1164 = tpu.vector_load %arg17[%get3A_1163] {strides = array<i32>} : memref<768xf32, #tpu.memory_space<vmem>>, vector<16xf32>,
      %add3A_1165 = arith.addf %get3A_1160, %get3A_1164 : vector<16xf32>
      %sub3A_1166 = arith.subf %add3A_1165, %get3A_1162 : vector<16xf32>
      %get3A_1167 = arith.constant 624 : index
      %get3A_1168 = tpu.vector_load %arg20[%get3A_1167] {strides = array<i32>} : memref<1024xf32, #tpu.memory_space<vmem>>, vector<16xf32>,
      %mul3A_1169 = arith.mulf %sub3A_1166, %sub3A_1166 : vector<16xf32>
      %add3A_1170 = arith.addf %get3A_1168, %mul3A_1169 : vector<16xf32>
      %swap3A_1171 = arith.constant 624 : index
      %swap3A_1172 = tpu.vector_load %arg20[%swap3A_1171] {strides = array<i32>} : memref<1024xf32, #tpu.memory_space<vmem>>, vector<16xf32>,
      tpu.vector_store %arg20[%swap3A_1171], %add3A_1170 {strides = array<i32>} : memref<1024xf32, #tpu.memory_space<vmem>>, vector<16xf32>,
      %dma_start3A_1173 = arith.constant 0 : i32
      %dma_start3A_1174 = tpu.memref_slice %arg17[%dma_start3A_1173] : memref<768xf32, #tpu.memory_space<vmem>> -> memref<128xf32, #tpu.memory_space<vmem>>
      %dma_start3A_1175 = arith.constant 768 : i32
      %dma_start3A_1176 = tpu.memref_slice %arg14[%dma_start3A_1175] : memref<1024xi32, #tpu.memory_space<vmem>> -> memref<128xi32, #tpu.memory_space<vmem>>
      %dma_start3A_1177 = arith.constant 0 : i32
      %dma_start3A_1178 = tpu.memref_slice %arg10[%dma_start3A_1177] : memref<1000000xf32, #tpu.memory_space<vmem_shared>> -> memref<1000000xf32, #tpu.memory_space<vmem_shared>>
      tpu.enqueue_indirect_dma source(%dma_start3A_1178 : memref<1000000xf32, #tpu.memory_space<vmem_shared>>) target(%dma_start3A_1174 : memref<128xf32, #tpu.memory_space<vmem>>) offsets(%dma_start3A_1176 : memref<128xi32, #tpu.memory_space<vmem>>) semaphore(%arg23 : memref<!tpu.dma_semaphore, #tpu.memory_space<semaphore_mem>>)
      %dma_start3A_1179 = arith.constant 128 : i32
      %dma_start3A_1180 = tpu.memref_slice %arg17[%dma_start3A_1179] : memref<768xf32, #tpu.memory_space<vmem>> -> memref<128xf32, #tpu.memory_space<vmem>>
      %dma_start3A_1181 = arith.constant 768 : i32
      %dma_start3A_1182 = tpu.memref_slice %arg15[%dma_start3A_1181] : memref<1024xi32, #tpu.memory_space<vmem>> -> memref<128xi32, #tpu.memory_space<vmem>>
      %dma_start3A_1183 = arith.constant 0 : i32
      %dma_start3A_1184 = tpu.memref_slice %arg10[%dma_start3A_1183] : memref<1000000xf32, #tpu.memory_space<vmem_shared>> -> memref<1000000xf32, #tpu.memory_space<vmem_shared>>
      tpu.enqueue_indirect_dma source(%dma_start3A_1184 : memref<1000000xf32, #tpu.memory_space<vmem_shared>>) target(%dma_start3A_1180 : memref<128xf32, #tpu.memory_space<vmem>>) offsets(%dma_start3A_1182 : memref<128xi32, #tpu.memory_space<vmem>>) semaphore(%arg23 : memref<!tpu.dma_semaphore, #tpu.memory_space<semaphore_mem>>)
      %dma_start3A_1185 = arith.constant 256 : i32
      %dma_start3A_1186 = tpu.memref_slice %arg17[%dma_start3A_1185] : memref<768xf32, #tpu.memory_space<vmem>> -> memref<128xf32, #tpu.memory_space<vmem>>
      %dma_start3A_1187 = arith.constant 768 : i32
      %dma_start3A_1188 = tpu.memref_slice %arg16[%dma_start3A_1187] : memref<1024xi32, #tpu.memory_space<vmem>> -> memref<128xi32, #tpu.memory_space<vmem>>
      %dma_start3A_1189 = arith.constant 0 : i32
      %dma_start3A_1190 = tpu.memref_slice %arg12[%dma_start3A_1189] : memref<1024xf32, #tpu.memory_space<vmem_shared>> -> memref<1024xf32, #tpu.memory_space<vmem_shared>>
      tpu.enqueue_indirect_dma source(%dma_start3A_1190 : memref<1024xf32, #tpu.memory_space<vmem_shared>>) target(%dma_start3A_1186 : memref<128xf32, #tpu.memory_space<vmem>>) offsets(%dma_start3A_1188 : memref<128xi32, #tpu.memory_space<vmem>>) semaphore(%arg23 : memref<!tpu.dma_semaphore, #tpu.memory_space<semaphore_mem>>)
      %dma_wait3A_1191 = arith.constant 0 : i32
      %dma_wait3A_1192 = arith.constant 384 : i32
      %dma_wait3A_1193 = tpu.memref_slice %arg17[%dma_wait3A_1192] : memref<768xf32, #tpu.memory_space<vmem>> -> memref<384xf32, #tpu.memory_space<vmem>>
      %dma_wait3A_1194 = arith.constant 0 : i32
      %dma_wait3A_1195 = tpu.memref_slice %arg2[%dma_wait3A_1191, %dma_wait3A_1194] : memref<64x1000000xf32, #tpu.memory_space<hbm>> -> memref<1x384xf32, #tpu.memory_space<hbm>>
      %dma_wait3A_1196 = tpu.memref_squeeze %dma_wait3A_1195 : memref<1x384xf32, #tpu.memory_space<hbm>> -> memref<384xf32, #tpu.memory_space<hbm>>
      %dma_wait3A_1197 = arith.constant 384 : i32
      %dma_wait3A_1198 = tpu.memref_slice %arg17[%dma_wait3A_1197] : memref<768xf32, #tpu.memory_space<vmem>> -> memref<384xf32, #tpu.memory_space<vmem>>
      %dma_wait3A_1199 = arith.constant 0 : i32
      %dma_wait3A_1200 = tpu.memref_slice %arg2[%dma_wait3A_1191, %dma_wait3A_1199] : memref<64x1000000xf32, #tpu.memory_space<hbm>> -> memref<1x384xf32, #tpu.memory_space<hbm>>
      %dma_wait3A_1201 = tpu.memref_squeeze %dma_wait3A_1200 : memref<1x384xf32, #tpu.memory_space<hbm>> -> memref<384xf32, #tpu.memory_space<hbm>>
      tpu.wait_dma2 semaphore(%arg24 : memref<!tpu.dma_semaphore, #tpu.memory_space<semaphore_mem>>) src(%dma_wait3A_1201 : memref<384xf32, #tpu.memory_space<hbm>>) dst(%dma_wait3A_1198 : memref<384xf32, #tpu.memory_space<vmem>>)
      %get3A_1202 = arith.constant 384 : index
      %get3A_1203 = tpu.vector_load %arg17[%get3A_1202] {strides = array<i32>} : memref<768xf32, #tpu.memory_space<vmem>>, vector<16xf32>,
      %get3A_1204 = arith.constant 512 : index
      %get3A_1205 = tpu.vector_load %arg17[%get3A_1204] {strides = array<i32>} : memref<768xf32, #tpu.memory_space<vmem>>, vector<16xf32>,
      %get3A_1206 = arith.constant 640 : index
      %get3A_1207 = tpu.vector_load %arg17[%get3A_1206] {strides = array<i32>} : memref<768xf32, #tpu.memory_space<vmem>>, vector<16xf32>,
      %add3A_1208 = arith.addf %get3A_1203, %get3A_1207 : vector<16xf32>
      %sub3A_1209 = arith.subf %add3A_1208, %get3A_1205 : vector<16xf32>
      %get3A_1210 = arith.constant 640 : index
      %get3A_1211 = tpu.vector_load %arg20[%get3A_1210] {strides = array<i32>} : memref<1024xf32, #tpu.memory_space<vmem>>, vector<16xf32>,
      %mul3A_1212 = arith.mulf %sub3A_1209, %sub3A_1209 : vector<16xf32>
      %add3A_1213 = arith.addf %get3A_1211, %mul3A_1212 : vector<16xf32>
      %swap3A_1214 = arith.constant 640 : index
      %swap3A_1215 = tpu.vector_load %arg20[%swap3A_1214] {strides = array<i32>} : memref<1024xf32, #tpu.memory_space<vmem>>, vector<16xf32>,
      tpu.vector_store %arg20[%swap3A_1214], %add3A_1213 {strides = array<i32>} : memref<1024xf32, #tpu.memory_space<vmem>>, vector<16xf32>,
      %get3A_1216 = arith.constant 400 : index
      %get3A_1217 = tpu.vector_load %arg17[%get3A_1216] {strides = array<i32>} : memref<768xf32, #tpu.memory_space<vmem>>, vector<16xf32>,
      %get3A_1218 = arith.constant 528 : index
      %get3A_1219 = tpu.vector_load %arg17[%get3A_1218] {strides = array<i32>} : memref<768xf32, #tpu.memory_space<vmem>>, vector<16xf32>,
      %get3A_1220 = arith.constant 656 : index
      %get3A_1221 = tpu.vector_load %arg17[%get3A_1220] {strides = array<i32>} : memref<768xf32, #tpu.memory_space<vmem>>, vector<16xf32>,
      %add3A_1222 = arith.addf %get3A_1217, %get3A_1221 : vector<16xf32>
      %sub3A_1223 = arith.subf %add3A_1222, %get3A_1219 : vector<16xf32>
      %get3A_1224 = arith.constant 656 : index
      %get3A_1225 = tpu.vector_load %arg20[%get3A_1224] {strides = array<i32>} : memref<1024xf32, #tpu.memory_space<vmem>>, vector<16xf32>,
      %mul3A_1226 = arith.mulf %sub3A_1223, %sub3A_1223 : vector<16xf32>
      %add3A_1227 = arith.addf %get3A_1225, %mul3A_1226 : vector<16xf32>
      %swap3A_1228 = arith.constant 656 : index
      %swap3A_1229 = tpu.vector_load %arg20[%swap3A_1228] {strides = array<i32>} : memref<1024xf32, #tpu.memory_space<vmem>>, vector<16xf32>,
      tpu.vector_store %arg20[%swap3A_1228], %add3A_1227 {strides = array<i32>} : memref<1024xf32, #tpu.memory_space<vmem>>, vector<16xf32>,
      %get3A_1230 = arith.constant 416 : index
      %get3A_1231 = tpu.vector_load %arg17[%get3A_1230] {strides = array<i32>} : memref<768xf32, #tpu.memory_space<vmem>>, vector<16xf32>,
      %get3A_1232 = arith.constant 544 : index
      %get3A_1233 = tpu.vector_load %arg17[%get3A_1232] {strides = array<i32>} : memref<768xf32, #tpu.memory_space<vmem>>, vector<16xf32>,
      %get3A_1234 = arith.constant 672 : index
      %get3A_1235 = tpu.vector_load %arg17[%get3A_1234] {strides = array<i32>} : memref<768xf32, #tpu.memory_space<vmem>>, vector<16xf32>,
      %add3A_1236 = arith.addf %get3A_1231, %get3A_1235 : vector<16xf32>
      %sub3A_1237 = arith.subf %add3A_1236, %get3A_1233 : vector<16xf32>
      %get3A_1238 = arith.constant 672 : index
      %get3A_1239 = tpu.vector_load %arg20[%get3A_1238] {strides = array<i32>} : memref<1024xf32, #tpu.memory_space<vmem>>, vector<16xf32>,
      %mul3A_1240 = arith.mulf %sub3A_1237, %sub3A_1237 : vector<16xf32>
      %add3A_1241 = arith.addf %get3A_1239, %mul3A_1240 : vector<16xf32>
      %swap3A_1242 = arith.constant 672 : index
      %swap3A_1243 = tpu.vector_load %arg20[%swap3A_1242] {strides = array<i32>} : memref<1024xf32, #tpu.memory_space<vmem>>, vector<16xf32>,
      tpu.vector_store %arg20[%swap3A_1242], %add3A_1241 {strides = array<i32>} : memref<1024xf32, #tpu.memory_space<vmem>>, vector<16xf32>,
      %get3A_1244 = arith.constant 432 : index
      %get3A_1245 = tpu.vector_load %arg17[%get3A_1244] {strides = array<i32>} : memref<768xf32, #tpu.memory_space<vmem>>, vector<16xf32>,
      %get3A_1246 = arith.constant 560 : index
      %get3A_1247 = tpu.vector_load %arg17[%get3A_1246] {strides = array<i32>} : memref<768xf32, #tpu.memory_space<vmem>>, vector<16xf32>,
      %get3A_1248 = arith.constant 688 : index
      %get3A_1249 = tpu.vector_load %arg17[%get3A_1248] {strides = array<i32>} : memref<768xf32, #tpu.memory_space<vmem>>, vector<16xf32>,
      %add3A_1250 = arith.addf %get3A_1245, %get3A_1249 : vector<16xf32>
      %sub3A_1251 = arith.subf %add3A_1250, %get3A_1247 : vector<16xf32>
      %get3A_1252 = arith.constant 688 : index
      %get3A_1253 = tpu.vector_load %arg20[%get3A_1252] {strides = array<i32>} : memref<1024xf32, #tpu.memory_space<vmem>>, vector<16xf32>,
      %mul3A_1254 = arith.mulf %sub3A_1251, %sub3A_1251 : vector<16xf32>
      %add3A_1255 = arith.addf %get3A_1253, %mul3A_1254 : vector<16xf32>
      %swap3A_1256 = arith.constant 688 : index
      %swap3A_1257 = tpu.vector_load %arg20[%swap3A_1256] {strides = array<i32>} : memref<1024xf32, #tpu.memory_space<vmem>>, vector<16xf32>,
      tpu.vector_store %arg20[%swap3A_1256], %add3A_1255 {strides = array<i32>} : memref<1024xf32, #tpu.memory_space<vmem>>, vector<16xf32>,
      %get3A_1258 = arith.constant 448 : index
      %get3A_1259 = tpu.vector_load %arg17[%get3A_1258] {strides = array<i32>} : memref<768xf32, #tpu.memory_space<vmem>>, vector<16xf32>,
      %get3A_1260 = arith.constant 576 : index
      %get3A_1261 = tpu.vector_load %arg17[%get3A_1260] {strides = array<i32>} : memref<768xf32, #tpu.memory_space<vmem>>, vector<16xf32>,
      %get3A_1262 = arith.constant 704 : index
      %get3A_1263 = tpu.vector_load %arg17[%get3A_1262] {strides = array<i32>} : memref<768xf32, #tpu.memory_space<vmem>>, vector<16xf32>,
      %add3A_1264 = arith.addf %get3A_1259, %get3A_1263 : vector<16xf32>
      %sub3A_1265 = arith.subf %add3A_1264, %get3A_1261 : vector<16xf32>
      %get3A_1266 = arith.constant 704 : index
      %get3A_1267 = tpu.vector_load %arg20[%get3A_1266] {strides = array<i32>} : memref<1024xf32, #tpu.memory_space<vmem>>, vector<16xf32>,
      %mul3A_1268 = arith.mulf %sub3A_1265, %sub3A_1265 : vector<16xf32>
      %add3A_1269 = arith.addf %get3A_1267, %mul3A_1268 : vector<16xf32>
      %swap3A_1270 = arith.constant 704 : index
      %swap3A_1271 = tpu.vector_load %arg20[%swap3A_1270] {strides = array<i32>} : memref<1024xf32, #tpu.memory_space<vmem>>, vector<16xf32>,
      tpu.vector_store %arg20[%swap3A_1270], %add3A_1269 {strides = array<i32>} : memref<1024xf32, #tpu.memory_space<vmem>>, vector<16xf32>,
      %get3A_1272 = arith.constant 464 : index
      %get3A_1273 = tpu.vector_load %arg17[%get3A_1272] {strides = array<i32>} : memref<768xf32, #tpu.memory_space<vmem>>, vector<16xf32>,
      %get3A_1274 = arith.constant 592 : index
      %get3A_1275 = tpu.vector_load %arg17[%get3A_1274] {strides = array<i32>} : memref<768xf32, #tpu.memory_space<vmem>>, vector<16xf32>,
      %get3A_1276 = arith.constant 720 : index
      %get3A_1277 = tpu.vector_load %arg17[%get3A_1276] {strides = array<i32>} : memref<768xf32, #tpu.memory_space<vmem>>, vector<16xf32>,
      %add3A_1278 = arith.addf %get3A_1273, %get3A_1277 : vector<16xf32>
      %sub3A_1279 = arith.subf %add3A_1278, %get3A_1275 : vector<16xf32>
      %get3A_1280 = arith.constant 720 : index
      %get3A_1281 = tpu.vector_load %arg20[%get3A_1280] {strides = array<i32>} : memref<1024xf32, #tpu.memory_space<vmem>>, vector<16xf32>,
      %mul3A_1282 = arith.mulf %sub3A_1279, %sub3A_1279 : vector<16xf32>
      %add3A_1283 = arith.addf %get3A_1281, %mul3A_1282 : vector<16xf32>
      %swap3A_1284 = arith.constant 720 : index
      %swap3A_1285 = tpu.vector_load %arg20[%swap3A_1284] {strides = array<i32>} : memref<1024xf32, #tpu.memory_space<vmem>>, vector<16xf32>,
      tpu.vector_store %arg20[%swap3A_1284], %add3A_1283 {strides = array<i32>} : memref<1024xf32, #tpu.memory_space<vmem>>, vector<16xf32>,
      %get3A_1286 = arith.constant 480 : index
      %get3A_1287 = tpu.vector_load %arg17[%get3A_1286] {strides = array<i32>} : memref<768xf32, #tpu.memory_space<vmem>>, vector<16xf32>,
      %get3A_1288 = arith.constant 608 : index
      %get3A_1289 = tpu.vector_load %arg17[%get3A_1288] {strides = array<i32>} : memref<768xf32, #tpu.memory_space<vmem>>, vector<16xf32>,
      %get3A_1290 = arith.constant 736 : index
      %get3A_1291 = tpu.vector_load %arg17[%get3A_1290] {strides = array<i32>} : memref<768xf32, #tpu.memory_space<vmem>>, vector<16xf32>,
      %add3A_1292 = arith.addf %get3A_1287, %get3A_1291 : vector<16xf32>
      %sub3A_1293 = arith.subf %add3A_1292, %get3A_1289 : vector<16xf32>
      %get3A_1294 = arith.constant 736 : index
      %get3A_1295 = tpu.vector_load %arg20[%get3A_1294] {strides = array<i32>} : memref<1024xf32, #tpu.memory_space<vmem>>, vector<16xf32>,
      %mul3A_1296 = arith.mulf %sub3A_1293, %sub3A_1293 : vector<16xf32>
      %add3A_1297 = arith.addf %get3A_1295, %mul3A_1296 : vector<16xf32>
      %swap3A_1298 = arith.constant 736 : index
      %swap3A_1299 = tpu.vector_load %arg20[%swap3A_1298] {strides = array<i32>} : memref<1024xf32, #tpu.memory_space<vmem>>, vector<16xf32>,
      tpu.vector_store %arg20[%swap3A_1298], %add3A_1297 {strides = array<i32>} : memref<1024xf32, #tpu.memory_space<vmem>>, vector<16xf32>,
      %get3A_1300 = arith.constant 496 : index
      %get3A_1301 = tpu.vector_load %arg17[%get3A_1300] {strides = array<i32>} : memref<768xf32, #tpu.memory_space<vmem>>, vector<16xf32>,
      %get3A_1302 = arith.constant 624 : index
      %get3A_1303 = tpu.vector_load %arg17[%get3A_1302] {strides = array<i32>} : memref<768xf32, #tpu.memory_space<vmem>>, vector<16xf32>,
      %get3A_1304 = arith.constant 752 : index
      %get3A_1305 = tpu.vector_load %arg17[%get3A_1304] {strides = array<i32>} : memref<768xf32, #tpu.memory_space<vmem>>, vector<16xf32>,
      %add3A_1306 = arith.addf %get3A_1301, %get3A_1305 : vector<16xf32>
      %sub3A_1307 = arith.subf %add3A_1306, %get3A_1303 : vector<16xf32>
      %get3A_1308 = arith.constant 752 : index
      %get3A_1309 = tpu.vector_load %arg20[%get3A_1308] {strides = array<i32>} : memref<1024xf32, #tpu.memory_space<vmem>>, vector<16xf32>,
      %mul3A_1310 = arith.mulf %sub3A_1307, %sub3A_1307 : vector<16xf32>
      %add3A_1311 = arith.addf %get3A_1309, %mul3A_1310 : vector<16xf32>
      %swap3A_1312 = arith.constant 752 : index
      %swap3A_1313 = tpu.vector_load %arg20[%swap3A_1312] {strides = array<i32>} : memref<1024xf32, #tpu.memory_space<vmem>>, vector<16xf32>,
      tpu.vector_store %arg20[%swap3A_1312], %add3A_1311 {strides = array<i32>} : memref<1024xf32, #tpu.memory_space<vmem>>, vector<16xf32>,
      %dma_start3A_1314 = arith.constant 384 : i32
      %dma_start3A_1315 = tpu.memref_slice %arg17[%dma_start3A_1314] : memref<768xf32, #tpu.memory_space<vmem>> -> memref<128xf32, #tpu.memory_space<vmem>>
      %dma_start3A_1316 = arith.constant 896 : i32
      %dma_start3A_1317 = tpu.memref_slice %arg14[%dma_start3A_1316] : memref<1024xi32, #tpu.memory_space<vmem>> -> memref<128xi32, #tpu.memory_space<vmem>>
      %dma_start3A_1318 = arith.constant 0 : i32
      %dma_start3A_1319 = tpu.memref_slice %arg10[%dma_start3A_1318] : memref<1000000xf32, #tpu.memory_space<vmem_shared>> -> memref<1000000xf32, #tpu.memory_space<vmem_shared>>
      tpu.enqueue_indirect_dma source(%dma_start3A_1319 : memref<1000000xf32, #tpu.memory_space<vmem_shared>>) target(%dma_start3A_1315 : memref<128xf32, #tpu.memory_space<vmem>>) offsets(%dma_start3A_1317 : memref<128xi32, #tpu.memory_space<vmem>>) semaphore(%arg24 : memref<!tpu.dma_semaphore, #tpu.memory_space<semaphore_mem>>)
      %dma_start3A_1320 = arith.constant 512 : i32
      %dma_start3A_1321 = tpu.memref_slice %arg17[%dma_start3A_1320] : memref<768xf32, #tpu.memory_space<vmem>> -> memref<128xf32, #tpu.memory_space<vmem>>
      %dma_start3A_1322 = arith.constant 896 : i32
      %dma_start3A_1323 = tpu.memref_slice %arg15[%dma_start3A_1322] : memref<1024xi32, #tpu.memory_space<vmem>> -> memref<128xi32, #tpu.memory_space<vmem>>
      %dma_start3A_1324 = arith.constant 0 : i32
      %dma_start3A_1325 = tpu.memref_slice %arg10[%dma_start3A_1324] : memref<1000000xf32, #tpu.memory_space<vmem_shared>> -> memref<1000000xf32, #tpu.memory_space<vmem_shared>>
      tpu.enqueue_indirect_dma source(%dma_start3A_1325 : memref<1000000xf32, #tpu.memory_space<vmem_shared>>) target(%dma_start3A_1321 : memref<128xf32, #tpu.memory_space<vmem>>) offsets(%dma_start3A_1323 : memref<128xi32, #tpu.memory_space<vmem>>) semaphore(%arg24 : memref<!tpu.dma_semaphore, #tpu.memory_space<semaphore_mem>>)
      %dma_start3A_1326 = arith.constant 640 : i32
      %dma_start3A_1327 = tpu.memref_slice %arg17[%dma_start3A_1326] : memref<768xf32, #tpu.memory_space<vmem>> -> memref<128xf32, #tpu.memory_space<vmem>>
      %dma_start3A_1328 = arith.constant 896 : i32
      %dma_start3A_1329 = tpu.memref_slice %arg16[%dma_start3A_1328] : memref<1024xi32, #tpu.memory_space<vmem>> -> memref<128xi32, #tpu.memory_space<vmem>>
      %dma_start3A_1330 = arith.constant 0 : i32
      %dma_start3A_1331 = tpu.memref_slice %arg12[%dma_start3A_1330] : memref<1024xf32, #tpu.memory_space<vmem_shared>> -> memref<1024xf32, #tpu.memory_space<vmem_shared>>
      tpu.enqueue_indirect_dma source(%dma_start3A_1331 : memref<1024xf32, #tpu.memory_space<vmem_shared>>) target(%dma_start3A_1327 : memref<128xf32, #tpu.memory_space<vmem>>) offsets(%dma_start3A_1329 : memref<128xi32, #tpu.memory_space<vmem>>) semaphore(%arg24 : memref<!tpu.dma_semaphore, #tpu.memory_space<semaphore_mem>>)
      %dma_wait3A_1332 = arith.constant 0 : i32
      %dma_wait3A_1333 = arith.constant 0 : i32
      %dma_wait3A_1334 = tpu.memref_slice %arg17[%dma_wait3A_1333] : memref<768xf32, #tpu.memory_space<vmem>> -> memref<384xf32, #tpu.memory_space<vmem>>
      %dma_wait3A_1335 = arith.constant 0 : i32
      %dma_wait3A_1336 = tpu.memref_slice %arg2[%dma_wait3A_1332, %dma_wait3A_1335] : memref<64x1000000xf32, #tpu.memory_space<hbm>> -> memref<1x384xf32, #tpu.memory_space<hbm>>
      %dma_wait3A_1337 = tpu.memref_squeeze %dma_wait3A_1336 : memref<1x384xf32, #tpu.memory_space<hbm>> -> memref<384xf32, #tpu.memory_space<hbm>>
      %dma_wait3A_1338 = arith.constant 0 : i32
      %dma_wait3A_1339 = tpu.memref_slice %arg17[%dma_wait3A_1338] : memref<768xf32, #tpu.memory_space<vmem>> -> memref<384xf32, #tpu.memory_space<vmem>>
      %dma_wait3A_1340 = arith.constant 0 : i32
      %dma_wait3A_1341 = tpu.memref_slice %arg2[%dma_wait3A_1332, %dma_wait3A_1340] : memref<64x1000000xf32, #tpu.memory_space<hbm>> -> memref<1x384xf32, #tpu.memory_space<hbm>>
      %dma_wait3A_1342 = tpu.memref_squeeze %dma_wait3A_1341 : memref<1x384xf32, #tpu.memory_space<hbm>> -> memref<384xf32, #tpu.memory_space<hbm>>
      tpu.wait_dma2 semaphore(%arg23 : memref<!tpu.dma_semaphore, #tpu.memory_space<semaphore_mem>>) src(%dma_wait3A_1342 : memref<384xf32, #tpu.memory_space<hbm>>) dst(%dma_wait3A_1339 : memref<384xf32, #tpu.memory_space<vmem>>)
      %get3A_1343 = arith.constant 0 : index
      %get3A_1344 = tpu.vector_load %arg17[%get3A_1343] {strides = array<i32>} : memref<768xf32, #tpu.memory_space<vmem>>, vector<16xf32>,
      %get3A_1345 = arith.constant 128 : index
      %get3A_1346 = tpu.vector_load %arg17[%get3A_1345] {strides = array<i32>} : memref<768xf32, #tpu.memory_space<vmem>>, vector<16xf32>,
      %get3A_1347 = arith.constant 256 : index
      %get3A_1348 = tpu.vector_load %arg17[%get3A_1347] {strides = array<i32>} : memref<768xf32, #tpu.memory_space<vmem>>, vector<16xf32>,
      %add3A_1349 = arith.addf %get3A_1344, %get3A_1348 : vector<16xf32>
      %sub3A_1350 = arith.subf %add3A_1349, %get3A_1346 : vector<16xf32>
      %get3A_1351 = arith.constant 768 : index
      %get3A_1352 = tpu.vector_load %arg20[%get3A_1351] {strides = array<i32>} : memref<1024xf32, #tpu.memory_space<vmem>>, vector<16xf32>,
      %mul3A_1353 = arith.mulf %sub3A_1350, %sub3A_1350 : vector<16xf32>
      %add3A_1354 = arith.addf %get3A_1352, %mul3A_1353 : vector<16xf32>
      %swap3A_1355 = arith.constant 768 : index
      %swap3A_1356 = tpu.vector_load %arg20[%swap3A_1355] {strides = array<i32>} : memref<1024xf32, #tpu.memory_space<vmem>>, vector<16xf32>,
      tpu.vector_store %arg20[%swap3A_1355], %add3A_1354 {strides = array<i32>} : memref<1024xf32, #tpu.memory_space<vmem>>, vector<16xf32>,
      %get3A_1357 = arith.constant 16 : index
      %get3A_1358 = tpu.vector_load %arg17[%get3A_1357] {strides = array<i32>} : memref<768xf32, #tpu.memory_space<vmem>>, vector<16xf32>,
      %get3A_1359 = arith.constant 144 : index
      %get3A_1360 = tpu.vector_load %arg17[%get3A_1359] {strides = array<i32>} : memref<768xf32, #tpu.memory_space<vmem>>, vector<16xf32>,
      %get3A_1361 = arith.constant 272 : index
      %get3A_1362 = tpu.vector_load %arg17[%get3A_1361] {strides = array<i32>} : memref<768xf32, #tpu.memory_space<vmem>>, vector<16xf32>,
      %add3A_1363 = arith.addf %get3A_1358, %get3A_1362 : vector<16xf32>
      %sub3A_1364 = arith.subf %add3A_1363, %get3A_1360 : vector<16xf32>
      %get3A_1365 = arith.constant 784 : index
      %get3A_1366 = tpu.vector_load %arg20[%get3A_1365] {strides = array<i32>} : memref<1024xf32, #tpu.memory_space<vmem>>, vector<16xf32>,
      %mul3A_1367 = arith.mulf %sub3A_1364, %sub3A_1364 : vector<16xf32>
      %add3A_1368 = arith.addf %get3A_1366, %mul3A_1367 : vector<16xf32>
      %swap3A_1369 = arith.constant 784 : index
      %swap3A_1370 = tpu.vector_load %arg20[%swap3A_1369] {strides = array<i32>} : memref<1024xf32, #tpu.memory_space<vmem>>, vector<16xf32>,
      tpu.vector_store %arg20[%swap3A_1369], %add3A_1368 {strides = array<i32>} : memref<1024xf32, #tpu.memory_space<vmem>>, vector<16xf32>,
      %get3A_1371 = arith.constant 32 : index
      %get3A_1372 = tpu.vector_load %arg17[%get3A_1371] {strides = array<i32>} : memref<768xf32, #tpu.memory_space<vmem>>, vector<16xf32>,
      %get3A_1373 = arith.constant 160 : index
      %get3A_1374 = tpu.vector_load %arg17[%get3A_1373] {strides = array<i32>} : memref<768xf32, #tpu.memory_space<vmem>>, vector<16xf32>,
      %get3A_1375 = arith.constant 288 : index
      %get3A_1376 = tpu.vector_load %arg17[%get3A_1375] {strides = array<i32>} : memref<768xf32, #tpu.memory_space<vmem>>, vector<16xf32>,
      %add3A_1377 = arith.addf %get3A_1372, %get3A_1376 : vector<16xf32>
      %sub3A_1378 = arith.subf %add3A_1377, %get3A_1374 : vector<16xf32>
      %get3A_1379 = arith.constant 800 : index
      %get3A_1380 = tpu.vector_load %arg20[%get3A_1379] {strides = array<i32>} : memref<1024xf32, #tpu.memory_space<vmem>>, vector<16xf32>,
      %mul3A_1381 = arith.mulf %sub3A_1378, %sub3A_1378 : vector<16xf32>
      %add3A_1382 = arith.addf %get3A_1380, %mul3A_1381 : vector<16xf32>
      %swap3A_1383 = arith.constant 800 : index
      %swap3A_1384 = tpu.vector_load %arg20[%swap3A_1383] {strides = array<i32>} : memref<1024xf32, #tpu.memory_space<vmem>>, vector<16xf32>,
      tpu.vector_store %arg20[%swap3A_1383], %add3A_1382 {strides = array<i32>} : memref<1024xf32, #tpu.memory_space<vmem>>, vector<16xf32>,
      %get3A_1385 = arith.constant 48 : index
      %get3A_1386 = tpu.vector_load %arg17[%get3A_1385] {strides = array<i32>} : memref<768xf32, #tpu.memory_space<vmem>>, vector<16xf32>,
      %get3A_1387 = arith.constant 176 : index
      %get3A_1388 = tpu.vector_load %arg17[%get3A_1387] {strides = array<i32>} : memref<768xf32, #tpu.memory_space<vmem>>, vector<16xf32>,
      %get3A_1389 = arith.constant 304 : index
      %get3A_1390 = tpu.vector_load %arg17[%get3A_1389] {strides = array<i32>} : memref<768xf32, #tpu.memory_space<vmem>>, vector<16xf32>,
      %add3A_1391 = arith.addf %get3A_1386, %get3A_1390 : vector<16xf32>
      %sub3A_1392 = arith.subf %add3A_1391, %get3A_1388 : vector<16xf32>
      %get3A_1393 = arith.constant 816 : index
      %get3A_1394 = tpu.vector_load %arg20[%get3A_1393] {strides = array<i32>} : memref<1024xf32, #tpu.memory_space<vmem>>, vector<16xf32>,
      %mul3A_1395 = arith.mulf %sub3A_1392, %sub3A_1392 : vector<16xf32>
      %add3A_1396 = arith.addf %get3A_1394, %mul3A_1395 : vector<16xf32>
      %swap3A_1397 = arith.constant 816 : index
      %swap3A_1398 = tpu.vector_load %arg20[%swap3A_1397] {strides = array<i32>} : memref<1024xf32, #tpu.memory_space<vmem>>, vector<16xf32>,
      tpu.vector_store %arg20[%swap3A_1397], %add3A_1396 {strides = array<i32>} : memref<1024xf32, #tpu.memory_space<vmem>>, vector<16xf32>,
      %get3A_1399 = arith.constant 64 : index
      %get3A_1400 = tpu.vector_load %arg17[%get3A_1399] {strides = array<i32>} : memref<768xf32, #tpu.memory_space<vmem>>, vector<16xf32>,
      %get3A_1401 = arith.constant 192 : index
      %get3A_1402 = tpu.vector_load %arg17[%get3A_1401] {strides = array<i32>} : memref<768xf32, #tpu.memory_space<vmem>>, vector<16xf32>,
      %get3A_1403 = arith.constant 320 : index
      %get3A_1404 = tpu.vector_load %arg17[%get3A_1403] {strides = array<i32>} : memref<768xf32, #tpu.memory_space<vmem>>, vector<16xf32>,
      %add3A_1405 = arith.addf %get3A_1400, %get3A_1404 : vector<16xf32>
      %sub3A_1406 = arith.subf %add3A_1405, %get3A_1402 : vector<16xf32>
      %get3A_1407 = arith.constant 832 : index
      %get3A_1408 = tpu.vector_load %arg20[%get3A_1407] {strides = array<i32>} : memref<1024xf32, #tpu.memory_space<vmem>>, vector<16xf32>,
      %mul3A_1409 = arith.mulf %sub3A_1406, %sub3A_1406 : vector<16xf32>
      %add3A_1410 = arith.addf %get3A_1408, %mul3A_1409 : vector<16xf32>
      %swap3A_1411 = arith.constant 832 : index
      %swap3A_1412 = tpu.vector_load %arg20[%swap3A_1411] {strides = array<i32>} : memref<1024xf32, #tpu.memory_space<vmem>>, vector<16xf32>,
      tpu.vector_store %arg20[%swap3A_1411], %add3A_1410 {strides = array<i32>} : memref<1024xf32, #tpu.memory_space<vmem>>, vector<16xf32>,
      %get3A_1413 = arith.constant 80 : index
      %get3A_1414 = tpu.vector_load %arg17[%get3A_1413] {strides = array<i32>} : memref<768xf32, #tpu.memory_space<vmem>>, vector<16xf32>,
      %get3A_1415 = arith.constant 208 : index
      %get3A_1416 = tpu.vector_load %arg17[%get3A_1415] {strides = array<i32>} : memref<768xf32, #tpu.memory_space<vmem>>, vector<16xf32>,
      %get3A_1417 = arith.constant 336 : index
      %get3A_1418 = tpu.vector_load %arg17[%get3A_1417] {strides = array<i32>} : memref<768xf32, #tpu.memory_space<vmem>>, vector<16xf32>,
      %add3A_1419 = arith.addf %get3A_1414, %get3A_1418 : vector<16xf32>
      %sub3A_1420 = arith.subf %add3A_1419, %get3A_1416 : vector<16xf32>
      %get3A_1421 = arith.constant 848 : index
      %get3A_1422 = tpu.vector_load %arg20[%get3A_1421] {strides = array<i32>} : memref<1024xf32, #tpu.memory_space<vmem>>, vector<16xf32>,
      %mul3A_1423 = arith.mulf %sub3A_1420, %sub3A_1420 : vector<16xf32>
      %add3A_1424 = arith.addf %get3A_1422, %mul3A_1423 : vector<16xf32>
      %swap3A_1425 = arith.constant 848 : index
      %swap3A_1426 = tpu.vector_load %arg20[%swap3A_1425] {strides = array<i32>} : memref<1024xf32, #tpu.memory_space<vmem>>, vector<16xf32>,
      tpu.vector_store %arg20[%swap3A_1425], %add3A_1424 {strides = array<i32>} : memref<1024xf32, #tpu.memory_space<vmem>>, vector<16xf32>,
      %get3A_1427 = arith.constant 96 : index
      %get3A_1428 = tpu.vector_load %arg17[%get3A_1427] {strides = array<i32>} : memref<768xf32, #tpu.memory_space<vmem>>, vector<16xf32>,
      %get3A_1429 = arith.constant 224 : index
      %get3A_1430 = tpu.vector_load %arg17[%get3A_1429] {strides = array<i32>} : memref<768xf32, #tpu.memory_space<vmem>>, vector<16xf32>,
      %get3A_1431 = arith.constant 352 : index
      %get3A_1432 = tpu.vector_load %arg17[%get3A_1431] {strides = array<i32>} : memref<768xf32, #tpu.memory_space<vmem>>, vector<16xf32>,
      %add3A_1433 = arith.addf %get3A_1428, %get3A_1432 : vector<16xf32>
      %sub3A_1434 = arith.subf %add3A_1433, %get3A_1430 : vector<16xf32>
      %get3A_1435 = arith.constant 864 : index
      %get3A_1436 = tpu.vector_load %arg20[%get3A_1435] {strides = array<i32>} : memref<1024xf32, #tpu.memory_space<vmem>>, vector<16xf32>,
      %mul3A_1437 = arith.mulf %sub3A_1434, %sub3A_1434 : vector<16xf32>
      %add3A_1438 = arith.addf %get3A_1436, %mul3A_1437 : vector<16xf32>
      %swap3A_1439 = arith.constant 864 : index
      %swap3A_1440 = tpu.vector_load %arg20[%swap3A_1439] {strides = array<i32>} : memref<1024xf32, #tpu.memory_space<vmem>>, vector<16xf32>,
      tpu.vector_store %arg20[%swap3A_1439], %add3A_1438 {strides = array<i32>} : memref<1024xf32, #tpu.memory_space<vmem>>, vector<16xf32>,
      %get3A_1441 = arith.constant 112 : index
      %get3A_1442 = tpu.vector_load %arg17[%get3A_1441] {strides = array<i32>} : memref<768xf32, #tpu.memory_space<vmem>>, vector<16xf32>,
      %get3A_1443 = arith.constant 240 : index
      %get3A_1444 = tpu.vector_load %arg17[%get3A_1443] {strides = array<i32>} : memref<768xf32, #tpu.memory_space<vmem>>, vector<16xf32>,
      %get3A_1445 = arith.constant 368 : index
      %get3A_1446 = tpu.vector_load %arg17[%get3A_1445] {strides = array<i32>} : memref<768xf32, #tpu.memory_space<vmem>>, vector<16xf32>,
      %add3A_1447 = arith.addf %get3A_1442, %get3A_1446 : vector<16xf32>
      %sub3A_1448 = arith.subf %add3A_1447, %get3A_1444 : vector<16xf32>
      %get3A_1449 = arith.constant 880 : index
      %get3A_1450 = tpu.vector_load %arg20[%get3A_1449] {strides = array<i32>} : memref<1024xf32, #tpu.memory_space<vmem>>, vector<16xf32>,
      %mul3A_1451 = arith.mulf %sub3A_1448, %sub3A_1448 : vector<16xf32>
      %add3A_1452 = arith.addf %get3A_1450, %mul3A_1451 : vector<16xf32>
      %swap3A_1453 = arith.constant 880 : index
      %swap3A_1454 = tpu.vector_load %arg20[%swap3A_1453] {strides = array<i32>} : memref<1024xf32, #tpu.memory_space<vmem>>, vector<16xf32>,
      tpu.vector_store %arg20[%swap3A_1453], %add3A_1452 {strides = array<i32>} : memref<1024xf32, #tpu.memory_space<vmem>>, vector<16xf32>,
      %dma_wait3A_1455 = arith.constant 0 : i32
      %dma_wait3A_1456 = arith.constant 384 : i32
      %dma_wait3A_1457 = tpu.memref_slice %arg17[%dma_wait3A_1456] : memref<768xf32, #tpu.memory_space<vmem>> -> memref<384xf32, #tpu.memory_space<vmem>>
      %dma_wait3A_1458 = arith.constant 0 : i32
      %dma_wait3A_1459 = tpu.memref_slice %arg2[%dma_wait3A_1455, %dma_wait3A_1458] : memref<64x1000000xf32, #tpu.memory_space<hbm>> -> memref<1x384xf32, #tpu.memory_space<hbm>>
      %dma_wait3A_1460 = tpu.memref_squeeze %dma_wait3A_1459 : memref<1x384xf32, #tpu.memory_space<hbm>> -> memref<384xf32, #tpu.memory_space<hbm>>
      %dma_wait3A_1461 = arith.constant 384 : i32
      %dma_wait3A_1462 = tpu.memref_slice %arg17[%dma_wait3A_1461] : memref<768xf32, #tpu.memory_space<vmem>> -> memref<384xf32, #tpu.memory_space<vmem>>
      %dma_wait3A_1463 = arith.constant 0 : i32
      %dma_wait3A_1464 = tpu.memref_slice %arg2[%dma_wait3A_1455, %dma_wait3A_1463] : memref<64x1000000xf32, #tpu.memory_space<hbm>> -> memref<1x384xf32, #tpu.memory_space<hbm>>
      %dma_wait3A_1465 = tpu.memref_squeeze %dma_wait3A_1464 : memref<1x384xf32, #tpu.memory_space<hbm>> -> memref<384xf32, #tpu.memory_space<hbm>>
      tpu.wait_dma2 semaphore(%arg24 : memref<!tpu.dma_semaphore, #tpu.memory_space<semaphore_mem>>) src(%dma_wait3A_1465 : memref<384xf32, #tpu.memory_space<hbm>>) dst(%dma_wait3A_1462 : memref<384xf32, #tpu.memory_space<vmem>>)
      %get3A_1466 = arith.constant 384 : index
      %get3A_1467 = tpu.vector_load %arg17[%get3A_1466] {strides = array<i32>} : memref<768xf32, #tpu.memory_space<vmem>>, vector<16xf32>,
      %get3A_1468 = arith.constant 512 : index
      %get3A_1469 = tpu.vector_load %arg17[%get3A_1468] {strides = array<i32>} : memref<768xf32, #tpu.memory_space<vmem>>, vector<16xf32>,
      %get3A_1470 = arith.constant 640 : index
      %get3A_1471 = tpu.vector_load %arg17[%get3A_1470] {strides = array<i32>} : memref<768xf32, #tpu.memory_space<vmem>>, vector<16xf32>,
      %add3A_1472 = arith.addf %get3A_1467, %get3A_1471 : vector<16xf32>
      %sub3A_1473 = arith.subf %add3A_1472, %get3A_1469 : vector<16xf32>
      %get3A_1474 = arith.constant 896 : index
      %get3A_1475 = tpu.vector_load %arg20[%get3A_1474] {strides = array<i32>} : memref<1024xf32, #tpu.memory_space<vmem>>, vector<16xf32>,
      %mul3A_1476 = arith.mulf %sub3A_1473, %sub3A_1473 : vector<16xf32>
      %add3A_1477 = arith.addf %get3A_1475, %mul3A_1476 : vector<16xf32>
      %swap3A_1478 = arith.constant 896 : index
      %swap3A_1479 = tpu.vector_load %arg20[%swap3A_1478] {strides = array<i32>} : memref<1024xf32, #tpu.memory_space<vmem>>, vector<16xf32>,
      tpu.vector_store %arg20[%swap3A_1478], %add3A_1477 {strides = array<i32>} : memref<1024xf32, #tpu.memory_space<vmem>>, vector<16xf32>,
      %get3A_1480 = arith.constant 400 : index
      %get3A_1481 = tpu.vector_load %arg17[%get3A_1480] {strides = array<i32>} : memref<768xf32, #tpu.memory_space<vmem>>, vector<16xf32>,
      %get3A_1482 = arith.constant 528 : index
      %get3A_1483 = tpu.vector_load %arg17[%get3A_1482] {strides = array<i32>} : memref<768xf32, #tpu.memory_space<vmem>>, vector<16xf32>,
      %get3A_1484 = arith.constant 656 : index
      %get3A_1485 = tpu.vector_load %arg17[%get3A_1484] {strides = array<i32>} : memref<768xf32, #tpu.memory_space<vmem>>, vector<16xf32>,
      %add3A_1486 = arith.addf %get3A_1481, %get3A_1485 : vector<16xf32>
      %sub3A_1487 = arith.subf %add3A_1486, %get3A_1483 : vector<16xf32>
      %get3A_1488 = arith.constant 912 : index
      %get3A_1489 = tpu.vector_load %arg20[%get3A_1488] {strides = array<i32>} : memref<1024xf32, #tpu.memory_space<vmem>>, vector<16xf32>,
      %mul3A_1490 = arith.mulf %sub3A_1487, %sub3A_1487 : vector<16xf32>
      %add3A_1491 = arith.addf %get3A_1489, %mul3A_1490 : vector<16xf32>
      %swap3A_1492 = arith.constant 912 : index
      %swap3A_1493 = tpu.vector_load %arg20[%swap3A_1492] {strides = array<i32>} : memref<1024xf32, #tpu.memory_space<vmem>>, vector<16xf32>,
      tpu.vector_store %arg20[%swap3A_1492], %add3A_1491 {strides = array<i32>} : memref<1024xf32, #tpu.memory_space<vmem>>, vector<16xf32>,
      %get3A_1494 = arith.constant 416 : index
      %get3A_1495 = tpu.vector_load %arg17[%get3A_1494] {strides = array<i32>} : memref<768xf32, #tpu.memory_space<vmem>>, vector<16xf32>,
      %get3A_1496 = arith.constant 544 : index
      %get3A_1497 = tpu.vector_load %arg17[%get3A_1496] {strides = array<i32>} : memref<768xf32, #tpu.memory_space<vmem>>, vector<16xf32>,
      %get3A_1498 = arith.constant 672 : index
      %get3A_1499 = tpu.vector_load %arg17[%get3A_1498] {strides = array<i32>} : memref<768xf32, #tpu.memory_space<vmem>>, vector<16xf32>,
      %add3A_1500 = arith.addf %get3A_1495, %get3A_1499 : vector<16xf32>
      %sub3A_1501 = arith.subf %add3A_1500, %get3A_1497 : vector<16xf32>
      %get3A_1502 = arith.constant 928 : index
      %get3A_1503 = tpu.vector_load %arg20[%get3A_1502] {strides = array<i32>} : memref<1024xf32, #tpu.memory_space<vmem>>, vector<16xf32>,
      %mul3A_1504 = arith.mulf %sub3A_1501, %sub3A_1501 : vector<16xf32>
      %add3A_1505 = arith.addf %get3A_1503, %mul3A_1504 : vector<16xf32>
      %swap3A_1506 = arith.constant 928 : index
      %swap3A_1507 = tpu.vector_load %arg20[%swap3A_1506] {strides = array<i32>} : memref<1024xf32, #tpu.memory_space<vmem>>, vector<16xf32>,
      tpu.vector_store %arg20[%swap3A_1506], %add3A_1505 {strides = array<i32>} : memref<1024xf32, #tpu.memory_space<vmem>>, vector<16xf32>,
      %get3A_1508 = arith.constant 432 : index
      %get3A_1509 = tpu.vector_load %arg17[%get3A_1508] {strides = array<i32>} : memref<768xf32, #tpu.memory_space<vmem>>, vector<16xf32>,
      %get3A_1510 = arith.constant 560 : index
      %get3A_1511 = tpu.vector_load %arg17[%get3A_1510] {strides = array<i32>} : memref<768xf32, #tpu.memory_space<vmem>>, vector<16xf32>,
      %get3A_1512 = arith.constant 688 : index
      %get3A_1513 = tpu.vector_load %arg17[%get3A_1512] {strides = array<i32>} : memref<768xf32, #tpu.memory_space<vmem>>, vector<16xf32>,
      %add3A_1514 = arith.addf %get3A_1509, %get3A_1513 : vector<16xf32>
      %sub3A_1515 = arith.subf %add3A_1514, %get3A_1511 : vector<16xf32>
      %get3A_1516 = arith.constant 944 : index
      %get3A_1517 = tpu.vector_load %arg20[%get3A_1516] {strides = array<i32>} : memref<1024xf32, #tpu.memory_space<vmem>>, vector<16xf32>,
      %mul3A_1518 = arith.mulf %sub3A_1515, %sub3A_1515 : vector<16xf32>
      %add3A_1519 = arith.addf %get3A_1517, %mul3A_1518 : vector<16xf32>
      %swap3A_1520 = arith.constant 944 : index
      %swap3A_1521 = tpu.vector_load %arg20[%swap3A_1520] {strides = array<i32>} : memref<1024xf32, #tpu.memory_space<vmem>>, vector<16xf32>,
      tpu.vector_store %arg20[%swap3A_1520], %add3A_1519 {strides = array<i32>} : memref<1024xf32, #tpu.memory_space<vmem>>, vector<16xf32>,
      %get3A_1522 = arith.constant 448 : index
      %get3A_1523 = tpu.vector_load %arg17[%get3A_1522] {strides = array<i32>} : memref<768xf32, #tpu.memory_space<vmem>>, vector<16xf32>,
      %get3A_1524 = arith.constant 576 : index
      %get3A_1525 = tpu.vector_load %arg17[%get3A_1524] {strides = array<i32>} : memref<768xf32, #tpu.memory_space<vmem>>, vector<16xf32>,
      %get3A_1526 = arith.constant 704 : index
      %get3A_1527 = tpu.vector_load %arg17[%get3A_1526] {strides = array<i32>} : memref<768xf32, #tpu.memory_space<vmem>>, vector<16xf32>,
      %add3A_1528 = arith.addf %get3A_1523, %get3A_1527 : vector<16xf32>
      %sub3A_1529 = arith.subf %add3A_1528, %get3A_1525 : vector<16xf32>
      %get3A_1530 = arith.constant 960 : index
      %get3A_1531 = tpu.vector_load %arg20[%get3A_1530] {strides = array<i32>} : memref<1024xf32, #tpu.memory_space<vmem>>, vector<16xf32>,
      %mul3A_1532 = arith.mulf %sub3A_1529, %sub3A_1529 : vector<16xf32>
      %add3A_1533 = arith.addf %get3A_1531, %mul3A_1532 : vector<16xf32>
      %swap3A_1534 = arith.constant 960 : index
      %swap3A_1535 = tpu.vector_load %arg20[%swap3A_1534] {strides = array<i32>} : memref<1024xf32, #tpu.memory_space<vmem>>, vector<16xf32>,
      tpu.vector_store %arg20[%swap3A_1534], %add3A_1533 {strides = array<i32>} : memref<1024xf32, #tpu.memory_space<vmem>>, vector<16xf32>,
      %get3A_1536 = arith.constant 464 : index
      %get3A_1537 = tpu.vector_load %arg17[%get3A_1536] {strides = array<i32>} : memref<768xf32, #tpu.memory_space<vmem>>, vector<16xf32>,
      %get3A_1538 = arith.constant 592 : index
      %get3A_1539 = tpu.vector_load %arg17[%get3A_1538] {strides = array<i32>} : memref<768xf32, #tpu.memory_space<vmem>>, vector<16xf32>,
      %get3A_1540 = arith.constant 720 : index
      %get3A_1541 = tpu.vector_load %arg17[%get3A_1540] {strides = array<i32>} : memref<768xf32, #tpu.memory_space<vmem>>, vector<16xf32>,
      %add3A_1542 = arith.addf %get3A_1537, %get3A_1541 : vector<16xf32>
      %sub3A_1543 = arith.subf %add3A_1542, %get3A_1539 : vector<16xf32>
      %get3A_1544 = arith.constant 976 : index
      %get3A_1545 = tpu.vector_load %arg20[%get3A_1544] {strides = array<i32>} : memref<1024xf32, #tpu.memory_space<vmem>>, vector<16xf32>,
      %mul3A_1546 = arith.mulf %sub3A_1543, %sub3A_1543 : vector<16xf32>
      %add3A_1547 = arith.addf %get3A_1545, %mul3A_1546 : vector<16xf32>
      %swap3A_1548 = arith.constant 976 : index
      %swap3A_1549 = tpu.vector_load %arg20[%swap3A_1548] {strides = array<i32>} : memref<1024xf32, #tpu.memory_space<vmem>>, vector<16xf32>,
      tpu.vector_store %arg20[%swap3A_1548], %add3A_1547 {strides = array<i32>} : memref<1024xf32, #tpu.memory_space<vmem>>, vector<16xf32>,
      %get3A_1550 = arith.constant 480 : index
      %get3A_1551 = tpu.vector_load %arg17[%get3A_1550] {strides = array<i32>} : memref<768xf32, #tpu.memory_space<vmem>>, vector<16xf32>,
      %get3A_1552 = arith.constant 608 : index
      %get3A_1553 = tpu.vector_load %arg17[%get3A_1552] {strides = array<i32>} : memref<768xf32, #tpu.memory_space<vmem>>, vector<16xf32>,
      %get3A_1554 = arith.constant 736 : index
      %get3A_1555 = tpu.vector_load %arg17[%get3A_1554] {strides = array<i32>} : memref<768xf32, #tpu.memory_space<vmem>>, vector<16xf32>,
      %add3A_1556 = arith.addf %get3A_1551, %get3A_1555 : vector<16xf32>
      %sub3A_1557 = arith.subf %add3A_1556, %get3A_1553 : vector<16xf32>
      %get3A_1558 = arith.constant 992 : index
      %get3A_1559 = tpu.vector_load %arg20[%get3A_1558] {strides = array<i32>} : memref<1024xf32, #tpu.memory_space<vmem>>, vector<16xf32>,
      %mul3A_1560 = arith.mulf %sub3A_1557, %sub3A_1557 : vector<16xf32>
      %add3A_1561 = arith.addf %get3A_1559, %mul3A_1560 : vector<16xf32>
      %swap3A_1562 = arith.constant 992 : index
      %swap3A_1563 = tpu.vector_load %arg20[%swap3A_1562] {strides = array<i32>} : memref<1024xf32, #tpu.memory_space<vmem>>, vector<16xf32>,
      tpu.vector_store %arg20[%swap3A_1562], %add3A_1561 {strides = array<i32>} : memref<1024xf32, #tpu.memory_space<vmem>>, vector<16xf32>,
      %get3A_1564 = arith.constant 496 : index
      %get3A_1565 = tpu.vector_load %arg17[%get3A_1564] {strides = array<i32>} : memref<768xf32, #tpu.memory_space<vmem>>, vector<16xf32>,
      %get3A_1566 = arith.constant 624 : index
      %get3A_1567 = tpu.vector_load %arg17[%get3A_1566] {strides = array<i32>} : memref<768xf32, #tpu.memory_space<vmem>>, vector<16xf32>,
      %get3A_1568 = arith.constant 752 : index
      %get3A_1569 = tpu.vector_load %arg17[%get3A_1568] {strides = array<i32>} : memref<768xf32, #tpu.memory_space<vmem>>, vector<16xf32>,
      %add3A_1570 = arith.addf %get3A_1565, %get3A_1569 : vector<16xf32>
      %sub3A_1571 = arith.subf %add3A_1570, %get3A_1567 : vector<16xf32>
      %get3A_1572 = arith.constant 1008 : index
      %get3A_1573 = tpu.vector_load %arg20[%get3A_1572] {strides = array<i32>} : memref<1024xf32, #tpu.memory_space<vmem>>, vector<16xf32>,
      %mul3A_1574 = arith.mulf %sub3A_1571, %sub3A_1571 : vector<16xf32>
      %add3A_1575 = arith.addf %get3A_1573, %mul3A_1574 : vector<16xf32>
      %swap3A_1576 = arith.constant 1008 : index
      %swap3A_1577 = tpu.vector_load %arg20[%swap3A_1576] {strides = array<i32>} : memref<1024xf32, #tpu.memory_space<vmem>>, vector<16xf32>,
      tpu.vector_store %arg20[%swap3A_1576], %add3A_1575 {strides = array<i32>} : memref<1024xf32, #tpu.memory_space<vmem>>, vector<16xf32>,
      %barrier3A_1578 = arith.constant 0 : index
      tpu.barrier barrier_id(%barrier3A_1578)
      %add3A_1579 = arith.constant 2 : i32
      %add3A_1580 = arith.addi %mul3A_397, %add3A_1579 : i32
      %lt3A = arith.constant 32 : i32
      %lt3A_1581 = arith.cmpi slt, %add3A_1580, %lt3A : i32
      %convert_element_type3A_1582 = arith.extui %lt3A_1581 : i1 to i32
      %cond3A_1583 = arith.constant 0 : i32
      %cond3A_1584 = arith.cmpi ne, %convert_element_type3A_1582, %cond3A_1583 : i32
      scf.if %cond3A_1584 {
        %add3A_2781 = arith.constant 2 : i32
        %add3A_2782 = arith.addi %mul3A_397, %add3A_2781 : i32
        %eq3A_2783 = arith.constant 0 : i32
        %eq3A_2784 = arith.cmpi eq, %arg1, %eq3A_2783 : i32
        %convert_element_type3A_2785 = arith.extui %eq3A_2784 : i1 to i32
        %cond3A_2786 = arith.constant 0 : i32
        %cond3A_2787 = arith.cmpi ne, %convert_element_type3A_2785, %cond3A_2786 : i32
        scf.if %cond3A_2787 {
          %add3A_2838 = arith.addi %mul3A_0, %add3A_2782 : i32
          %dma_start3A_2839 = arith.constant 0 : i32
          %dma_start3A_2840 = tpu.memref_slice %arg10[%dma_start3A_2839] : memref<1000000xf32, #tpu.memory_space<vmem_shared>> -> memref<124928xf32, #tpu.memory_space<vmem_shared>>
          %dma_start3A_2841 = arith.constant 0 : i32
          %dma_start3A_2842 = tpu.memref_slice %arg2[%add3A_2838, %dma_start3A_2841] : memref<64x1000000xf32, #tpu.memory_space<hbm>> -> memref<1x124928xf32, #tpu.memory_space<hbm>>
          %dma_start3A_2843 = tpu.memref_squeeze %dma_start3A_2842 : memref<1x124928xf32, #tpu.memory_space<hbm>> -> memref<124928xf32, #tpu.memory_space<hbm>>
          tpu.enqueue_dma source(%dma_start3A_2843 : memref<124928xf32, #tpu.memory_space<hbm>>) target(%dma_start3A_2840 : memref<124928xf32, #tpu.memory_space<vmem_shared>>) target_semaphore(%arg21 : memref<!tpu.dma_semaphore, #tpu.memory_space<semaphore_mem>>)
        } else {
        }
        %eq3A_2788 = arith.constant 1 : i32
        %eq3A_2789 = arith.cmpi eq, %arg1, %eq3A_2788 : i32
        %convert_element_type3A_2790 = arith.extui %eq3A_2789 : i1 to i32
        %cond3A_2791 = arith.constant 0 : i32
        %cond3A_2792 = arith.cmpi ne, %convert_element_type3A_2790, %cond3A_2791 : i32
        scf.if %cond3A_2792 {
          %add3A_2838 = arith.addi %mul3A_0, %add3A_2782 : i32
          %dma_start3A_2839 = arith.constant 124928 : i32
          %dma_start3A_2840 = tpu.memref_slice %arg10[%dma_start3A_2839] : memref<1000000xf32, #tpu.memory_space<vmem_shared>> -> memref<124928xf32, #tpu.memory_space<vmem_shared>>
          %dma_start3A_2841 = arith.constant 124928 : i32
          %dma_start3A_2842 = tpu.memref_slice %arg2[%add3A_2838, %dma_start3A_2841] : memref<64x1000000xf32, #tpu.memory_space<hbm>> -> memref<1x124928xf32, #tpu.memory_space<hbm>>
          %dma_start3A_2843 = tpu.memref_squeeze %dma_start3A_2842 : memref<1x124928xf32, #tpu.memory_space<hbm>> -> memref<124928xf32, #tpu.memory_space<hbm>>
          tpu.enqueue_dma source(%dma_start3A_2843 : memref<124928xf32, #tpu.memory_space<hbm>>) target(%dma_start3A_2840 : memref<124928xf32, #tpu.memory_space<vmem_shared>>) target_semaphore(%arg21 : memref<!tpu.dma_semaphore, #tpu.memory_space<semaphore_mem>>)
        } else {
        }
        %eq3A_2793 = arith.constant 2 : i32
        %eq3A_2794 = arith.cmpi eq, %arg1, %eq3A_2793 : i32
        %convert_element_type3A_2795 = arith.extui %eq3A_2794 : i1 to i32
        %cond3A_2796 = arith.constant 0 : i32
        %cond3A_2797 = arith.cmpi ne, %convert_element_type3A_2795, %cond3A_2796 : i32
        scf.if %cond3A_2797 {
          %add3A_2838 = arith.addi %mul3A_0, %add3A_2782 : i32
          %dma_start3A_2839 = arith.constant 249856 : i32
          %dma_start3A_2840 = tpu.memref_slice %arg10[%dma_start3A_2839] : memref<1000000xf32, #tpu.memory_space<vmem_shared>> -> memref<124928xf32, #tpu.memory_space<vmem_shared>>
          %dma_start3A_2841 = arith.constant 249856 : i32
          %dma_start3A_2842 = tpu.memref_slice %arg2[%add3A_2838, %dma_start3A_2841] : memref<64x1000000xf32, #tpu.memory_space<hbm>> -> memref<1x124928xf32, #tpu.memory_space<hbm>>
          %dma_start3A_2843 = tpu.memref_squeeze %dma_start3A_2842 : memref<1x124928xf32, #tpu.memory_space<hbm>> -> memref<124928xf32, #tpu.memory_space<hbm>>
          tpu.enqueue_dma source(%dma_start3A_2843 : memref<124928xf32, #tpu.memory_space<hbm>>) target(%dma_start3A_2840 : memref<124928xf32, #tpu.memory_space<vmem_shared>>) target_semaphore(%arg21 : memref<!tpu.dma_semaphore, #tpu.memory_space<semaphore_mem>>)
        } else {
        }
        %eq3A_2798 = arith.constant 3 : i32
        %eq3A_2799 = arith.cmpi eq, %arg1, %eq3A_2798 : i32
        %convert_element_type3A_2800 = arith.extui %eq3A_2799 : i1 to i32
        %cond3A_2801 = arith.constant 0 : i32
        %cond3A_2802 = arith.cmpi ne, %convert_element_type3A_2800, %cond3A_2801 : i32
        scf.if %cond3A_2802 {
          %add3A_2838 = arith.addi %mul3A_0, %add3A_2782 : i32
          %dma_start3A_2839 = arith.constant 374784 : i32
          %dma_start3A_2840 = tpu.memref_slice %arg10[%dma_start3A_2839] : memref<1000000xf32, #tpu.memory_space<vmem_shared>> -> memref<124928xf32, #tpu.memory_space<vmem_shared>>
          %dma_start3A_2841 = arith.constant 374784 : i32
          %dma_start3A_2842 = tpu.memref_slice %arg2[%add3A_2838, %dma_start3A_2841] : memref<64x1000000xf32, #tpu.memory_space<hbm>> -> memref<1x124928xf32, #tpu.memory_space<hbm>>
          %dma_start3A_2843 = tpu.memref_squeeze %dma_start3A_2842 : memref<1x124928xf32, #tpu.memory_space<hbm>> -> memref<124928xf32, #tpu.memory_space<hbm>>
          tpu.enqueue_dma source(%dma_start3A_2843 : memref<124928xf32, #tpu.memory_space<hbm>>) target(%dma_start3A_2840 : memref<124928xf32, #tpu.memory_space<vmem_shared>>) target_semaphore(%arg21 : memref<!tpu.dma_semaphore, #tpu.memory_space<semaphore_mem>>)
        } else {
        }
        %eq3A_2803 = arith.constant 4 : i32
        %eq3A_2804 = arith.cmpi eq, %arg1, %eq3A_2803 : i32
        %convert_element_type3A_2805 = arith.extui %eq3A_2804 : i1 to i32
        %cond3A_2806 = arith.constant 0 : i32
        %cond3A_2807 = arith.cmpi ne, %convert_element_type3A_2805, %cond3A_2806 : i32
        scf.if %cond3A_2807 {
          %add3A_2838 = arith.addi %mul3A_0, %add3A_2782 : i32
          %dma_start3A_2839 = arith.constant 499712 : i32
          %dma_start3A_2840 = tpu.memref_slice %arg10[%dma_start3A_2839] : memref<1000000xf32, #tpu.memory_space<vmem_shared>> -> memref<124928xf32, #tpu.memory_space<vmem_shared>>
          %dma_start3A_2841 = arith.constant 499712 : i32
          %dma_start3A_2842 = tpu.memref_slice %arg2[%add3A_2838, %dma_start3A_2841] : memref<64x1000000xf32, #tpu.memory_space<hbm>> -> memref<1x124928xf32, #tpu.memory_space<hbm>>
          %dma_start3A_2843 = tpu.memref_squeeze %dma_start3A_2842 : memref<1x124928xf32, #tpu.memory_space<hbm>> -> memref<124928xf32, #tpu.memory_space<hbm>>
          tpu.enqueue_dma source(%dma_start3A_2843 : memref<124928xf32, #tpu.memory_space<hbm>>) target(%dma_start3A_2840 : memref<124928xf32, #tpu.memory_space<vmem_shared>>) target_semaphore(%arg21 : memref<!tpu.dma_semaphore, #tpu.memory_space<semaphore_mem>>)
        } else {
        }
        %eq3A_2808 = arith.constant 5 : i32
        %eq3A_2809 = arith.cmpi eq, %arg1, %eq3A_2808 : i32
        %convert_element_type3A_2810 = arith.extui %eq3A_2809 : i1 to i32
        %cond3A_2811 = arith.constant 0 : i32
        %cond3A_2812 = arith.cmpi ne, %convert_element_type3A_2810, %cond3A_2811 : i32
        scf.if %cond3A_2812 {
          %add3A_2838 = arith.addi %mul3A_0, %add3A_2782 : i32
          %dma_start3A_2839 = arith.constant 624640 : i32
          %dma_start3A_2840 = tpu.memref_slice %arg10[%dma_start3A_2839] : memref<1000000xf32, #tpu.memory_space<vmem_shared>> -> memref<124928xf32, #tpu.memory_space<vmem_shared>>
          %dma_start3A_2841 = arith.constant 624640 : i32
          %dma_start3A_2842 = tpu.memref_slice %arg2[%add3A_2838, %dma_start3A_2841] : memref<64x1000000xf32, #tpu.memory_space<hbm>> -> memref<1x124928xf32, #tpu.memory_space<hbm>>
          %dma_start3A_2843 = tpu.memref_squeeze %dma_start3A_2842 : memref<1x124928xf32, #tpu.memory_space<hbm>> -> memref<124928xf32, #tpu.memory_space<hbm>>
          tpu.enqueue_dma source(%dma_start3A_2843 : memref<124928xf32, #tpu.memory_space<hbm>>) target(%dma_start3A_2840 : memref<124928xf32, #tpu.memory_space<vmem_shared>>) target_semaphore(%arg21 : memref<!tpu.dma_semaphore, #tpu.memory_space<semaphore_mem>>)
        } else {
        }
        %eq3A_2813 = arith.constant 6 : i32
        %eq3A_2814 = arith.cmpi eq, %arg1, %eq3A_2813 : i32
        %convert_element_type3A_2815 = arith.extui %eq3A_2814 : i1 to i32
        %cond3A_2816 = arith.constant 0 : i32
        %cond3A_2817 = arith.cmpi ne, %convert_element_type3A_2815, %cond3A_2816 : i32
        scf.if %cond3A_2817 {
          %add3A_2838 = arith.addi %mul3A_0, %add3A_2782 : i32
          %dma_start3A_2839 = arith.constant 749568 : i32
          %dma_start3A_2840 = tpu.memref_slice %arg10[%dma_start3A_2839] : memref<1000000xf32, #tpu.memory_space<vmem_shared>> -> memref<124928xf32, #tpu.memory_space<vmem_shared>>
          %dma_start3A_2841 = arith.constant 749568 : i32
          %dma_start3A_2842 = tpu.memref_slice %arg2[%add3A_2838, %dma_start3A_2841] : memref<64x1000000xf32, #tpu.memory_space<hbm>> -> memref<1x124928xf32, #tpu.memory_space<hbm>>
          %dma_start3A_2843 = tpu.memref_squeeze %dma_start3A_2842 : memref<1x124928xf32, #tpu.memory_space<hbm>> -> memref<124928xf32, #tpu.memory_space<hbm>>
          tpu.enqueue_dma source(%dma_start3A_2843 : memref<124928xf32, #tpu.memory_space<hbm>>) target(%dma_start3A_2840 : memref<124928xf32, #tpu.memory_space<vmem_shared>>) target_semaphore(%arg21 : memref<!tpu.dma_semaphore, #tpu.memory_space<semaphore_mem>>)
        } else {
        }
        %eq3A_2818 = arith.constant 7 : i32
        %eq3A_2819 = arith.cmpi eq, %arg1, %eq3A_2818 : i32
        %convert_element_type3A_2820 = arith.extui %eq3A_2819 : i1 to i32
        %cond3A_2821 = arith.constant 0 : i32
        %cond3A_2822 = arith.cmpi ne, %convert_element_type3A_2820, %cond3A_2821 : i32
        scf.if %cond3A_2822 {
          %add3A_2838 = arith.addi %mul3A_0, %add3A_2782 : i32
          %dma_start3A_2839 = arith.constant 874496 : i32
          %dma_start3A_2840 = tpu.memref_slice %arg10[%dma_start3A_2839] : memref<1000000xf32, #tpu.memory_space<vmem_shared>> -> memref<124928xf32, #tpu.memory_space<vmem_shared>>
          %dma_start3A_2841 = arith.constant 874496 : i32
          %dma_start3A_2842 = tpu.memref_slice %arg2[%add3A_2838, %dma_start3A_2841] : memref<64x1000000xf32, #tpu.memory_space<hbm>> -> memref<1x124928xf32, #tpu.memory_space<hbm>>
          %dma_start3A_2843 = tpu.memref_squeeze %dma_start3A_2842 : memref<1x124928xf32, #tpu.memory_space<hbm>> -> memref<124928xf32, #tpu.memory_space<hbm>>
          tpu.enqueue_dma source(%dma_start3A_2843 : memref<124928xf32, #tpu.memory_space<hbm>>) target(%dma_start3A_2840 : memref<124928xf32, #tpu.memory_space<vmem_shared>>) target_semaphore(%arg21 : memref<!tpu.dma_semaphore, #tpu.memory_space<semaphore_mem>>)
        } else {
        }
        %eq3A_2823 = arith.constant 8 : i32
        %eq3A_2824 = arith.cmpi eq, %arg1, %eq3A_2823 : i32
        %convert_element_type3A_2825 = arith.extui %eq3A_2824 : i1 to i32
        %cond3A_2826 = arith.constant 0 : i32
        %cond3A_2827 = arith.cmpi ne, %convert_element_type3A_2825, %cond3A_2826 : i32
        scf.if %cond3A_2827 {
          %add3A_2838 = arith.addi %mul3A_0, %add3A_2782 : i32
          %dma_start3A_2839 = arith.constant 999424 : i32
          %dma_start3A_2840 = tpu.memref_slice %arg10[%dma_start3A_2839] : memref<1000000xf32, #tpu.memory_space<vmem_shared>> -> memref<512xf32, #tpu.memory_space<vmem_shared>>
          %dma_start3A_2841 = arith.constant 999424 : i32
          %dma_start3A_2842 = tpu.memref_slice %arg2[%add3A_2838, %dma_start3A_2841] : memref<64x1000000xf32, #tpu.memory_space<hbm>> -> memref<1x512xf32, #tpu.memory_space<hbm>>
          %dma_start3A_2843 = tpu.memref_squeeze %dma_start3A_2842 : memref<1x512xf32, #tpu.memory_space<hbm>> -> memref<512xf32, #tpu.memory_space<hbm>>
          tpu.enqueue_dma source(%dma_start3A_2843 : memref<512xf32, #tpu.memory_space<hbm>>) target(%dma_start3A_2840 : memref<512xf32, #tpu.memory_space<vmem_shared>>) target_semaphore(%arg21 : memref<!tpu.dma_semaphore, #tpu.memory_space<semaphore_mem>>)
        } else {
        }
        %eq3A_2828 = arith.constant 9 : i32
        %eq3A_2829 = arith.cmpi eq, %arg1, %eq3A_2828 : i32
        %convert_element_type3A_2830 = arith.extui %eq3A_2829 : i1 to i32
        %cond3A_2831 = arith.constant 0 : i32
        %cond3A_2832 = arith.cmpi ne, %convert_element_type3A_2830, %cond3A_2831 : i32
        scf.if %cond3A_2832 {
          %add3A_2838 = arith.addi %mul3A_0, %add3A_2782 : i32
          %dma_start3A_2839 = arith.constant 0 : i32
          %dma_start3A_2840 = tpu.memref_slice %arg3[%add3A_2838, %dma_start3A_2839] : memref<64x1024xf32, #tpu.memory_space<hbm>> -> memref<1x1024xf32, #tpu.memory_space<hbm>>
          %dma_start3A_2841 = tpu.memref_squeeze %dma_start3A_2840 : memref<1x1024xf32, #tpu.memory_space<hbm>> -> memref<1024xf32, #tpu.memory_space<hbm>>
          tpu.enqueue_dma source(%dma_start3A_2841 : memref<1024xf32, #tpu.memory_space<hbm>>) target(%arg12 : memref<1024xf32, #tpu.memory_space<vmem_shared>>) target_semaphore(%arg21 : memref<!tpu.dma_semaphore, #tpu.memory_space<semaphore_mem>>)
        } else {
        }
        %eq3A_2833 = arith.constant 11 : i32
        %eq3A_2834 = arith.cmpi eq, %arg1, %eq3A_2833 : i32
        %convert_element_type3A_2835 = arith.extui %eq3A_2834 : i1 to i32
        %cond3A_2836 = arith.constant 0 : i32
        %cond3A_2837 = arith.cmpi ne, %convert_element_type3A_2835, %cond3A_2836 : i32
        scf.if %cond3A_2837 {
          %add3A_2838 = arith.addi %mul3A_0, %add3A_2782 : i32
          %dma_start3A_2839 = arith.constant 0 : i32
          %dma_start3A_2840 = tpu.memref_slice %arg4[%add3A_2838, %dma_start3A_2839] : memref<64x64xf32, #tpu.memory_space<hbm>> -> memref<1x64xf32, #tpu.memory_space<hbm>>
          %dma_start3A_2841 = tpu.memref_squeeze %dma_start3A_2840 : memref<1x64xf32, #tpu.memory_space<hbm>> -> memref<64xf32, #tpu.memory_space<hbm>>
          %dma_start3A_2842 = arith.constant 0 : i32
          %dma_start3A_2843 = tpu.memref_slice %arg4[%add3A_2838, %dma_start3A_2842] : memref<64x64xf32, #tpu.memory_space<hbm>> -> memref<1x64xf32, #tpu.memory_space<hbm>>
          %dma_start3A_2844 = tpu.memref_squeeze %dma_start3A_2843 : memref<1x64xf32, #tpu.memory_space<hbm>> -> memref<64xf32, #tpu.memory_space<hbm>>
          tpu.enqueue_dma source(%dma_start3A_2844 : memref<64xf32, #tpu.memory_space<hbm>>) target(%arg18 : memref<64xf32, #tpu.memory_space<vmem>>) target_semaphore(%arg21 : memref<!tpu.dma_semaphore, #tpu.memory_space<semaphore_mem>>)
        } else {
        }
      } else {
      }
      %mul3A_1585 = arith.constant 2 : i32
      %mul3A_1586 = arith.muli %scan3A_395, %mul3A_1585 : i32
      %add3A_1587 = arith.constant 1 : i32
      %add3A_1588 = arith.addi %mul3A_1586, %add3A_1587 : i32
      %eq3A_1589 = arith.constant 0 : i32
      %eq3A_1590 = arith.cmpi eq, %arg1, %eq3A_1589 : i32
      %convert_element_type3A_1591 = arith.extui %eq3A_1590 : i1 to i32
      %cond3A_1592 = arith.constant 0 : i32
      %cond3A_1593 = arith.cmpi ne, %convert_element_type3A_1591, %cond3A_1592 : i32
      scf.if %cond3A_1593 {
        %dma_wait3A_2781 = arith.constant 0 : i32
        %dma_wait3A_2782 = arith.constant 0 : i32
        %dma_wait3A_2783 = tpu.memref_slice %arg11[%dma_wait3A_2782] : memref<1000000xf32, #tpu.memory_space<vmem_shared>> -> memref<124928xf32, #tpu.memory_space<vmem_shared>>
        %dma_wait3A_2784 = arith.constant 0 : i32
        %dma_wait3A_2785 = tpu.memref_slice %arg2[%dma_wait3A_2781, %dma_wait3A_2784] : memref<64x1000000xf32, #tpu.memory_space<hbm>> -> memref<1x124928xf32, #tpu.memory_space<hbm>>
        %dma_wait3A_2786 = tpu.memref_squeeze %dma_wait3A_2785 : memref<1x124928xf32, #tpu.memory_space<hbm>> -> memref<124928xf32, #tpu.memory_space<hbm>>
        tpu.wait_dma2 semaphore(%arg22 : memref<!tpu.dma_semaphore, #tpu.memory_space<semaphore_mem>>) src(%dma_wait3A_2786 : memref<124928xf32, #tpu.memory_space<hbm>>) dst(%dma_wait3A_2783 : memref<124928xf32, #tpu.memory_space<vmem_shared>>)
      } else {
      }
      %eq3A_1594 = arith.constant 1 : i32
      %eq3A_1595 = arith.cmpi eq, %arg1, %eq3A_1594 : i32
      %convert_element_type3A_1596 = arith.extui %eq3A_1595 : i1 to i32
      %cond3A_1597 = arith.constant 0 : i32
      %cond3A_1598 = arith.cmpi ne, %convert_element_type3A_1596, %cond3A_1597 : i32
      scf.if %cond3A_1598 {
        %dma_wait3A_2781 = arith.constant 0 : i32
        %dma_wait3A_2782 = arith.constant 0 : i32
        %dma_wait3A_2783 = tpu.memref_slice %arg11[%dma_wait3A_2782] : memref<1000000xf32, #tpu.memory_space<vmem_shared>> -> memref<124928xf32, #tpu.memory_space<vmem_shared>>
        %dma_wait3A_2784 = arith.constant 0 : i32
        %dma_wait3A_2785 = tpu.memref_slice %arg2[%dma_wait3A_2781, %dma_wait3A_2784] : memref<64x1000000xf32, #tpu.memory_space<hbm>> -> memref<1x124928xf32, #tpu.memory_space<hbm>>
        %dma_wait3A_2786 = tpu.memref_squeeze %dma_wait3A_2785 : memref<1x124928xf32, #tpu.memory_space<hbm>> -> memref<124928xf32, #tpu.memory_space<hbm>>
        tpu.wait_dma2 semaphore(%arg22 : memref<!tpu.dma_semaphore, #tpu.memory_space<semaphore_mem>>) src(%dma_wait3A_2786 : memref<124928xf32, #tpu.memory_space<hbm>>) dst(%dma_wait3A_2783 : memref<124928xf32, #tpu.memory_space<vmem_shared>>)
      } else {
      }
      %eq3A_1599 = arith.constant 2 : i32
      %eq3A_1600 = arith.cmpi eq, %arg1, %eq3A_1599 : i32
      %convert_element_type3A_1601 = arith.extui %eq3A_1600 : i1 to i32
      %cond3A_1602 = arith.constant 0 : i32
      %cond3A_1603 = arith.cmpi ne, %convert_element_type3A_1601, %cond3A_1602 : i32
      scf.if %cond3A_1603 {
        %dma_wait3A_2781 = arith.constant 0 : i32
        %dma_wait3A_2782 = arith.constant 0 : i32
        %dma_wait3A_2783 = tpu.memref_slice %arg11[%dma_wait3A_2782] : memref<1000000xf32, #tpu.memory_space<vmem_shared>> -> memref<124928xf32, #tpu.memory_space<vmem_shared>>
        %dma_wait3A_2784 = arith.constant 0 : i32
        %dma_wait3A_2785 = tpu.memref_slice %arg2[%dma_wait3A_2781, %dma_wait3A_2784] : memref<64x1000000xf32, #tpu.memory_space<hbm>> -> memref<1x124928xf32, #tpu.memory_space<hbm>>
        %dma_wait3A_2786 = tpu.memref_squeeze %dma_wait3A_2785 : memref<1x124928xf32, #tpu.memory_space<hbm>> -> memref<124928xf32, #tpu.memory_space<hbm>>
        tpu.wait_dma2 semaphore(%arg22 : memref<!tpu.dma_semaphore, #tpu.memory_space<semaphore_mem>>) src(%dma_wait3A_2786 : memref<124928xf32, #tpu.memory_space<hbm>>) dst(%dma_wait3A_2783 : memref<124928xf32, #tpu.memory_space<vmem_shared>>)
      } else {
      }
      %eq3A_1604 = arith.constant 3 : i32
      %eq3A_1605 = arith.cmpi eq, %arg1, %eq3A_1604 : i32
      %convert_element_type3A_1606 = arith.extui %eq3A_1605 : i1 to i32
      %cond3A_1607 = arith.constant 0 : i32
      %cond3A_1608 = arith.cmpi ne, %convert_element_type3A_1606, %cond3A_1607 : i32
      scf.if %cond3A_1608 {
        %dma_wait3A_2781 = arith.constant 0 : i32
        %dma_wait3A_2782 = arith.constant 0 : i32
        %dma_wait3A_2783 = tpu.memref_slice %arg11[%dma_wait3A_2782] : memref<1000000xf32, #tpu.memory_space<vmem_shared>> -> memref<124928xf32, #tpu.memory_space<vmem_shared>>
        %dma_wait3A_2784 = arith.constant 0 : i32
        %dma_wait3A_2785 = tpu.memref_slice %arg2[%dma_wait3A_2781, %dma_wait3A_2784] : memref<64x1000000xf32, #tpu.memory_space<hbm>> -> memref<1x124928xf32, #tpu.memory_space<hbm>>
        %dma_wait3A_2786 = tpu.memref_squeeze %dma_wait3A_2785 : memref<1x124928xf32, #tpu.memory_space<hbm>> -> memref<124928xf32, #tpu.memory_space<hbm>>
        tpu.wait_dma2 semaphore(%arg22 : memref<!tpu.dma_semaphore, #tpu.memory_space<semaphore_mem>>) src(%dma_wait3A_2786 : memref<124928xf32, #tpu.memory_space<hbm>>) dst(%dma_wait3A_2783 : memref<124928xf32, #tpu.memory_space<vmem_shared>>)
      } else {
      }
      %eq3A_1609 = arith.constant 4 : i32
      %eq3A_1610 = arith.cmpi eq, %arg1, %eq3A_1609 : i32
      %convert_element_type3A_1611 = arith.extui %eq3A_1610 : i1 to i32
      %cond3A_1612 = arith.constant 0 : i32
      %cond3A_1613 = arith.cmpi ne, %convert_element_type3A_1611, %cond3A_1612 : i32
      scf.if %cond3A_1613 {
        %dma_wait3A_2781 = arith.constant 0 : i32
        %dma_wait3A_2782 = arith.constant 0 : i32
        %dma_wait3A_2783 = tpu.memref_slice %arg11[%dma_wait3A_2782] : memref<1000000xf32, #tpu.memory_space<vmem_shared>> -> memref<124928xf32, #tpu.memory_space<vmem_shared>>
        %dma_wait3A_2784 = arith.constant 0 : i32
        %dma_wait3A_2785 = tpu.memref_slice %arg2[%dma_wait3A_2781, %dma_wait3A_2784] : memref<64x1000000xf32, #tpu.memory_space<hbm>> -> memref<1x124928xf32, #tpu.memory_space<hbm>>
        %dma_wait3A_2786 = tpu.memref_squeeze %dma_wait3A_2785 : memref<1x124928xf32, #tpu.memory_space<hbm>> -> memref<124928xf32, #tpu.memory_space<hbm>>
        tpu.wait_dma2 semaphore(%arg22 : memref<!tpu.dma_semaphore, #tpu.memory_space<semaphore_mem>>) src(%dma_wait3A_2786 : memref<124928xf32, #tpu.memory_space<hbm>>) dst(%dma_wait3A_2783 : memref<124928xf32, #tpu.memory_space<vmem_shared>>)
      } else {
      }
      %eq3A_1614 = arith.constant 5 : i32
      %eq3A_1615 = arith.cmpi eq, %arg1, %eq3A_1614 : i32
      %convert_element_type3A_1616 = arith.extui %eq3A_1615 : i1 to i32
      %cond3A_1617 = arith.constant 0 : i32
      %cond3A_1618 = arith.cmpi ne, %convert_element_type3A_1616, %cond3A_1617 : i32
      scf.if %cond3A_1618 {
        %dma_wait3A_2781 = arith.constant 0 : i32
        %dma_wait3A_2782 = arith.constant 0 : i32
        %dma_wait3A_2783 = tpu.memref_slice %arg11[%dma_wait3A_2782] : memref<1000000xf32, #tpu.memory_space<vmem_shared>> -> memref<124928xf32, #tpu.memory_space<vmem_shared>>
        %dma_wait3A_2784 = arith.constant 0 : i32
        %dma_wait3A_2785 = tpu.memref_slice %arg2[%dma_wait3A_2781, %dma_wait3A_2784] : memref<64x1000000xf32, #tpu.memory_space<hbm>> -> memref<1x124928xf32, #tpu.memory_space<hbm>>
        %dma_wait3A_2786 = tpu.memref_squeeze %dma_wait3A_2785 : memref<1x124928xf32, #tpu.memory_space<hbm>> -> memref<124928xf32, #tpu.memory_space<hbm>>
        tpu.wait_dma2 semaphore(%arg22 : memref<!tpu.dma_semaphore, #tpu.memory_space<semaphore_mem>>) src(%dma_wait3A_2786 : memref<124928xf32, #tpu.memory_space<hbm>>) dst(%dma_wait3A_2783 : memref<124928xf32, #tpu.memory_space<vmem_shared>>)
      } else {
      }
      %eq3A_1619 = arith.constant 6 : i32
      %eq3A_1620 = arith.cmpi eq, %arg1, %eq3A_1619 : i32
      %convert_element_type3A_1621 = arith.extui %eq3A_1620 : i1 to i32
      %cond3A_1622 = arith.constant 0 : i32
      %cond3A_1623 = arith.cmpi ne, %convert_element_type3A_1621, %cond3A_1622 : i32
      scf.if %cond3A_1623 {
        %dma_wait3A_2781 = arith.constant 0 : i32
        %dma_wait3A_2782 = arith.constant 0 : i32
        %dma_wait3A_2783 = tpu.memref_slice %arg11[%dma_wait3A_2782] : memref<1000000xf32, #tpu.memory_space<vmem_shared>> -> memref<124928xf32, #tpu.memory_space<vmem_shared>>
        %dma_wait3A_2784 = arith.constant 0 : i32
        %dma_wait3A_2785 = tpu.memref_slice %arg2[%dma_wait3A_2781, %dma_wait3A_2784] : memref<64x1000000xf32, #tpu.memory_space<hbm>> -> memref<1x124928xf32, #tpu.memory_space<hbm>>
        %dma_wait3A_2786 = tpu.memref_squeeze %dma_wait3A_2785 : memref<1x124928xf32, #tpu.memory_space<hbm>> -> memref<124928xf32, #tpu.memory_space<hbm>>
        tpu.wait_dma2 semaphore(%arg22 : memref<!tpu.dma_semaphore, #tpu.memory_space<semaphore_mem>>) src(%dma_wait3A_2786 : memref<124928xf32, #tpu.memory_space<hbm>>) dst(%dma_wait3A_2783 : memref<124928xf32, #tpu.memory_space<vmem_shared>>)
      } else {
      }
      %eq3A_1624 = arith.constant 7 : i32
      %eq3A_1625 = arith.cmpi eq, %arg1, %eq3A_1624 : i32
      %convert_element_type3A_1626 = arith.extui %eq3A_1625 : i1 to i32
      %cond3A_1627 = arith.constant 0 : i32
      %cond3A_1628 = arith.cmpi ne, %convert_element_type3A_1626, %cond3A_1627 : i32
      scf.if %cond3A_1628 {
        %dma_wait3A_2781 = arith.constant 0 : i32
        %dma_wait3A_2782 = arith.constant 0 : i32
        %dma_wait3A_2783 = tpu.memref_slice %arg11[%dma_wait3A_2782] : memref<1000000xf32, #tpu.memory_space<vmem_shared>> -> memref<124928xf32, #tpu.memory_space<vmem_shared>>
        %dma_wait3A_2784 = arith.constant 0 : i32
        %dma_wait3A_2785 = tpu.memref_slice %arg2[%dma_wait3A_2781, %dma_wait3A_2784] : memref<64x1000000xf32, #tpu.memory_space<hbm>> -> memref<1x124928xf32, #tpu.memory_space<hbm>>
        %dma_wait3A_2786 = tpu.memref_squeeze %dma_wait3A_2785 : memref<1x124928xf32, #tpu.memory_space<hbm>> -> memref<124928xf32, #tpu.memory_space<hbm>>
        tpu.wait_dma2 semaphore(%arg22 : memref<!tpu.dma_semaphore, #tpu.memory_space<semaphore_mem>>) src(%dma_wait3A_2786 : memref<124928xf32, #tpu.memory_space<hbm>>) dst(%dma_wait3A_2783 : memref<124928xf32, #tpu.memory_space<vmem_shared>>)
      } else {
      }
      %eq3A_1629 = arith.constant 8 : i32
      %eq3A_1630 = arith.cmpi eq, %arg1, %eq3A_1629 : i32
      %convert_element_type3A_1631 = arith.extui %eq3A_1630 : i1 to i32
      %cond3A_1632 = arith.constant 0 : i32
      %cond3A_1633 = arith.cmpi ne, %convert_element_type3A_1631, %cond3A_1632 : i32
      scf.if %cond3A_1633 {
        %dma_wait3A_2781 = arith.constant 0 : i32
        %dma_wait3A_2782 = arith.constant 0 : i32
        %dma_wait3A_2783 = tpu.memref_slice %arg11[%dma_wait3A_2782] : memref<1000000xf32, #tpu.memory_space<vmem_shared>> -> memref<512xf32, #tpu.memory_space<vmem_shared>>
        %dma_wait3A_2784 = arith.constant 0 : i32
        %dma_wait3A_2785 = tpu.memref_slice %arg2[%dma_wait3A_2781, %dma_wait3A_2784] : memref<64x1000000xf32, #tpu.memory_space<hbm>> -> memref<1x512xf32, #tpu.memory_space<hbm>>
        %dma_wait3A_2786 = tpu.memref_squeeze %dma_wait3A_2785 : memref<1x512xf32, #tpu.memory_space<hbm>> -> memref<512xf32, #tpu.memory_space<hbm>>
        tpu.wait_dma2 semaphore(%arg22 : memref<!tpu.dma_semaphore, #tpu.memory_space<semaphore_mem>>) src(%dma_wait3A_2786 : memref<512xf32, #tpu.memory_space<hbm>>) dst(%dma_wait3A_2783 : memref<512xf32, #tpu.memory_space<vmem_shared>>)
      } else {
      }
      %eq3A_1634 = arith.constant 9 : i32
      %eq3A_1635 = arith.cmpi eq, %arg1, %eq3A_1634 : i32
      %convert_element_type3A_1636 = arith.extui %eq3A_1635 : i1 to i32
      %cond3A_1637 = arith.constant 0 : i32
      %cond3A_1638 = arith.cmpi ne, %convert_element_type3A_1636, %cond3A_1637 : i32
      scf.if %cond3A_1638 {
        %dma_wait3A_2781 = arith.constant 0 : i32
        %dma_wait3A_2782 = arith.constant 0 : i32
        %dma_wait3A_2783 = tpu.memref_slice %arg3[%dma_wait3A_2781, %dma_wait3A_2782] : memref<64x1024xf32, #tpu.memory_space<hbm>> -> memref<1x1024xf32, #tpu.memory_space<hbm>>
        %dma_wait3A_2784 = tpu.memref_squeeze %dma_wait3A_2783 : memref<1x1024xf32, #tpu.memory_space<hbm>> -> memref<1024xf32, #tpu.memory_space<hbm>>
        tpu.wait_dma2 semaphore(%arg22 : memref<!tpu.dma_semaphore, #tpu.memory_space<semaphore_mem>>) src(%dma_wait3A_2784 : memref<1024xf32, #tpu.memory_space<hbm>>) dst(%arg13 : memref<1024xf32, #tpu.memory_space<vmem_shared>>)
      } else {
      }
      %eq3A_1639 = arith.constant 11 : i32
      %eq3A_1640 = arith.cmpi eq, %arg1, %eq3A_1639 : i32
      %convert_element_type3A_1641 = arith.extui %eq3A_1640 : i1 to i32
      %cond3A_1642 = arith.constant 0 : i32
      %cond3A_1643 = arith.cmpi ne, %convert_element_type3A_1641, %cond3A_1642 : i32
      scf.if %cond3A_1643 {
        %dma_wait3A_2781 = arith.constant 0 : i32
        %dma_wait3A_2782 = arith.constant 0 : i32
        %dma_wait3A_2783 = tpu.memref_slice %arg4[%dma_wait3A_2781, %dma_wait3A_2782] : memref<64x64xf32, #tpu.memory_space<hbm>> -> memref<1x64xf32, #tpu.memory_space<hbm>>
        %dma_wait3A_2784 = tpu.memref_squeeze %dma_wait3A_2783 : memref<1x64xf32, #tpu.memory_space<hbm>> -> memref<64xf32, #tpu.memory_space<hbm>>
        %dma_wait3A_2785 = arith.constant 0 : i32
        %dma_wait3A_2786 = tpu.memref_slice %arg4[%dma_wait3A_2781, %dma_wait3A_2785] : memref<64x64xf32, #tpu.memory_space<hbm>> -> memref<1x64xf32, #tpu.memory_space<hbm>>
        %dma_wait3A_2787 = tpu.memref_squeeze %dma_wait3A_2786 : memref<1x64xf32, #tpu.memory_space<hbm>> -> memref<64xf32, #tpu.memory_space<hbm>>
        tpu.wait_dma2 semaphore(%arg22 : memref<!tpu.dma_semaphore, #tpu.memory_space<semaphore_mem>>) src(%dma_wait3A_2787 : memref<64xf32, #tpu.memory_space<hbm>>) dst(%arg19 : memref<64xf32, #tpu.memory_space<vmem>>)
        "tpu.region"() ({
          %run_scoped3A = tpu.sem_alloc : memref<!tpu.dma_semaphore, #tpu.memory_space<semaphore_mem>>
          %dma_start3A_2788 = arith.constant 999936 : i32
          %dma_start3A_2789 = tpu.memref_slice %arg11[%dma_start3A_2788] : memref<1000000xf32, #tpu.memory_space<vmem_shared>> -> memref<64xf32, #tpu.memory_space<vmem_shared>>
          %dma_start3A_2790 = arith.constant 999936 : i32
          %dma_start3A_2791 = tpu.memref_slice %arg11[%dma_start3A_2790] : memref<1000000xf32, #tpu.memory_space<vmem_shared>> -> memref<64xf32, #tpu.memory_space<vmem_shared>>
          tpu.enqueue_dma source(%arg19 : memref<64xf32, #tpu.memory_space<vmem>>) target(%dma_start3A_2791 : memref<64xf32, #tpu.memory_space<vmem_shared>>) target_semaphore(%run_scoped3A : memref<!tpu.dma_semaphore, #tpu.memory_space<semaphore_mem>>)
          %dma_wait3A_2792 = arith.constant 999936 : i32
          %dma_wait3A_2793 = tpu.memref_slice %arg11[%dma_wait3A_2792] : memref<1000000xf32, #tpu.memory_space<vmem_shared>> -> memref<64xf32, #tpu.memory_space<vmem_shared>>
          %dma_wait3A_2794 = arith.constant 999936 : i32
          %dma_wait3A_2795 = tpu.memref_slice %arg11[%dma_wait3A_2794] : memref<1000000xf32, #tpu.memory_space<vmem_shared>> -> memref<64xf32, #tpu.memory_space<vmem_shared>>
          tpu.wait_dma2 semaphore(%run_scoped3A : memref<!tpu.dma_semaphore, #tpu.memory_space<semaphore_mem>>) src(%arg19 : memref<64xf32, #tpu.memory_space<vmem>>) dst(%dma_wait3A_2795 : memref<64xf32, #tpu.memory_space<vmem_shared>>)
          tpu.yield
        }) : () -> ()
      } else {
      }
      %barrier3A_1644 = arith.constant 0 : index
      tpu.barrier barrier_id(%barrier3A_1644)
      %dma_start3A_1645 = arith.constant 0 : i32
      %dma_start3A_1646 = tpu.memref_slice %arg17[%dma_start3A_1645] : memref<768xf32, #tpu.memory_space<vmem>> -> memref<128xf32, #tpu.memory_space<vmem>>
      %dma_start3A_1647 = arith.constant 0 : i32
      %dma_start3A_1648 = tpu.memref_slice %arg14[%dma_start3A_1647] : memref<1024xi32, #tpu.memory_space<vmem>> -> memref<128xi32, #tpu.memory_space<vmem>>
      %dma_start3A_1649 = arith.constant 0 : i32
      %dma_start3A_1650 = tpu.memref_slice %arg11[%dma_start3A_1649] : memref<1000000xf32, #tpu.memory_space<vmem_shared>> -> memref<1000000xf32, #tpu.memory_space<vmem_shared>>
      tpu.enqueue_indirect_dma source(%dma_start3A_1650 : memref<1000000xf32, #tpu.memory_space<vmem_shared>>) target(%dma_start3A_1646 : memref<128xf32, #tpu.memory_space<vmem>>) offsets(%dma_start3A_1648 : memref<128xi32, #tpu.memory_space<vmem>>) semaphore(%arg23 : memref<!tpu.dma_semaphore, #tpu.memory_space<semaphore_mem>>)
      %dma_start3A_1651 = arith.constant 128 : i32
      %dma_start3A_1652 = tpu.memref_slice %arg17[%dma_start3A_1651] : memref<768xf32, #tpu.memory_space<vmem>> -> memref<128xf32, #tpu.memory_space<vmem>>
      %dma_start3A_1653 = arith.constant 0 : i32
      %dma_start3A_1654 = tpu.memref_slice %arg15[%dma_start3A_1653] : memref<1024xi32, #tpu.memory_space<vmem>> -> memref<128xi32, #tpu.memory_space<vmem>>
      %dma_start3A_1655 = arith.constant 0 : i32
      %dma_start3A_1656 = tpu.memref_slice %arg11[%dma_start3A_1655] : memref<1000000xf32, #tpu.memory_space<vmem_shared>> -> memref<1000000xf32, #tpu.memory_space<vmem_shared>>
      tpu.enqueue_indirect_dma source(%dma_start3A_1656 : memref<1000000xf32, #tpu.memory_space<vmem_shared>>) target(%dma_start3A_1652 : memref<128xf32, #tpu.memory_space<vmem>>) offsets(%dma_start3A_1654 : memref<128xi32, #tpu.memory_space<vmem>>) semaphore(%arg23 : memref<!tpu.dma_semaphore, #tpu.memory_space<semaphore_mem>>)
      %dma_start3A_1657 = arith.constant 256 : i32
      %dma_start3A_1658 = tpu.memref_slice %arg17[%dma_start3A_1657] : memref<768xf32, #tpu.memory_space<vmem>> -> memref<128xf32, #tpu.memory_space<vmem>>
      %dma_start3A_1659 = arith.constant 0 : i32
      %dma_start3A_1660 = tpu.memref_slice %arg16[%dma_start3A_1659] : memref<1024xi32, #tpu.memory_space<vmem>> -> memref<128xi32, #tpu.memory_space<vmem>>
      %dma_start3A_1661 = arith.constant 0 : i32
      %dma_start3A_1662 = tpu.memref_slice %arg13[%dma_start3A_1661] : memref<1024xf32, #tpu.memory_space<vmem_shared>> -> memref<1024xf32, #tpu.memory_space<vmem_shared>>
      tpu.enqueue_indirect_dma source(%dma_start3A_1662 : memref<1024xf32, #tpu.memory_space<vmem_shared>>) target(%dma_start3A_1658 : memref<128xf32, #tpu.memory_space<vmem>>) offsets(%dma_start3A_1660 : memref<128xi32, #tpu.memory_space<vmem>>) semaphore(%arg23 : memref<!tpu.dma_semaphore, #tpu.memory_space<semaphore_mem>>)
      %dma_start3A_1663 = arith.constant 384 : i32
      %dma_start3A_1664 = tpu.memref_slice %arg17[%dma_start3A_1663] : memref<768xf32, #tpu.memory_space<vmem>> -> memref<128xf32, #tpu.memory_space<vmem>>
      %dma_start3A_1665 = arith.constant 128 : i32
      %dma_start3A_1666 = tpu.memref_slice %arg14[%dma_start3A_1665] : memref<1024xi32, #tpu.memory_space<vmem>> -> memref<128xi32, #tpu.memory_space<vmem>>
      %dma_start3A_1667 = arith.constant 0 : i32
      %dma_start3A_1668 = tpu.memref_slice %arg11[%dma_start3A_1667] : memref<1000000xf32, #tpu.memory_space<vmem_shared>> -> memref<1000000xf32, #tpu.memory_space<vmem_shared>>
      tpu.enqueue_indirect_dma source(%dma_start3A_1668 : memref<1000000xf32, #tpu.memory_space<vmem_shared>>) target(%dma_start3A_1664 : memref<128xf32, #tpu.memory_space<vmem>>) offsets(%dma_start3A_1666 : memref<128xi32, #tpu.memory_space<vmem>>) semaphore(%arg24 : memref<!tpu.dma_semaphore, #tpu.memory_space<semaphore_mem>>)
      %dma_start3A_1669 = arith.constant 512 : i32
      %dma_start3A_1670 = tpu.memref_slice %arg17[%dma_start3A_1669] : memref<768xf32, #tpu.memory_space<vmem>> -> memref<128xf32, #tpu.memory_space<vmem>>
      %dma_start3A_1671 = arith.constant 128 : i32
      %dma_start3A_1672 = tpu.memref_slice %arg15[%dma_start3A_1671] : memref<1024xi32, #tpu.memory_space<vmem>> -> memref<128xi32, #tpu.memory_space<vmem>>
      %dma_start3A_1673 = arith.constant 0 : i32
      %dma_start3A_1674 = tpu.memref_slice %arg11[%dma_start3A_1673] : memref<1000000xf32, #tpu.memory_space<vmem_shared>> -> memref<1000000xf32, #tpu.memory_space<vmem_shared>>
      tpu.enqueue_indirect_dma source(%dma_start3A_1674 : memref<1000000xf32, #tpu.memory_space<vmem_shared>>) target(%dma_start3A_1670 : memref<128xf32, #tpu.memory_space<vmem>>) offsets(%dma_start3A_1672 : memref<128xi32, #tpu.memory_space<vmem>>) semaphore(%arg24 : memref<!tpu.dma_semaphore, #tpu.memory_space<semaphore_mem>>)
      %dma_start3A_1675 = arith.constant 640 : i32
      %dma_start3A_1676 = tpu.memref_slice %arg17[%dma_start3A_1675] : memref<768xf32, #tpu.memory_space<vmem>> -> memref<128xf32, #tpu.memory_space<vmem>>
      %dma_start3A_1677 = arith.constant 128 : i32
      %dma_start3A_1678 = tpu.memref_slice %arg16[%dma_start3A_1677] : memref<1024xi32, #tpu.memory_space<vmem>> -> memref<128xi32, #tpu.memory_space<vmem>>
      %dma_start3A_1679 = arith.constant 0 : i32
      %dma_start3A_1680 = tpu.memref_slice %arg13[%dma_start3A_1679] : memref<1024xf32, #tpu.memory_space<vmem_shared>> -> memref<1024xf32, #tpu.memory_space<vmem_shared>>
      tpu.enqueue_indirect_dma source(%dma_start3A_1680 : memref<1024xf32, #tpu.memory_space<vmem_shared>>) target(%dma_start3A_1676 : memref<128xf32, #tpu.memory_space<vmem>>) offsets(%dma_start3A_1678 : memref<128xi32, #tpu.memory_space<vmem>>) semaphore(%arg24 : memref<!tpu.dma_semaphore, #tpu.memory_space<semaphore_mem>>)
      %dma_wait3A_1681 = arith.constant 0 : i32
      %dma_wait3A_1682 = arith.constant 0 : i32
      %dma_wait3A_1683 = tpu.memref_slice %arg17[%dma_wait3A_1682] : memref<768xf32, #tpu.memory_space<vmem>> -> memref<384xf32, #tpu.memory_space<vmem>>
      %dma_wait3A_1684 = arith.constant 0 : i32
      %dma_wait3A_1685 = tpu.memref_slice %arg2[%dma_wait3A_1681, %dma_wait3A_1684] : memref<64x1000000xf32, #tpu.memory_space<hbm>> -> memref<1x384xf32, #tpu.memory_space<hbm>>
      %dma_wait3A_1686 = tpu.memref_squeeze %dma_wait3A_1685 : memref<1x384xf32, #tpu.memory_space<hbm>> -> memref<384xf32, #tpu.memory_space<hbm>>
      %dma_wait3A_1687 = arith.constant 0 : i32
      %dma_wait3A_1688 = tpu.memref_slice %arg17[%dma_wait3A_1687] : memref<768xf32, #tpu.memory_space<vmem>> -> memref<384xf32, #tpu.memory_space<vmem>>
      %dma_wait3A_1689 = arith.constant 0 : i32
      %dma_wait3A_1690 = tpu.memref_slice %arg2[%dma_wait3A_1681, %dma_wait3A_1689] : memref<64x1000000xf32, #tpu.memory_space<hbm>> -> memref<1x384xf32, #tpu.memory_space<hbm>>
      %dma_wait3A_1691 = tpu.memref_squeeze %dma_wait3A_1690 : memref<1x384xf32, #tpu.memory_space<hbm>> -> memref<384xf32, #tpu.memory_space<hbm>>
      tpu.wait_dma2 semaphore(%arg23 : memref<!tpu.dma_semaphore, #tpu.memory_space<semaphore_mem>>) src(%dma_wait3A_1691 : memref<384xf32, #tpu.memory_space<hbm>>) dst(%dma_wait3A_1688 : memref<384xf32, #tpu.memory_space<vmem>>)
      %get3A_1692 = arith.constant 0 : index
      %get3A_1693 = tpu.vector_load %arg17[%get3A_1692] {strides = array<i32>} : memref<768xf32, #tpu.memory_space<vmem>>, vector<16xf32>,
      %get3A_1694 = arith.constant 128 : index
      %get3A_1695 = tpu.vector_load %arg17[%get3A_1694] {strides = array<i32>} : memref<768xf32, #tpu.memory_space<vmem>>, vector<16xf32>,
      %get3A_1696 = arith.constant 256 : index
      %get3A_1697 = tpu.vector_load %arg17[%get3A_1696] {strides = array<i32>} : memref<768xf32, #tpu.memory_space<vmem>>, vector<16xf32>,
      %add3A_1698 = arith.addf %get3A_1693, %get3A_1697 : vector<16xf32>
      %sub3A_1699 = arith.subf %add3A_1698, %get3A_1695 : vector<16xf32>
      %get3A_1700 = arith.constant 0 : index
      %get3A_1701 = tpu.vector_load %arg20[%get3A_1700] {strides = array<i32>} : memref<1024xf32, #tpu.memory_space<vmem>>, vector<16xf32>,
      %mul3A_1702 = arith.mulf %sub3A_1699, %sub3A_1699 : vector<16xf32>
      %add3A_1703 = arith.addf %get3A_1701, %mul3A_1702 : vector<16xf32>
      %swap3A_1704 = arith.constant 0 : index
      %swap3A_1705 = tpu.vector_load %arg20[%swap3A_1704] {strides = array<i32>} : memref<1024xf32, #tpu.memory_space<vmem>>, vector<16xf32>,
      tpu.vector_store %arg20[%swap3A_1704], %add3A_1703 {strides = array<i32>} : memref<1024xf32, #tpu.memory_space<vmem>>, vector<16xf32>,
      %get3A_1706 = arith.constant 16 : index
      %get3A_1707 = tpu.vector_load %arg17[%get3A_1706] {strides = array<i32>} : memref<768xf32, #tpu.memory_space<vmem>>, vector<16xf32>,
      %get3A_1708 = arith.constant 144 : index
      %get3A_1709 = tpu.vector_load %arg17[%get3A_1708] {strides = array<i32>} : memref<768xf32, #tpu.memory_space<vmem>>, vector<16xf32>,
      %get3A_1710 = arith.constant 272 : index
      %get3A_1711 = tpu.vector_load %arg17[%get3A_1710] {strides = array<i32>} : memref<768xf32, #tpu.memory_space<vmem>>, vector<16xf32>,
      %add3A_1712 = arith.addf %get3A_1707, %get3A_1711 : vector<16xf32>
      %sub3A_1713 = arith.subf %add3A_1712, %get3A_1709 : vector<16xf32>
      %get3A_1714 = arith.constant 16 : index
      %get3A_1715 = tpu.vector_load %arg20[%get3A_1714] {strides = array<i32>} : memref<1024xf32, #tpu.memory_space<vmem>>, vector<16xf32>,
      %mul3A_1716 = arith.mulf %sub3A_1713, %sub3A_1713 : vector<16xf32>
      %add3A_1717 = arith.addf %get3A_1715, %mul3A_1716 : vector<16xf32>
      %swap3A_1718 = arith.constant 16 : index
      %swap3A_1719 = tpu.vector_load %arg20[%swap3A_1718] {strides = array<i32>} : memref<1024xf32, #tpu.memory_space<vmem>>, vector<16xf32>,
      tpu.vector_store %arg20[%swap3A_1718], %add3A_1717 {strides = array<i32>} : memref<1024xf32, #tpu.memory_space<vmem>>, vector<16xf32>,
      %get3A_1720 = arith.constant 32 : index
      %get3A_1721 = tpu.vector_load %arg17[%get3A_1720] {strides = array<i32>} : memref<768xf32, #tpu.memory_space<vmem>>, vector<16xf32>,
      %get3A_1722 = arith.constant 160 : index
      %get3A_1723 = tpu.vector_load %arg17[%get3A_1722] {strides = array<i32>} : memref<768xf32, #tpu.memory_space<vmem>>, vector<16xf32>,
      %get3A_1724 = arith.constant 288 : index
      %get3A_1725 = tpu.vector_load %arg17[%get3A_1724] {strides = array<i32>} : memref<768xf32, #tpu.memory_space<vmem>>, vector<16xf32>,
      %add3A_1726 = arith.addf %get3A_1721, %get3A_1725 : vector<16xf32>
      %sub3A_1727 = arith.subf %add3A_1726, %get3A_1723 : vector<16xf32>
      %get3A_1728 = arith.constant 32 : index
      %get3A_1729 = tpu.vector_load %arg20[%get3A_1728] {strides = array<i32>} : memref<1024xf32, #tpu.memory_space<vmem>>, vector<16xf32>,
      %mul3A_1730 = arith.mulf %sub3A_1727, %sub3A_1727 : vector<16xf32>
      %add3A_1731 = arith.addf %get3A_1729, %mul3A_1730 : vector<16xf32>
      %swap3A_1732 = arith.constant 32 : index
      %swap3A_1733 = tpu.vector_load %arg20[%swap3A_1732] {strides = array<i32>} : memref<1024xf32, #tpu.memory_space<vmem>>, vector<16xf32>,
      tpu.vector_store %arg20[%swap3A_1732], %add3A_1731 {strides = array<i32>} : memref<1024xf32, #tpu.memory_space<vmem>>, vector<16xf32>,
      %get3A_1734 = arith.constant 48 : index
      %get3A_1735 = tpu.vector_load %arg17[%get3A_1734] {strides = array<i32>} : memref<768xf32, #tpu.memory_space<vmem>>, vector<16xf32>,
      %get3A_1736 = arith.constant 176 : index
      %get3A_1737 = tpu.vector_load %arg17[%get3A_1736] {strides = array<i32>} : memref<768xf32, #tpu.memory_space<vmem>>, vector<16xf32>,
      %get3A_1738 = arith.constant 304 : index
      %get3A_1739 = tpu.vector_load %arg17[%get3A_1738] {strides = array<i32>} : memref<768xf32, #tpu.memory_space<vmem>>, vector<16xf32>,
      %add3A_1740 = arith.addf %get3A_1735, %get3A_1739 : vector<16xf32>
      %sub3A_1741 = arith.subf %add3A_1740, %get3A_1737 : vector<16xf32>
      %get3A_1742 = arith.constant 48 : index
      %get3A_1743 = tpu.vector_load %arg20[%get3A_1742] {strides = array<i32>} : memref<1024xf32, #tpu.memory_space<vmem>>, vector<16xf32>,
      %mul3A_1744 = arith.mulf %sub3A_1741, %sub3A_1741 : vector<16xf32>
      %add3A_1745 = arith.addf %get3A_1743, %mul3A_1744 : vector<16xf32>
      %swap3A_1746 = arith.constant 48 : index
      %swap3A_1747 = tpu.vector_load %arg20[%swap3A_1746] {strides = array<i32>} : memref<1024xf32, #tpu.memory_space<vmem>>, vector<16xf32>,
      tpu.vector_store %arg20[%swap3A_1746], %add3A_1745 {strides = array<i32>} : memref<1024xf32, #tpu.memory_space<vmem>>, vector<16xf32>,
      %get3A_1748 = arith.constant 64 : index
      %get3A_1749 = tpu.vector_load %arg17[%get3A_1748] {strides = array<i32>} : memref<768xf32, #tpu.memory_space<vmem>>, vector<16xf32>,
      %get3A_1750 = arith.constant 192 : index
      %get3A_1751 = tpu.vector_load %arg17[%get3A_1750] {strides = array<i32>} : memref<768xf32, #tpu.memory_space<vmem>>, vector<16xf32>,
      %get3A_1752 = arith.constant 320 : index
      %get3A_1753 = tpu.vector_load %arg17[%get3A_1752] {strides = array<i32>} : memref<768xf32, #tpu.memory_space<vmem>>, vector<16xf32>,
      %add3A_1754 = arith.addf %get3A_1749, %get3A_1753 : vector<16xf32>
      %sub3A_1755 = arith.subf %add3A_1754, %get3A_1751 : vector<16xf32>
      %get3A_1756 = arith.constant 64 : index
      %get3A_1757 = tpu.vector_load %arg20[%get3A_1756] {strides = array<i32>} : memref<1024xf32, #tpu.memory_space<vmem>>, vector<16xf32>,
      %mul3A_1758 = arith.mulf %sub3A_1755, %sub3A_1755 : vector<16xf32>
      %add3A_1759 = arith.addf %get3A_1757, %mul3A_1758 : vector<16xf32>
      %swap3A_1760 = arith.constant 64 : index
      %swap3A_1761 = tpu.vector_load %arg20[%swap3A_1760] {strides = array<i32>} : memref<1024xf32, #tpu.memory_space<vmem>>, vector<16xf32>,
      tpu.vector_store %arg20[%swap3A_1760], %add3A_1759 {strides = array<i32>} : memref<1024xf32, #tpu.memory_space<vmem>>, vector<16xf32>,
      %get3A_1762 = arith.constant 80 : index
      %get3A_1763 = tpu.vector_load %arg17[%get3A_1762] {strides = array<i32>} : memref<768xf32, #tpu.memory_space<vmem>>, vector<16xf32>,
      %get3A_1764 = arith.constant 208 : index
      %get3A_1765 = tpu.vector_load %arg17[%get3A_1764] {strides = array<i32>} : memref<768xf32, #tpu.memory_space<vmem>>, vector<16xf32>,
      %get3A_1766 = arith.constant 336 : index
      %get3A_1767 = tpu.vector_load %arg17[%get3A_1766] {strides = array<i32>} : memref<768xf32, #tpu.memory_space<vmem>>, vector<16xf32>,
      %add3A_1768 = arith.addf %get3A_1763, %get3A_1767 : vector<16xf32>
      %sub3A_1769 = arith.subf %add3A_1768, %get3A_1765 : vector<16xf32>
      %get3A_1770 = arith.constant 80 : index
      %get3A_1771 = tpu.vector_load %arg20[%get3A_1770] {strides = array<i32>} : memref<1024xf32, #tpu.memory_space<vmem>>, vector<16xf32>,
      %mul3A_1772 = arith.mulf %sub3A_1769, %sub3A_1769 : vector<16xf32>
      %add3A_1773 = arith.addf %get3A_1771, %mul3A_1772 : vector<16xf32>
      %swap3A_1774 = arith.constant 80 : index
      %swap3A_1775 = tpu.vector_load %arg20[%swap3A_1774] {strides = array<i32>} : memref<1024xf32, #tpu.memory_space<vmem>>, vector<16xf32>,
      tpu.vector_store %arg20[%swap3A_1774], %add3A_1773 {strides = array<i32>} : memref<1024xf32, #tpu.memory_space<vmem>>, vector<16xf32>,
      %get3A_1776 = arith.constant 96 : index
      %get3A_1777 = tpu.vector_load %arg17[%get3A_1776] {strides = array<i32>} : memref<768xf32, #tpu.memory_space<vmem>>, vector<16xf32>,
      %get3A_1778 = arith.constant 224 : index
      %get3A_1779 = tpu.vector_load %arg17[%get3A_1778] {strides = array<i32>} : memref<768xf32, #tpu.memory_space<vmem>>, vector<16xf32>,
      %get3A_1780 = arith.constant 352 : index
      %get3A_1781 = tpu.vector_load %arg17[%get3A_1780] {strides = array<i32>} : memref<768xf32, #tpu.memory_space<vmem>>, vector<16xf32>,
      %add3A_1782 = arith.addf %get3A_1777, %get3A_1781 : vector<16xf32>
      %sub3A_1783 = arith.subf %add3A_1782, %get3A_1779 : vector<16xf32>
      %get3A_1784 = arith.constant 96 : index
      %get3A_1785 = tpu.vector_load %arg20[%get3A_1784] {strides = array<i32>} : memref<1024xf32, #tpu.memory_space<vmem>>, vector<16xf32>,
      %mul3A_1786 = arith.mulf %sub3A_1783, %sub3A_1783 : vector<16xf32>
      %add3A_1787 = arith.addf %get3A_1785, %mul3A_1786 : vector<16xf32>
      %swap3A_1788 = arith.constant 96 : index
      %swap3A_1789 = tpu.vector_load %arg20[%swap3A_1788] {strides = array<i32>} : memref<1024xf32, #tpu.memory_space<vmem>>, vector<16xf32>,
      tpu.vector_store %arg20[%swap3A_1788], %add3A_1787 {strides = array<i32>} : memref<1024xf32, #tpu.memory_space<vmem>>, vector<16xf32>,
      %get3A_1790 = arith.constant 112 : index
      %get3A_1791 = tpu.vector_load %arg17[%get3A_1790] {strides = array<i32>} : memref<768xf32, #tpu.memory_space<vmem>>, vector<16xf32>,
      %get3A_1792 = arith.constant 240 : index
      %get3A_1793 = tpu.vector_load %arg17[%get3A_1792] {strides = array<i32>} : memref<768xf32, #tpu.memory_space<vmem>>, vector<16xf32>,
      %get3A_1794 = arith.constant 368 : index
      %get3A_1795 = tpu.vector_load %arg17[%get3A_1794] {strides = array<i32>} : memref<768xf32, #tpu.memory_space<vmem>>, vector<16xf32>,
      %add3A_1796 = arith.addf %get3A_1791, %get3A_1795 : vector<16xf32>
      %sub3A_1797 = arith.subf %add3A_1796, %get3A_1793 : vector<16xf32>
      %get3A_1798 = arith.constant 112 : index
      %get3A_1799 = tpu.vector_load %arg20[%get3A_1798] {strides = array<i32>} : memref<1024xf32, #tpu.memory_space<vmem>>, vector<16xf32>,
      %mul3A_1800 = arith.mulf %sub3A_1797, %sub3A_1797 : vector<16xf32>
      %add3A_1801 = arith.addf %get3A_1799, %mul3A_1800 : vector<16xf32>
      %swap3A_1802 = arith.constant 112 : index
      %swap3A_1803 = tpu.vector_load %arg20[%swap3A_1802] {strides = array<i32>} : memref<1024xf32, #tpu.memory_space<vmem>>, vector<16xf32>,
      tpu.vector_store %arg20[%swap3A_1802], %add3A_1801 {strides = array<i32>} : memref<1024xf32, #tpu.memory_space<vmem>>, vector<16xf32>,
      %dma_start3A_1804 = arith.constant 0 : i32
      %dma_start3A_1805 = tpu.memref_slice %arg17[%dma_start3A_1804] : memref<768xf32, #tpu.memory_space<vmem>> -> memref<128xf32, #tpu.memory_space<vmem>>
      %dma_start3A_1806 = arith.constant 256 : i32
      %dma_start3A_1807 = tpu.memref_slice %arg14[%dma_start3A_1806] : memref<1024xi32, #tpu.memory_space<vmem>> -> memref<128xi32, #tpu.memory_space<vmem>>
      %dma_start3A_1808 = arith.constant 0 : i32
      %dma_start3A_1809 = tpu.memref_slice %arg11[%dma_start3A_1808] : memref<1000000xf32, #tpu.memory_space<vmem_shared>> -> memref<1000000xf32, #tpu.memory_space<vmem_shared>>
      tpu.enqueue_indirect_dma source(%dma_start3A_1809 : memref<1000000xf32, #tpu.memory_space<vmem_shared>>) target(%dma_start3A_1805 : memref<128xf32, #tpu.memory_space<vmem>>) offsets(%dma_start3A_1807 : memref<128xi32, #tpu.memory_space<vmem>>) semaphore(%arg23 : memref<!tpu.dma_semaphore, #tpu.memory_space<semaphore_mem>>)
      %dma_start3A_1810 = arith.constant 128 : i32
      %dma_start3A_1811 = tpu.memref_slice %arg17[%dma_start3A_1810] : memref<768xf32, #tpu.memory_space<vmem>> -> memref<128xf32, #tpu.memory_space<vmem>>
      %dma_start3A_1812 = arith.constant 256 : i32
      %dma_start3A_1813 = tpu.memref_slice %arg15[%dma_start3A_1812] : memref<1024xi32, #tpu.memory_space<vmem>> -> memref<128xi32, #tpu.memory_space<vmem>>
      %dma_start3A_1814 = arith.constant 0 : i32
      %dma_start3A_1815 = tpu.memref_slice %arg11[%dma_start3A_1814] : memref<1000000xf32, #tpu.memory_space<vmem_shared>> -> memref<1000000xf32, #tpu.memory_space<vmem_shared>>
      tpu.enqueue_indirect_dma source(%dma_start3A_1815 : memref<1000000xf32, #tpu.memory_space<vmem_shared>>) target(%dma_start3A_1811 : memref<128xf32, #tpu.memory_space<vmem>>) offsets(%dma_start3A_1813 : memref<128xi32, #tpu.memory_space<vmem>>) semaphore(%arg23 : memref<!tpu.dma_semaphore, #tpu.memory_space<semaphore_mem>>)
      %dma_start3A_1816 = arith.constant 256 : i32
      %dma_start3A_1817 = tpu.memref_slice %arg17[%dma_start3A_1816] : memref<768xf32, #tpu.memory_space<vmem>> -> memref<128xf32, #tpu.memory_space<vmem>>
      %dma_start3A_1818 = arith.constant 256 : i32
      %dma_start3A_1819 = tpu.memref_slice %arg16[%dma_start3A_1818] : memref<1024xi32, #tpu.memory_space<vmem>> -> memref<128xi32, #tpu.memory_space<vmem>>
      %dma_start3A_1820 = arith.constant 0 : i32
      %dma_start3A_1821 = tpu.memref_slice %arg13[%dma_start3A_1820] : memref<1024xf32, #tpu.memory_space<vmem_shared>> -> memref<1024xf32, #tpu.memory_space<vmem_shared>>
      tpu.enqueue_indirect_dma source(%dma_start3A_1821 : memref<1024xf32, #tpu.memory_space<vmem_shared>>) target(%dma_start3A_1817 : memref<128xf32, #tpu.memory_space<vmem>>) offsets(%dma_start3A_1819 : memref<128xi32, #tpu.memory_space<vmem>>) semaphore(%arg23 : memref<!tpu.dma_semaphore, #tpu.memory_space<semaphore_mem>>)
      %dma_wait3A_1822 = arith.constant 0 : i32
      %dma_wait3A_1823 = arith.constant 384 : i32
      %dma_wait3A_1824 = tpu.memref_slice %arg17[%dma_wait3A_1823] : memref<768xf32, #tpu.memory_space<vmem>> -> memref<384xf32, #tpu.memory_space<vmem>>
      %dma_wait3A_1825 = arith.constant 0 : i32
      %dma_wait3A_1826 = tpu.memref_slice %arg2[%dma_wait3A_1822, %dma_wait3A_1825] : memref<64x1000000xf32, #tpu.memory_space<hbm>> -> memref<1x384xf32, #tpu.memory_space<hbm>>
      %dma_wait3A_1827 = tpu.memref_squeeze %dma_wait3A_1826 : memref<1x384xf32, #tpu.memory_space<hbm>> -> memref<384xf32, #tpu.memory_space<hbm>>
      %dma_wait3A_1828 = arith.constant 384 : i32
      %dma_wait3A_1829 = tpu.memref_slice %arg17[%dma_wait3A_1828] : memref<768xf32, #tpu.memory_space<vmem>> -> memref<384xf32, #tpu.memory_space<vmem>>
      %dma_wait3A_1830 = arith.constant 0 : i32
      %dma_wait3A_1831 = tpu.memref_slice %arg2[%dma_wait3A_1822, %dma_wait3A_1830] : memref<64x1000000xf32, #tpu.memory_space<hbm>> -> memref<1x384xf32, #tpu.memory_space<hbm>>
      %dma_wait3A_1832 = tpu.memref_squeeze %dma_wait3A_1831 : memref<1x384xf32, #tpu.memory_space<hbm>> -> memref<384xf32, #tpu.memory_space<hbm>>
      tpu.wait_dma2 semaphore(%arg24 : memref<!tpu.dma_semaphore, #tpu.memory_space<semaphore_mem>>) src(%dma_wait3A_1832 : memref<384xf32, #tpu.memory_space<hbm>>) dst(%dma_wait3A_1829 : memref<384xf32, #tpu.memory_space<vmem>>)
      %get3A_1833 = arith.constant 384 : index
      %get3A_1834 = tpu.vector_load %arg17[%get3A_1833] {strides = array<i32>} : memref<768xf32, #tpu.memory_space<vmem>>, vector<16xf32>,
      %get3A_1835 = arith.constant 512 : index
      %get3A_1836 = tpu.vector_load %arg17[%get3A_1835] {strides = array<i32>} : memref<768xf32, #tpu.memory_space<vmem>>, vector<16xf32>,
      %get3A_1837 = arith.constant 640 : index
      %get3A_1838 = tpu.vector_load %arg17[%get3A_1837] {strides = array<i32>} : memref<768xf32, #tpu.memory_space<vmem>>, vector<16xf32>,
      %add3A_1839 = arith.addf %get3A_1834, %get3A_1838 : vector<16xf32>
      %sub3A_1840 = arith.subf %add3A_1839, %get3A_1836 : vector<16xf32>
      %get3A_1841 = arith.constant 128 : index
      %get3A_1842 = tpu.vector_load %arg20[%get3A_1841] {strides = array<i32>} : memref<1024xf32, #tpu.memory_space<vmem>>, vector<16xf32>,
      %mul3A_1843 = arith.mulf %sub3A_1840, %sub3A_1840 : vector<16xf32>
      %add3A_1844 = arith.addf %get3A_1842, %mul3A_1843 : vector<16xf32>
      %swap3A_1845 = arith.constant 128 : index
      %swap3A_1846 = tpu.vector_load %arg20[%swap3A_1845] {strides = array<i32>} : memref<1024xf32, #tpu.memory_space<vmem>>, vector<16xf32>,
      tpu.vector_store %arg20[%swap3A_1845], %add3A_1844 {strides = array<i32>} : memref<1024xf32, #tpu.memory_space<vmem>>, vector<16xf32>,
      %get3A_1847 = arith.constant 400 : index
      %get3A_1848 = tpu.vector_load %arg17[%get3A_1847] {strides = array<i32>} : memref<768xf32, #tpu.memory_space<vmem>>, vector<16xf32>,
      %get3A_1849 = arith.constant 528 : index
      %get3A_1850 = tpu.vector_load %arg17[%get3A_1849] {strides = array<i32>} : memref<768xf32, #tpu.memory_space<vmem>>, vector<16xf32>,
      %get3A_1851 = arith.constant 656 : index
      %get3A_1852 = tpu.vector_load %arg17[%get3A_1851] {strides = array<i32>} : memref<768xf32, #tpu.memory_space<vmem>>, vector<16xf32>,
      %add3A_1853 = arith.addf %get3A_1848, %get3A_1852 : vector<16xf32>
      %sub3A_1854 = arith.subf %add3A_1853, %get3A_1850 : vector<16xf32>
      %get3A_1855 = arith.constant 144 : index
      %get3A_1856 = tpu.vector_load %arg20[%get3A_1855] {strides = array<i32>} : memref<1024xf32, #tpu.memory_space<vmem>>, vector<16xf32>,
      %mul3A_1857 = arith.mulf %sub3A_1854, %sub3A_1854 : vector<16xf32>
      %add3A_1858 = arith.addf %get3A_1856, %mul3A_1857 : vector<16xf32>
      %swap3A_1859 = arith.constant 144 : index
      %swap3A_1860 = tpu.vector_load %arg20[%swap3A_1859] {strides = array<i32>} : memref<1024xf32, #tpu.memory_space<vmem>>, vector<16xf32>,
      tpu.vector_store %arg20[%swap3A_1859], %add3A_1858 {strides = array<i32>} : memref<1024xf32, #tpu.memory_space<vmem>>, vector<16xf32>,
      %get3A_1861 = arith.constant 416 : index
      %get3A_1862 = tpu.vector_load %arg17[%get3A_1861] {strides = array<i32>} : memref<768xf32, #tpu.memory_space<vmem>>, vector<16xf32>,
      %get3A_1863 = arith.constant 544 : index
      %get3A_1864 = tpu.vector_load %arg17[%get3A_1863] {strides = array<i32>} : memref<768xf32, #tpu.memory_space<vmem>>, vector<16xf32>,
      %get3A_1865 = arith.constant 672 : index
      %get3A_1866 = tpu.vector_load %arg17[%get3A_1865] {strides = array<i32>} : memref<768xf32, #tpu.memory_space<vmem>>, vector<16xf32>,
      %add3A_1867 = arith.addf %get3A_1862, %get3A_1866 : vector<16xf32>
      %sub3A_1868 = arith.subf %add3A_1867, %get3A_1864 : vector<16xf32>
      %get3A_1869 = arith.constant 160 : index
      %get3A_1870 = tpu.vector_load %arg20[%get3A_1869] {strides = array<i32>} : memref<1024xf32, #tpu.memory_space<vmem>>, vector<16xf32>,
      %mul3A_1871 = arith.mulf %sub3A_1868, %sub3A_1868 : vector<16xf32>
      %add3A_1872 = arith.addf %get3A_1870, %mul3A_1871 : vector<16xf32>
      %swap3A_1873 = arith.constant 160 : index
      %swap3A_1874 = tpu.vector_load %arg20[%swap3A_1873] {strides = array<i32>} : memref<1024xf32, #tpu.memory_space<vmem>>, vector<16xf32>,
      tpu.vector_store %arg20[%swap3A_1873], %add3A_1872 {strides = array<i32>} : memref<1024xf32, #tpu.memory_space<vmem>>, vector<16xf32>,
      %get3A_1875 = arith.constant 432 : index
      %get3A_1876 = tpu.vector_load %arg17[%get3A_1875] {strides = array<i32>} : memref<768xf32, #tpu.memory_space<vmem>>, vector<16xf32>,
      %get3A_1877 = arith.constant 560 : index
      %get3A_1878 = tpu.vector_load %arg17[%get3A_1877] {strides = array<i32>} : memref<768xf32, #tpu.memory_space<vmem>>, vector<16xf32>,
      %get3A_1879 = arith.constant 688 : index
      %get3A_1880 = tpu.vector_load %arg17[%get3A_1879] {strides = array<i32>} : memref<768xf32, #tpu.memory_space<vmem>>, vector<16xf32>,
      %add3A_1881 = arith.addf %get3A_1876, %get3A_1880 : vector<16xf32>
      %sub3A_1882 = arith.subf %add3A_1881, %get3A_1878 : vector<16xf32>
      %get3A_1883 = arith.constant 176 : index
      %get3A_1884 = tpu.vector_load %arg20[%get3A_1883] {strides = array<i32>} : memref<1024xf32, #tpu.memory_space<vmem>>, vector<16xf32>,
      %mul3A_1885 = arith.mulf %sub3A_1882, %sub3A_1882 : vector<16xf32>
      %add3A_1886 = arith.addf %get3A_1884, %mul3A_1885 : vector<16xf32>
      %swap3A_1887 = arith.constant 176 : index
      %swap3A_1888 = tpu.vector_load %arg20[%swap3A_1887] {strides = array<i32>} : memref<1024xf32, #tpu.memory_space<vmem>>, vector<16xf32>,
      tpu.vector_store %arg20[%swap3A_1887], %add3A_1886 {strides = array<i32>} : memref<1024xf32, #tpu.memory_space<vmem>>, vector<16xf32>,
      %get3A_1889 = arith.constant 448 : index
      %get3A_1890 = tpu.vector_load %arg17[%get3A_1889] {strides = array<i32>} : memref<768xf32, #tpu.memory_space<vmem>>, vector<16xf32>,
      %get3A_1891 = arith.constant 576 : index
      %get3A_1892 = tpu.vector_load %arg17[%get3A_1891] {strides = array<i32>} : memref<768xf32, #tpu.memory_space<vmem>>, vector<16xf32>,
      %get3A_1893 = arith.constant 704 : index
      %get3A_1894 = tpu.vector_load %arg17[%get3A_1893] {strides = array<i32>} : memref<768xf32, #tpu.memory_space<vmem>>, vector<16xf32>,
      %add3A_1895 = arith.addf %get3A_1890, %get3A_1894 : vector<16xf32>
      %sub3A_1896 = arith.subf %add3A_1895, %get3A_1892 : vector<16xf32>
      %get3A_1897 = arith.constant 192 : index
      %get3A_1898 = tpu.vector_load %arg20[%get3A_1897] {strides = array<i32>} : memref<1024xf32, #tpu.memory_space<vmem>>, vector<16xf32>,
      %mul3A_1899 = arith.mulf %sub3A_1896, %sub3A_1896 : vector<16xf32>
      %add3A_1900 = arith.addf %get3A_1898, %mul3A_1899 : vector<16xf32>
      %swap3A_1901 = arith.constant 192 : index
      %swap3A_1902 = tpu.vector_load %arg20[%swap3A_1901] {strides = array<i32>} : memref<1024xf32, #tpu.memory_space<vmem>>, vector<16xf32>,
      tpu.vector_store %arg20[%swap3A_1901], %add3A_1900 {strides = array<i32>} : memref<1024xf32, #tpu.memory_space<vmem>>, vector<16xf32>,
      %get3A_1903 = arith.constant 464 : index
      %get3A_1904 = tpu.vector_load %arg17[%get3A_1903] {strides = array<i32>} : memref<768xf32, #tpu.memory_space<vmem>>, vector<16xf32>,
      %get3A_1905 = arith.constant 592 : index
      %get3A_1906 = tpu.vector_load %arg17[%get3A_1905] {strides = array<i32>} : memref<768xf32, #tpu.memory_space<vmem>>, vector<16xf32>,
      %get3A_1907 = arith.constant 720 : index
      %get3A_1908 = tpu.vector_load %arg17[%get3A_1907] {strides = array<i32>} : memref<768xf32, #tpu.memory_space<vmem>>, vector<16xf32>,
      %add3A_1909 = arith.addf %get3A_1904, %get3A_1908 : vector<16xf32>
      %sub3A_1910 = arith.subf %add3A_1909, %get3A_1906 : vector<16xf32>
      %get3A_1911 = arith.constant 208 : index
      %get3A_1912 = tpu.vector_load %arg20[%get3A_1911] {strides = array<i32>} : memref<1024xf32, #tpu.memory_space<vmem>>, vector<16xf32>,
      %mul3A_1913 = arith.mulf %sub3A_1910, %sub3A_1910 : vector<16xf32>
      %add3A_1914 = arith.addf %get3A_1912, %mul3A_1913 : vector<16xf32>
      %swap3A_1915 = arith.constant 208 : index
      %swap3A_1916 = tpu.vector_load %arg20[%swap3A_1915] {strides = array<i32>} : memref<1024xf32, #tpu.memory_space<vmem>>, vector<16xf32>,
      tpu.vector_store %arg20[%swap3A_1915], %add3A_1914 {strides = array<i32>} : memref<1024xf32, #tpu.memory_space<vmem>>, vector<16xf32>,
      %get3A_1917 = arith.constant 480 : index
      %get3A_1918 = tpu.vector_load %arg17[%get3A_1917] {strides = array<i32>} : memref<768xf32, #tpu.memory_space<vmem>>, vector<16xf32>,
      %get3A_1919 = arith.constant 608 : index
      %get3A_1920 = tpu.vector_load %arg17[%get3A_1919] {strides = array<i32>} : memref<768xf32, #tpu.memory_space<vmem>>, vector<16xf32>,
      %get3A_1921 = arith.constant 736 : index
      %get3A_1922 = tpu.vector_load %arg17[%get3A_1921] {strides = array<i32>} : memref<768xf32, #tpu.memory_space<vmem>>, vector<16xf32>,
      %add3A_1923 = arith.addf %get3A_1918, %get3A_1922 : vector<16xf32>
      %sub3A_1924 = arith.subf %add3A_1923, %get3A_1920 : vector<16xf32>
      %get3A_1925 = arith.constant 224 : index
      %get3A_1926 = tpu.vector_load %arg20[%get3A_1925] {strides = array<i32>} : memref<1024xf32, #tpu.memory_space<vmem>>, vector<16xf32>,
      %mul3A_1927 = arith.mulf %sub3A_1924, %sub3A_1924 : vector<16xf32>
      %add3A_1928 = arith.addf %get3A_1926, %mul3A_1927 : vector<16xf32>
      %swap3A_1929 = arith.constant 224 : index
      %swap3A_1930 = tpu.vector_load %arg20[%swap3A_1929] {strides = array<i32>} : memref<1024xf32, #tpu.memory_space<vmem>>, vector<16xf32>,
      tpu.vector_store %arg20[%swap3A_1929], %add3A_1928 {strides = array<i32>} : memref<1024xf32, #tpu.memory_space<vmem>>, vector<16xf32>,
      %get3A_1931 = arith.constant 496 : index
      %get3A_1932 = tpu.vector_load %arg17[%get3A_1931] {strides = array<i32>} : memref<768xf32, #tpu.memory_space<vmem>>, vector<16xf32>,
      %get3A_1933 = arith.constant 624 : index
      %get3A_1934 = tpu.vector_load %arg17[%get3A_1933] {strides = array<i32>} : memref<768xf32, #tpu.memory_space<vmem>>, vector<16xf32>,
      %get3A_1935 = arith.constant 752 : index
      %get3A_1936 = tpu.vector_load %arg17[%get3A_1935] {strides = array<i32>} : memref<768xf32, #tpu.memory_space<vmem>>, vector<16xf32>,
      %add3A_1937 = arith.addf %get3A_1932, %get3A_1936 : vector<16xf32>
      %sub3A_1938 = arith.subf %add3A_1937, %get3A_1934 : vector<16xf32>
      %get3A_1939 = arith.constant 240 : index
      %get3A_1940 = tpu.vector_load %arg20[%get3A_1939] {strides = array<i32>} : memref<1024xf32, #tpu.memory_space<vmem>>, vector<16xf32>,
      %mul3A_1941 = arith.mulf %sub3A_1938, %sub3A_1938 : vector<16xf32>
      %add3A_1942 = arith.addf %get3A_1940, %mul3A_1941 : vector<16xf32>
      %swap3A_1943 = arith.constant 240 : index
      %swap3A_1944 = tpu.vector_load %arg20[%swap3A_1943] {strides = array<i32>} : memref<1024xf32, #tpu.memory_space<vmem>>, vector<16xf32>,
      tpu.vector_store %arg20[%swap3A_1943], %add3A_1942 {strides = array<i32>} : memref<1024xf32, #tpu.memory_space<vmem>>, vector<16xf32>,
      %dma_start3A_1945 = arith.constant 384 : i32
      %dma_start3A_1946 = tpu.memref_slice %arg17[%dma_start3A_1945] : memref<768xf32, #tpu.memory_space<vmem>> -> memref<128xf32, #tpu.memory_space<vmem>>
      %dma_start3A_1947 = arith.constant 384 : i32
      %dma_start3A_1948 = tpu.memref_slice %arg14[%dma_start3A_1947] : memref<1024xi32, #tpu.memory_space<vmem>> -> memref<128xi32, #tpu.memory_space<vmem>>
      %dma_start3A_1949 = arith.constant 0 : i32
      %dma_start3A_1950 = tpu.memref_slice %arg11[%dma_start3A_1949] : memref<1000000xf32, #tpu.memory_space<vmem_shared>> -> memref<1000000xf32, #tpu.memory_space<vmem_shared>>
      tpu.enqueue_indirect_dma source(%dma_start3A_1950 : memref<1000000xf32, #tpu.memory_space<vmem_shared>>) target(%dma_start3A_1946 : memref<128xf32, #tpu.memory_space<vmem>>) offsets(%dma_start3A_1948 : memref<128xi32, #tpu.memory_space<vmem>>) semaphore(%arg24 : memref<!tpu.dma_semaphore, #tpu.memory_space<semaphore_mem>>)
      %dma_start3A_1951 = arith.constant 512 : i32
      %dma_start3A_1952 = tpu.memref_slice %arg17[%dma_start3A_1951] : memref<768xf32, #tpu.memory_space<vmem>> -> memref<128xf32, #tpu.memory_space<vmem>>
      %dma_start3A_1953 = arith.constant 384 : i32
      %dma_start3A_1954 = tpu.memref_slice %arg15[%dma_start3A_1953] : memref<1024xi32, #tpu.memory_space<vmem>> -> memref<128xi32, #tpu.memory_space<vmem>>
      %dma_start3A_1955 = arith.constant 0 : i32
      %dma_start3A_1956 = tpu.memref_slice %arg11[%dma_start3A_1955] : memref<1000000xf32, #tpu.memory_space<vmem_shared>> -> memref<1000000xf32, #tpu.memory_space<vmem_shared>>
      tpu.enqueue_indirect_dma source(%dma_start3A_1956 : memref<1000000xf32, #tpu.memory_space<vmem_shared>>) target(%dma_start3A_1952 : memref<128xf32, #tpu.memory_space<vmem>>) offsets(%dma_start3A_1954 : memref<128xi32, #tpu.memory_space<vmem>>) semaphore(%arg24 : memref<!tpu.dma_semaphore, #tpu.memory_space<semaphore_mem>>)
      %dma_start3A_1957 = arith.constant 640 : i32
      %dma_start3A_1958 = tpu.memref_slice %arg17[%dma_start3A_1957] : memref<768xf32, #tpu.memory_space<vmem>> -> memref<128xf32, #tpu.memory_space<vmem>>
      %dma_start3A_1959 = arith.constant 384 : i32
      %dma_start3A_1960 = tpu.memref_slice %arg16[%dma_start3A_1959] : memref<1024xi32, #tpu.memory_space<vmem>> -> memref<128xi32, #tpu.memory_space<vmem>>
      %dma_start3A_1961 = arith.constant 0 : i32
      %dma_start3A_1962 = tpu.memref_slice %arg13[%dma_start3A_1961] : memref<1024xf32, #tpu.memory_space<vmem_shared>> -> memref<1024xf32, #tpu.memory_space<vmem_shared>>
      tpu.enqueue_indirect_dma source(%dma_start3A_1962 : memref<1024xf32, #tpu.memory_space<vmem_shared>>) target(%dma_start3A_1958 : memref<128xf32, #tpu.memory_space<vmem>>) offsets(%dma_start3A_1960 : memref<128xi32, #tpu.memory_space<vmem>>) semaphore(%arg24 : memref<!tpu.dma_semaphore, #tpu.memory_space<semaphore_mem>>)
      %dma_wait3A_1963 = arith.constant 0 : i32
      %dma_wait3A_1964 = arith.constant 0 : i32
      %dma_wait3A_1965 = tpu.memref_slice %arg17[%dma_wait3A_1964] : memref<768xf32, #tpu.memory_space<vmem>> -> memref<384xf32, #tpu.memory_space<vmem>>
      %dma_wait3A_1966 = arith.constant 0 : i32
      %dma_wait3A_1967 = tpu.memref_slice %arg2[%dma_wait3A_1963, %dma_wait3A_1966] : memref<64x1000000xf32, #tpu.memory_space<hbm>> -> memref<1x384xf32, #tpu.memory_space<hbm>>
      %dma_wait3A_1968 = tpu.memref_squeeze %dma_wait3A_1967 : memref<1x384xf32, #tpu.memory_space<hbm>> -> memref<384xf32, #tpu.memory_space<hbm>>
      %dma_wait3A_1969 = arith.constant 0 : i32
      %dma_wait3A_1970 = tpu.memref_slice %arg17[%dma_wait3A_1969] : memref<768xf32, #tpu.memory_space<vmem>> -> memref<384xf32, #tpu.memory_space<vmem>>
      %dma_wait3A_1971 = arith.constant 0 : i32
      %dma_wait3A_1972 = tpu.memref_slice %arg2[%dma_wait3A_1963, %dma_wait3A_1971] : memref<64x1000000xf32, #tpu.memory_space<hbm>> -> memref<1x384xf32, #tpu.memory_space<hbm>>
      %dma_wait3A_1973 = tpu.memref_squeeze %dma_wait3A_1972 : memref<1x384xf32, #tpu.memory_space<hbm>> -> memref<384xf32, #tpu.memory_space<hbm>>
      tpu.wait_dma2 semaphore(%arg23 : memref<!tpu.dma_semaphore, #tpu.memory_space<semaphore_mem>>) src(%dma_wait3A_1973 : memref<384xf32, #tpu.memory_space<hbm>>) dst(%dma_wait3A_1970 : memref<384xf32, #tpu.memory_space<vmem>>)
      %get3A_1974 = arith.constant 0 : index
      %get3A_1975 = tpu.vector_load %arg17[%get3A_1974] {strides = array<i32>} : memref<768xf32, #tpu.memory_space<vmem>>, vector<16xf32>,
      %get3A_1976 = arith.constant 128 : index
      %get3A_1977 = tpu.vector_load %arg17[%get3A_1976] {strides = array<i32>} : memref<768xf32, #tpu.memory_space<vmem>>, vector<16xf32>,
      %get3A_1978 = arith.constant 256 : index
      %get3A_1979 = tpu.vector_load %arg17[%get3A_1978] {strides = array<i32>} : memref<768xf32, #tpu.memory_space<vmem>>, vector<16xf32>,
      %add3A_1980 = arith.addf %get3A_1975, %get3A_1979 : vector<16xf32>
      %sub3A_1981 = arith.subf %add3A_1980, %get3A_1977 : vector<16xf32>
      %get3A_1982 = arith.constant 256 : index
      %get3A_1983 = tpu.vector_load %arg20[%get3A_1982] {strides = array<i32>} : memref<1024xf32, #tpu.memory_space<vmem>>, vector<16xf32>,
      %mul3A_1984 = arith.mulf %sub3A_1981, %sub3A_1981 : vector<16xf32>
      %add3A_1985 = arith.addf %get3A_1983, %mul3A_1984 : vector<16xf32>
      %swap3A_1986 = arith.constant 256 : index
      %swap3A_1987 = tpu.vector_load %arg20[%swap3A_1986] {strides = array<i32>} : memref<1024xf32, #tpu.memory_space<vmem>>, vector<16xf32>,
      tpu.vector_store %arg20[%swap3A_1986], %add3A_1985 {strides = array<i32>} : memref<1024xf32, #tpu.memory_space<vmem>>, vector<16xf32>,
      %get3A_1988 = arith.constant 16 : index
      %get3A_1989 = tpu.vector_load %arg17[%get3A_1988] {strides = array<i32>} : memref<768xf32, #tpu.memory_space<vmem>>, vector<16xf32>,
      %get3A_1990 = arith.constant 144 : index
      %get3A_1991 = tpu.vector_load %arg17[%get3A_1990] {strides = array<i32>} : memref<768xf32, #tpu.memory_space<vmem>>, vector<16xf32>,
      %get3A_1992 = arith.constant 272 : index
      %get3A_1993 = tpu.vector_load %arg17[%get3A_1992] {strides = array<i32>} : memref<768xf32, #tpu.memory_space<vmem>>, vector<16xf32>,
      %add3A_1994 = arith.addf %get3A_1989, %get3A_1993 : vector<16xf32>
      %sub3A_1995 = arith.subf %add3A_1994, %get3A_1991 : vector<16xf32>
      %get3A_1996 = arith.constant 272 : index
      %get3A_1997 = tpu.vector_load %arg20[%get3A_1996] {strides = array<i32>} : memref<1024xf32, #tpu.memory_space<vmem>>, vector<16xf32>,
      %mul3A_1998 = arith.mulf %sub3A_1995, %sub3A_1995 : vector<16xf32>
      %add3A_1999 = arith.addf %get3A_1997, %mul3A_1998 : vector<16xf32>
      %swap3A_2000 = arith.constant 272 : index
      %swap3A_2001 = tpu.vector_load %arg20[%swap3A_2000] {strides = array<i32>} : memref<1024xf32, #tpu.memory_space<vmem>>, vector<16xf32>,
      tpu.vector_store %arg20[%swap3A_2000], %add3A_1999 {strides = array<i32>} : memref<1024xf32, #tpu.memory_space<vmem>>, vector<16xf32>,
      %get3A_2002 = arith.constant 32 : index
      %get3A_2003 = tpu.vector_load %arg17[%get3A_2002] {strides = array<i32>} : memref<768xf32, #tpu.memory_space<vmem>>, vector<16xf32>,
      %get3A_2004 = arith.constant 160 : index
      %get3A_2005 = tpu.vector_load %arg17[%get3A_2004] {strides = array<i32>} : memref<768xf32, #tpu.memory_space<vmem>>, vector<16xf32>,
      %get3A_2006 = arith.constant 288 : index
      %get3A_2007 = tpu.vector_load %arg17[%get3A_2006] {strides = array<i32>} : memref<768xf32, #tpu.memory_space<vmem>>, vector<16xf32>,
      %add3A_2008 = arith.addf %get3A_2003, %get3A_2007 : vector<16xf32>
      %sub3A_2009 = arith.subf %add3A_2008, %get3A_2005 : vector<16xf32>
      %get3A_2010 = arith.constant 288 : index
      %get3A_2011 = tpu.vector_load %arg20[%get3A_2010] {strides = array<i32>} : memref<1024xf32, #tpu.memory_space<vmem>>, vector<16xf32>,
      %mul3A_2012 = arith.mulf %sub3A_2009, %sub3A_2009 : vector<16xf32>
      %add3A_2013 = arith.addf %get3A_2011, %mul3A_2012 : vector<16xf32>
      %swap3A_2014 = arith.constant 288 : index
      %swap3A_2015 = tpu.vector_load %arg20[%swap3A_2014] {strides = array<i32>} : memref<1024xf32, #tpu.memory_space<vmem>>, vector<16xf32>,
      tpu.vector_store %arg20[%swap3A_2014], %add3A_2013 {strides = array<i32>} : memref<1024xf32, #tpu.memory_space<vmem>>, vector<16xf32>,
      %get3A_2016 = arith.constant 48 : index
      %get3A_2017 = tpu.vector_load %arg17[%get3A_2016] {strides = array<i32>} : memref<768xf32, #tpu.memory_space<vmem>>, vector<16xf32>,
      %get3A_2018 = arith.constant 176 : index
      %get3A_2019 = tpu.vector_load %arg17[%get3A_2018] {strides = array<i32>} : memref<768xf32, #tpu.memory_space<vmem>>, vector<16xf32>,
      %get3A_2020 = arith.constant 304 : index
      %get3A_2021 = tpu.vector_load %arg17[%get3A_2020] {strides = array<i32>} : memref<768xf32, #tpu.memory_space<vmem>>, vector<16xf32>,
      %add3A_2022 = arith.addf %get3A_2017, %get3A_2021 : vector<16xf32>
      %sub3A_2023 = arith.subf %add3A_2022, %get3A_2019 : vector<16xf32>
      %get3A_2024 = arith.constant 304 : index
      %get3A_2025 = tpu.vector_load %arg20[%get3A_2024] {strides = array<i32>} : memref<1024xf32, #tpu.memory_space<vmem>>, vector<16xf32>,
      %mul3A_2026 = arith.mulf %sub3A_2023, %sub3A_2023 : vector<16xf32>
      %add3A_2027 = arith.addf %get3A_2025, %mul3A_2026 : vector<16xf32>
      %swap3A_2028 = arith.constant 304 : index
      %swap3A_2029 = tpu.vector_load %arg20[%swap3A_2028] {strides = array<i32>} : memref<1024xf32, #tpu.memory_space<vmem>>, vector<16xf32>,
      tpu.vector_store %arg20[%swap3A_2028], %add3A_2027 {strides = array<i32>} : memref<1024xf32, #tpu.memory_space<vmem>>, vector<16xf32>,
      %get3A_2030 = arith.constant 64 : index
      %get3A_2031 = tpu.vector_load %arg17[%get3A_2030] {strides = array<i32>} : memref<768xf32, #tpu.memory_space<vmem>>, vector<16xf32>,
      %get3A_2032 = arith.constant 192 : index
      %get3A_2033 = tpu.vector_load %arg17[%get3A_2032] {strides = array<i32>} : memref<768xf32, #tpu.memory_space<vmem>>, vector<16xf32>,
      %get3A_2034 = arith.constant 320 : index
      %get3A_2035 = tpu.vector_load %arg17[%get3A_2034] {strides = array<i32>} : memref<768xf32, #tpu.memory_space<vmem>>, vector<16xf32>,
      %add3A_2036 = arith.addf %get3A_2031, %get3A_2035 : vector<16xf32>
      %sub3A_2037 = arith.subf %add3A_2036, %get3A_2033 : vector<16xf32>
      %get3A_2038 = arith.constant 320 : index
      %get3A_2039 = tpu.vector_load %arg20[%get3A_2038] {strides = array<i32>} : memref<1024xf32, #tpu.memory_space<vmem>>, vector<16xf32>,
      %mul3A_2040 = arith.mulf %sub3A_2037, %sub3A_2037 : vector<16xf32>
      %add3A_2041 = arith.addf %get3A_2039, %mul3A_2040 : vector<16xf32>
      %swap3A_2042 = arith.constant 320 : index
      %swap3A_2043 = tpu.vector_load %arg20[%swap3A_2042] {strides = array<i32>} : memref<1024xf32, #tpu.memory_space<vmem>>, vector<16xf32>,
      tpu.vector_store %arg20[%swap3A_2042], %add3A_2041 {strides = array<i32>} : memref<1024xf32, #tpu.memory_space<vmem>>, vector<16xf32>,
      %get3A_2044 = arith.constant 80 : index
      %get3A_2045 = tpu.vector_load %arg17[%get3A_2044] {strides = array<i32>} : memref<768xf32, #tpu.memory_space<vmem>>, vector<16xf32>,
      %get3A_2046 = arith.constant 208 : index
      %get3A_2047 = tpu.vector_load %arg17[%get3A_2046] {strides = array<i32>} : memref<768xf32, #tpu.memory_space<vmem>>, vector<16xf32>,
      %get3A_2048 = arith.constant 336 : index
      %get3A_2049 = tpu.vector_load %arg17[%get3A_2048] {strides = array<i32>} : memref<768xf32, #tpu.memory_space<vmem>>, vector<16xf32>,
      %add3A_2050 = arith.addf %get3A_2045, %get3A_2049 : vector<16xf32>
      %sub3A_2051 = arith.subf %add3A_2050, %get3A_2047 : vector<16xf32>
      %get3A_2052 = arith.constant 336 : index
      %get3A_2053 = tpu.vector_load %arg20[%get3A_2052] {strides = array<i32>} : memref<1024xf32, #tpu.memory_space<vmem>>, vector<16xf32>,
      %mul3A_2054 = arith.mulf %sub3A_2051, %sub3A_2051 : vector<16xf32>
      %add3A_2055 = arith.addf %get3A_2053, %mul3A_2054 : vector<16xf32>
      %swap3A_2056 = arith.constant 336 : index
      %swap3A_2057 = tpu.vector_load %arg20[%swap3A_2056] {strides = array<i32>} : memref<1024xf32, #tpu.memory_space<vmem>>, vector<16xf32>,
      tpu.vector_store %arg20[%swap3A_2056], %add3A_2055 {strides = array<i32>} : memref<1024xf32, #tpu.memory_space<vmem>>, vector<16xf32>,
      %get3A_2058 = arith.constant 96 : index
      %get3A_2059 = tpu.vector_load %arg17[%get3A_2058] {strides = array<i32>} : memref<768xf32, #tpu.memory_space<vmem>>, vector<16xf32>,
      %get3A_2060 = arith.constant 224 : index
      %get3A_2061 = tpu.vector_load %arg17[%get3A_2060] {strides = array<i32>} : memref<768xf32, #tpu.memory_space<vmem>>, vector<16xf32>,
      %get3A_2062 = arith.constant 352 : index
      %get3A_2063 = tpu.vector_load %arg17[%get3A_2062] {strides = array<i32>} : memref<768xf32, #tpu.memory_space<vmem>>, vector<16xf32>,
      %add3A_2064 = arith.addf %get3A_2059, %get3A_2063 : vector<16xf32>
      %sub3A_2065 = arith.subf %add3A_2064, %get3A_2061 : vector<16xf32>
      %get3A_2066 = arith.constant 352 : index
      %get3A_2067 = tpu.vector_load %arg20[%get3A_2066] {strides = array<i32>} : memref<1024xf32, #tpu.memory_space<vmem>>, vector<16xf32>,
      %mul3A_2068 = arith.mulf %sub3A_2065, %sub3A_2065 : vector<16xf32>
      %add3A_2069 = arith.addf %get3A_2067, %mul3A_2068 : vector<16xf32>
      %swap3A_2070 = arith.constant 352 : index
      %swap3A_2071 = tpu.vector_load %arg20[%swap3A_2070] {strides = array<i32>} : memref<1024xf32, #tpu.memory_space<vmem>>, vector<16xf32>,
      tpu.vector_store %arg20[%swap3A_2070], %add3A_2069 {strides = array<i32>} : memref<1024xf32, #tpu.memory_space<vmem>>, vector<16xf32>,
      %get3A_2072 = arith.constant 112 : index
      %get3A_2073 = tpu.vector_load %arg17[%get3A_2072] {strides = array<i32>} : memref<768xf32, #tpu.memory_space<vmem>>, vector<16xf32>,
      %get3A_2074 = arith.constant 240 : index
      %get3A_2075 = tpu.vector_load %arg17[%get3A_2074] {strides = array<i32>} : memref<768xf32, #tpu.memory_space<vmem>>, vector<16xf32>,
      %get3A_2076 = arith.constant 368 : index
      %get3A_2077 = tpu.vector_load %arg17[%get3A_2076] {strides = array<i32>} : memref<768xf32, #tpu.memory_space<vmem>>, vector<16xf32>,
      %add3A_2078 = arith.addf %get3A_2073, %get3A_2077 : vector<16xf32>
      %sub3A_2079 = arith.subf %add3A_2078, %get3A_2075 : vector<16xf32>
      %get3A_2080 = arith.constant 368 : index
      %get3A_2081 = tpu.vector_load %arg20[%get3A_2080] {strides = array<i32>} : memref<1024xf32, #tpu.memory_space<vmem>>, vector<16xf32>,
      %mul3A_2082 = arith.mulf %sub3A_2079, %sub3A_2079 : vector<16xf32>
      %add3A_2083 = arith.addf %get3A_2081, %mul3A_2082 : vector<16xf32>
      %swap3A_2084 = arith.constant 368 : index
      %swap3A_2085 = tpu.vector_load %arg20[%swap3A_2084] {strides = array<i32>} : memref<1024xf32, #tpu.memory_space<vmem>>, vector<16xf32>,
      tpu.vector_store %arg20[%swap3A_2084], %add3A_2083 {strides = array<i32>} : memref<1024xf32, #tpu.memory_space<vmem>>, vector<16xf32>,
      %dma_start3A_2086 = arith.constant 0 : i32
      %dma_start3A_2087 = tpu.memref_slice %arg17[%dma_start3A_2086] : memref<768xf32, #tpu.memory_space<vmem>> -> memref<128xf32, #tpu.memory_space<vmem>>
      %dma_start3A_2088 = arith.constant 512 : i32
      %dma_start3A_2089 = tpu.memref_slice %arg14[%dma_start3A_2088] : memref<1024xi32, #tpu.memory_space<vmem>> -> memref<128xi32, #tpu.memory_space<vmem>>
      %dma_start3A_2090 = arith.constant 0 : i32
      %dma_start3A_2091 = tpu.memref_slice %arg11[%dma_start3A_2090] : memref<1000000xf32, #tpu.memory_space<vmem_shared>> -> memref<1000000xf32, #tpu.memory_space<vmem_shared>>
      tpu.enqueue_indirect_dma source(%dma_start3A_2091 : memref<1000000xf32, #tpu.memory_space<vmem_shared>>) target(%dma_start3A_2087 : memref<128xf32, #tpu.memory_space<vmem>>) offsets(%dma_start3A_2089 : memref<128xi32, #tpu.memory_space<vmem>>) semaphore(%arg23 : memref<!tpu.dma_semaphore, #tpu.memory_space<semaphore_mem>>)
      %dma_start3A_2092 = arith.constant 128 : i32
      %dma_start3A_2093 = tpu.memref_slice %arg17[%dma_start3A_2092] : memref<768xf32, #tpu.memory_space<vmem>> -> memref<128xf32, #tpu.memory_space<vmem>>
      %dma_start3A_2094 = arith.constant 512 : i32
      %dma_start3A_2095 = tpu.memref_slice %arg15[%dma_start3A_2094] : memref<1024xi32, #tpu.memory_space<vmem>> -> memref<128xi32, #tpu.memory_space<vmem>>
      %dma_start3A_2096 = arith.constant 0 : i32
      %dma_start3A_2097 = tpu.memref_slice %arg11[%dma_start3A_2096] : memref<1000000xf32, #tpu.memory_space<vmem_shared>> -> memref<1000000xf32, #tpu.memory_space<vmem_shared>>
      tpu.enqueue_indirect_dma source(%dma_start3A_2097 : memref<1000000xf32, #tpu.memory_space<vmem_shared>>) target(%dma_start3A_2093 : memref<128xf32, #tpu.memory_space<vmem>>) offsets(%dma_start3A_2095 : memref<128xi32, #tpu.memory_space<vmem>>) semaphore(%arg23 : memref<!tpu.dma_semaphore, #tpu.memory_space<semaphore_mem>>)
      %dma_start3A_2098 = arith.constant 256 : i32
      %dma_start3A_2099 = tpu.memref_slice %arg17[%dma_start3A_2098] : memref<768xf32, #tpu.memory_space<vmem>> -> memref<128xf32, #tpu.memory_space<vmem>>
      %dma_start3A_2100 = arith.constant 512 : i32
      %dma_start3A_2101 = tpu.memref_slice %arg16[%dma_start3A_2100] : memref<1024xi32, #tpu.memory_space<vmem>> -> memref<128xi32, #tpu.memory_space<vmem>>
      %dma_start3A_2102 = arith.constant 0 : i32
      %dma_start3A_2103 = tpu.memref_slice %arg13[%dma_start3A_2102] : memref<1024xf32, #tpu.memory_space<vmem_shared>> -> memref<1024xf32, #tpu.memory_space<vmem_shared>>
      tpu.enqueue_indirect_dma source(%dma_start3A_2103 : memref<1024xf32, #tpu.memory_space<vmem_shared>>) target(%dma_start3A_2099 : memref<128xf32, #tpu.memory_space<vmem>>) offsets(%dma_start3A_2101 : memref<128xi32, #tpu.memory_space<vmem>>) semaphore(%arg23 : memref<!tpu.dma_semaphore, #tpu.memory_space<semaphore_mem>>)
      %dma_wait3A_2104 = arith.constant 0 : i32
      %dma_wait3A_2105 = arith.constant 384 : i32
      %dma_wait3A_2106 = tpu.memref_slice %arg17[%dma_wait3A_2105] : memref<768xf32, #tpu.memory_space<vmem>> -> memref<384xf32, #tpu.memory_space<vmem>>
      %dma_wait3A_2107 = arith.constant 0 : i32
      %dma_wait3A_2108 = tpu.memref_slice %arg2[%dma_wait3A_2104, %dma_wait3A_2107] : memref<64x1000000xf32, #tpu.memory_space<hbm>> -> memref<1x384xf32, #tpu.memory_space<hbm>>
      %dma_wait3A_2109 = tpu.memref_squeeze %dma_wait3A_2108 : memref<1x384xf32, #tpu.memory_space<hbm>> -> memref<384xf32, #tpu.memory_space<hbm>>
      %dma_wait3A_2110 = arith.constant 384 : i32
      %dma_wait3A_2111 = tpu.memref_slice %arg17[%dma_wait3A_2110] : memref<768xf32, #tpu.memory_space<vmem>> -> memref<384xf32, #tpu.memory_space<vmem>>
      %dma_wait3A_2112 = arith.constant 0 : i32
      %dma_wait3A_2113 = tpu.memref_slice %arg2[%dma_wait3A_2104, %dma_wait3A_2112] : memref<64x1000000xf32, #tpu.memory_space<hbm>> -> memref<1x384xf32, #tpu.memory_space<hbm>>
      %dma_wait3A_2114 = tpu.memref_squeeze %dma_wait3A_2113 : memref<1x384xf32, #tpu.memory_space<hbm>> -> memref<384xf32, #tpu.memory_space<hbm>>
      tpu.wait_dma2 semaphore(%arg24 : memref<!tpu.dma_semaphore, #tpu.memory_space<semaphore_mem>>) src(%dma_wait3A_2114 : memref<384xf32, #tpu.memory_space<hbm>>) dst(%dma_wait3A_2111 : memref<384xf32, #tpu.memory_space<vmem>>)
      %get3A_2115 = arith.constant 384 : index
      %get3A_2116 = tpu.vector_load %arg17[%get3A_2115] {strides = array<i32>} : memref<768xf32, #tpu.memory_space<vmem>>, vector<16xf32>,
      %get3A_2117 = arith.constant 512 : index
      %get3A_2118 = tpu.vector_load %arg17[%get3A_2117] {strides = array<i32>} : memref<768xf32, #tpu.memory_space<vmem>>, vector<16xf32>,
      %get3A_2119 = arith.constant 640 : index
      %get3A_2120 = tpu.vector_load %arg17[%get3A_2119] {strides = array<i32>} : memref<768xf32, #tpu.memory_space<vmem>>, vector<16xf32>,
      %add3A_2121 = arith.addf %get3A_2116, %get3A_2120 : vector<16xf32>
      %sub3A_2122 = arith.subf %add3A_2121, %get3A_2118 : vector<16xf32>
      %get3A_2123 = arith.constant 384 : index
      %get3A_2124 = tpu.vector_load %arg20[%get3A_2123] {strides = array<i32>} : memref<1024xf32, #tpu.memory_space<vmem>>, vector<16xf32>,
      %mul3A_2125 = arith.mulf %sub3A_2122, %sub3A_2122 : vector<16xf32>
      %add3A_2126 = arith.addf %get3A_2124, %mul3A_2125 : vector<16xf32>
      %swap3A_2127 = arith.constant 384 : index
      %swap3A_2128 = tpu.vector_load %arg20[%swap3A_2127] {strides = array<i32>} : memref<1024xf32, #tpu.memory_space<vmem>>, vector<16xf32>,
      tpu.vector_store %arg20[%swap3A_2127], %add3A_2126 {strides = array<i32>} : memref<1024xf32, #tpu.memory_space<vmem>>, vector<16xf32>,
      %get3A_2129 = arith.constant 400 : index
      %get3A_2130 = tpu.vector_load %arg17[%get3A_2129] {strides = array<i32>} : memref<768xf32, #tpu.memory_space<vmem>>, vector<16xf32>,
      %get3A_2131 = arith.constant 528 : index
      %get3A_2132 = tpu.vector_load %arg17[%get3A_2131] {strides = array<i32>} : memref<768xf32, #tpu.memory_space<vmem>>, vector<16xf32>,
      %get3A_2133 = arith.constant 656 : index
      %get3A_2134 = tpu.vector_load %arg17[%get3A_2133] {strides = array<i32>} : memref<768xf32, #tpu.memory_space<vmem>>, vector<16xf32>,
      %add3A_2135 = arith.addf %get3A_2130, %get3A_2134 : vector<16xf32>
      %sub3A_2136 = arith.subf %add3A_2135, %get3A_2132 : vector<16xf32>
      %get3A_2137 = arith.constant 400 : index
      %get3A_2138 = tpu.vector_load %arg20[%get3A_2137] {strides = array<i32>} : memref<1024xf32, #tpu.memory_space<vmem>>, vector<16xf32>,
      %mul3A_2139 = arith.mulf %sub3A_2136, %sub3A_2136 : vector<16xf32>
      %add3A_2140 = arith.addf %get3A_2138, %mul3A_2139 : vector<16xf32>
      %swap3A_2141 = arith.constant 400 : index
      %swap3A_2142 = tpu.vector_load %arg20[%swap3A_2141] {strides = array<i32>} : memref<1024xf32, #tpu.memory_space<vmem>>, vector<16xf32>,
      tpu.vector_store %arg20[%swap3A_2141], %add3A_2140 {strides = array<i32>} : memref<1024xf32, #tpu.memory_space<vmem>>, vector<16xf32>,
      %get3A_2143 = arith.constant 416 : index
      %get3A_2144 = tpu.vector_load %arg17[%get3A_2143] {strides = array<i32>} : memref<768xf32, #tpu.memory_space<vmem>>, vector<16xf32>,
      %get3A_2145 = arith.constant 544 : index
      %get3A_2146 = tpu.vector_load %arg17[%get3A_2145] {strides = array<i32>} : memref<768xf32, #tpu.memory_space<vmem>>, vector<16xf32>,
      %get3A_2147 = arith.constant 672 : index
      %get3A_2148 = tpu.vector_load %arg17[%get3A_2147] {strides = array<i32>} : memref<768xf32, #tpu.memory_space<vmem>>, vector<16xf32>,
      %add3A_2149 = arith.addf %get3A_2144, %get3A_2148 : vector<16xf32>
      %sub3A_2150 = arith.subf %add3A_2149, %get3A_2146 : vector<16xf32>
      %get3A_2151 = arith.constant 416 : index
      %get3A_2152 = tpu.vector_load %arg20[%get3A_2151] {strides = array<i32>} : memref<1024xf32, #tpu.memory_space<vmem>>, vector<16xf32>,
      %mul3A_2153 = arith.mulf %sub3A_2150, %sub3A_2150 : vector<16xf32>
      %add3A_2154 = arith.addf %get3A_2152, %mul3A_2153 : vector<16xf32>
      %swap3A_2155 = arith.constant 416 : index
      %swap3A_2156 = tpu.vector_load %arg20[%swap3A_2155] {strides = array<i32>} : memref<1024xf32, #tpu.memory_space<vmem>>, vector<16xf32>,
      tpu.vector_store %arg20[%swap3A_2155], %add3A_2154 {strides = array<i32>} : memref<1024xf32, #tpu.memory_space<vmem>>, vector<16xf32>,
      %get3A_2157 = arith.constant 432 : index
      %get3A_2158 = tpu.vector_load %arg17[%get3A_2157] {strides = array<i32>} : memref<768xf32, #tpu.memory_space<vmem>>, vector<16xf32>,
      %get3A_2159 = arith.constant 560 : index
      %get3A_2160 = tpu.vector_load %arg17[%get3A_2159] {strides = array<i32>} : memref<768xf32, #tpu.memory_space<vmem>>, vector<16xf32>,
      %get3A_2161 = arith.constant 688 : index
      %get3A_2162 = tpu.vector_load %arg17[%get3A_2161] {strides = array<i32>} : memref<768xf32, #tpu.memory_space<vmem>>, vector<16xf32>,
      %add3A_2163 = arith.addf %get3A_2158, %get3A_2162 : vector<16xf32>
      %sub3A_2164 = arith.subf %add3A_2163, %get3A_2160 : vector<16xf32>
      %get3A_2165 = arith.constant 432 : index
      %get3A_2166 = tpu.vector_load %arg20[%get3A_2165] {strides = array<i32>} : memref<1024xf32, #tpu.memory_space<vmem>>, vector<16xf32>,
      %mul3A_2167 = arith.mulf %sub3A_2164, %sub3A_2164 : vector<16xf32>
      %add3A_2168 = arith.addf %get3A_2166, %mul3A_2167 : vector<16xf32>
      %swap3A_2169 = arith.constant 432 : index
      %swap3A_2170 = tpu.vector_load %arg20[%swap3A_2169] {strides = array<i32>} : memref<1024xf32, #tpu.memory_space<vmem>>, vector<16xf32>,
      tpu.vector_store %arg20[%swap3A_2169], %add3A_2168 {strides = array<i32>} : memref<1024xf32, #tpu.memory_space<vmem>>, vector<16xf32>,
      %get3A_2171 = arith.constant 448 : index
      %get3A_2172 = tpu.vector_load %arg17[%get3A_2171] {strides = array<i32>} : memref<768xf32, #tpu.memory_space<vmem>>, vector<16xf32>,
      %get3A_2173 = arith.constant 576 : index
      %get3A_2174 = tpu.vector_load %arg17[%get3A_2173] {strides = array<i32>} : memref<768xf32, #tpu.memory_space<vmem>>, vector<16xf32>,
      %get3A_2175 = arith.constant 704 : index
      %get3A_2176 = tpu.vector_load %arg17[%get3A_2175] {strides = array<i32>} : memref<768xf32, #tpu.memory_space<vmem>>, vector<16xf32>,
      %add3A_2177 = arith.addf %get3A_2172, %get3A_2176 : vector<16xf32>
      %sub3A_2178 = arith.subf %add3A_2177, %get3A_2174 : vector<16xf32>
      %get3A_2179 = arith.constant 448 : index
      %get3A_2180 = tpu.vector_load %arg20[%get3A_2179] {strides = array<i32>} : memref<1024xf32, #tpu.memory_space<vmem>>, vector<16xf32>,
      %mul3A_2181 = arith.mulf %sub3A_2178, %sub3A_2178 : vector<16xf32>
      %add3A_2182 = arith.addf %get3A_2180, %mul3A_2181 : vector<16xf32>
      %swap3A_2183 = arith.constant 448 : index
      %swap3A_2184 = tpu.vector_load %arg20[%swap3A_2183] {strides = array<i32>} : memref<1024xf32, #tpu.memory_space<vmem>>, vector<16xf32>,
      tpu.vector_store %arg20[%swap3A_2183], %add3A_2182 {strides = array<i32>} : memref<1024xf32, #tpu.memory_space<vmem>>, vector<16xf32>,
      %get3A_2185 = arith.constant 464 : index
      %get3A_2186 = tpu.vector_load %arg17[%get3A_2185] {strides = array<i32>} : memref<768xf32, #tpu.memory_space<vmem>>, vector<16xf32>,
      %get3A_2187 = arith.constant 592 : index
      %get3A_2188 = tpu.vector_load %arg17[%get3A_2187] {strides = array<i32>} : memref<768xf32, #tpu.memory_space<vmem>>, vector<16xf32>,
      %get3A_2189 = arith.constant 720 : index
      %get3A_2190 = tpu.vector_load %arg17[%get3A_2189] {strides = array<i32>} : memref<768xf32, #tpu.memory_space<vmem>>, vector<16xf32>,
      %add3A_2191 = arith.addf %get3A_2186, %get3A_2190 : vector<16xf32>
      %sub3A_2192 = arith.subf %add3A_2191, %get3A_2188 : vector<16xf32>
      %get3A_2193 = arith.constant 464 : index
      %get3A_2194 = tpu.vector_load %arg20[%get3A_2193] {strides = array<i32>} : memref<1024xf32, #tpu.memory_space<vmem>>, vector<16xf32>,
      %mul3A_2195 = arith.mulf %sub3A_2192, %sub3A_2192 : vector<16xf32>
      %add3A_2196 = arith.addf %get3A_2194, %mul3A_2195 : vector<16xf32>
      %swap3A_2197 = arith.constant 464 : index
      %swap3A_2198 = tpu.vector_load %arg20[%swap3A_2197] {strides = array<i32>} : memref<1024xf32, #tpu.memory_space<vmem>>, vector<16xf32>,
      tpu.vector_store %arg20[%swap3A_2197], %add3A_2196 {strides = array<i32>} : memref<1024xf32, #tpu.memory_space<vmem>>, vector<16xf32>,
      %get3A_2199 = arith.constant 480 : index
      %get3A_2200 = tpu.vector_load %arg17[%get3A_2199] {strides = array<i32>} : memref<768xf32, #tpu.memory_space<vmem>>, vector<16xf32>,
      %get3A_2201 = arith.constant 608 : index
      %get3A_2202 = tpu.vector_load %arg17[%get3A_2201] {strides = array<i32>} : memref<768xf32, #tpu.memory_space<vmem>>, vector<16xf32>,
      %get3A_2203 = arith.constant 736 : index
      %get3A_2204 = tpu.vector_load %arg17[%get3A_2203] {strides = array<i32>} : memref<768xf32, #tpu.memory_space<vmem>>, vector<16xf32>,
      %add3A_2205 = arith.addf %get3A_2200, %get3A_2204 : vector<16xf32>
      %sub3A_2206 = arith.subf %add3A_2205, %get3A_2202 : vector<16xf32>
      %get3A_2207 = arith.constant 480 : index
      %get3A_2208 = tpu.vector_load %arg20[%get3A_2207] {strides = array<i32>} : memref<1024xf32, #tpu.memory_space<vmem>>, vector<16xf32>,
      %mul3A_2209 = arith.mulf %sub3A_2206, %sub3A_2206 : vector<16xf32>
      %add3A_2210 = arith.addf %get3A_2208, %mul3A_2209 : vector<16xf32>
      %swap3A_2211 = arith.constant 480 : index
      %swap3A_2212 = tpu.vector_load %arg20[%swap3A_2211] {strides = array<i32>} : memref<1024xf32, #tpu.memory_space<vmem>>, vector<16xf32>,
      tpu.vector_store %arg20[%swap3A_2211], %add3A_2210 {strides = array<i32>} : memref<1024xf32, #tpu.memory_space<vmem>>, vector<16xf32>,
      %get3A_2213 = arith.constant 496 : index
      %get3A_2214 = tpu.vector_load %arg17[%get3A_2213] {strides = array<i32>} : memref<768xf32, #tpu.memory_space<vmem>>, vector<16xf32>,
      %get3A_2215 = arith.constant 624 : index
      %get3A_2216 = tpu.vector_load %arg17[%get3A_2215] {strides = array<i32>} : memref<768xf32, #tpu.memory_space<vmem>>, vector<16xf32>,
      %get3A_2217 = arith.constant 752 : index
      %get3A_2218 = tpu.vector_load %arg17[%get3A_2217] {strides = array<i32>} : memref<768xf32, #tpu.memory_space<vmem>>, vector<16xf32>,
      %add3A_2219 = arith.addf %get3A_2214, %get3A_2218 : vector<16xf32>
      %sub3A_2220 = arith.subf %add3A_2219, %get3A_2216 : vector<16xf32>
      %get3A_2221 = arith.constant 496 : index
      %get3A_2222 = tpu.vector_load %arg20[%get3A_2221] {strides = array<i32>} : memref<1024xf32, #tpu.memory_space<vmem>>, vector<16xf32>,
      %mul3A_2223 = arith.mulf %sub3A_2220, %sub3A_2220 : vector<16xf32>
      %add3A_2224 = arith.addf %get3A_2222, %mul3A_2223 : vector<16xf32>
      %swap3A_2225 = arith.constant 496 : index
      %swap3A_2226 = tpu.vector_load %arg20[%swap3A_2225] {strides = array<i32>} : memref<1024xf32, #tpu.memory_space<vmem>>, vector<16xf32>,
      tpu.vector_store %arg20[%swap3A_2225], %add3A_2224 {strides = array<i32>} : memref<1024xf32, #tpu.memory_space<vmem>>, vector<16xf32>,
      %dma_start3A_2227 = arith.constant 384 : i32
      %dma_start3A_2228 = tpu.memref_slice %arg17[%dma_start3A_2227] : memref<768xf32, #tpu.memory_space<vmem>> -> memref<128xf32, #tpu.memory_space<vmem>>
      %dma_start3A_2229 = arith.constant 640 : i32
      %dma_start3A_2230 = tpu.memref_slice %arg14[%dma_start3A_2229] : memref<1024xi32, #tpu.memory_space<vmem>> -> memref<128xi32, #tpu.memory_space<vmem>>
      %dma_start3A_2231 = arith.constant 0 : i32
      %dma_start3A_2232 = tpu.memref_slice %arg11[%dma_start3A_2231] : memref<1000000xf32, #tpu.memory_space<vmem_shared>> -> memref<1000000xf32, #tpu.memory_space<vmem_shared>>
      tpu.enqueue_indirect_dma source(%dma_start3A_2232 : memref<1000000xf32, #tpu.memory_space<vmem_shared>>) target(%dma_start3A_2228 : memref<128xf32, #tpu.memory_space<vmem>>) offsets(%dma_start3A_2230 : memref<128xi32, #tpu.memory_space<vmem>>) semaphore(%arg24 : memref<!tpu.dma_semaphore, #tpu.memory_space<semaphore_mem>>)
      %dma_start3A_2233 = arith.constant 512 : i32
      %dma_start3A_2234 = tpu.memref_slice %arg17[%dma_start3A_2233] : memref<768xf32, #tpu.memory_space<vmem>> -> memref<128xf32, #tpu.memory_space<vmem>>
      %dma_start3A_2235 = arith.constant 640 : i32
      %dma_start3A_2236 = tpu.memref_slice %arg15[%dma_start3A_2235] : memref<1024xi32, #tpu.memory_space<vmem>> -> memref<128xi32, #tpu.memory_space<vmem>>
      %dma_start3A_2237 = arith.constant 0 : i32
      %dma_start3A_2238 = tpu.memref_slice %arg11[%dma_start3A_2237] : memref<1000000xf32, #tpu.memory_space<vmem_shared>> -> memref<1000000xf32, #tpu.memory_space<vmem_shared>>
      tpu.enqueue_indirect_dma source(%dma_start3A_2238 : memref<1000000xf32, #tpu.memory_space<vmem_shared>>) target(%dma_start3A_2234 : memref<128xf32, #tpu.memory_space<vmem>>) offsets(%dma_start3A_2236 : memref<128xi32, #tpu.memory_space<vmem>>) semaphore(%arg24 : memref<!tpu.dma_semaphore, #tpu.memory_space<semaphore_mem>>)
      %dma_start3A_2239 = arith.constant 640 : i32
      %dma_start3A_2240 = tpu.memref_slice %arg17[%dma_start3A_2239] : memref<768xf32, #tpu.memory_space<vmem>> -> memref<128xf32, #tpu.memory_space<vmem>>
      %dma_start3A_2241 = arith.constant 640 : i32
      %dma_start3A_2242 = tpu.memref_slice %arg16[%dma_start3A_2241] : memref<1024xi32, #tpu.memory_space<vmem>> -> memref<128xi32, #tpu.memory_space<vmem>>
      %dma_start3A_2243 = arith.constant 0 : i32
      %dma_start3A_2244 = tpu.memref_slice %arg13[%dma_start3A_2243] : memref<1024xf32, #tpu.memory_space<vmem_shared>> -> memref<1024xf32, #tpu.memory_space<vmem_shared>>
      tpu.enqueue_indirect_dma source(%dma_start3A_2244 : memref<1024xf32, #tpu.memory_space<vmem_shared>>) target(%dma_start3A_2240 : memref<128xf32, #tpu.memory_space<vmem>>) offsets(%dma_start3A_2242 : memref<128xi32, #tpu.memory_space<vmem>>) semaphore(%arg24 : memref<!tpu.dma_semaphore, #tpu.memory_space<semaphore_mem>>)
      %dma_wait3A_2245 = arith.constant 0 : i32
      %dma_wait3A_2246 = arith.constant 0 : i32
      %dma_wait3A_2247 = tpu.memref_slice %arg17[%dma_wait3A_2246] : memref<768xf32, #tpu.memory_space<vmem>> -> memref<384xf32, #tpu.memory_space<vmem>>
      %dma_wait3A_2248 = arith.constant 0 : i32
      %dma_wait3A_2249 = tpu.memref_slice %arg2[%dma_wait3A_2245, %dma_wait3A_2248] : memref<64x1000000xf32, #tpu.memory_space<hbm>> -> memref<1x384xf32, #tpu.memory_space<hbm>>
      %dma_wait3A_2250 = tpu.memref_squeeze %dma_wait3A_2249 : memref<1x384xf32, #tpu.memory_space<hbm>> -> memref<384xf32, #tpu.memory_space<hbm>>
      %dma_wait3A_2251 = arith.constant 0 : i32
      %dma_wait3A_2252 = tpu.memref_slice %arg17[%dma_wait3A_2251] : memref<768xf32, #tpu.memory_space<vmem>> -> memref<384xf32, #tpu.memory_space<vmem>>
      %dma_wait3A_2253 = arith.constant 0 : i32
      %dma_wait3A_2254 = tpu.memref_slice %arg2[%dma_wait3A_2245, %dma_wait3A_2253] : memref<64x1000000xf32, #tpu.memory_space<hbm>> -> memref<1x384xf32, #tpu.memory_space<hbm>>
      %dma_wait3A_2255 = tpu.memref_squeeze %dma_wait3A_2254 : memref<1x384xf32, #tpu.memory_space<hbm>> -> memref<384xf32, #tpu.memory_space<hbm>>
      tpu.wait_dma2 semaphore(%arg23 : memref<!tpu.dma_semaphore, #tpu.memory_space<semaphore_mem>>) src(%dma_wait3A_2255 : memref<384xf32, #tpu.memory_space<hbm>>) dst(%dma_wait3A_2252 : memref<384xf32, #tpu.memory_space<vmem>>)
      %get3A_2256 = arith.constant 0 : index
      %get3A_2257 = tpu.vector_load %arg17[%get3A_2256] {strides = array<i32>} : memref<768xf32, #tpu.memory_space<vmem>>, vector<16xf32>,
      %get3A_2258 = arith.constant 128 : index
      %get3A_2259 = tpu.vector_load %arg17[%get3A_2258] {strides = array<i32>} : memref<768xf32, #tpu.memory_space<vmem>>, vector<16xf32>,
      %get3A_2260 = arith.constant 256 : index
      %get3A_2261 = tpu.vector_load %arg17[%get3A_2260] {strides = array<i32>} : memref<768xf32, #tpu.memory_space<vmem>>, vector<16xf32>,
      %add3A_2262 = arith.addf %get3A_2257, %get3A_2261 : vector<16xf32>
      %sub3A_2263 = arith.subf %add3A_2262, %get3A_2259 : vector<16xf32>
      %get3A_2264 = arith.constant 512 : index
      %get3A_2265 = tpu.vector_load %arg20[%get3A_2264] {strides = array<i32>} : memref<1024xf32, #tpu.memory_space<vmem>>, vector<16xf32>,
      %mul3A_2266 = arith.mulf %sub3A_2263, %sub3A_2263 : vector<16xf32>
      %add3A_2267 = arith.addf %get3A_2265, %mul3A_2266 : vector<16xf32>
      %swap3A_2268 = arith.constant 512 : index
      %swap3A_2269 = tpu.vector_load %arg20[%swap3A_2268] {strides = array<i32>} : memref<1024xf32, #tpu.memory_space<vmem>>, vector<16xf32>,
      tpu.vector_store %arg20[%swap3A_2268], %add3A_2267 {strides = array<i32>} : memref<1024xf32, #tpu.memory_space<vmem>>, vector<16xf32>,
      %get3A_2270 = arith.constant 16 : index
      %get3A_2271 = tpu.vector_load %arg17[%get3A_2270] {strides = array<i32>} : memref<768xf32, #tpu.memory_space<vmem>>, vector<16xf32>,
      %get3A_2272 = arith.constant 144 : index
      %get3A_2273 = tpu.vector_load %arg17[%get3A_2272] {strides = array<i32>} : memref<768xf32, #tpu.memory_space<vmem>>, vector<16xf32>,
      %get3A_2274 = arith.constant 272 : index
      %get3A_2275 = tpu.vector_load %arg17[%get3A_2274] {strides = array<i32>} : memref<768xf32, #tpu.memory_space<vmem>>, vector<16xf32>,
      %add3A_2276 = arith.addf %get3A_2271, %get3A_2275 : vector<16xf32>
      %sub3A_2277 = arith.subf %add3A_2276, %get3A_2273 : vector<16xf32>
      %get3A_2278 = arith.constant 528 : index
      %get3A_2279 = tpu.vector_load %arg20[%get3A_2278] {strides = array<i32>} : memref<1024xf32, #tpu.memory_space<vmem>>, vector<16xf32>,
      %mul3A_2280 = arith.mulf %sub3A_2277, %sub3A_2277 : vector<16xf32>
      %add3A_2281 = arith.addf %get3A_2279, %mul3A_2280 : vector<16xf32>
      %swap3A_2282 = arith.constant 528 : index
      %swap3A_2283 = tpu.vector_load %arg20[%swap3A_2282] {strides = array<i32>} : memref<1024xf32, #tpu.memory_space<vmem>>, vector<16xf32>,
      tpu.vector_store %arg20[%swap3A_2282], %add3A_2281 {strides = array<i32>} : memref<1024xf32, #tpu.memory_space<vmem>>, vector<16xf32>,
      %get3A_2284 = arith.constant 32 : index
      %get3A_2285 = tpu.vector_load %arg17[%get3A_2284] {strides = array<i32>} : memref<768xf32, #tpu.memory_space<vmem>>, vector<16xf32>,
      %get3A_2286 = arith.constant 160 : index
      %get3A_2287 = tpu.vector_load %arg17[%get3A_2286] {strides = array<i32>} : memref<768xf32, #tpu.memory_space<vmem>>, vector<16xf32>,
      %get3A_2288 = arith.constant 288 : index
      %get3A_2289 = tpu.vector_load %arg17[%get3A_2288] {strides = array<i32>} : memref<768xf32, #tpu.memory_space<vmem>>, vector<16xf32>,
      %add3A_2290 = arith.addf %get3A_2285, %get3A_2289 : vector<16xf32>
      %sub3A_2291 = arith.subf %add3A_2290, %get3A_2287 : vector<16xf32>
      %get3A_2292 = arith.constant 544 : index
      %get3A_2293 = tpu.vector_load %arg20[%get3A_2292] {strides = array<i32>} : memref<1024xf32, #tpu.memory_space<vmem>>, vector<16xf32>,
      %mul3A_2294 = arith.mulf %sub3A_2291, %sub3A_2291 : vector<16xf32>
      %add3A_2295 = arith.addf %get3A_2293, %mul3A_2294 : vector<16xf32>
      %swap3A_2296 = arith.constant 544 : index
      %swap3A_2297 = tpu.vector_load %arg20[%swap3A_2296] {strides = array<i32>} : memref<1024xf32, #tpu.memory_space<vmem>>, vector<16xf32>,
      tpu.vector_store %arg20[%swap3A_2296], %add3A_2295 {strides = array<i32>} : memref<1024xf32, #tpu.memory_space<vmem>>, vector<16xf32>,
      %get3A_2298 = arith.constant 48 : index
      %get3A_2299 = tpu.vector_load %arg17[%get3A_2298] {strides = array<i32>} : memref<768xf32, #tpu.memory_space<vmem>>, vector<16xf32>,
      %get3A_2300 = arith.constant 176 : index
      %get3A_2301 = tpu.vector_load %arg17[%get3A_2300] {strides = array<i32>} : memref<768xf32, #tpu.memory_space<vmem>>, vector<16xf32>,
      %get3A_2302 = arith.constant 304 : index
      %get3A_2303 = tpu.vector_load %arg17[%get3A_2302] {strides = array<i32>} : memref<768xf32, #tpu.memory_space<vmem>>, vector<16xf32>,
      %add3A_2304 = arith.addf %get3A_2299, %get3A_2303 : vector<16xf32>
      %sub3A_2305 = arith.subf %add3A_2304, %get3A_2301 : vector<16xf32>
      %get3A_2306 = arith.constant 560 : index
      %get3A_2307 = tpu.vector_load %arg20[%get3A_2306] {strides = array<i32>} : memref<1024xf32, #tpu.memory_space<vmem>>, vector<16xf32>,
      %mul3A_2308 = arith.mulf %sub3A_2305, %sub3A_2305 : vector<16xf32>
      %add3A_2309 = arith.addf %get3A_2307, %mul3A_2308 : vector<16xf32>
      %swap3A_2310 = arith.constant 560 : index
      %swap3A_2311 = tpu.vector_load %arg20[%swap3A_2310] {strides = array<i32>} : memref<1024xf32, #tpu.memory_space<vmem>>, vector<16xf32>,
      tpu.vector_store %arg20[%swap3A_2310], %add3A_2309 {strides = array<i32>} : memref<1024xf32, #tpu.memory_space<vmem>>, vector<16xf32>,
      %get3A_2312 = arith.constant 64 : index
      %get3A_2313 = tpu.vector_load %arg17[%get3A_2312] {strides = array<i32>} : memref<768xf32, #tpu.memory_space<vmem>>, vector<16xf32>,
      %get3A_2314 = arith.constant 192 : index
      %get3A_2315 = tpu.vector_load %arg17[%get3A_2314] {strides = array<i32>} : memref<768xf32, #tpu.memory_space<vmem>>, vector<16xf32>,
      %get3A_2316 = arith.constant 320 : index
      %get3A_2317 = tpu.vector_load %arg17[%get3A_2316] {strides = array<i32>} : memref<768xf32, #tpu.memory_space<vmem>>, vector<16xf32>,
      %add3A_2318 = arith.addf %get3A_2313, %get3A_2317 : vector<16xf32>
      %sub3A_2319 = arith.subf %add3A_2318, %get3A_2315 : vector<16xf32>
      %get3A_2320 = arith.constant 576 : index
      %get3A_2321 = tpu.vector_load %arg20[%get3A_2320] {strides = array<i32>} : memref<1024xf32, #tpu.memory_space<vmem>>, vector<16xf32>,
      %mul3A_2322 = arith.mulf %sub3A_2319, %sub3A_2319 : vector<16xf32>
      %add3A_2323 = arith.addf %get3A_2321, %mul3A_2322 : vector<16xf32>
      %swap3A_2324 = arith.constant 576 : index
      %swap3A_2325 = tpu.vector_load %arg20[%swap3A_2324] {strides = array<i32>} : memref<1024xf32, #tpu.memory_space<vmem>>, vector<16xf32>,
      tpu.vector_store %arg20[%swap3A_2324], %add3A_2323 {strides = array<i32>} : memref<1024xf32, #tpu.memory_space<vmem>>, vector<16xf32>,
      %get3A_2326 = arith.constant 80 : index
      %get3A_2327 = tpu.vector_load %arg17[%get3A_2326] {strides = array<i32>} : memref<768xf32, #tpu.memory_space<vmem>>, vector<16xf32>,
      %get3A_2328 = arith.constant 208 : index
      %get3A_2329 = tpu.vector_load %arg17[%get3A_2328] {strides = array<i32>} : memref<768xf32, #tpu.memory_space<vmem>>, vector<16xf32>,
      %get3A_2330 = arith.constant 336 : index
      %get3A_2331 = tpu.vector_load %arg17[%get3A_2330] {strides = array<i32>} : memref<768xf32, #tpu.memory_space<vmem>>, vector<16xf32>,
      %add3A_2332 = arith.addf %get3A_2327, %get3A_2331 : vector<16xf32>
      %sub3A_2333 = arith.subf %add3A_2332, %get3A_2329 : vector<16xf32>
      %get3A_2334 = arith.constant 592 : index
      %get3A_2335 = tpu.vector_load %arg20[%get3A_2334] {strides = array<i32>} : memref<1024xf32, #tpu.memory_space<vmem>>, vector<16xf32>,
      %mul3A_2336 = arith.mulf %sub3A_2333, %sub3A_2333 : vector<16xf32>
      %add3A_2337 = arith.addf %get3A_2335, %mul3A_2336 : vector<16xf32>
      %swap3A_2338 = arith.constant 592 : index
      %swap3A_2339 = tpu.vector_load %arg20[%swap3A_2338] {strides = array<i32>} : memref<1024xf32, #tpu.memory_space<vmem>>, vector<16xf32>,
      tpu.vector_store %arg20[%swap3A_2338], %add3A_2337 {strides = array<i32>} : memref<1024xf32, #tpu.memory_space<vmem>>, vector<16xf32>,
      %get3A_2340 = arith.constant 96 : index
      %get3A_2341 = tpu.vector_load %arg17[%get3A_2340] {strides = array<i32>} : memref<768xf32, #tpu.memory_space<vmem>>, vector<16xf32>,
      %get3A_2342 = arith.constant 224 : index
      %get3A_2343 = tpu.vector_load %arg17[%get3A_2342] {strides = array<i32>} : memref<768xf32, #tpu.memory_space<vmem>>, vector<16xf32>,
      %get3A_2344 = arith.constant 352 : index
      %get3A_2345 = tpu.vector_load %arg17[%get3A_2344] {strides = array<i32>} : memref<768xf32, #tpu.memory_space<vmem>>, vector<16xf32>,
      %add3A_2346 = arith.addf %get3A_2341, %get3A_2345 : vector<16xf32>
      %sub3A_2347 = arith.subf %add3A_2346, %get3A_2343 : vector<16xf32>
      %get3A_2348 = arith.constant 608 : index
      %get3A_2349 = tpu.vector_load %arg20[%get3A_2348] {strides = array<i32>} : memref<1024xf32, #tpu.memory_space<vmem>>, vector<16xf32>,
      %mul3A_2350 = arith.mulf %sub3A_2347, %sub3A_2347 : vector<16xf32>
      %add3A_2351 = arith.addf %get3A_2349, %mul3A_2350 : vector<16xf32>
      %swap3A_2352 = arith.constant 608 : index
      %swap3A_2353 = tpu.vector_load %arg20[%swap3A_2352] {strides = array<i32>} : memref<1024xf32, #tpu.memory_space<vmem>>, vector<16xf32>,
      tpu.vector_store %arg20[%swap3A_2352], %add3A_2351 {strides = array<i32>} : memref<1024xf32, #tpu.memory_space<vmem>>, vector<16xf32>,
      %get3A_2354 = arith.constant 112 : index
      %get3A_2355 = tpu.vector_load %arg17[%get3A_2354] {strides = array<i32>} : memref<768xf32, #tpu.memory_space<vmem>>, vector<16xf32>,
      %get3A_2356 = arith.constant 240 : index
      %get3A_2357 = tpu.vector_load %arg17[%get3A_2356] {strides = array<i32>} : memref<768xf32, #tpu.memory_space<vmem>>, vector<16xf32>,
      %get3A_2358 = arith.constant 368 : index
      %get3A_2359 = tpu.vector_load %arg17[%get3A_2358] {strides = array<i32>} : memref<768xf32, #tpu.memory_space<vmem>>, vector<16xf32>,
      %add3A_2360 = arith.addf %get3A_2355, %get3A_2359 : vector<16xf32>
      %sub3A_2361 = arith.subf %add3A_2360, %get3A_2357 : vector<16xf32>
      %get3A_2362 = arith.constant 624 : index
      %get3A_2363 = tpu.vector_load %arg20[%get3A_2362] {strides = array<i32>} : memref<1024xf32, #tpu.memory_space<vmem>>, vector<16xf32>,
      %mul3A_2364 = arith.mulf %sub3A_2361, %sub3A_2361 : vector<16xf32>
      %add3A_2365 = arith.addf %get3A_2363, %mul3A_2364 : vector<16xf32>
      %swap3A_2366 = arith.constant 624 : index
      %swap3A_2367 = tpu.vector_load %arg20[%swap3A_2366] {strides = array<i32>} : memref<1024xf32, #tpu.memory_space<vmem>>, vector<16xf32>,
      tpu.vector_store %arg20[%swap3A_2366], %add3A_2365 {strides = array<i32>} : memref<1024xf32, #tpu.memory_space<vmem>>, vector<16xf32>,
      %dma_start3A_2368 = arith.constant 0 : i32
      %dma_start3A_2369 = tpu.memref_slice %arg17[%dma_start3A_2368] : memref<768xf32, #tpu.memory_space<vmem>> -> memref<128xf32, #tpu.memory_space<vmem>>
      %dma_start3A_2370 = arith.constant 768 : i32
      %dma_start3A_2371 = tpu.memref_slice %arg14[%dma_start3A_2370] : memref<1024xi32, #tpu.memory_space<vmem>> -> memref<128xi32, #tpu.memory_space<vmem>>
      %dma_start3A_2372 = arith.constant 0 : i32
      %dma_start3A_2373 = tpu.memref_slice %arg11[%dma_start3A_2372] : memref<1000000xf32, #tpu.memory_space<vmem_shared>> -> memref<1000000xf32, #tpu.memory_space<vmem_shared>>
      tpu.enqueue_indirect_dma source(%dma_start3A_2373 : memref<1000000xf32, #tpu.memory_space<vmem_shared>>) target(%dma_start3A_2369 : memref<128xf32, #tpu.memory_space<vmem>>) offsets(%dma_start3A_2371 : memref<128xi32, #tpu.memory_space<vmem>>) semaphore(%arg23 : memref<!tpu.dma_semaphore, #tpu.memory_space<semaphore_mem>>)
      %dma_start3A_2374 = arith.constant 128 : i32
      %dma_start3A_2375 = tpu.memref_slice %arg17[%dma_start3A_2374] : memref<768xf32, #tpu.memory_space<vmem>> -> memref<128xf32, #tpu.memory_space<vmem>>
      %dma_start3A_2376 = arith.constant 768 : i32
      %dma_start3A_2377 = tpu.memref_slice %arg15[%dma_start3A_2376] : memref<1024xi32, #tpu.memory_space<vmem>> -> memref<128xi32, #tpu.memory_space<vmem>>
      %dma_start3A_2378 = arith.constant 0 : i32
      %dma_start3A_2379 = tpu.memref_slice %arg11[%dma_start3A_2378] : memref<1000000xf32, #tpu.memory_space<vmem_shared>> -> memref<1000000xf32, #tpu.memory_space<vmem_shared>>
      tpu.enqueue_indirect_dma source(%dma_start3A_2379 : memref<1000000xf32, #tpu.memory_space<vmem_shared>>) target(%dma_start3A_2375 : memref<128xf32, #tpu.memory_space<vmem>>) offsets(%dma_start3A_2377 : memref<128xi32, #tpu.memory_space<vmem>>) semaphore(%arg23 : memref<!tpu.dma_semaphore, #tpu.memory_space<semaphore_mem>>)
      %dma_start3A_2380 = arith.constant 256 : i32
      %dma_start3A_2381 = tpu.memref_slice %arg17[%dma_start3A_2380] : memref<768xf32, #tpu.memory_space<vmem>> -> memref<128xf32, #tpu.memory_space<vmem>>
      %dma_start3A_2382 = arith.constant 768 : i32
      %dma_start3A_2383 = tpu.memref_slice %arg16[%dma_start3A_2382] : memref<1024xi32, #tpu.memory_space<vmem>> -> memref<128xi32, #tpu.memory_space<vmem>>
      %dma_start3A_2384 = arith.constant 0 : i32
      %dma_start3A_2385 = tpu.memref_slice %arg13[%dma_start3A_2384] : memref<1024xf32, #tpu.memory_space<vmem_shared>> -> memref<1024xf32, #tpu.memory_space<vmem_shared>>
      tpu.enqueue_indirect_dma source(%dma_start3A_2385 : memref<1024xf32, #tpu.memory_space<vmem_shared>>) target(%dma_start3A_2381 : memref<128xf32, #tpu.memory_space<vmem>>) offsets(%dma_start3A_2383 : memref<128xi32, #tpu.memory_space<vmem>>) semaphore(%arg23 : memref<!tpu.dma_semaphore, #tpu.memory_space<semaphore_mem>>)
      %dma_wait3A_2386 = arith.constant 0 : i32
      %dma_wait3A_2387 = arith.constant 384 : i32
      %dma_wait3A_2388 = tpu.memref_slice %arg17[%dma_wait3A_2387] : memref<768xf32, #tpu.memory_space<vmem>> -> memref<384xf32, #tpu.memory_space<vmem>>
      %dma_wait3A_2389 = arith.constant 0 : i32
      %dma_wait3A_2390 = tpu.memref_slice %arg2[%dma_wait3A_2386, %dma_wait3A_2389] : memref<64x1000000xf32, #tpu.memory_space<hbm>> -> memref<1x384xf32, #tpu.memory_space<hbm>>
      %dma_wait3A_2391 = tpu.memref_squeeze %dma_wait3A_2390 : memref<1x384xf32, #tpu.memory_space<hbm>> -> memref<384xf32, #tpu.memory_space<hbm>>
      %dma_wait3A_2392 = arith.constant 384 : i32
      %dma_wait3A_2393 = tpu.memref_slice %arg17[%dma_wait3A_2392] : memref<768xf32, #tpu.memory_space<vmem>> -> memref<384xf32, #tpu.memory_space<vmem>>
      %dma_wait3A_2394 = arith.constant 0 : i32
      %dma_wait3A_2395 = tpu.memref_slice %arg2[%dma_wait3A_2386, %dma_wait3A_2394] : memref<64x1000000xf32, #tpu.memory_space<hbm>> -> memref<1x384xf32, #tpu.memory_space<hbm>>
      %dma_wait3A_2396 = tpu.memref_squeeze %dma_wait3A_2395 : memref<1x384xf32, #tpu.memory_space<hbm>> -> memref<384xf32, #tpu.memory_space<hbm>>
      tpu.wait_dma2 semaphore(%arg24 : memref<!tpu.dma_semaphore, #tpu.memory_space<semaphore_mem>>) src(%dma_wait3A_2396 : memref<384xf32, #tpu.memory_space<hbm>>) dst(%dma_wait3A_2393 : memref<384xf32, #tpu.memory_space<vmem>>)
      %get3A_2397 = arith.constant 384 : index
      %get3A_2398 = tpu.vector_load %arg17[%get3A_2397] {strides = array<i32>} : memref<768xf32, #tpu.memory_space<vmem>>, vector<16xf32>,
      %get3A_2399 = arith.constant 512 : index
      %get3A_2400 = tpu.vector_load %arg17[%get3A_2399] {strides = array<i32>} : memref<768xf32, #tpu.memory_space<vmem>>, vector<16xf32>,
      %get3A_2401 = arith.constant 640 : index
      %get3A_2402 = tpu.vector_load %arg17[%get3A_2401] {strides = array<i32>} : memref<768xf32, #tpu.memory_space<vmem>>, vector<16xf32>,
      %add3A_2403 = arith.addf %get3A_2398, %get3A_2402 : vector<16xf32>
      %sub3A_2404 = arith.subf %add3A_2403, %get3A_2400 : vector<16xf32>
      %get3A_2405 = arith.constant 640 : index
      %get3A_2406 = tpu.vector_load %arg20[%get3A_2405] {strides = array<i32>} : memref<1024xf32, #tpu.memory_space<vmem>>, vector<16xf32>,
      %mul3A_2407 = arith.mulf %sub3A_2404, %sub3A_2404 : vector<16xf32>
      %add3A_2408 = arith.addf %get3A_2406, %mul3A_2407 : vector<16xf32>
      %swap3A_2409 = arith.constant 640 : index
      %swap3A_2410 = tpu.vector_load %arg20[%swap3A_2409] {strides = array<i32>} : memref<1024xf32, #tpu.memory_space<vmem>>, vector<16xf32>,
      tpu.vector_store %arg20[%swap3A_2409], %add3A_2408 {strides = array<i32>} : memref<1024xf32, #tpu.memory_space<vmem>>, vector<16xf32>,
      %get3A_2411 = arith.constant 400 : index
      %get3A_2412 = tpu.vector_load %arg17[%get3A_2411] {strides = array<i32>} : memref<768xf32, #tpu.memory_space<vmem>>, vector<16xf32>,
      %get3A_2413 = arith.constant 528 : index
      %get3A_2414 = tpu.vector_load %arg17[%get3A_2413] {strides = array<i32>} : memref<768xf32, #tpu.memory_space<vmem>>, vector<16xf32>,
      %get3A_2415 = arith.constant 656 : index
      %get3A_2416 = tpu.vector_load %arg17[%get3A_2415] {strides = array<i32>} : memref<768xf32, #tpu.memory_space<vmem>>, vector<16xf32>,
      %add3A_2417 = arith.addf %get3A_2412, %get3A_2416 : vector<16xf32>
      %sub3A_2418 = arith.subf %add3A_2417, %get3A_2414 : vector<16xf32>
      %get3A_2419 = arith.constant 656 : index
      %get3A_2420 = tpu.vector_load %arg20[%get3A_2419] {strides = array<i32>} : memref<1024xf32, #tpu.memory_space<vmem>>, vector<16xf32>,
      %mul3A_2421 = arith.mulf %sub3A_2418, %sub3A_2418 : vector<16xf32>
      %add3A_2422 = arith.addf %get3A_2420, %mul3A_2421 : vector<16xf32>
      %swap3A_2423 = arith.constant 656 : index
      %swap3A_2424 = tpu.vector_load %arg20[%swap3A_2423] {strides = array<i32>} : memref<1024xf32, #tpu.memory_space<vmem>>, vector<16xf32>,
      tpu.vector_store %arg20[%swap3A_2423], %add3A_2422 {strides = array<i32>} : memref<1024xf32, #tpu.memory_space<vmem>>, vector<16xf32>,
      %get3A_2425 = arith.constant 416 : index
      %get3A_2426 = tpu.vector_load %arg17[%get3A_2425] {strides = array<i32>} : memref<768xf32, #tpu.memory_space<vmem>>, vector<16xf32>,
      %get3A_2427 = arith.constant 544 : index
      %get3A_2428 = tpu.vector_load %arg17[%get3A_2427] {strides = array<i32>} : memref<768xf32, #tpu.memory_space<vmem>>, vector<16xf32>,
      %get3A_2429 = arith.constant 672 : index
      %get3A_2430 = tpu.vector_load %arg17[%get3A_2429] {strides = array<i32>} : memref<768xf32, #tpu.memory_space<vmem>>, vector<16xf32>,
      %add3A_2431 = arith.addf %get3A_2426, %get3A_2430 : vector<16xf32>
      %sub3A_2432 = arith.subf %add3A_2431, %get3A_2428 : vector<16xf32>
      %get3A_2433 = arith.constant 672 : index
      %get3A_2434 = tpu.vector_load %arg20[%get3A_2433] {strides = array<i32>} : memref<1024xf32, #tpu.memory_space<vmem>>, vector<16xf32>,
      %mul3A_2435 = arith.mulf %sub3A_2432, %sub3A_2432 : vector<16xf32>
      %add3A_2436 = arith.addf %get3A_2434, %mul3A_2435 : vector<16xf32>
      %swap3A_2437 = arith.constant 672 : index
      %swap3A_2438 = tpu.vector_load %arg20[%swap3A_2437] {strides = array<i32>} : memref<1024xf32, #tpu.memory_space<vmem>>, vector<16xf32>,
      tpu.vector_store %arg20[%swap3A_2437], %add3A_2436 {strides = array<i32>} : memref<1024xf32, #tpu.memory_space<vmem>>, vector<16xf32>,
      %get3A_2439 = arith.constant 432 : index
      %get3A_2440 = tpu.vector_load %arg17[%get3A_2439] {strides = array<i32>} : memref<768xf32, #tpu.memory_space<vmem>>, vector<16xf32>,
      %get3A_2441 = arith.constant 560 : index
      %get3A_2442 = tpu.vector_load %arg17[%get3A_2441] {strides = array<i32>} : memref<768xf32, #tpu.memory_space<vmem>>, vector<16xf32>,
      %get3A_2443 = arith.constant 688 : index
      %get3A_2444 = tpu.vector_load %arg17[%get3A_2443] {strides = array<i32>} : memref<768xf32, #tpu.memory_space<vmem>>, vector<16xf32>,
      %add3A_2445 = arith.addf %get3A_2440, %get3A_2444 : vector<16xf32>
      %sub3A_2446 = arith.subf %add3A_2445, %get3A_2442 : vector<16xf32>
      %get3A_2447 = arith.constant 688 : index
      %get3A_2448 = tpu.vector_load %arg20[%get3A_2447] {strides = array<i32>} : memref<1024xf32, #tpu.memory_space<vmem>>, vector<16xf32>,
      %mul3A_2449 = arith.mulf %sub3A_2446, %sub3A_2446 : vector<16xf32>
      %add3A_2450 = arith.addf %get3A_2448, %mul3A_2449 : vector<16xf32>
      %swap3A_2451 = arith.constant 688 : index
      %swap3A_2452 = tpu.vector_load %arg20[%swap3A_2451] {strides = array<i32>} : memref<1024xf32, #tpu.memory_space<vmem>>, vector<16xf32>,
      tpu.vector_store %arg20[%swap3A_2451], %add3A_2450 {strides = array<i32>} : memref<1024xf32, #tpu.memory_space<vmem>>, vector<16xf32>,
      %get3A_2453 = arith.constant 448 : index
      %get3A_2454 = tpu.vector_load %arg17[%get3A_2453] {strides = array<i32>} : memref<768xf32, #tpu.memory_space<vmem>>, vector<16xf32>,
      %get3A_2455 = arith.constant 576 : index
      %get3A_2456 = tpu.vector_load %arg17[%get3A_2455] {strides = array<i32>} : memref<768xf32, #tpu.memory_space<vmem>>, vector<16xf32>,
      %get3A_2457 = arith.constant 704 : index
      %get3A_2458 = tpu.vector_load %arg17[%get3A_2457] {strides = array<i32>} : memref<768xf32, #tpu.memory_space<vmem>>, vector<16xf32>,
      %add3A_2459 = arith.addf %get3A_2454, %get3A_2458 : vector<16xf32>
      %sub3A_2460 = arith.subf %add3A_2459, %get3A_2456 : vector<16xf32>
      %get3A_2461 = arith.constant 704 : index
      %get3A_2462 = tpu.vector_load %arg20[%get3A_2461] {strides = array<i32>} : memref<1024xf32, #tpu.memory_space<vmem>>, vector<16xf32>,
      %mul3A_2463 = arith.mulf %sub3A_2460, %sub3A_2460 : vector<16xf32>
      %add3A_2464 = arith.addf %get3A_2462, %mul3A_2463 : vector<16xf32>
      %swap3A_2465 = arith.constant 704 : index
      %swap3A_2466 = tpu.vector_load %arg20[%swap3A_2465] {strides = array<i32>} : memref<1024xf32, #tpu.memory_space<vmem>>, vector<16xf32>,
      tpu.vector_store %arg20[%swap3A_2465], %add3A_2464 {strides = array<i32>} : memref<1024xf32, #tpu.memory_space<vmem>>, vector<16xf32>,
      %get3A_2467 = arith.constant 464 : index
      %get3A_2468 = tpu.vector_load %arg17[%get3A_2467] {strides = array<i32>} : memref<768xf32, #tpu.memory_space<vmem>>, vector<16xf32>,
      %get3A_2469 = arith.constant 592 : index
      %get3A_2470 = tpu.vector_load %arg17[%get3A_2469] {strides = array<i32>} : memref<768xf32, #tpu.memory_space<vmem>>, vector<16xf32>,
      %get3A_2471 = arith.constant 720 : index
      %get3A_2472 = tpu.vector_load %arg17[%get3A_2471] {strides = array<i32>} : memref<768xf32, #tpu.memory_space<vmem>>, vector<16xf32>,
      %add3A_2473 = arith.addf %get3A_2468, %get3A_2472 : vector<16xf32>
      %sub3A_2474 = arith.subf %add3A_2473, %get3A_2470 : vector<16xf32>
      %get3A_2475 = arith.constant 720 : index
      %get3A_2476 = tpu.vector_load %arg20[%get3A_2475] {strides = array<i32>} : memref<1024xf32, #tpu.memory_space<vmem>>, vector<16xf32>,
      %mul3A_2477 = arith.mulf %sub3A_2474, %sub3A_2474 : vector<16xf32>
      %add3A_2478 = arith.addf %get3A_2476, %mul3A_2477 : vector<16xf32>
      %swap3A_2479 = arith.constant 720 : index
      %swap3A_2480 = tpu.vector_load %arg20[%swap3A_2479] {strides = array<i32>} : memref<1024xf32, #tpu.memory_space<vmem>>, vector<16xf32>,
      tpu.vector_store %arg20[%swap3A_2479], %add3A_2478 {strides = array<i32>} : memref<1024xf32, #tpu.memory_space<vmem>>, vector<16xf32>,
      %get3A_2481 = arith.constant 480 : index
      %get3A_2482 = tpu.vector_load %arg17[%get3A_2481] {strides = array<i32>} : memref<768xf32, #tpu.memory_space<vmem>>, vector<16xf32>,
      %get3A_2483 = arith.constant 608 : index
      %get3A_2484 = tpu.vector_load %arg17[%get3A_2483] {strides = array<i32>} : memref<768xf32, #tpu.memory_space<vmem>>, vector<16xf32>,
      %get3A_2485 = arith.constant 736 : index
      %get3A_2486 = tpu.vector_load %arg17[%get3A_2485] {strides = array<i32>} : memref<768xf32, #tpu.memory_space<vmem>>, vector<16xf32>,
      %add3A_2487 = arith.addf %get3A_2482, %get3A_2486 : vector<16xf32>
      %sub3A_2488 = arith.subf %add3A_2487, %get3A_2484 : vector<16xf32>
      %get3A_2489 = arith.constant 736 : index
      %get3A_2490 = tpu.vector_load %arg20[%get3A_2489] {strides = array<i32>} : memref<1024xf32, #tpu.memory_space<vmem>>, vector<16xf32>,
      %mul3A_2491 = arith.mulf %sub3A_2488, %sub3A_2488 : vector<16xf32>
      %add3A_2492 = arith.addf %get3A_2490, %mul3A_2491 : vector<16xf32>
      %swap3A_2493 = arith.constant 736 : index
      %swap3A_2494 = tpu.vector_load %arg20[%swap3A_2493] {strides = array<i32>} : memref<1024xf32, #tpu.memory_space<vmem>>, vector<16xf32>,
      tpu.vector_store %arg20[%swap3A_2493], %add3A_2492 {strides = array<i32>} : memref<1024xf32, #tpu.memory_space<vmem>>, vector<16xf32>,
      %get3A_2495 = arith.constant 496 : index
      %get3A_2496 = tpu.vector_load %arg17[%get3A_2495] {strides = array<i32>} : memref<768xf32, #tpu.memory_space<vmem>>, vector<16xf32>,
      %get3A_2497 = arith.constant 624 : index
      %get3A_2498 = tpu.vector_load %arg17[%get3A_2497] {strides = array<i32>} : memref<768xf32, #tpu.memory_space<vmem>>, vector<16xf32>,
      %get3A_2499 = arith.constant 752 : index
      %get3A_2500 = tpu.vector_load %arg17[%get3A_2499] {strides = array<i32>} : memref<768xf32, #tpu.memory_space<vmem>>, vector<16xf32>,
      %add3A_2501 = arith.addf %get3A_2496, %get3A_2500 : vector<16xf32>
      %sub3A_2502 = arith.subf %add3A_2501, %get3A_2498 : vector<16xf32>
      %get3A_2503 = arith.constant 752 : index
      %get3A_2504 = tpu.vector_load %arg20[%get3A_2503] {strides = array<i32>} : memref<1024xf32, #tpu.memory_space<vmem>>, vector<16xf32>,
      %mul3A_2505 = arith.mulf %sub3A_2502, %sub3A_2502 : vector<16xf32>
      %add3A_2506 = arith.addf %get3A_2504, %mul3A_2505 : vector<16xf32>
      %swap3A_2507 = arith.constant 752 : index
      %swap3A_2508 = tpu.vector_load %arg20[%swap3A_2507] {strides = array<i32>} : memref<1024xf32, #tpu.memory_space<vmem>>, vector<16xf32>,
      tpu.vector_store %arg20[%swap3A_2507], %add3A_2506 {strides = array<i32>} : memref<1024xf32, #tpu.memory_space<vmem>>, vector<16xf32>,
      %dma_start3A_2509 = arith.constant 384 : i32
      %dma_start3A_2510 = tpu.memref_slice %arg17[%dma_start3A_2509] : memref<768xf32, #tpu.memory_space<vmem>> -> memref<128xf32, #tpu.memory_space<vmem>>
      %dma_start3A_2511 = arith.constant 896 : i32
      %dma_start3A_2512 = tpu.memref_slice %arg14[%dma_start3A_2511] : memref<1024xi32, #tpu.memory_space<vmem>> -> memref<128xi32, #tpu.memory_space<vmem>>
      %dma_start3A_2513 = arith.constant 0 : i32
      %dma_start3A_2514 = tpu.memref_slice %arg11[%dma_start3A_2513] : memref<1000000xf32, #tpu.memory_space<vmem_shared>> -> memref<1000000xf32, #tpu.memory_space<vmem_shared>>
      tpu.enqueue_indirect_dma source(%dma_start3A_2514 : memref<1000000xf32, #tpu.memory_space<vmem_shared>>) target(%dma_start3A_2510 : memref<128xf32, #tpu.memory_space<vmem>>) offsets(%dma_start3A_2512 : memref<128xi32, #tpu.memory_space<vmem>>) semaphore(%arg24 : memref<!tpu.dma_semaphore, #tpu.memory_space<semaphore_mem>>)
      %dma_start3A_2515 = arith.constant 512 : i32
      %dma_start3A_2516 = tpu.memref_slice %arg17[%dma_start3A_2515] : memref<768xf32, #tpu.memory_space<vmem>> -> memref<128xf32, #tpu.memory_space<vmem>>
      %dma_start3A_2517 = arith.constant 896 : i32
      %dma_start3A_2518 = tpu.memref_slice %arg15[%dma_start3A_2517] : memref<1024xi32, #tpu.memory_space<vmem>> -> memref<128xi32, #tpu.memory_space<vmem>>
      %dma_start3A_2519 = arith.constant 0 : i32
      %dma_start3A_2520 = tpu.memref_slice %arg11[%dma_start3A_2519] : memref<1000000xf32, #tpu.memory_space<vmem_shared>> -> memref<1000000xf32, #tpu.memory_space<vmem_shared>>
      tpu.enqueue_indirect_dma source(%dma_start3A_2520 : memref<1000000xf32, #tpu.memory_space<vmem_shared>>) target(%dma_start3A_2516 : memref<128xf32, #tpu.memory_space<vmem>>) offsets(%dma_start3A_2518 : memref<128xi32, #tpu.memory_space<vmem>>) semaphore(%arg24 : memref<!tpu.dma_semaphore, #tpu.memory_space<semaphore_mem>>)
      %dma_start3A_2521 = arith.constant 640 : i32
      %dma_start3A_2522 = tpu.memref_slice %arg17[%dma_start3A_2521] : memref<768xf32, #tpu.memory_space<vmem>> -> memref<128xf32, #tpu.memory_space<vmem>>
      %dma_start3A_2523 = arith.constant 896 : i32
      %dma_start3A_2524 = tpu.memref_slice %arg16[%dma_start3A_2523] : memref<1024xi32, #tpu.memory_space<vmem>> -> memref<128xi32, #tpu.memory_space<vmem>>
      %dma_start3A_2525 = arith.constant 0 : i32
      %dma_start3A_2526 = tpu.memref_slice %arg13[%dma_start3A_2525] : memref<1024xf32, #tpu.memory_space<vmem_shared>> -> memref<1024xf32, #tpu.memory_space<vmem_shared>>
      tpu.enqueue_indirect_dma source(%dma_start3A_2526 : memref<1024xf32, #tpu.memory_space<vmem_shared>>) target(%dma_start3A_2522 : memref<128xf32, #tpu.memory_space<vmem>>) offsets(%dma_start3A_2524 : memref<128xi32, #tpu.memory_space<vmem>>) semaphore(%arg24 : memref<!tpu.dma_semaphore, #tpu.memory_space<semaphore_mem>>)
      %dma_wait3A_2527 = arith.constant 0 : i32
      %dma_wait3A_2528 = arith.constant 0 : i32
      %dma_wait3A_2529 = tpu.memref_slice %arg17[%dma_wait3A_2528] : memref<768xf32, #tpu.memory_space<vmem>> -> memref<384xf32, #tpu.memory_space<vmem>>
      %dma_wait3A_2530 = arith.constant 0 : i32
      %dma_wait3A_2531 = tpu.memref_slice %arg2[%dma_wait3A_2527, %dma_wait3A_2530] : memref<64x1000000xf32, #tpu.memory_space<hbm>> -> memref<1x384xf32, #tpu.memory_space<hbm>>
      %dma_wait3A_2532 = tpu.memref_squeeze %dma_wait3A_2531 : memref<1x384xf32, #tpu.memory_space<hbm>> -> memref<384xf32, #tpu.memory_space<hbm>>
      %dma_wait3A_2533 = arith.constant 0 : i32
      %dma_wait3A_2534 = tpu.memref_slice %arg17[%dma_wait3A_2533] : memref<768xf32, #tpu.memory_space<vmem>> -> memref<384xf32, #tpu.memory_space<vmem>>
      %dma_wait3A_2535 = arith.constant 0 : i32
      %dma_wait3A_2536 = tpu.memref_slice %arg2[%dma_wait3A_2527, %dma_wait3A_2535] : memref<64x1000000xf32, #tpu.memory_space<hbm>> -> memref<1x384xf32, #tpu.memory_space<hbm>>
      %dma_wait3A_2537 = tpu.memref_squeeze %dma_wait3A_2536 : memref<1x384xf32, #tpu.memory_space<hbm>> -> memref<384xf32, #tpu.memory_space<hbm>>
      tpu.wait_dma2 semaphore(%arg23 : memref<!tpu.dma_semaphore, #tpu.memory_space<semaphore_mem>>) src(%dma_wait3A_2537 : memref<384xf32, #tpu.memory_space<hbm>>) dst(%dma_wait3A_2534 : memref<384xf32, #tpu.memory_space<vmem>>)
      %get3A_2538 = arith.constant 0 : index
      %get3A_2539 = tpu.vector_load %arg17[%get3A_2538] {strides = array<i32>} : memref<768xf32, #tpu.memory_space<vmem>>, vector<16xf32>,
      %get3A_2540 = arith.constant 128 : index
      %get3A_2541 = tpu.vector_load %arg17[%get3A_2540] {strides = array<i32>} : memref<768xf32, #tpu.memory_space<vmem>>, vector<16xf32>,
      %get3A_2542 = arith.constant 256 : index
      %get3A_2543 = tpu.vector_load %arg17[%get3A_2542] {strides = array<i32>} : memref<768xf32, #tpu.memory_space<vmem>>, vector<16xf32>,
      %add3A_2544 = arith.addf %get3A_2539, %get3A_2543 : vector<16xf32>
      %sub3A_2545 = arith.subf %add3A_2544, %get3A_2541 : vector<16xf32>
      %get3A_2546 = arith.constant 768 : index
      %get3A_2547 = tpu.vector_load %arg20[%get3A_2546] {strides = array<i32>} : memref<1024xf32, #tpu.memory_space<vmem>>, vector<16xf32>,
      %mul3A_2548 = arith.mulf %sub3A_2545, %sub3A_2545 : vector<16xf32>
      %add3A_2549 = arith.addf %get3A_2547, %mul3A_2548 : vector<16xf32>
      %swap3A_2550 = arith.constant 768 : index
      %swap3A_2551 = tpu.vector_load %arg20[%swap3A_2550] {strides = array<i32>} : memref<1024xf32, #tpu.memory_space<vmem>>, vector<16xf32>,
      tpu.vector_store %arg20[%swap3A_2550], %add3A_2549 {strides = array<i32>} : memref<1024xf32, #tpu.memory_space<vmem>>, vector<16xf32>,
      %get3A_2552 = arith.constant 16 : index
      %get3A_2553 = tpu.vector_load %arg17[%get3A_2552] {strides = array<i32>} : memref<768xf32, #tpu.memory_space<vmem>>, vector<16xf32>,
      %get3A_2554 = arith.constant 144 : index
      %get3A_2555 = tpu.vector_load %arg17[%get3A_2554] {strides = array<i32>} : memref<768xf32, #tpu.memory_space<vmem>>, vector<16xf32>,
      %get3A_2556 = arith.constant 272 : index
      %get3A_2557 = tpu.vector_load %arg17[%get3A_2556] {strides = array<i32>} : memref<768xf32, #tpu.memory_space<vmem>>, vector<16xf32>,
      %add3A_2558 = arith.addf %get3A_2553, %get3A_2557 : vector<16xf32>
      %sub3A_2559 = arith.subf %add3A_2558, %get3A_2555 : vector<16xf32>
      %get3A_2560 = arith.constant 784 : index
      %get3A_2561 = tpu.vector_load %arg20[%get3A_2560] {strides = array<i32>} : memref<1024xf32, #tpu.memory_space<vmem>>, vector<16xf32>,
      %mul3A_2562 = arith.mulf %sub3A_2559, %sub3A_2559 : vector<16xf32>
      %add3A_2563 = arith.addf %get3A_2561, %mul3A_2562 : vector<16xf32>
      %swap3A_2564 = arith.constant 784 : index
      %swap3A_2565 = tpu.vector_load %arg20[%swap3A_2564] {strides = array<i32>} : memref<1024xf32, #tpu.memory_space<vmem>>, vector<16xf32>,
      tpu.vector_store %arg20[%swap3A_2564], %add3A_2563 {strides = array<i32>} : memref<1024xf32, #tpu.memory_space<vmem>>, vector<16xf32>,
      %get3A_2566 = arith.constant 32 : index
      %get3A_2567 = tpu.vector_load %arg17[%get3A_2566] {strides = array<i32>} : memref<768xf32, #tpu.memory_space<vmem>>, vector<16xf32>,
      %get3A_2568 = arith.constant 160 : index
      %get3A_2569 = tpu.vector_load %arg17[%get3A_2568] {strides = array<i32>} : memref<768xf32, #tpu.memory_space<vmem>>, vector<16xf32>,
      %get3A_2570 = arith.constant 288 : index
      %get3A_2571 = tpu.vector_load %arg17[%get3A_2570] {strides = array<i32>} : memref<768xf32, #tpu.memory_space<vmem>>, vector<16xf32>,
      %add3A_2572 = arith.addf %get3A_2567, %get3A_2571 : vector<16xf32>
      %sub3A_2573 = arith.subf %add3A_2572, %get3A_2569 : vector<16xf32>
      %get3A_2574 = arith.constant 800 : index
      %get3A_2575 = tpu.vector_load %arg20[%get3A_2574] {strides = array<i32>} : memref<1024xf32, #tpu.memory_space<vmem>>, vector<16xf32>,
      %mul3A_2576 = arith.mulf %sub3A_2573, %sub3A_2573 : vector<16xf32>
      %add3A_2577 = arith.addf %get3A_2575, %mul3A_2576 : vector<16xf32>
      %swap3A_2578 = arith.constant 800 : index
      %swap3A_2579 = tpu.vector_load %arg20[%swap3A_2578] {strides = array<i32>} : memref<1024xf32, #tpu.memory_space<vmem>>, vector<16xf32>,
      tpu.vector_store %arg20[%swap3A_2578], %add3A_2577 {strides = array<i32>} : memref<1024xf32, #tpu.memory_space<vmem>>, vector<16xf32>,
      %get3A_2580 = arith.constant 48 : index
      %get3A_2581 = tpu.vector_load %arg17[%get3A_2580] {strides = array<i32>} : memref<768xf32, #tpu.memory_space<vmem>>, vector<16xf32>,
      %get3A_2582 = arith.constant 176 : index
      %get3A_2583 = tpu.vector_load %arg17[%get3A_2582] {strides = array<i32>} : memref<768xf32, #tpu.memory_space<vmem>>, vector<16xf32>,
      %get3A_2584 = arith.constant 304 : index
      %get3A_2585 = tpu.vector_load %arg17[%get3A_2584] {strides = array<i32>} : memref<768xf32, #tpu.memory_space<vmem>>, vector<16xf32>,
      %add3A_2586 = arith.addf %get3A_2581, %get3A_2585 : vector<16xf32>
      %sub3A_2587 = arith.subf %add3A_2586, %get3A_2583 : vector<16xf32>
      %get3A_2588 = arith.constant 816 : index
      %get3A_2589 = tpu.vector_load %arg20[%get3A_2588] {strides = array<i32>} : memref<1024xf32, #tpu.memory_space<vmem>>, vector<16xf32>,
      %mul3A_2590 = arith.mulf %sub3A_2587, %sub3A_2587 : vector<16xf32>
      %add3A_2591 = arith.addf %get3A_2589, %mul3A_2590 : vector<16xf32>
      %swap3A_2592 = arith.constant 816 : index
      %swap3A_2593 = tpu.vector_load %arg20[%swap3A_2592] {strides = array<i32>} : memref<1024xf32, #tpu.memory_space<vmem>>, vector<16xf32>,
      tpu.vector_store %arg20[%swap3A_2592], %add3A_2591 {strides = array<i32>} : memref<1024xf32, #tpu.memory_space<vmem>>, vector<16xf32>,
      %get3A_2594 = arith.constant 64 : index
      %get3A_2595 = tpu.vector_load %arg17[%get3A_2594] {strides = array<i32>} : memref<768xf32, #tpu.memory_space<vmem>>, vector<16xf32>,
      %get3A_2596 = arith.constant 192 : index
      %get3A_2597 = tpu.vector_load %arg17[%get3A_2596] {strides = array<i32>} : memref<768xf32, #tpu.memory_space<vmem>>, vector<16xf32>,
      %get3A_2598 = arith.constant 320 : index
      %get3A_2599 = tpu.vector_load %arg17[%get3A_2598] {strides = array<i32>} : memref<768xf32, #tpu.memory_space<vmem>>, vector<16xf32>,
      %add3A_2600 = arith.addf %get3A_2595, %get3A_2599 : vector<16xf32>
      %sub3A_2601 = arith.subf %add3A_2600, %get3A_2597 : vector<16xf32>
      %get3A_2602 = arith.constant 832 : index
      %get3A_2603 = tpu.vector_load %arg20[%get3A_2602] {strides = array<i32>} : memref<1024xf32, #tpu.memory_space<vmem>>, vector<16xf32>,
      %mul3A_2604 = arith.mulf %sub3A_2601, %sub3A_2601 : vector<16xf32>
      %add3A_2605 = arith.addf %get3A_2603, %mul3A_2604 : vector<16xf32>
      %swap3A_2606 = arith.constant 832 : index
      %swap3A_2607 = tpu.vector_load %arg20[%swap3A_2606] {strides = array<i32>} : memref<1024xf32, #tpu.memory_space<vmem>>, vector<16xf32>,
      tpu.vector_store %arg20[%swap3A_2606], %add3A_2605 {strides = array<i32>} : memref<1024xf32, #tpu.memory_space<vmem>>, vector<16xf32>,
      %get3A_2608 = arith.constant 80 : index
      %get3A_2609 = tpu.vector_load %arg17[%get3A_2608] {strides = array<i32>} : memref<768xf32, #tpu.memory_space<vmem>>, vector<16xf32>,
      %get3A_2610 = arith.constant 208 : index
      %get3A_2611 = tpu.vector_load %arg17[%get3A_2610] {strides = array<i32>} : memref<768xf32, #tpu.memory_space<vmem>>, vector<16xf32>,
      %get3A_2612 = arith.constant 336 : index
      %get3A_2613 = tpu.vector_load %arg17[%get3A_2612] {strides = array<i32>} : memref<768xf32, #tpu.memory_space<vmem>>, vector<16xf32>,
      %add3A_2614 = arith.addf %get3A_2609, %get3A_2613 : vector<16xf32>
      %sub3A_2615 = arith.subf %add3A_2614, %get3A_2611 : vector<16xf32>
      %get3A_2616 = arith.constant 848 : index
      %get3A_2617 = tpu.vector_load %arg20[%get3A_2616] {strides = array<i32>} : memref<1024xf32, #tpu.memory_space<vmem>>, vector<16xf32>,
      %mul3A_2618 = arith.mulf %sub3A_2615, %sub3A_2615 : vector<16xf32>
      %add3A_2619 = arith.addf %get3A_2617, %mul3A_2618 : vector<16xf32>
      %swap3A_2620 = arith.constant 848 : index
      %swap3A_2621 = tpu.vector_load %arg20[%swap3A_2620] {strides = array<i32>} : memref<1024xf32, #tpu.memory_space<vmem>>, vector<16xf32>,
      tpu.vector_store %arg20[%swap3A_2620], %add3A_2619 {strides = array<i32>} : memref<1024xf32, #tpu.memory_space<vmem>>, vector<16xf32>,
      %get3A_2622 = arith.constant 96 : index
      %get3A_2623 = tpu.vector_load %arg17[%get3A_2622] {strides = array<i32>} : memref<768xf32, #tpu.memory_space<vmem>>, vector<16xf32>,
      %get3A_2624 = arith.constant 224 : index
      %get3A_2625 = tpu.vector_load %arg17[%get3A_2624] {strides = array<i32>} : memref<768xf32, #tpu.memory_space<vmem>>, vector<16xf32>,
      %get3A_2626 = arith.constant 352 : index
      %get3A_2627 = tpu.vector_load %arg17[%get3A_2626] {strides = array<i32>} : memref<768xf32, #tpu.memory_space<vmem>>, vector<16xf32>,
      %add3A_2628 = arith.addf %get3A_2623, %get3A_2627 : vector<16xf32>
      %sub3A_2629 = arith.subf %add3A_2628, %get3A_2625 : vector<16xf32>
      %get3A_2630 = arith.constant 864 : index
      %get3A_2631 = tpu.vector_load %arg20[%get3A_2630] {strides = array<i32>} : memref<1024xf32, #tpu.memory_space<vmem>>, vector<16xf32>,
      %mul3A_2632 = arith.mulf %sub3A_2629, %sub3A_2629 : vector<16xf32>
      %add3A_2633 = arith.addf %get3A_2631, %mul3A_2632 : vector<16xf32>
      %swap3A_2634 = arith.constant 864 : index
      %swap3A_2635 = tpu.vector_load %arg20[%swap3A_2634] {strides = array<i32>} : memref<1024xf32, #tpu.memory_space<vmem>>, vector<16xf32>,
      tpu.vector_store %arg20[%swap3A_2634], %add3A_2633 {strides = array<i32>} : memref<1024xf32, #tpu.memory_space<vmem>>, vector<16xf32>,
      %get3A_2636 = arith.constant 112 : index
      %get3A_2637 = tpu.vector_load %arg17[%get3A_2636] {strides = array<i32>} : memref<768xf32, #tpu.memory_space<vmem>>, vector<16xf32>,
      %get3A_2638 = arith.constant 240 : index
      %get3A_2639 = tpu.vector_load %arg17[%get3A_2638] {strides = array<i32>} : memref<768xf32, #tpu.memory_space<vmem>>, vector<16xf32>,
      %get3A_2640 = arith.constant 368 : index
      %get3A_2641 = tpu.vector_load %arg17[%get3A_2640] {strides = array<i32>} : memref<768xf32, #tpu.memory_space<vmem>>, vector<16xf32>,
      %add3A_2642 = arith.addf %get3A_2637, %get3A_2641 : vector<16xf32>
      %sub3A_2643 = arith.subf %add3A_2642, %get3A_2639 : vector<16xf32>
      %get3A_2644 = arith.constant 880 : index
      %get3A_2645 = tpu.vector_load %arg20[%get3A_2644] {strides = array<i32>} : memref<1024xf32, #tpu.memory_space<vmem>>, vector<16xf32>,
      %mul3A_2646 = arith.mulf %sub3A_2643, %sub3A_2643 : vector<16xf32>
      %add3A_2647 = arith.addf %get3A_2645, %mul3A_2646 : vector<16xf32>
      %swap3A_2648 = arith.constant 880 : index
      %swap3A_2649 = tpu.vector_load %arg20[%swap3A_2648] {strides = array<i32>} : memref<1024xf32, #tpu.memory_space<vmem>>, vector<16xf32>,
      tpu.vector_store %arg20[%swap3A_2648], %add3A_2647 {strides = array<i32>} : memref<1024xf32, #tpu.memory_space<vmem>>, vector<16xf32>,
      %dma_wait3A_2650 = arith.constant 0 : i32
      %dma_wait3A_2651 = arith.constant 384 : i32
      %dma_wait3A_2652 = tpu.memref_slice %arg17[%dma_wait3A_2651] : memref<768xf32, #tpu.memory_space<vmem>> -> memref<384xf32, #tpu.memory_space<vmem>>
      %dma_wait3A_2653 = arith.constant 0 : i32
      %dma_wait3A_2654 = tpu.memref_slice %arg2[%dma_wait3A_2650, %dma_wait3A_2653] : memref<64x1000000xf32, #tpu.memory_space<hbm>> -> memref<1x384xf32, #tpu.memory_space<hbm>>
      %dma_wait3A_2655 = tpu.memref_squeeze %dma_wait3A_2654 : memref<1x384xf32, #tpu.memory_space<hbm>> -> memref<384xf32, #tpu.memory_space<hbm>>
      %dma_wait3A_2656 = arith.constant 384 : i32
      %dma_wait3A_2657 = tpu.memref_slice %arg17[%dma_wait3A_2656] : memref<768xf32, #tpu.memory_space<vmem>> -> memref<384xf32, #tpu.memory_space<vmem>>
      %dma_wait3A_2658 = arith.constant 0 : i32
      %dma_wait3A_2659 = tpu.memref_slice %arg2[%dma_wait3A_2650, %dma_wait3A_2658] : memref<64x1000000xf32, #tpu.memory_space<hbm>> -> memref<1x384xf32, #tpu.memory_space<hbm>>
      %dma_wait3A_2660 = tpu.memref_squeeze %dma_wait3A_2659 : memref<1x384xf32, #tpu.memory_space<hbm>> -> memref<384xf32, #tpu.memory_space<hbm>>
      tpu.wait_dma2 semaphore(%arg24 : memref<!tpu.dma_semaphore, #tpu.memory_space<semaphore_mem>>) src(%dma_wait3A_2660 : memref<384xf32, #tpu.memory_space<hbm>>) dst(%dma_wait3A_2657 : memref<384xf32, #tpu.memory_space<vmem>>)
      %get3A_2661 = arith.constant 384 : index
      %get3A_2662 = tpu.vector_load %arg17[%get3A_2661] {strides = array<i32>} : memref<768xf32, #tpu.memory_space<vmem>>, vector<16xf32>,
      %get3A_2663 = arith.constant 512 : index
      %get3A_2664 = tpu.vector_load %arg17[%get3A_2663] {strides = array<i32>} : memref<768xf32, #tpu.memory_space<vmem>>, vector<16xf32>,
      %get3A_2665 = arith.constant 640 : index
      %get3A_2666 = tpu.vector_load %arg17[%get3A_2665] {strides = array<i32>} : memref<768xf32, #tpu.memory_space<vmem>>, vector<16xf32>,
      %add3A_2667 = arith.addf %get3A_2662, %get3A_2666 : vector<16xf32>
      %sub3A_2668 = arith.subf %add3A_2667, %get3A_2664 : vector<16xf32>
      %get3A_2669 = arith.constant 896 : index
      %get3A_2670 = tpu.vector_load %arg20[%get3A_2669] {strides = array<i32>} : memref<1024xf32, #tpu.memory_space<vmem>>, vector<16xf32>,
      %mul3A_2671 = arith.mulf %sub3A_2668, %sub3A_2668 : vector<16xf32>
      %add3A_2672 = arith.addf %get3A_2670, %mul3A_2671 : vector<16xf32>
      %swap3A_2673 = arith.constant 896 : index
      %swap3A_2674 = tpu.vector_load %arg20[%swap3A_2673] {strides = array<i32>} : memref<1024xf32, #tpu.memory_space<vmem>>, vector<16xf32>,
      tpu.vector_store %arg20[%swap3A_2673], %add3A_2672 {strides = array<i32>} : memref<1024xf32, #tpu.memory_space<vmem>>, vector<16xf32>,
      %get3A_2675 = arith.constant 400 : index
      %get3A_2676 = tpu.vector_load %arg17[%get3A_2675] {strides = array<i32>} : memref<768xf32, #tpu.memory_space<vmem>>, vector<16xf32>,
      %get3A_2677 = arith.constant 528 : index
      %get3A_2678 = tpu.vector_load %arg17[%get3A_2677] {strides = array<i32>} : memref<768xf32, #tpu.memory_space<vmem>>, vector<16xf32>,
      %get3A_2679 = arith.constant 656 : index
      %get3A_2680 = tpu.vector_load %arg17[%get3A_2679] {strides = array<i32>} : memref<768xf32, #tpu.memory_space<vmem>>, vector<16xf32>,
      %add3A_2681 = arith.addf %get3A_2676, %get3A_2680 : vector<16xf32>
      %sub3A_2682 = arith.subf %add3A_2681, %get3A_2678 : vector<16xf32>
      %get3A_2683 = arith.constant 912 : index
      %get3A_2684 = tpu.vector_load %arg20[%get3A_2683] {strides = array<i32>} : memref<1024xf32, #tpu.memory_space<vmem>>, vector<16xf32>,
      %mul3A_2685 = arith.mulf %sub3A_2682, %sub3A_2682 : vector<16xf32>
      %add3A_2686 = arith.addf %get3A_2684, %mul3A_2685 : vector<16xf32>
      %swap3A_2687 = arith.constant 912 : index
      %swap3A_2688 = tpu.vector_load %arg20[%swap3A_2687] {strides = array<i32>} : memref<1024xf32, #tpu.memory_space<vmem>>, vector<16xf32>,
      tpu.vector_store %arg20[%swap3A_2687], %add3A_2686 {strides = array<i32>} : memref<1024xf32, #tpu.memory_space<vmem>>, vector<16xf32>,
      %get3A_2689 = arith.constant 416 : index
      %get3A_2690 = tpu.vector_load %arg17[%get3A_2689] {strides = array<i32>} : memref<768xf32, #tpu.memory_space<vmem>>, vector<16xf32>,
      %get3A_2691 = arith.constant 544 : index
      %get3A_2692 = tpu.vector_load %arg17[%get3A_2691] {strides = array<i32>} : memref<768xf32, #tpu.memory_space<vmem>>, vector<16xf32>,
      %get3A_2693 = arith.constant 672 : index
      %get3A_2694 = tpu.vector_load %arg17[%get3A_2693] {strides = array<i32>} : memref<768xf32, #tpu.memory_space<vmem>>, vector<16xf32>,
      %add3A_2695 = arith.addf %get3A_2690, %get3A_2694 : vector<16xf32>
      %sub3A_2696 = arith.subf %add3A_2695, %get3A_2692 : vector<16xf32>
      %get3A_2697 = arith.constant 928 : index
      %get3A_2698 = tpu.vector_load %arg20[%get3A_2697] {strides = array<i32>} : memref<1024xf32, #tpu.memory_space<vmem>>, vector<16xf32>,
      %mul3A_2699 = arith.mulf %sub3A_2696, %sub3A_2696 : vector<16xf32>
      %add3A_2700 = arith.addf %get3A_2698, %mul3A_2699 : vector<16xf32>
      %swap3A_2701 = arith.constant 928 : index
      %swap3A_2702 = tpu.vector_load %arg20[%swap3A_2701] {strides = array<i32>} : memref<1024xf32, #tpu.memory_space<vmem>>, vector<16xf32>,
      tpu.vector_store %arg20[%swap3A_2701], %add3A_2700 {strides = array<i32>} : memref<1024xf32, #tpu.memory_space<vmem>>, vector<16xf32>,
      %get3A_2703 = arith.constant 432 : index
      %get3A_2704 = tpu.vector_load %arg17[%get3A_2703] {strides = array<i32>} : memref<768xf32, #tpu.memory_space<vmem>>, vector<16xf32>,
      %get3A_2705 = arith.constant 560 : index
      %get3A_2706 = tpu.vector_load %arg17[%get3A_2705] {strides = array<i32>} : memref<768xf32, #tpu.memory_space<vmem>>, vector<16xf32>,
      %get3A_2707 = arith.constant 688 : index
      %get3A_2708 = tpu.vector_load %arg17[%get3A_2707] {strides = array<i32>} : memref<768xf32, #tpu.memory_space<vmem>>, vector<16xf32>,
      %add3A_2709 = arith.addf %get3A_2704, %get3A_2708 : vector<16xf32>
      %sub3A_2710 = arith.subf %add3A_2709, %get3A_2706 : vector<16xf32>
      %get3A_2711 = arith.constant 944 : index
      %get3A_2712 = tpu.vector_load %arg20[%get3A_2711] {strides = array<i32>} : memref<1024xf32, #tpu.memory_space<vmem>>, vector<16xf32>,
      %mul3A_2713 = arith.mulf %sub3A_2710, %sub3A_2710 : vector<16xf32>
      %add3A_2714 = arith.addf %get3A_2712, %mul3A_2713 : vector<16xf32>
      %swap3A_2715 = arith.constant 944 : index
      %swap3A_2716 = tpu.vector_load %arg20[%swap3A_2715] {strides = array<i32>} : memref<1024xf32, #tpu.memory_space<vmem>>, vector<16xf32>,
      tpu.vector_store %arg20[%swap3A_2715], %add3A_2714 {strides = array<i32>} : memref<1024xf32, #tpu.memory_space<vmem>>, vector<16xf32>,
      %get3A_2717 = arith.constant 448 : index
      %get3A_2718 = tpu.vector_load %arg17[%get3A_2717] {strides = array<i32>} : memref<768xf32, #tpu.memory_space<vmem>>, vector<16xf32>,
      %get3A_2719 = arith.constant 576 : index
      %get3A_2720 = tpu.vector_load %arg17[%get3A_2719] {strides = array<i32>} : memref<768xf32, #tpu.memory_space<vmem>>, vector<16xf32>,
      %get3A_2721 = arith.constant 704 : index
      %get3A_2722 = tpu.vector_load %arg17[%get3A_2721] {strides = array<i32>} : memref<768xf32, #tpu.memory_space<vmem>>, vector<16xf32>,
      %add3A_2723 = arith.addf %get3A_2718, %get3A_2722 : vector<16xf32>
      %sub3A_2724 = arith.subf %add3A_2723, %get3A_2720 : vector<16xf32>
      %get3A_2725 = arith.constant 960 : index
      %get3A_2726 = tpu.vector_load %arg20[%get3A_2725] {strides = array<i32>} : memref<1024xf32, #tpu.memory_space<vmem>>, vector<16xf32>,
      %mul3A_2727 = arith.mulf %sub3A_2724, %sub3A_2724 : vector<16xf32>
      %add3A_2728 = arith.addf %get3A_2726, %mul3A_2727 : vector<16xf32>
      %swap3A_2729 = arith.constant 960 : index
      %swap3A_2730 = tpu.vector_load %arg20[%swap3A_2729] {strides = array<i32>} : memref<1024xf32, #tpu.memory_space<vmem>>, vector<16xf32>,
      tpu.vector_store %arg20[%swap3A_2729], %add3A_2728 {strides = array<i32>} : memref<1024xf32, #tpu.memory_space<vmem>>, vector<16xf32>,
      %get3A_2731 = arith.constant 464 : index
      %get3A_2732 = tpu.vector_load %arg17[%get3A_2731] {strides = array<i32>} : memref<768xf32, #tpu.memory_space<vmem>>, vector<16xf32>,
      %get3A_2733 = arith.constant 592 : index
      %get3A_2734 = tpu.vector_load %arg17[%get3A_2733] {strides = array<i32>} : memref<768xf32, #tpu.memory_space<vmem>>, vector<16xf32>,
      %get3A_2735 = arith.constant 720 : index
      %get3A_2736 = tpu.vector_load %arg17[%get3A_2735] {strides = array<i32>} : memref<768xf32, #tpu.memory_space<vmem>>, vector<16xf32>,
      %add3A_2737 = arith.addf %get3A_2732, %get3A_2736 : vector<16xf32>
      %sub3A_2738 = arith.subf %add3A_2737, %get3A_2734 : vector<16xf32>
      %get3A_2739 = arith.constant 976 : index
      %get3A_2740 = tpu.vector_load %arg20[%get3A_2739] {strides = array<i32>} : memref<1024xf32, #tpu.memory_space<vmem>>, vector<16xf32>,
      %mul3A_2741 = arith.mulf %sub3A_2738, %sub3A_2738 : vector<16xf32>
      %add3A_2742 = arith.addf %get3A_2740, %mul3A_2741 : vector<16xf32>
      %swap3A_2743 = arith.constant 976 : index
      %swap3A_2744 = tpu.vector_load %arg20[%swap3A_2743] {strides = array<i32>} : memref<1024xf32, #tpu.memory_space<vmem>>, vector<16xf32>,
      tpu.vector_store %arg20[%swap3A_2743], %add3A_2742 {strides = array<i32>} : memref<1024xf32, #tpu.memory_space<vmem>>, vector<16xf32>,
      %get3A_2745 = arith.constant 480 : index
      %get3A_2746 = tpu.vector_load %arg17[%get3A_2745] {strides = array<i32>} : memref<768xf32, #tpu.memory_space<vmem>>, vector<16xf32>,
      %get3A_2747 = arith.constant 608 : index
      %get3A_2748 = tpu.vector_load %arg17[%get3A_2747] {strides = array<i32>} : memref<768xf32, #tpu.memory_space<vmem>>, vector<16xf32>,
      %get3A_2749 = arith.constant 736 : index
      %get3A_2750 = tpu.vector_load %arg17[%get3A_2749] {strides = array<i32>} : memref<768xf32, #tpu.memory_space<vmem>>, vector<16xf32>,
      %add3A_2751 = arith.addf %get3A_2746, %get3A_2750 : vector<16xf32>
      %sub3A_2752 = arith.subf %add3A_2751, %get3A_2748 : vector<16xf32>
      %get3A_2753 = arith.constant 992 : index
      %get3A_2754 = tpu.vector_load %arg20[%get3A_2753] {strides = array<i32>} : memref<1024xf32, #tpu.memory_space<vmem>>, vector<16xf32>,
      %mul3A_2755 = arith.mulf %sub3A_2752, %sub3A_2752 : vector<16xf32>
      %add3A_2756 = arith.addf %get3A_2754, %mul3A_2755 : vector<16xf32>
      %swap3A_2757 = arith.constant 992 : index
      %swap3A_2758 = tpu.vector_load %arg20[%swap3A_2757] {strides = array<i32>} : memref<1024xf32, #tpu.memory_space<vmem>>, vector<16xf32>,
      tpu.vector_store %arg20[%swap3A_2757], %add3A_2756 {strides = array<i32>} : memref<1024xf32, #tpu.memory_space<vmem>>, vector<16xf32>,
      %get3A_2759 = arith.constant 496 : index
      %get3A_2760 = tpu.vector_load %arg17[%get3A_2759] {strides = array<i32>} : memref<768xf32, #tpu.memory_space<vmem>>, vector<16xf32>,
      %get3A_2761 = arith.constant 624 : index
      %get3A_2762 = tpu.vector_load %arg17[%get3A_2761] {strides = array<i32>} : memref<768xf32, #tpu.memory_space<vmem>>, vector<16xf32>,
      %get3A_2763 = arith.constant 752 : index
      %get3A_2764 = tpu.vector_load %arg17[%get3A_2763] {strides = array<i32>} : memref<768xf32, #tpu.memory_space<vmem>>, vector<16xf32>,
      %add3A_2765 = arith.addf %get3A_2760, %get3A_2764 : vector<16xf32>
      %sub3A_2766 = arith.subf %add3A_2765, %get3A_2762 : vector<16xf32>
      %get3A_2767 = arith.constant 1008 : index
      %get3A_2768 = tpu.vector_load %arg20[%get3A_2767] {strides = array<i32>} : memref<1024xf32, #tpu.memory_space<vmem>>, vector<16xf32>,
      %mul3A_2769 = arith.mulf %sub3A_2766, %sub3A_2766 : vector<16xf32>
      %add3A_2770 = arith.addf %get3A_2768, %mul3A_2769 : vector<16xf32>
      %swap3A_2771 = arith.constant 1008 : index
      %swap3A_2772 = tpu.vector_load %arg20[%swap3A_2771] {strides = array<i32>} : memref<1024xf32, #tpu.memory_space<vmem>>, vector<16xf32>,
      tpu.vector_store %arg20[%swap3A_2771], %add3A_2770 {strides = array<i32>} : memref<1024xf32, #tpu.memory_space<vmem>>, vector<16xf32>,
      %barrier3A_2773 = arith.constant 0 : index
      tpu.barrier barrier_id(%barrier3A_2773)
      %add3A_2774 = arith.constant 2 : i32
      %add3A_2775 = arith.addi %add3A_1588, %add3A_2774 : i32
      %lt3A_2776 = arith.constant 32 : i32
      %lt3A_2777 = arith.cmpi slt, %add3A_2775, %lt3A_2776 : i32
      %convert_element_type3A_2778 = arith.extui %lt3A_2777 : i1 to i32
      %cond3A_2779 = arith.constant 0 : i32
      %cond3A_2780 = arith.cmpi ne, %convert_element_type3A_2778, %cond3A_2779 : i32
      scf.if %cond3A_2780 {
        %add3A_2781 = arith.constant 2 : i32
        %add3A_2782 = arith.addi %add3A_1588, %add3A_2781 : i32
        %eq3A_2783 = arith.constant 0 : i32
        %eq3A_2784 = arith.cmpi eq, %arg1, %eq3A_2783 : i32
        %convert_element_type3A_2785 = arith.extui %eq3A_2784 : i1 to i32
        %cond3A_2786 = arith.constant 0 : i32
        %cond3A_2787 = arith.cmpi ne, %convert_element_type3A_2785, %cond3A_2786 : i32
        scf.if %cond3A_2787 {
          %add3A_2838 = arith.addi %mul3A_0, %add3A_2782 : i32
          %dma_start3A_2839 = arith.constant 0 : i32
          %dma_start3A_2840 = tpu.memref_slice %arg11[%dma_start3A_2839] : memref<1000000xf32, #tpu.memory_space<vmem_shared>> -> memref<124928xf32, #tpu.memory_space<vmem_shared>>
          %dma_start3A_2841 = arith.constant 0 : i32
          %dma_start3A_2842 = tpu.memref_slice %arg2[%add3A_2838, %dma_start3A_2841] : memref<64x1000000xf32, #tpu.memory_space<hbm>> -> memref<1x124928xf32, #tpu.memory_space<hbm>>
          %dma_start3A_2843 = tpu.memref_squeeze %dma_start3A_2842 : memref<1x124928xf32, #tpu.memory_space<hbm>> -> memref<124928xf32, #tpu.memory_space<hbm>>
          tpu.enqueue_dma source(%dma_start3A_2843 : memref<124928xf32, #tpu.memory_space<hbm>>) target(%dma_start3A_2840 : memref<124928xf32, #tpu.memory_space<vmem_shared>>) target_semaphore(%arg22 : memref<!tpu.dma_semaphore, #tpu.memory_space<semaphore_mem>>)
        } else {
        }
        %eq3A_2788 = arith.constant 1 : i32
        %eq3A_2789 = arith.cmpi eq, %arg1, %eq3A_2788 : i32
        %convert_element_type3A_2790 = arith.extui %eq3A_2789 : i1 to i32
        %cond3A_2791 = arith.constant 0 : i32
        %cond3A_2792 = arith.cmpi ne, %convert_element_type3A_2790, %cond3A_2791 : i32
        scf.if %cond3A_2792 {
          %add3A_2838 = arith.addi %mul3A_0, %add3A_2782 : i32
          %dma_start3A_2839 = arith.constant 124928 : i32
          %dma_start3A_2840 = tpu.memref_slice %arg11[%dma_start3A_2839] : memref<1000000xf32, #tpu.memory_space<vmem_shared>> -> memref<124928xf32, #tpu.memory_space<vmem_shared>>
          %dma_start3A_2841 = arith.constant 124928 : i32
          %dma_start3A_2842 = tpu.memref_slice %arg2[%add3A_2838, %dma_start3A_2841] : memref<64x1000000xf32, #tpu.memory_space<hbm>> -> memref<1x124928xf32, #tpu.memory_space<hbm>>
          %dma_start3A_2843 = tpu.memref_squeeze %dma_start3A_2842 : memref<1x124928xf32, #tpu.memory_space<hbm>> -> memref<124928xf32, #tpu.memory_space<hbm>>
          tpu.enqueue_dma source(%dma_start3A_2843 : memref<124928xf32, #tpu.memory_space<hbm>>) target(%dma_start3A_2840 : memref<124928xf32, #tpu.memory_space<vmem_shared>>) target_semaphore(%arg22 : memref<!tpu.dma_semaphore, #tpu.memory_space<semaphore_mem>>)
        } else {
        }
        %eq3A_2793 = arith.constant 2 : i32
        %eq3A_2794 = arith.cmpi eq, %arg1, %eq3A_2793 : i32
        %convert_element_type3A_2795 = arith.extui %eq3A_2794 : i1 to i32
        %cond3A_2796 = arith.constant 0 : i32
        %cond3A_2797 = arith.cmpi ne, %convert_element_type3A_2795, %cond3A_2796 : i32
        scf.if %cond3A_2797 {
          %add3A_2838 = arith.addi %mul3A_0, %add3A_2782 : i32
          %dma_start3A_2839 = arith.constant 249856 : i32
          %dma_start3A_2840 = tpu.memref_slice %arg11[%dma_start3A_2839] : memref<1000000xf32, #tpu.memory_space<vmem_shared>> -> memref<124928xf32, #tpu.memory_space<vmem_shared>>
          %dma_start3A_2841 = arith.constant 249856 : i32
          %dma_start3A_2842 = tpu.memref_slice %arg2[%add3A_2838, %dma_start3A_2841] : memref<64x1000000xf32, #tpu.memory_space<hbm>> -> memref<1x124928xf32, #tpu.memory_space<hbm>>
          %dma_start3A_2843 = tpu.memref_squeeze %dma_start3A_2842 : memref<1x124928xf32, #tpu.memory_space<hbm>> -> memref<124928xf32, #tpu.memory_space<hbm>>
          tpu.enqueue_dma source(%dma_start3A_2843 : memref<124928xf32, #tpu.memory_space<hbm>>) target(%dma_start3A_2840 : memref<124928xf32, #tpu.memory_space<vmem_shared>>) target_semaphore(%arg22 : memref<!tpu.dma_semaphore, #tpu.memory_space<semaphore_mem>>)
        } else {
        }
        %eq3A_2798 = arith.constant 3 : i32
        %eq3A_2799 = arith.cmpi eq, %arg1, %eq3A_2798 : i32
        %convert_element_type3A_2800 = arith.extui %eq3A_2799 : i1 to i32
        %cond3A_2801 = arith.constant 0 : i32
        %cond3A_2802 = arith.cmpi ne, %convert_element_type3A_2800, %cond3A_2801 : i32
        scf.if %cond3A_2802 {
          %add3A_2838 = arith.addi %mul3A_0, %add3A_2782 : i32
          %dma_start3A_2839 = arith.constant 374784 : i32
          %dma_start3A_2840 = tpu.memref_slice %arg11[%dma_start3A_2839] : memref<1000000xf32, #tpu.memory_space<vmem_shared>> -> memref<124928xf32, #tpu.memory_space<vmem_shared>>
          %dma_start3A_2841 = arith.constant 374784 : i32
          %dma_start3A_2842 = tpu.memref_slice %arg2[%add3A_2838, %dma_start3A_2841] : memref<64x1000000xf32, #tpu.memory_space<hbm>> -> memref<1x124928xf32, #tpu.memory_space<hbm>>
          %dma_start3A_2843 = tpu.memref_squeeze %dma_start3A_2842 : memref<1x124928xf32, #tpu.memory_space<hbm>> -> memref<124928xf32, #tpu.memory_space<hbm>>
          tpu.enqueue_dma source(%dma_start3A_2843 : memref<124928xf32, #tpu.memory_space<hbm>>) target(%dma_start3A_2840 : memref<124928xf32, #tpu.memory_space<vmem_shared>>) target_semaphore(%arg22 : memref<!tpu.dma_semaphore, #tpu.memory_space<semaphore_mem>>)
        } else {
        }
        %eq3A_2803 = arith.constant 4 : i32
        %eq3A_2804 = arith.cmpi eq, %arg1, %eq3A_2803 : i32
        %convert_element_type3A_2805 = arith.extui %eq3A_2804 : i1 to i32
        %cond3A_2806 = arith.constant 0 : i32
        %cond3A_2807 = arith.cmpi ne, %convert_element_type3A_2805, %cond3A_2806 : i32
        scf.if %cond3A_2807 {
          %add3A_2838 = arith.addi %mul3A_0, %add3A_2782 : i32
          %dma_start3A_2839 = arith.constant 499712 : i32
          %dma_start3A_2840 = tpu.memref_slice %arg11[%dma_start3A_2839] : memref<1000000xf32, #tpu.memory_space<vmem_shared>> -> memref<124928xf32, #tpu.memory_space<vmem_shared>>
          %dma_start3A_2841 = arith.constant 499712 : i32
          %dma_start3A_2842 = tpu.memref_slice %arg2[%add3A_2838, %dma_start3A_2841] : memref<64x1000000xf32, #tpu.memory_space<hbm>> -> memref<1x124928xf32, #tpu.memory_space<hbm>>
          %dma_start3A_2843 = tpu.memref_squeeze %dma_start3A_2842 : memref<1x124928xf32, #tpu.memory_space<hbm>> -> memref<124928xf32, #tpu.memory_space<hbm>>
          tpu.enqueue_dma source(%dma_start3A_2843 : memref<124928xf32, #tpu.memory_space<hbm>>) target(%dma_start3A_2840 : memref<124928xf32, #tpu.memory_space<vmem_shared>>) target_semaphore(%arg22 : memref<!tpu.dma_semaphore, #tpu.memory_space<semaphore_mem>>)
        } else {
        }
        %eq3A_2808 = arith.constant 5 : i32
        %eq3A_2809 = arith.cmpi eq, %arg1, %eq3A_2808 : i32
        %convert_element_type3A_2810 = arith.extui %eq3A_2809 : i1 to i32
        %cond3A_2811 = arith.constant 0 : i32
        %cond3A_2812 = arith.cmpi ne, %convert_element_type3A_2810, %cond3A_2811 : i32
        scf.if %cond3A_2812 {
          %add3A_2838 = arith.addi %mul3A_0, %add3A_2782 : i32
          %dma_start3A_2839 = arith.constant 624640 : i32
          %dma_start3A_2840 = tpu.memref_slice %arg11[%dma_start3A_2839] : memref<1000000xf32, #tpu.memory_space<vmem_shared>> -> memref<124928xf32, #tpu.memory_space<vmem_shared>>
          %dma_start3A_2841 = arith.constant 624640 : i32
          %dma_start3A_2842 = tpu.memref_slice %arg2[%add3A_2838, %dma_start3A_2841] : memref<64x1000000xf32, #tpu.memory_space<hbm>> -> memref<1x124928xf32, #tpu.memory_space<hbm>>
          %dma_start3A_2843 = tpu.memref_squeeze %dma_start3A_2842 : memref<1x124928xf32, #tpu.memory_space<hbm>> -> memref<124928xf32, #tpu.memory_space<hbm>>
          tpu.enqueue_dma source(%dma_start3A_2843 : memref<124928xf32, #tpu.memory_space<hbm>>) target(%dma_start3A_2840 : memref<124928xf32, #tpu.memory_space<vmem_shared>>) target_semaphore(%arg22 : memref<!tpu.dma_semaphore, #tpu.memory_space<semaphore_mem>>)
        } else {
        }
        %eq3A_2813 = arith.constant 6 : i32
        %eq3A_2814 = arith.cmpi eq, %arg1, %eq3A_2813 : i32
        %convert_element_type3A_2815 = arith.extui %eq3A_2814 : i1 to i32
        %cond3A_2816 = arith.constant 0 : i32
        %cond3A_2817 = arith.cmpi ne, %convert_element_type3A_2815, %cond3A_2816 : i32
        scf.if %cond3A_2817 {
          %add3A_2838 = arith.addi %mul3A_0, %add3A_2782 : i32
          %dma_start3A_2839 = arith.constant 749568 : i32
          %dma_start3A_2840 = tpu.memref_slice %arg11[%dma_start3A_2839] : memref<1000000xf32, #tpu.memory_space<vmem_shared>> -> memref<124928xf32, #tpu.memory_space<vmem_shared>>
          %dma_start3A_2841 = arith.constant 749568 : i32
          %dma_start3A_2842 = tpu.memref_slice %arg2[%add3A_2838, %dma_start3A_2841] : memref<64x1000000xf32, #tpu.memory_space<hbm>> -> memref<1x124928xf32, #tpu.memory_space<hbm>>
          %dma_start3A_2843 = tpu.memref_squeeze %dma_start3A_2842 : memref<1x124928xf32, #tpu.memory_space<hbm>> -> memref<124928xf32, #tpu.memory_space<hbm>>
          tpu.enqueue_dma source(%dma_start3A_2843 : memref<124928xf32, #tpu.memory_space<hbm>>) target(%dma_start3A_2840 : memref<124928xf32, #tpu.memory_space<vmem_shared>>) target_semaphore(%arg22 : memref<!tpu.dma_semaphore, #tpu.memory_space<semaphore_mem>>)
        } else {
        }
        %eq3A_2818 = arith.constant 7 : i32
        %eq3A_2819 = arith.cmpi eq, %arg1, %eq3A_2818 : i32
        %convert_element_type3A_2820 = arith.extui %eq3A_2819 : i1 to i32
        %cond3A_2821 = arith.constant 0 : i32
        %cond3A_2822 = arith.cmpi ne, %convert_element_type3A_2820, %cond3A_2821 : i32
        scf.if %cond3A_2822 {
          %add3A_2838 = arith.addi %mul3A_0, %add3A_2782 : i32
          %dma_start3A_2839 = arith.constant 874496 : i32
          %dma_start3A_2840 = tpu.memref_slice %arg11[%dma_start3A_2839] : memref<1000000xf32, #tpu.memory_space<vmem_shared>> -> memref<124928xf32, #tpu.memory_space<vmem_shared>>
          %dma_start3A_2841 = arith.constant 874496 : i32
          %dma_start3A_2842 = tpu.memref_slice %arg2[%add3A_2838, %dma_start3A_2841] : memref<64x1000000xf32, #tpu.memory_space<hbm>> -> memref<1x124928xf32, #tpu.memory_space<hbm>>
          %dma_start3A_2843 = tpu.memref_squeeze %dma_start3A_2842 : memref<1x124928xf32, #tpu.memory_space<hbm>> -> memref<124928xf32, #tpu.memory_space<hbm>>
          tpu.enqueue_dma source(%dma_start3A_2843 : memref<124928xf32, #tpu.memory_space<hbm>>) target(%dma_start3A_2840 : memref<124928xf32, #tpu.memory_space<vmem_shared>>) target_semaphore(%arg22 : memref<!tpu.dma_semaphore, #tpu.memory_space<semaphore_mem>>)
        } else {
        }
        %eq3A_2823 = arith.constant 8 : i32
        %eq3A_2824 = arith.cmpi eq, %arg1, %eq3A_2823 : i32
        %convert_element_type3A_2825 = arith.extui %eq3A_2824 : i1 to i32
        %cond3A_2826 = arith.constant 0 : i32
        %cond3A_2827 = arith.cmpi ne, %convert_element_type3A_2825, %cond3A_2826 : i32
        scf.if %cond3A_2827 {
          %add3A_2838 = arith.addi %mul3A_0, %add3A_2782 : i32
          %dma_start3A_2839 = arith.constant 999424 : i32
          %dma_start3A_2840 = tpu.memref_slice %arg11[%dma_start3A_2839] : memref<1000000xf32, #tpu.memory_space<vmem_shared>> -> memref<512xf32, #tpu.memory_space<vmem_shared>>
          %dma_start3A_2841 = arith.constant 999424 : i32
          %dma_start3A_2842 = tpu.memref_slice %arg2[%add3A_2838, %dma_start3A_2841] : memref<64x1000000xf32, #tpu.memory_space<hbm>> -> memref<1x512xf32, #tpu.memory_space<hbm>>
          %dma_start3A_2843 = tpu.memref_squeeze %dma_start3A_2842 : memref<1x512xf32, #tpu.memory_space<hbm>> -> memref<512xf32, #tpu.memory_space<hbm>>
          tpu.enqueue_dma source(%dma_start3A_2843 : memref<512xf32, #tpu.memory_space<hbm>>) target(%dma_start3A_2840 : memref<512xf32, #tpu.memory_space<vmem_shared>>) target_semaphore(%arg22 : memref<!tpu.dma_semaphore, #tpu.memory_space<semaphore_mem>>)
        } else {
        }
        %eq3A_2828 = arith.constant 9 : i32
        %eq3A_2829 = arith.cmpi eq, %arg1, %eq3A_2828 : i32
        %convert_element_type3A_2830 = arith.extui %eq3A_2829 : i1 to i32
        %cond3A_2831 = arith.constant 0 : i32
        %cond3A_2832 = arith.cmpi ne, %convert_element_type3A_2830, %cond3A_2831 : i32
        scf.if %cond3A_2832 {
          %add3A_2838 = arith.addi %mul3A_0, %add3A_2782 : i32
          %dma_start3A_2839 = arith.constant 0 : i32
          %dma_start3A_2840 = tpu.memref_slice %arg3[%add3A_2838, %dma_start3A_2839] : memref<64x1024xf32, #tpu.memory_space<hbm>> -> memref<1x1024xf32, #tpu.memory_space<hbm>>
          %dma_start3A_2841 = tpu.memref_squeeze %dma_start3A_2840 : memref<1x1024xf32, #tpu.memory_space<hbm>> -> memref<1024xf32, #tpu.memory_space<hbm>>
          tpu.enqueue_dma source(%dma_start3A_2841 : memref<1024xf32, #tpu.memory_space<hbm>>) target(%arg13 : memref<1024xf32, #tpu.memory_space<vmem_shared>>) target_semaphore(%arg22 : memref<!tpu.dma_semaphore, #tpu.memory_space<semaphore_mem>>)
        } else {
        }
        %eq3A_2833 = arith.constant 11 : i32
        %eq3A_2834 = arith.cmpi eq, %arg1, %eq3A_2833 : i32
        %convert_element_type3A_2835 = arith.extui %eq3A_2834 : i1 to i32
        %cond3A_2836 = arith.constant 0 : i32
        %cond3A_2837 = arith.cmpi ne, %convert_element_type3A_2835, %cond3A_2836 : i32
        scf.if %cond3A_2837 {
          %add3A_2838 = arith.addi %mul3A_0, %add3A_2782 : i32
          %dma_start3A_2839 = arith.constant 0 : i32
          %dma_start3A_2840 = tpu.memref_slice %arg4[%add3A_2838, %dma_start3A_2839] : memref<64x64xf32, #tpu.memory_space<hbm>> -> memref<1x64xf32, #tpu.memory_space<hbm>>
          %dma_start3A_2841 = tpu.memref_squeeze %dma_start3A_2840 : memref<1x64xf32, #tpu.memory_space<hbm>> -> memref<64xf32, #tpu.memory_space<hbm>>
          %dma_start3A_2842 = arith.constant 0 : i32
          %dma_start3A_2843 = tpu.memref_slice %arg4[%add3A_2838, %dma_start3A_2842] : memref<64x64xf32, #tpu.memory_space<hbm>> -> memref<1x64xf32, #tpu.memory_space<hbm>>
          %dma_start3A_2844 = tpu.memref_squeeze %dma_start3A_2843 : memref<1x64xf32, #tpu.memory_space<hbm>> -> memref<64xf32, #tpu.memory_space<hbm>>
          tpu.enqueue_dma source(%dma_start3A_2844 : memref<64xf32, #tpu.memory_space<hbm>>) target(%arg19 : memref<64xf32, #tpu.memory_space<vmem>>) target_semaphore(%arg22 : memref<!tpu.dma_semaphore, #tpu.memory_space<semaphore_mem>>)
        } else {
        }
      } else {
      }
    }
    %scan3A_384 = arith.constant 16 : i32
    %eq3A_385 = arith.constant 0 : i32
    %eq3A_386 = arith.cmpi eq, %arg0, %eq3A_385 : i32
    %convert_element_type3A_387 = arith.extui %eq3A_386 : i1 to i32
    %cond3A_388 = arith.constant 0 : i32
    %cond3A_389 = arith.cmpi ne, %convert_element_type3A_387, %cond3A_388 : i32
    scf.if %cond3A_389 {
      "tpu.region"() ({
        %run_scoped3A = tpu.sem_alloc : memref<!tpu.dma_semaphore, #tpu.memory_space<semaphore_mem>>
        %dma_start3A_395 = tpu.memref_slice %arg8[%mul3A_2] : memref<16384xf32, #tpu.memory_space<hbm>> -> memref<1024xf32, #tpu.memory_space<hbm>>
        %dma_start3A_396 = tpu.memref_slice %arg8[%mul3A_2] : memref<16384xf32, #tpu.memory_space<hbm>> -> memref<1024xf32, #tpu.memory_space<hbm>>
        tpu.enqueue_dma source(%arg20 : memref<1024xf32, #tpu.memory_space<vmem>>) target(%dma_start3A_396 : memref<1024xf32, #tpu.memory_space<hbm>>) target_semaphore(%run_scoped3A : memref<!tpu.dma_semaphore, #tpu.memory_space<semaphore_mem>>)
        %dma_wait3A_397 = tpu.memref_slice %arg8[%mul3A_2] : memref<16384xf32, #tpu.memory_space<hbm>> -> memref<1024xf32, #tpu.memory_space<hbm>>
        %dma_wait3A_398 = tpu.memref_slice %arg8[%mul3A_2] : memref<16384xf32, #tpu.memory_space<hbm>> -> memref<1024xf32, #tpu.memory_space<hbm>>
        tpu.wait_dma2 semaphore(%run_scoped3A : memref<!tpu.dma_semaphore, #tpu.memory_space<semaphore_mem>>) src(%arg20 : memref<1024xf32, #tpu.memory_space<vmem>>) dst(%dma_wait3A_398 : memref<1024xf32, #tpu.memory_space<hbm>>)
        tpu.yield
      }) : () -> ()
    } else {
    }
    %eq3A_390 = arith.constant 1 : i32
    %eq3A_391 = arith.cmpi eq, %arg0, %eq3A_390 : i32
    %convert_element_type3A_392 = arith.extui %eq3A_391 : i1 to i32
    %cond3A_393 = arith.constant 0 : i32
    %cond3A_394 = arith.cmpi ne, %convert_element_type3A_392, %cond3A_393 : i32
    scf.if %cond3A_394 {
      "tpu.region"() ({
        %run_scoped3A = tpu.sem_alloc : memref<!tpu.dma_semaphore, #tpu.memory_space<semaphore_mem>>
        %dma_start3A_395 = tpu.memref_slice %arg9[%mul3A_2] : memref<16384xf32, #tpu.memory_space<hbm>> -> memref<1024xf32, #tpu.memory_space<hbm>>
        %dma_start3A_396 = tpu.memref_slice %arg9[%mul3A_2] : memref<16384xf32, #tpu.memory_space<hbm>> -> memref<1024xf32, #tpu.memory_space<hbm>>
        tpu.enqueue_dma source(%arg20 : memref<1024xf32, #tpu.memory_space<vmem>>) target(%dma_start3A_396 : memref<1024xf32, #tpu.memory_space<hbm>>) target_semaphore(%run_scoped3A : memref<!tpu.dma_semaphore, #tpu.memory_space<semaphore_mem>>)
        %dma_wait3A_397 = tpu.memref_slice %arg9[%mul3A_2] : memref<16384xf32, #tpu.memory_space<hbm>> -> memref<1024xf32, #tpu.memory_space<hbm>>
        %dma_wait3A_398 = tpu.memref_slice %arg9[%mul3A_2] : memref<16384xf32, #tpu.memory_space<hbm>> -> memref<1024xf32, #tpu.memory_space<hbm>>
        tpu.wait_dma2 semaphore(%run_scoped3A : memref<!tpu.dma_semaphore, #tpu.memory_space<semaphore_mem>>) src(%arg20 : memref<1024xf32, #tpu.memory_space<vmem>>) dst(%dma_wait3A_398 : memref<1024xf32, #tpu.memory_space<hbm>>)
        tpu.yield
      }) : () -> ()
    } else {
    }
    return
  }
}

module attributes {stable_mosaic.version = 14 : i64} {
  func.func @_combine_body(%arg0: memref<128x128xf32, #tpu.memory_space<vmem>>, %arg1: memref<128x128xf32, #tpu.memory_space<vmem>>, %arg2: memref<128x128xf32, #tpu.memory_space<vmem>>) attributes {dimension_semantics = [], scalar_prefetch = 0 : i64, scratch_operands = 0 : i64, tpu.core_type = #tpu.core_type<tc>} {
    %get3A = arith.constant 0 : index
    %get3A_0 = arith.constant 0 : index
    %get3A_1 = vector.load %arg0[%get3A, %get3A_0] : memref<128x128xf32, #tpu.memory_space<vmem>>, vector<128x128xf32>
    %get3A_2 = arith.constant 0 : index
    %get3A_3 = arith.constant 0 : index
    %get3A_4 = vector.load %arg1[%get3A_2, %get3A_3] : memref<128x128xf32, #tpu.memory_space<vmem>>, vector<128x128xf32>
    %add3A = arith.addf %get3A_1, %get3A_4 : vector<128x128xf32>
    %add3A_5 = arith.constant 9.99999996E-13 : f32
    %add3A_6 = vector.broadcast %add3A_5 : f32 to vector<128x128xf32>
    %add3A_7 = arith.addf %add3A, %add3A_6 : vector<128x128xf32>
    %sqrt3A = math.sqrt %add3A_7 : vector<128x128xf32>
    %swap3A = arith.constant 0 : index
    %swap3A_8 = arith.constant 0 : index
    %swap3A_9 = vector.load %arg2[%swap3A, %swap3A_8] : memref<128x128xf32, #tpu.memory_space<vmem>>, vector<128x128xf32>
    tpu.vector_store %arg2[%swap3A, %swap3A_8], %sqrt3A {strides = array<i32>} : memref<128x128xf32, #tpu.memory_space<vmem>>, vector<128x128xf32>,
    return
  }
}

</mosaic_0001>

<sc_bundles>
// kernel: _transe.4.cloned.1.call-start
scs
__scs_entry_jumppad:
0x0: {  	(pc) =	sbr.rel $0x88, $3  }
0x1: {  	(tag) =	ssettag $0x0;
	lr =	simm.s32 $0x1  }
0x2: {  	[smem:$0x3F9C] =	sst lr;
	_ =	strace $0xD0000000  }
0x3: {  	_ = 	snop  }
0x4: {  	_ = 	snop  }
0x5: {  	_ = 	snop  }
0x6: {  	_ = 	snop  }
0x7: {  	_ = 	snop  }
__scs_overlays_trampoline_lowered:
0x8: {  	[smem:$0x3FAB] =	sst s0  }
0x9: {  	[smem:$0x3FAC] =	sst s1  }
0xa: {  	[smem:$0x3FAD] =	sst s2  }
0xb: {  	[smem:$0x3FAE] =	sst s3  }
0xc: {  	[smem:$0x3FAF] =	sst s4  }
0xd: {  	[smem:$0x3FB0] =	sst s5  }
0xe: {  	[smem:$0x3FB1] =	sst s6  }
0xf: {  	[smem:$0x3FB2] =	sst s7  }
0x10: {  	[smem:$0x3FB3] =	sst s8  }
0x11: {  	[smem:$0x3FB4] =	sst s9;
	s0 =	simm.s32 @!p0 $0x0  }
0x12: {  	s1 =	sld [smem:$0x3F9A];
	s0 =	simm.s32 @p0 $0x1  }
0x13: {  	[smem:$0x3FB5] =	sst s0;
	s0 =	simm.s32 @!p1 $0x0  }
0x14: {  	s2 =	sld [smem:$0x3F99];
	s0 =	simm.s32 @p1 $0x1  }
0x15: {  	[smem:$0x3FB6] =	sst s0;
	s0 =	simm.s32 @!p2 $0x0  }
0x16: {  	s3 =	sld [smem:$0x3FDB];
	s0 =	simm.s32 @p2 $0x1  }
0x17: {  	s4 =	simm.s32 $0x1BF5;
	[smem:$0x3FB8] =	sst s0  }
0x18: {  	s0 =	sld [smem:$0x3F9B];
	_ =	swait.ge [sflag:s4], $0x0  }
0x19: {  	s7 =	sld [smem:$0x3F9C]  }
0x1a: {  	s8 =	sadd.s32 $0xFFFFE003, lr  }
0x1b: {  	s9 =	sadd.s32 $0xFFFFFEF7, lr;
	s5 =	simm.s32 $0xFFFFFFFF;
	p2 =	slt.u32 s8, $0xFFFFF086  }
0x1c: {  	p1 =	slt.u32 s9, $0xF7A;
	s5 =	simm.s32 @!p2 $0x0  }
0x1d: {  	s5 =	simm.s32 @p1 $0x1;
	p0 =	seq.s32 s7, s2  }
0x1e: {  	s7 =	smul.u32 @!p0 $0xF7A, s2;
	p2 =	seq.s32 @!p0 s5, $0x0  }
0x1f: {  	s9 =	smul.u32 $0xF7A, s1;
	s8 =	simm.s32 @!p0 $0x1BF5;
	p2 =	por !p2, p0  }
0x20: {  	[sflag:s8] =	ssyncset.s32 @!p0 $0xFFFFF086;
	s6 =	sadd.s32 @!p0 s3, s7;
	s7 =	simm.s32 @!p0 $0x108  }
0x21: {  	s3 =	sadd.s32 s3, s9;
	s6 =	sadd.s32 @!p0 $0x88, s6;
	s7 =	simm.s32 @p2 $0x1082  }
0x22: {  	[simem:s7], [sflag:s8] =	dma.local @!p0 [hbm:s6], $0xF7A  }
0x23: {  	s9 =	sor.u32 $0xD0000000, s2;
	s6 =	simm.s32 $0x108;
	_ =	swait.ge @!p0 [sflag:s8], $0x0  }
0x24: {  	s3 =	sadd.s32 $0x88, s3;
	s6 =	simm.s32 @!p1 $0x1082;
	[sflag:s4] =	ssyncset.s32 $0xFFFFF086  }
0x25: {  	[simem:s6], [sflag:s4] =	dma.local [hbm:s3], $0xF7A  }
0x26: {  	[smem:$0x3F9C] =	sst s1;
	(tag) =	ssettag s2;
	_ =	strace s9  }
0x27: {  	s1 =	sld [smem:$0x3FAC]  }
0x28: {  	s2 =	sld [smem:$0x3FAD]  }
0x29: {  	s4 =	sld [smem:$0x3FAF]  }
0x2a: {  	p0 =	seq.s32 s5, $0x0;
	s5 =	sld [smem:$0x3FB0]  }
0x2b: {  	s6 =	sld [smem:$0x3FB1]  }
0x2c: {  	s7 =	sld [smem:$0x3FB2]  }
0x2d: {  	s3 =	simm.s32 $0x108;
	s8 =	sld [smem:$0x3FB3]  }
0x2e: {  	s3 =	simm.s32 @!p0 $0x1082;
	s9 =	sld [smem:$0x3FB4]  }
0x2f: {  	lr =	sadd.s32 s0, s3;
	s0 =	sld [smem:$0x3FAB]  }
0x30: {  	s3 =	sld [smem:$0x3FAE]  }
0x31: {  	[smem:$0x3FB7] =	sst s10  }
0x32: {  	s10 =	sld [smem:$0x3FB5];
	_ =	sdelay $0x3  }
0x33: {  	p0 =	seq.s32 s10, $0x1;
	s10 =	sld [smem:$0x3FB7];
	_ =	sdelay $0x3  }
0x34: {  	[smem:$0x3FB7] =	sst s10  }
0x35: {  	s10 =	sld [smem:$0x3FB6];
	_ =	sdelay $0x3  }
0x36: {  	p1 =	seq.s32 s10, $0x1;
	s10 =	sld [smem:$0x3FB7];
	_ =	sdelay $0x3  }
0x37: {  	[smem:$0x3FB7] =	sst s10  }
0x38: {  	s10 =	sld [smem:$0x3FB8]  }
0x39: {  	_ = 	snop;
	(pc) =	sbr.ind lr, $3  }
0x3a: {  	_ = 	snop  }
0x3b: {  	_ = 	snop  }
0x3c: {  	p2 =	seq.s32 s10, $0x1;
	s10 =	sld [smem:$0x3FB7]  }
0x3d: {  	_ =	shalt  }
0x3e: {  	_ =	shalt  }
0x3f: {  	_ =	shalt  }
0x40: {  	_ =	shalt  }
0x41: {  	_ =	shalt  }
0x42: {  	_ =	shalt  }
0x43: {  	_ =	shalt  }
0x44: {  	_ =	shalt  }
0x45: {  	_ =	shalt  }
0x46: {  	_ =	shalt  }
0x47: {  	_ =	shalt  }
0x48: {  	_ =	shalt  }
0x49: {  	_ =	shalt  }
0x4a: {  	_ =	shalt  }
0x4b: {  	_ =	shalt  }
0x4c: {  	_ =	shalt  }
0x4d: {  	_ =	shalt  }
0x4e: {  	_ =	shalt  }
0x4f: {  	_ =	shalt  }
0x50: {  	_ =	shalt  }
0x51: {  	_ =	shalt  }
0x52: {  	_ =	shalt  }
0x53: {  	_ =	shalt  }
0x54: {  	_ =	shalt  }
0x55: {  	_ =	shalt  }
0x56: {  	_ =	shalt  }
0x57: {  	_ =	shalt  }
0x58: {  	_ =	shalt  }
0x59: {  	_ =	shalt  }
0x5a: {  	_ =	shalt  }
0x5b: {  	_ =	shalt  }
0x5c: {  	_ =	shalt  }
0x5d: {  	_ =	shalt  }
0x5e: {  	_ =	shalt  }
0x5f: {  	_ =	shalt  }
0x60: {  	_ =	shalt  }
0x61: {  	_ =	shalt  }
0x62: {  	_ =	shalt  }
0x63: {  	_ =	shalt  }
0x64: {  	_ =	shalt  }
0x65: {  	_ =	shalt  }
0x66: {  	_ =	shalt  }
0x67: {  	_ =	shalt  }
0x68: {  	_ =	shalt  }
0x69: {  	_ =	shalt  }
0x6a: {  	_ =	shalt  }
0x6b: {  	_ =	shalt  }
0x6c: {  	_ =	shalt  }
0x6d: {  	_ =	shalt  }
0x6e: {  	_ =	shalt  }
0x6f: {  	_ =	shalt  }
0x70: {  	_ =	shalt  }
0x71: {  	_ =	shalt  }
0x72: {  	_ =	shalt  }
0x73: {  	_ =	shalt  }
0x74: {  	_ =	shalt  }
0x75: {  	_ =	shalt  }
0x76: {  	_ =	shalt  }
0x77: {  	_ =	shalt  }
0x78: {  	_ =	shalt  }
0x79: {  	_ =	shalt  }
0x7a: {  	_ =	shalt  }
0x7b: {  	_ =	shalt  }
0x7c: {  	_ =	shalt  }
0x7d: {  	_ =	shalt  }
0x7e: {  	_ =	shalt  }
0x7f: {  	_ =	shalt  }
0x80: {  	_ =	shalt  }
0x81: {  	_ =	shalt  }
0x82: {  	_ =	shalt  }
0x83: {  	_ =	shalt  }
0x84: {  	_ =	shalt  }
0x85: {  	_ =	shalt  }
0x86: {  	_ =	shalt  }
0x87: {  	_ =	shalt  }
.Lfunc_end0:
.L_simem_size_0:
called_computation_lowered:
.L_overlay_start_0:
0x88: {  	s2 =	sld [smem:$0x3FD9]  }
0x89: {  	s3 =	sld [smem:$0x3FFE];
	_ =	sdelay $0x1  }
0x8a: {  	s1 =	srdreg.scid  }
0x8b: {  	s0 =	sand.u32 $0x1, s1  }
0x8c: {  	s17 =	sshll.u32 s0, $0xA;
	s2 =	sadd.s32 s3, s2  }
0x8d: {  	s2 =	sadd.s32 s2, s17  }
0x8e: {  	[smem:$0x3FC3] =	sst s2  }
0x8f: {  	_ = 	snop  }
0x90: {  	s2 =	sld [smem:$0x3FC9]  }
0x91: {  	s18 =	sld [smem:$0x3FC7]  }
0x92: {  	s4 =	sld [smem:$0x3FC6]  }
0x93: {  	s5 =	sld [smem:$0x3FC5]  }
0x94: {  	s6 =	sld [smem:$0x3FD0];
	(tm) =	ssettm $0x1  }
0x95: {  	s7 =	sld [smem:$0x3FFB];
	_ =	sdelay $0x3  }
0x96: {  	_ =	strace s7  }
0x97: {  	s7 =	sld [smem:$0x3FFC];
	_ =	sdelay $0x3  }
0x98: {  	_ =	strace s7  }
0x99: {  	s7 =	sld [smem:$0x3FFD];
	_ =	sdelay $0x3  }
0x9a: {  	_ =	strace s7  }
0x9b: {  	_ =	strace $0x8FFFFFFF  }
0x9c: {  	s19 =	sld [smem:$0x3FDB];
	_ =	sdelay $0x1  }
0x9d: {  	s8 =	simm.s32 $_scs_section_size  }
0x9e: {  	s9 =	simm.s32 $_size__tile_overlayer_lowered;
	s10 =	simm.s32 $_tile_overlayer_lowered  }
0x9f: {  	s22 =	simm.s32 $0x1BFF;
	s21 =	sshll.u32 s10, $0x1;
	s7 =	sadd.s32 s8, s19  }
0xa0: {  	s11 =	simm.s32 $0x0;
	s20 =	sshll.u32 s9, $0x1;
	s9 =	sadd.s32 s21, s7  }
0xa1: {  	[timem:s11], [sflag:s22] =	dma.local [hbm:s9], s20  }
0xa2: {  	_ =	swait.ge [sflag:s22], s20  }
0xa3: {  	s8 =	ssub.s32 $0x0, s20;
	[sflag:s22] =	ssyncset.done $0x0  }
0xa4: {  	[sflag:s22] =	ssyncadd.s32 s8;
	_ =	sdelay $0x1  }
0xa5: {  	s23 =	simm.s32 $0x1B8B  }
0xa6: {  	_ =	swait.ge [sflag:s23], $0x1  }
0xa7: {  	[sflag:s23] =	ssyncset.done $0x0  }
0xa8: {  	s25 =	simm.s32 $0x1B8E;
	s24 =	sld [smem:$0x3FFE];
	[sflag:s23] =	ssyncadd.s32 $0xFFFFFFFF  }
0xa9: {  	s26 =	simm.s32 $execute0_lowered;
	[smem:$0x3FD2] =	sst s25  }
0xaa: {  	s9 =	sshll.u32 s26, $0x1;
	_ =	strace $0x80000046;
	[dreg:$0x1] =	wrdreg $0xFFFFFFFF  }
0xab: {  	s28 =	simm.s32 $_size_execute0_lowered;
	s7 =	sadd.s32 s7, s9;
	[dreg:$0x0] =	wrdreg $0x0  }
0xac: {  	s9 =	sshll.u32 s28, $0x1;
	[dreg:$0x2] =	wrdreg s7  }
0xad: {  	[dreg:$0x3] =	wrdreg s9  }
0xae: {  	[dreg:$0x4] =	wrdreg $0xC0  }
0xaf: {  	_ =	task [dreg:s11], $0x5FFFF  }
0xb0: {  	[dreg:$0x1] =	wrdreg $0xFFFFFFFF  }
0xb1: {  	[dreg:$0x0] =	wrdreg $0x60  }
0xb2: {  	[dreg:$0x2] =	wrdreg s2  }
0xb3: {  	[dreg:$0x3] =	wrdreg s24  }
0xb4: {  	[dreg:$0x4] =	wrdreg s18  }
0xb5: {  	[dreg:$0x5] =	wrdreg s4  }
0xb6: {  	[dreg:$0x6] =	wrdreg s5  }
0xb7: {  	[dreg:$0x7] =	wrdreg s6  }
0xb8: {  	[dreg:$0x8] =	wrdreg $0x0  }
0xb9: {  	[dreg:$0x9] =	wrdreg $0x1E8500  }
0xba: {  	[dreg:$0xa] =	wrdreg $0xF4280  }
0xbb: {  	[dreg:$0xb] =	wrdreg $0x1E8900  }
0xbc: {  	[dreg:$0xc] =	wrdreg $0x9  }
0xbd: {  	_ =	task.clear_ibuf [dreg:s11], $0xDFFFF;
	_ =	strace $0x90000046  }
0xbe: {  	s29 =	simm.s32 $0x9;
	_ =	strace $0x80000048  }
0xbf: {  	_ =	swait.ge [sflag:s29], $0x1  }
0xc0: {  	[sflag:s29] =	ssyncadd.s32 $0xFFFFFFFF  }
0xc1: {  	_ =	strace $0x90000048  }
0xc2: {  	_ =	sfence  }
0xc3: {  	s30 =	sld [smem:$0x0];
	_ =	sdelay $0x2  }
0xc4: {  	s31 =	sshll.u32 s1, $0xD;
	s1 =	sshrl.u32 s1, $0x2  }
0xc5: {  	s3 =	sand.u32 $0x4000, s31;
	s1 =	sadd.s32 s1, s30  }
0xc6: {  	s0 =	sor.u32 s3, s0;
	s1 =	sshll.u32 s1, $0x11  }
0xc7: {  	s0 =	sor.u32 s1, s0  }
0xc8: {  	s0 =	sadd.s32 $0x8F2B, s0  }
0xc9: {  	[sflag:s0] =	ssyncadd.remote.s32 $0x1  }
0xca: {  	_ =	sfence.sel $0xFFFF  }
0xcb: {  	[dreg:$0x0] =	wrdreg $0xFFFFFFFF;
	(pc) =	sbr.abs _section_cstart, $3  }
0xcc: {  	[dreg:$0x1] =	wrdreg $0xFFFFFFFF  }
0xcd: {  	_ =	task.clear_ibuf [dreg:s11], $0x2FFFF;
	_ =	strace $0x9FFFFFFF  }
0xce: {  	(tm) =	ssettm $0x7FFFFFFF  }
0xcf: {  	_ =	shalt  }
tec
execute0_lowered:
.L_overlay_start_1:
0x0: {  	(tag) =	ssettag $0x1  }
0x1: {  	s0 =	rddreg [dreg:$0x0]  }
0x2: {  	s1 =	rddreg [dreg:$0x1]  }
0x3: {  	s6 =	rddreg [dreg:$0x2]  }
0x4: {  	s12 =	rddreg [dreg:$0x3]  }
0x5: {  	s13 =	rddreg [dreg:$0x4]  }
0x6: {  	s14 =	rddreg [dreg:$0x5]  }
0x7: {  	s2 =	rddreg [dreg:$0x6]  }
0x8: {  	s3 =	rddreg [dreg:$0x7]  }
0x9: {  	s4 =	rddreg [dreg:$0x8]  }
0xa: {  	s5 =	rddreg [dreg:$0x9];
	s7 =	simm.s32 $0x0;
	s21 =	srdreg.scid  }
0xb: {  	s9 =	stileid.u32;
	[smem:$0x7FF] =	sst s7  }
0xc: {  	s15 =	sand.u32 $0x1, s21;
	s7 =	sadd.s32 $0x1000, s1;
	s8 =	sadd.s32 $0xC00, s1  }
0xd: {  	s1 =	sadd.s32 $0x3000, s1;
	s26 =	sshll.u32 s9, $0x7;
	_ =	strace $0x80000047  }
0xe: {  	s11 =	smul.u32 $0x1E85000, s15;
	s17 =	sshll.u32 s15, $0x5;
	s6 =	sadd.s32 s6, s26  }
0xf: {  	p0 =	seq.s32 s15, $0x1;
	s20 =	sadd.s32 s12, s26;
	[dreg:$0x10] =	wrdreg s6  }
0x10: {  	s14 =	smov.u32 @p0 s1;
	[dreg:$0x12] =	wrdreg s20;
	s20 =	sor.u32 $0x2, s17  }
0x11: {  	p0 =	sgt.s32 s9, $0x4;
	s17 =	sadd.s32 $0x7A000, s2;
	[smem:$0x7DF] =	sst s20  }
0x12: {  	s11 =	sshrl.u32 s11, $0x3;
	s1 =	sadd.s32 s14, s26;
	[smem:$0x7F3] =	sst s17  }
0x13: {  	s6 =	simm.s32 @!p0 $0x0;
	s20 =	sadd.s32 $0x3D000, s2;
	[dreg:$0x13] =	wrdreg s1  }
0x14: {  	s18 =	sadd.s32 s0, s11;
	s6 =	simm.s32 @p0 $0x1;
	[smem:$0x7F6] =	sst s20  }
0x15: {  	s19 =	sadd.s32 $0xF4000, s18;
	[smem:$0x7E0] =	sst s6  }
0x16: {  	s22 =	sadd.s32 $0xF4010, s18;
	[dreg:$0xb] =	wrdreg s19  }
0x17: {  	s23 =	sadd.s32 $0xD5800, s18;
	[dreg:$0xc] =	wrdreg s22  }
0x18: {  	s24 =	sadd.s32 $0xD5810, s18;
	[dreg:$0xd] =	wrdreg s23  }
0x19: {  	s25 =	sadd.s32 $0xB7000, s18;
	[dreg:$0xe] =	wrdreg s24  }
0x1a: {  	s21 =	sadd.s32 $0xB7010, s18;
	[dreg:$0xf] =	wrdreg s25  }
0x1b: {  	s12 =	sadd.s32 $0x3D000, s18;
	[dreg:$0x14] =	wrdreg s21  }
0x1c: {  	s14 =	sadd.s32 $0x1E810, s18;
	[dreg:$0x1b] =	wrdreg s12  }
0x1d: {  	s10 =	ssub.s32 $0x2, s15;
	s19 =	sadd.s32 s13, s26;
	[dreg:$0x1d] =	wrdreg s14  }
0x1e: {  	s16 =	sshrl.u32 s10, $0x1;
	s22 =	sadd.s32 $0x98800, s18;
	[dreg:$0x11] =	wrdreg s19  }
0x1f: {  	s16 =	ssub.s32 s10, s16;
	s23 =	sadd.s32 $0x98810, s18;
	[dreg:$0x16] =	wrdreg s22  }
0x20: {  	s10 =	sshll.u32 s15, $0x9;
	s24 =	sadd.s32 $0x7A000, s18;
	[dreg:$0x17] =	wrdreg s23  }
0x21: {  	s11 =	sshll.u32 s15, $0xC;
	s25 =	sadd.s32 $0x7A010, s18;
	[dreg:$0x18] =	wrdreg s24  }
0x22: {  	s15 =	smul.u32 $0x3D0A00, s15;
	s26 =	sadd.s32 $0x5B800, s18;
	[dreg:$0x19] =	wrdreg s25  }
0x23: {  	p0 =	sgt.s32 s9, $0x1;
	s13 =	sadd.s32 $0x1E800, s18;
	[dreg:$0x1a] =	wrdreg s26  }
0x24: {  	s1 =	sadd.s32 s0, s15;
	s15 =	sadd.s32 $0x3D010, s18;
	[dreg:$0x1c] =	wrdreg s13  }
0x25: {  	s6 =	simm.s32 @!p0 $0x0;
	s18 =	sadd.s32 $0x5B810, s18;
	[dreg:$0x1e] =	wrdreg s15  }
0x26: {  	s6 =	simm.s32 @p0 $0x1;
	[dreg:$0x1f] =	wrdreg s18  }
0x27: {  	s21 =	sadd.s32 s8, s10;
	[smem:$0x7E1] =	sst s6  }
0x28: {  	s12 =	sadd.s32 $0xD5800, s4;
	[smem:$0x7E7] =	sst s21  }
0x29: {  	s14 =	sadd.s32 $0xB7000, s4;
	[smem:$0x7EE] =	sst s12  }
0x2a: {  	[smem:$0x7F0] =	sst s14  }
0x2b: {  	s29 =	simm.s32 $0x1E8D0;
	s19 =	smax.u32 s16, $0x1;
	[dreg:$0x15] =	wrdreg s1  }
0x2c: {  	s28 =	simm.s32 $0x3;
	s22 =	sadd.s32 s7, s11;
	[smem:$0x7DE] =	sst s19  }
0x2d: {  	s31 =	simm.s32 $0x1F4D0;
	s24 =	sadd.s32 $0xF4000, s2;
	[smem:$0x7E9] =	sst s22  }
0x2e: {  	s30 =	simm.s32 $0x1F750;
	s25 =	sadd.s32 $0xF4000, s4;
	[smem:$0x7EB] =	sst s24  }
0x2f: {  	p1 =	seq.s32 s9, $0x0;
	s26 =	sadd.s32 $0xD5800, s2;
	[smem:$0x7EC] =	sst s25  }
0x30: {  	p2 =	seq.s32 s9, $0x3;
	s13 =	sadd.s32 $0xB7000, s2;
	[smem:$0x7ED] =	sst s26  }
0x31: {  	s17 =	simm.s32 $0x1F5D0;
	s15 =	sadd.s32 $0x98800, s2;
	[smem:$0x7EF] =	sst s13  }
0x32: {  	s20 =	simm.s32 $0x4;
	s16 =	sadd.s32 $0x98800, s4;
	[smem:$0x7F1] =	sst s15  }
0x33: {  	p0 =	seq.s32 @!p1 s9, $0x1;
	s18 =	sadd.s32 $0x7A000, s4;
	[smem:$0x7F2] =	sst s16  }
0x34: {  	s6 =	simm.s32 @!p1 $0x0;
	s1 =	sadd.s32 $0x10, s1;
	[smem:$0x7F4] =	sst s18  }
0x35: {  	p0 =	por !p0, p1;
	s6 =	simm.s32 @p1 $0x1;
	[smem:$0x7F8] =	sst s1  }
0x36: {  	s14 =	simm.s32 $0x1F650;
	s23 =	sadd.s32 $0x10, s22;
	[smem:$0x7E2] =	sst s6  }
0x37: {  	s19 =	sadd.s32 $0x5B800, s2;
	s22 =	sadd.s32 $0x1E800, s4;
	[smem:$0x7EA] =	sst s23  }
0x38: {  	s24 =	sadd.s32 $0x5B800, s4;
	s25 =	sadd.s32 $0xF4200, s2;
	[smem:$0x7F5] =	sst s19  }
0x39: {  	s26 =	sadd.s32 $0xF4200, s4;
	s6 =	simm.s32 @!p0 $0x0;
	[smem:$0x7F9] =	sst s22  }
0x3a: {  	[smem:$0x7FB] =	sst s24;
	s6 =	simm.s32 @p0 $0x1;
	p0 =	seq.s32 s9, $0x2  }
0x3b: {  	s13 =	simm.s32 $0x0;
	[smem:$0x7E3] =	sst s6;
	s6 =	simm.s32 @!p0 $0x0  }
0x3c: {  	s23 =	sadd.s32 $0x3D000, s4;
	[smem:$0x7FC] =	sst s25;
	s6 =	simm.s32 @p0 $0x1  }
0x3d: {  	p0 =	seq.s32 @!p2 s9, $0x4;
	[smem:$0x7E4] =	sst s6;
	s6 =	simm.s32 @!p2 $0x0  }
0x3e: {  	[smem:$0x7FD] =	sst s26;
	p0 =	por !p0, p2;
	s6 =	simm.s32 @p2 $0x1  }
.Ltmp0:
0x3f: {  	[smem:$0x7E5] =	sst s6;
	s6 =	simm.s32 @!p0 $0x0;
	(pc) =	sbr.rel .LBB2_1-.Ltmp0, $4  }
0x40: {  	s24 =	simm.s32 $0x80;
	[smem:$0x7FA] =	sst s23;
	s6 =	simm.s32 @p0 $0x1  }
0x41: {  	s22 =	simm.s32 $0x1F0D0;
	[smem:$0x7E6] =	sst s6;
	s6 =	sadd.s32 $0x10, s21  }
0x42: {  	s25 =	simm.s32 $0x1F550;
	s21 =	sadd.s32 $0x1E800, s2;
	[smem:$0x7E8] =	sst s6  }
0x43: {  	v0 =	vimm.f32 $0.0e+00;
	s23 =	simm.s32 $0x1F6D0;
	[smem:$0x7F7] =	sst s21;
	s6 =	simm.s32 $0x1ECD0  }
.LBB2_18:
0x44: {  	s1 =	simm.s32 $0x0  }
0x45: {  	s12 =	rddreg [dreg:$0x13];
	s13 =	simm.s32 $0x1F8D0;
	s18 =	simm.s32 $0x5  }
0x46: {  	[hbm4b:s12+s1] =	stream.linear.scatter [tilespmem:s13], [sflag:$0x5], $0x400, $0x38;
	[tilespmem:$0x1FCD0] =	vst v63  }
0x47: {  	_ =	swait.ge [sflag:s18], $0x400  }
0x48: {  	s19 =	sld [smem:$0x7DD]  }
0x49: {  	s21 =	sld [smem:$0x7DE];
	_ =	sdelay $0x1  }
0x4a: {  	s13 =	sadd.s32 $0x1, s19  }
0x4b: {  	p0 =	sne.s32 s13, s21  }
.Ltmp1:
0x4c: {  	_ = 	snop;
	(pc) =	sbr.rel @!p0 .LBB2_19-.Ltmp1, $3  }
0x4d: {  	s26 =	sld [smem:$0x7D0];
	_ =	sdelay $0x1  }
0x4e: {  	[sflag:s18] =	ssyncset.done $0x0  }
0x4f: {  	[sflag:s18] =	ssyncadd.s32 $0xFFFFFC00;
	p1 =	seq.s32 s26, $0x1  }
.LBB2_1:
0x50: {  	s1 =	sld [smem:$0x7E0];
	_ =	sdelay $0x2  }
0x51: {  	p0 =	seq.s32 s1, $0x1  }
.Ltmp2:
0x52: {  	_ = 	snop;
	(pc) =	sbr.rel @!p0 .LBB2_2-.Ltmp2, $2  }
0x53: {  	_ =	sdelay $0x2  }
0x54: {  	[smem:$0x7DD] =	sst s13  }
0x55: {  	p0 =	sgt.s32 s9, $0x7  }
.Ltmp3:
0x56: {  	_ = 	snop;
	(pc) =	sbr.rel @p0 .LBB2_9-.Ltmp3, $1  }
0x57: {  	_ =	sdelay $0x3  }
0x58: {  	p0 =	seq.s32 s9, $0x5  }
.Ltmp4:
0x59: {  	_ = 	snop;
	(pc) =	sbr.rel @p0 .LBB2_10-.Ltmp4, $1  }
0x5a: {  	_ =	sdelay $0x3  }
0x5b: {  	s1 =	sld [smem:$0x7EF]  }
0x5c: {  	p6 =	seq.s32 s9, $0x6  }
0x5d: {  	s13 =	simm.s32 @p6 $0x1;
	s19 =	simm.s32 @p6 $0x10;
	s21 =	simm.s32 @p6 $0x80  }
0x5e: {  	s16 =	simm.s32 @p6 $0x1D81;
	s12 =	sshrl.u32 @p6 s1, $0x3;
	s1 =	rddreg [dreg:$0xf]  }
0x5f: {  	[spmem:s12@s19], [sflag:s16] =	dma.strided @p6 [hbm:s1@s21], $0x3D00, s13, $0x10   }
0x60: {  	s1 =	sld [smem:$0x7F0];
	_ =	sdelay $0x2  }
0x61: {  	s16 =	simm.s32 @p6 $0x1D82;
	s12 =	sshrl.u32 @p6 s1, $0x3;
	s1 =	rddreg [dreg:$0x14]  }
0x62: {  	[spmem:s12@s19], [sflag:s16] =	dma.strided @p6 [hbm:s1@s21], $0x3D00, s13, $0x10   }
0x63: {  	p0 =	seq.s32 @!p6 s9, $0x7;
	s1 =	sld [smem:$0x7ED]  }
0x64: {  	p0 =	por !p0, p6  }
0x65: {  	s13 =	simm.s32 @!p0 $0x1;
	s19 =	simm.s32 @!p0 $0x10;
	s21 =	simm.s32 @!p0 $0x80  }
0x66: {  	s16 =	simm.s32 @!p0 $0x1DC1;
	s12 =	sshrl.u32 @!p0 s1, $0x3;
	s1 =	rddreg [dreg:$0xd]  }
0x67: {  	[spmem:s12@s19], [sflag:s16] =	dma.strided @!p0 [hbm:s1@s21], $0x3D00, s13, $0x10   }
0x68: {  	p5 =	por $0x0, $0x0;
	p2 =	por @!p0 $0x0, $0x0;
	s1 =	sld [smem:$0x7EE]  }
0x69: {  	p3 =	por @p6 $0x0, $0x0;
	p5 =	por @!p0 p2, p2  }
0x6a: {  	p1 =	por @!p0 $0x1, $0x1;
	p2 =	por $0x0, $0x0;
	p3 =	por @!p6 p5, p5  }
0x6b: {  	s16 =	simm.s32 @!p0 $0x1DC2;
	s12 =	sshrl.u32 @!p0 s1, $0x3;
	s1 =	rddreg [dreg:$0xe]  }
0x6c: {  	[spmem:s12@s19], [sflag:s16] =	dma.strided @!p0 [hbm:s1@s21], $0x3D00, s13, $0x10   }
0x6d: {  	p2 =	por @!p0 p1, p1;
	s1 =	simm.s32 @!p3 $0x0;
	p0 =	por @p6 $0x0, $0x0  }
0x6e: {  	s1 =	simm.s32 @p3 $0x1;
	p0 =	por @!p6 p2, p2  }
0x6f: {  	[smem:$0x7DC] =	sst s1;
	s1 =	simm.s32 @!p0 $0x0  }
0x70: {  	s1 =	simm.s32 @p0 $0x1;
	p0 =	por @p6 $0x0, $0x0  }
0x71: {  	p0 =	por @!p6 p5, p5  }
0x72: {  	[smem:$0x7D5] =	sst s1;
	s1 =	simm.s32 @!p0 $0x0  }
0x73: {  	s1 =	simm.s32 @p0 $0x1;
	p0 =	por @p6 $0x0, $0x0  }
0x74: {  	p3 =	por @p6 $0x0, $0x0;
	p0 =	por @!p6 p5, p5  }
0x75: {  	p3 =	por @!p6 p5, p5;
	[smem:$0x7D6] =	sst s1;
	s1 =	simm.s32 @!p0 $0x0  }
0x76: {  	s1 =	simm.s32 @p0 $0x1;
	p0 =	por p3, p3;
	p3 =	por @p6 $0x1, $0x1  }
0x77: {  	p3 =	por @!p6 p5, p5  }
0x78: {  	p4 =	por @p6 $0x0, $0x0;
	[smem:$0x7D7] =	sst s1;
	s1 =	simm.s32 @!p3 $0x0  }
0x79: {  	p4 =	por @!p6 p5, p5;
	s1 =	simm.s32 @p3 $0x1  }
0x7a: {  	[smem:$0x7D8] =	sst s1;
	s1 =	simm.s32 @!p4 $0x0  }
.Ltmp5:
0x7b: {  	s1 =	simm.s32 @p4 $0x1;
	p4 =	por @p6 $0x0, $0x0;
	(pc) =	sbr.rel .LBB2_12-.Ltmp5, $4  }
0x7c: {  	p1 =	por @p6 $0x0, $0x0;
	s26 =	sld [smem:$0x7DC];
	p4 =	por @!p6 p5, p5  }
0x7d: {  	p2 =	por @p6 $0x0, $0x0;
	[smem:$0x7D9] =	sst s1;
	s1 =	simm.s32 @!p4 $0x0  }
0x7e: {  	p1 =	por @!p6 p5, p5;
	p2 =	por @!p6 p5, p5;
	s1 =	simm.s32 @p4 $0x1  }
0x7f: {  	p6 =	seq.s32 s26, $0x1;
	p4 =	por p0, p0;
	[smem:$0x7DA] =	sst s1  }
.LBB2_2:
0x80: {  	s1 =	sld [smem:$0x7E1];
	_ =	sdelay $0x2  }
0x81: {  	p0 =	seq.s32 s1, $0x1  }
.Ltmp6:
0x82: {  	_ = 	snop;
	(pc) =	sbr.rel @!p0 .LBB2_3-.Ltmp6, $1  }
0x83: {  	_ =	sdelay $0x3  }
0x84: {  	s1 =	sld [smem:$0x7E4];
	_ =	sdelay $0x2  }
0x85: {  	p0 =	seq.s32 s1, $0x1  }
.Ltmp7:
0x86: {  	_ = 	snop;
	(pc) =	sbr.rel @p0 .LBB2_11-.Ltmp7, $1  }
0x87: {  	_ =	sdelay $0x3  }
0x88: {  	s1 =	sld [smem:$0x7E5];
	_ =	sdelay $0x2  }
0x89: {  	p4 =	seq.s32 s1, $0x1;
	s1 =	sld [smem:$0x7F5];
	_ =	sdelay $0x1  }
0x8a: {  	s13 =	simm.s32 @p4 $0x1;
	s19 =	simm.s32 @p4 $0x10;
	s21 =	simm.s32 @p4 $0x80  }
0x8b: {  	s16 =	simm.s32 @p4 $0x1CC1;
	s12 =	sshrl.u32 @p4 s1, $0x3;
	s1 =	rddreg [dreg:$0x1a]  }
0x8c: {  	[spmem:s12@s19], [sflag:s16] =	dma.strided @p4 [hbm:s1@s21], $0x3D00, s13, $0x10   }
0x8d: {  	s1 =	sld [smem:$0x7FB];
	_ =	sdelay $0x1  }
0x8e: {  	s12 =	sshll.u32 @p4 s9, $0x6  }
0x8f: {  	s12 =	sor.u32 @p4 $0x1C02, s12;
	s16 =	sshrl.u32 @p4 s1, $0x3;
	s1 =	rddreg [dreg:$0x1f]  }
0x90: {  	[spmem:s16@s19], [sflag:s12] =	dma.strided @p4 [hbm:s1@s21], $0x3D00, s13, $0x10   }
0x91: {  	s1 =	sld [smem:$0x7E6];
	_ =	sdelay $0x2  }
0x92: {  	p2 =	seq.s32 s1, $0x1;
	s1 =	sld [smem:$0x7F3];
	_ =	sdelay $0x1  }
0x93: {  	s13 =	simm.s32 @!p2 $0x1;
	s19 =	simm.s32 @!p2 $0x10;
	s21 =	simm.s32 @!p2 $0x80  }
0x94: {  	s16 =	simm.s32 @!p2 $0x1D01;
	s12 =	sshrl.u32 @!p2 s1, $0x3;
	s1 =	rddreg [dreg:$0x18]  }
0x95: {  	[spmem:s12@s19], [sflag:s16] =	dma.strided @!p2 [hbm:s1@s21], $0x3D00, s13, $0x10   }
0x96: {  	s1 =	sld [smem:$0x7F4]  }
0x97: {  	p6 =	por $0x0, $0x0;
	p0 =	por @!p2 $0x0, $0x0  }
0x98: {  	p1 =	por @!p2 $0x1, $0x1;
	p6 =	por @!p2 p0, p0;
	p0 =	por $0x0, $0x0  }
0x99: {  	s16 =	simm.s32 @!p2 $0x1D02;
	s12 =	sshrl.u32 @!p2 s1, $0x3;
	s1 =	rddreg [dreg:$0x19]  }
0x9a: {  	[spmem:s12@s19], [sflag:s16] =	dma.strided @!p2 [hbm:s1@s21], $0x3D00, s13, $0x10   }
0x9b: {  	p0 =	por @!p2 p1, p1;
	p2 =	por @p4 $0x0, $0x0  }
0x9c: {  	p2 =	por @!p4 p6, p6  }
0x9d: {  	p1 =	por @p4 $0x0, $0x0;
	s1 =	simm.s32 @!p2 $0x0  }
0x9e: {  	p1 =	por @!p4 p6, p6;
	s1 =	simm.s32 @p2 $0x1  }
0x9f: {  	[smem:$0x7DC] =	sst s1;
	s1 =	simm.s32 @!p1 $0x0  }
0xa0: {  	s1 =	simm.s32 @p1 $0x1;
	p1 =	por @p4 $0x0, $0x0  }
0xa1: {  	p1 =	por @!p4 p6, p6  }
0xa2: {  	p3 =	por @p4 $0x1, $0x1;
	[smem:$0x7D5] =	sst s1;
	s1 =	simm.s32 @!p1 $0x0  }
0xa3: {  	p3 =	por @!p4 p6, p6;
	s1 =	simm.s32 @p1 $0x1  }
0xa4: {  	[smem:$0x7D4] =	sst s1;
	s1 =	simm.s32 @!p3 $0x0  }
0xa5: {  	s1 =	simm.s32 @p3 $0x1;
	p3 =	por @p4 $0x0, $0x0  }
0xa6: {  	p3 =	por @!p4 p0, p0;
	p0 =	por @p4 $0x0, $0x0  }
0xa7: {  	p0 =	por @!p4 p6, p6  }
0xa8: {  	[smem:$0x7D6] =	sst s1;
	s1 =	simm.s32 @!p0 $0x0  }
0xa9: {  	s1 =	simm.s32 @p0 $0x1;
	p0 =	por @p4 $0x0, $0x0  }
0xaa: {  	p2 =	por @p4 $0x0, $0x0;
	p0 =	por @!p4 p6, p6  }
0xab: {  	p2 =	por @!p4 p6, p6;
	[smem:$0x7D7] =	sst s1;
	s1 =	simm.s32 @!p0 $0x0  }
0xac: {  	s21 =	sld [smem:$0x7DC];
	s1 =	simm.s32 @p0 $0x1;
	p0 =	por @p4 $0x0, $0x0  }
.Ltmp8:
0xad: {  	[smem:$0x7D8] =	sst s1;
	s1 =	simm.s32 @!p2 $0x0;
	(pc) =	sbr.rel .LBB2_12-.Ltmp8, $4  }
0xae: {  	s26 =	sld [smem:$0x7D4];
	p0 =	por @!p4 p6, p6;
	s1 =	simm.s32 @p2 $0x1  }
0xaf: {  	p1 =	por @p4 $0x0, $0x0;
	[smem:$0x7D9] =	sst s1;
	s1 =	simm.s32 @!p0 $0x0  }
0xb0: {  	p1 =	por @!p4 p6, p6;
	p4 =	por p3, p3;
	s1 =	simm.s32 @p0 $0x1  }
0xb1: {  	p6 =	seq.s32 s21, $0x1;
	p2 =	seq.s32 s26, $0x1;
	[smem:$0x7DA] =	sst s1  }
.LBB2_9:
0xb2: {  	s1 =	sld [smem:$0x7EB]  }
0xb3: {  	p6 =	seq.s32 s9, $0x8  }
0xb4: {  	s13 =	simm.s32 @p6 $0x1;
	s19 =	simm.s32 @p6 $0x10;
	s21 =	simm.s32 @p6 $0x80  }
0xb5: {  	s16 =	simm.s32 @p6 $0x1E01;
	s12 =	sshrl.u32 @p6 s1, $0x3;
	s1 =	rddreg [dreg:$0xb]  }
0xb6: {  	[spmem:s12@s19], [sflag:s16] =	dma.strided @p6 [hbm:s1@s21], $0x40, s13, $0x10   }
0xb7: {  	s1 =	sld [smem:$0x7EC];
	_ =	sdelay $0x1  }
0xb8: {  	p1 =	seq.s32 @!p6 s9, $0x9  }
0xb9: {  	s16 =	simm.s32 @p6 $0x1E02;
	s12 =	sshrl.u32 @p6 s1, $0x3;
	s1 =	rddreg [dreg:$0xc]  }
0xba: {  	[spmem:s12@s19], [sflag:s16] =	dma.strided @p6 [hbm:s1@s21], $0x40, s13, $0x10   }
0xbb: {  	p0 =	por !p1, p6;
	s1 =	sld [smem:$0x7E9]  }
0xbc: {  	s12 =	sshrl.u32 @!p0 s3, $0x3;
	s13 =	simm.s32 @!p0 $0x1  }
0xbd: {  	s19 =	simm.s32 @!p0 $0x10;
	s21 =	simm.s32 @!p0 $0x80;
	s16 =	simm.s32 @!p0 $0x1E41  }
0xbe: {  	[spmem:s12@s19], [sflag:s16] =	dma.strided @!p0 [hbm:s1@s21], $0x80, s13, $0x10   }
0xbf: {  	p2 =	por p1, p6;
	s1 =	sld [smem:$0x7EA]  }
0xc0: {  	p4 =	sne.s32 @!p2 s9, $0xB  }
0xc1: {  	p2 =	por @!p6 p4, p1;
	s12 =	sshrl.u32 @!p0 s5, $0x3;
	s16 =	simm.s32 @!p0 $0x1E42  }
0xc2: {  	[spmem:s12@s19], [sflag:s16] =	dma.strided @!p0 [hbm:s1@s21], $0x80, s13, $0x10   }
0xc3: {  	p1 =	por @!p6 !p4, p1;
	p4 =	por $0x0, $0x0;
	s1 =	sld [smem:$0x7E7]  }
0xc4: {  	p3 =	por p2, p6;
	p1 =	por !p1, p6;
	p2 =	por $0x0, $0x0  }
0xc5: {  	p5 =	por @!p3 $0x0, $0x0;
	s12 =	simm.s32 @!p3 $0x0;
	s16 =	simm.s32 @!p3 $0x1F7D0  }
0xc6: {  	[tilespmem:s16], [sflag:$0x1] =	stream.linear.gather @!p3 [hbm4b:s1+s12], $0x80, $0x38;
	[tilespmem:$0x1FCD0] =	vst v63  }
0xc7: {  	p2 =	por @!p1 p5, p5;
	p5 =	por @!p3 $0x1, $0x1;
	s1 =	sld [smem:$0x7E8]  }
0xc8: {  	p4 =	por @!p1 p5, p5  }
0xc9: {  	p1 =	por @!p0 $0x0, $0x0;
	p5 =	por p4, p4;
	s16 =	simm.s32 @!p3 $0x1F850  }
0xca: {  	[tilespmem:s16], [sflag:$0x2] =	stream.linear.gather @!p3 [hbm4b:s1+s12], $0x80, $0x38;
	[tilespmem:$0x1FCD0] =	vst v63  }
0xcb: {  	p4 =	por @!p0 $0x1, $0x1;
	p5 =	por @!p0 p1, p1;
	p3 =	por p2, p2  }
0xcc: {  	s1 =	simm.s32 @!p5 $0x0;
	p3 =	por @!p0 p4, p4;
	p4 =	por @p6 $0x0, $0x0  }
0xcd: {  	p2 =	por @!p0 p1, p1;
	s1 =	simm.s32 @p5 $0x1;
	p4 =	por @!p6 p3, p3  }
0xce: {  	p0 =	por @p6 $0x0, $0x0;
	[smem:$0x7D3] =	sst s1;
	s1 =	simm.s32 @!p4 $0x0  }
0xcf: {  	p0 =	por @!p6 p2, p2;
	s1 =	simm.s32 @p4 $0x1  }
0xd0: {  	[smem:$0x7DC] =	sst s1;
	s1 =	simm.s32 @!p0 $0x0  }
0xd1: {  	s1 =	simm.s32 @p0 $0x1;
	p0 =	por @p6 $0x0, $0x0  }
0xd2: {  	p1 =	por @p6 $0x0, $0x0;
	p0 =	por @!p6 p2, p2  }
0xd3: {  	p3 =	por @p6 $0x0, $0x0;
	[smem:$0x7D5] =	sst s1;
	s1 =	simm.s32 @!p0 $0x0  }
0xd4: {  	p5 =	por @p6 $0x0, $0x0;
	p3 =	por @!p6 p2, p2;
	s1 =	simm.s32 @p0 $0x1  }
0xd5: {  	p1 =	por @!p6 p2, p2;
	[smem:$0x7D6] =	sst s1;
	s1 =	simm.s32 @!p3 $0x0  }
0xd6: {  	p5 =	por @!p6 p2, p2;
	s1 =	simm.s32 @p3 $0x1;
	p3 =	por @p6 $0x0, $0x0  }
0xd7: {  	s21 =	sld [smem:$0x7D3];
	p4 =	por @p6 $0x0, $0x0;
	p3 =	por @!p6 p2, p2  }
0xd8: {  	p0 =	por @p6 $0x0, $0x0;
	[smem:$0x7D7] =	sst s1;
	s1 =	simm.s32 @!p3 $0x0  }
0xd9: {  	p0 =	por @!p6 p2, p2;
	s1 =	simm.s32 @p3 $0x1;
	p3 =	por @p6 $0x1, $0x1  }
0xda: {  	[smem:$0x7D8] =	sst s1;
	p3 =	por @!p6 p2, p2;
	p2 =	por p5, p5  }
.Ltmp9:
0xdb: {  	p5 =	seq.s32 s21, $0x1;
	s1 =	simm.s32 @!p3 $0x0;
	(pc) =	sbr.rel .LBB2_12-.Ltmp9, $4  }
0xdc: {  	s26 =	sld [smem:$0x7DC];
	p4 =	por @!p6 p5, p5;
	s1 =	simm.s32 @p3 $0x1  }
0xdd: {  	[smem:$0x7D9] =	sst s1;
	s1 =	simm.s32 @!p4 $0x0  }
0xde: {  	s1 =	simm.s32 @p4 $0x1  }
0xdf: {  	p6 =	seq.s32 s26, $0x1;
	p4 =	por p0, p0;
	[smem:$0x7DA] =	sst s1  }
.LBB2_3:
0xe0: {  	s1 =	sld [smem:$0x7E2];
	_ =	sdelay $0x2  }
0xe1: {  	p4 =	seq.s32 s1, $0x1  }
0xe2: {  	s1 =	rddreg [dreg:$0x15];
	s12 =	sshrl.u32 @p4 s2, $0x3;
	s13 =	simm.s32 @p4 $0x1  }
0xe3: {  	s19 =	simm.s32 @p4 $0x10;
	s21 =	simm.s32 @p4 $0x80;
	s16 =	simm.s32 @p4 $0x1C01  }
0xe4: {  	[spmem:s12@s19], [sflag:s16] =	dma.strided @p4 [hbm:s1@s21], $0x3D00, s13, $0x10   }
0xe5: {  	s1 =	sld [smem:$0x7F8];
	_ =	sdelay $0x1  }
0xe6: {  	s12 =	sshrl.u32 @p4 s4, $0x3;
	s16 =	simm.s32 @p4 $0x1C02  }
0xe7: {  	[spmem:s12@s19], [sflag:s16] =	dma.strided @p4 [hbm:s1@s21], $0x3D00, s13, $0x10   }
0xe8: {  	s1 =	sld [smem:$0x7E3];
	_ =	sdelay $0x2  }
0xe9: {  	p2 =	seq.s32 s1, $0x1;
	s1 =	sld [smem:$0x7F7];
	_ =	sdelay $0x1  }
0xea: {  	s13 =	simm.s32 @!p2 $0x1;
	s19 =	simm.s32 @!p2 $0x10;
	s21 =	simm.s32 @!p2 $0x80  }
0xeb: {  	s16 =	simm.s32 @!p2 $0x1C41;
	s12 =	sshrl.u32 @!p2 s1, $0x3;
	s1 =	rddreg [dreg:$0x1c]  }
0xec: {  	[spmem:s12@s19], [sflag:s16] =	dma.strided @!p2 [hbm:s1@s21], $0x3D00, s13, $0x10   }
0xed: {  	p6 =	por $0x0, $0x0;
	p1 =	por @!p2 $0x0, $0x0;
	s1 =	sld [smem:$0x7F9]  }
0xee: {  	p3 =	por @p4 $0x0, $0x0;
	p0 =	por @!p2 $0x1, $0x1;
	p6 =	por @!p2 p1, p1  }
0xef: {  	p1 =	por $0x0, $0x0;
	p3 =	por @!p4 p6, p6;
	s12 =	sshll.u32 @!p2 s9, $0x6  }
0xf0: {  	s12 =	sor.u32 @!p2 $0x1C02, s12;
	s16 =	sshrl.u32 @!p2 s1, $0x3;
	s1 =	rddreg [dreg:$0x1d]  }
0xf1: {  	[spmem:s16@s19], [sflag:s12] =	dma.strided @!p2 [hbm:s1@s21], $0x3D00, s13, $0x10   }
0xf2: {  	p1 =	por @!p2 p0, p0;
	p0 =	por @p4 $0x0, $0x0;
	s1 =	simm.s32 @!p3 $0x0  }
0xf3: {  	p0 =	por @!p4 p6, p6;
	s1 =	simm.s32 @p3 $0x1  }
0xf4: {  	[smem:$0x7DC] =	sst s1;
	s1 =	simm.s32 @!p0 $0x0  }
0xf5: {  	s1 =	simm.s32 @p0 $0x1;
	p0 =	por @p4 $0x0, $0x0  }
0xf6: {  	p0 =	por @!p4 p6, p6  }
0xf7: {  	[smem:$0x7D5] =	sst s1;
	s1 =	simm.s32 @!p0 $0x0  }
0xf8: {  	s1 =	simm.s32 @p0 $0x1;
	p0 =	por @p4 $0x0, $0x0  }
0xf9: {  	p0 =	por @!p4 p1, p1  }
0xfa: {  	p1 =	por p0, p0;
	p0 =	por @p4 $0x0, $0x0  }
0xfb: {  	p0 =	por @!p4 p6, p6  }
0xfc: {  	p3 =	por @p4 $0x0, $0x0;
	[smem:$0x7D6] =	sst s1;
	s1 =	simm.s32 @!p0 $0x0  }
0xfd: {  	p3 =	por @!p4 p6, p6;
	s1 =	simm.s32 @p0 $0x1  }
0xfe: {  	p0 =	por @p4 $0x0, $0x0;
	[smem:$0x7D7] =	sst s1;
	s1 =	simm.s32 @!p3 $0x0  }
0xff: {  	p5 =	por @p4 $0x0, $0x0;
	p0 =	por @!p4 p6, p6;
	s1 =	simm.s32 @p3 $0x1  }
0x100: {  	p3 =	por @p4 $0x0, $0x0;
	[smem:$0x7DB] =	sst s1;
	s1 =	simm.s32 @!p0 $0x0  }
0x101: {  	s26 =	sld [smem:$0x7DC];
	p3 =	por @!p4 p6, p6;
	s1 =	simm.s32 @p0 $0x1  }
.Ltmp10:
0x102: {  	[smem:$0x7D8] =	sst s1;
	s1 =	simm.s32 @!p3 $0x0;
	(pc) =	sbr.rel .LBB2_12-.Ltmp10, $4  }
0x103: {  	p5 =	por @!p4 p6, p6;
	s21 =	sld [smem:$0x7DB];
	s1 =	simm.s32 @p3 $0x1  }
0x104: {  	p2 =	por @p4 $0x0, $0x0;
	[smem:$0x7D9] =	sst s1;
	s1 =	simm.s32 @!p5 $0x0  }
0x105: {  	p2 =	por @!p4 p6, p6;
	s1 =	simm.s32 @p5 $0x1  }
0x106: {  	p6 =	seq.s32 s26, $0x1;
	p4 =	seq.s32 s21, $0x1;
	[smem:$0x7DA] =	sst s1  }
.LBB2_11:
0x107: {  	s1 =	sld [smem:$0x7F6];
	_ =	sdelay $0x1  }
0x108: {  	s18 =	rddreg [dreg:$0x1b];
	s13 =	simm.s32 $0x1  }
0x109: {  	s15 =	simm.s32 $0x10;
	s16 =	simm.s32 $0x1C81;
	s12 =	sshrl.u32 s1, $0x3  }
0x10a: {  	[spmem:s12@s15], [sflag:s16] =	dma.strided [hbm:s18@s24], $0x3D00, s13, $0x10   }
0x10b: {  	s1 =	sld [smem:$0x7FA]  }
0x10c: {  	s19 =	sshll.u32 s9, $0x6  }
0x10d: {  	p0 =	por $0x1, $0x1;
	s12 =	sor.u32 $0x1C02, s19  }
0x10e: {  	s26 =	rddreg [dreg:$0x1e];
	s21 =	sshrl.u32 s1, $0x3;
	s1 =	simm.s32 @!p0 $0x0  }
0x10f: {  	[spmem:s21@s15], [sflag:s12] =	dma.strided [hbm:s26@s24], $0x3D00, s13, $0x10   }
0x110: {  	p1 =	por $0x0, $0x0;
	s1 =	simm.s32 @p0 $0x1  }
0x111: {  	[smem:$0x7D7] =	sst s1;
	s1 =	simm.s32 @!p1 $0x0  }
0x112: {  	s1 =	simm.s32 @p1 $0x1;
	p1 =	por $0x0, $0x0  }
0x113: {  	[smem:$0x7D5] =	sst s1;
	s1 =	simm.s32 @!p1 $0x0  }
0x114: {  	p0 =	por $0x0, $0x0;
	s1 =	simm.s32 @p1 $0x1  }
0x115: {  	[smem:$0x7D6] =	sst s1;
	s1 =	simm.s32 @!p0 $0x0  }
0x116: {  	p4 =	por $0x0, $0x0;
	s1 =	simm.s32 @p0 $0x1  }
.Ltmp11:
0x117: {  	[smem:$0x7D8] =	sst s1;
	s1 =	simm.s32 @!p4 $0x0;
	(pc) =	sbr.rel .LBB2_12-.Ltmp11, $4  }
0x118: {  	s1 =	simm.s32 @p4 $0x1;
	p4 =	por $0x0, $0x0  }
0x119: {  	[smem:$0x7D9] =	sst s1;
	s1 =	simm.s32 @!p4 $0x0  }
0x11a: {  	p6 =	por $0x0, $0x0;
	p2 =	por $0x0, $0x0;
	s1 =	simm.s32 @p4 $0x1  }
0x11b: {  	p1 =	por $0x0, $0x0;
	p4 =	por $0x0, $0x0;
	[smem:$0x7DA] =	sst s1  }
.LBB2_10:
0x11c: {  	s1 =	sld [smem:$0x7F1];
	_ =	sdelay $0x1  }
0x11d: {  	s18 =	rddreg [dreg:$0x16];
	s13 =	simm.s32 $0x1  }
0x11e: {  	s15 =	simm.s32 $0x10;
	s16 =	simm.s32 $0x1D41;
	s12 =	sshrl.u32 s1, $0x3  }
0x11f: {  	[spmem:s12@s15], [sflag:s16] =	dma.strided [hbm:s18@s24], $0x3D00, s13, $0x10   }
0x120: {  	s1 =	sld [smem:$0x7F2];
	_ =	sdelay $0x1  }
0x121: {  	s26 =	simm.s32 $0x1D42;
	p0 =	por $0x0, $0x0  }
0x122: {  	s21 =	rddreg [dreg:$0x17];
	s19 =	sshrl.u32 s1, $0x3;
	s1 =	simm.s32 @!p0 $0x0  }
0x123: {  	[spmem:s19@s15], [sflag:s26] =	dma.strided [hbm:s21@s24], $0x3D00, s13, $0x10   }
0x124: {  	s1 =	simm.s32 @p0 $0x1;
	p0 =	por $0x0, $0x0  }
0x125: {  	[smem:$0x7D5] =	sst s1;
	s1 =	simm.s32 @!p0 $0x0  }
0x126: {  	s1 =	simm.s32 @p0 $0x1;
	p0 =	por $0x0, $0x0  }
0x127: {  	[smem:$0x7D6] =	sst s1;
	s1 =	simm.s32 @!p0 $0x0  }
0x128: {  	s1 =	simm.s32 @p0 $0x1;
	p0 =	por $0x0, $0x0  }
0x129: {  	[smem:$0x7D7] =	sst s1;
	s1 =	simm.s32 @!p0 $0x0  }
0x12a: {  	p4 =	por $0x0, $0x0;
	s1 =	simm.s32 @p0 $0x1  }
0x12b: {  	[smem:$0x7D8] =	sst s1;
	s1 =	simm.s32 @!p4 $0x0  }
0x12c: {  	s1 =	simm.s32 @p4 $0x1;
	p4 =	por $0x0, $0x0  }
0x12d: {  	[smem:$0x7D9] =	sst s1;
	s1 =	simm.s32 @!p4 $0x0  }
0x12e: {  	p2 =	por $0x1, $0x1;
	p6 =	por $0x0, $0x0;
	s1 =	simm.s32 @p4 $0x1  }
0x12f: {  	p1 =	por $0x0, $0x0;
	p4 =	por $0x0, $0x0;
	[smem:$0x7DA] =	sst s1  }
.LBB2_12:
0x130: {  	s21 =	simm.s32 $0x0;
	s12 =	rddreg [dreg:$0x10]  }
0x131: {  	[tilespmem:s29], [sflag:$0x3] =	stream.linear.gather [hbm4b:s12+s21], $0x400, $0x38;
	[tilespmem:$0x1FCD0] =	vst v63  }
0x132: {  	s26 =	rddreg [dreg:$0x11]  }
0x133: {  	[tilespmem:s6], [sflag:$0x3] =	stream.linear.gather [hbm4b:s26+s21], $0x400, $0x38;
	[tilespmem:$0x1FCD0] =	vst v63  }
0x134: {  	s13 =	rddreg [dreg:$0x12]  }
0x135: {  	[tilespmem:s22], [sflag:$0x3] =	stream.linear.gather [hbm4b:s13+s21], $0x400, $0x38;
	[tilespmem:$0x1FCD0] =	vst v63  }
0x136: {  	[tilespmem:$0x1F8D0] =	vst v0  }
0x137: {  	[tilespmem:$0x1F8E0] =	vst v0  }
0x138: {  	[tilespmem:$0x1F8F0] =	vst v0  }
0x139: {  	[tilespmem:$0x1F900] =	vst v0  }
0x13a: {  	[tilespmem:$0x1F910] =	vst v0  }
0x13b: {  	[tilespmem:$0x1F920] =	vst v0  }
0x13c: {  	[tilespmem:$0x1F930] =	vst v0  }
0x13d: {  	[tilespmem:$0x1F940] =	vst v0  }
0x13e: {  	[tilespmem:$0x1F950] =	vst v0  }
0x13f: {  	[tilespmem:$0x1F960] =	vst v0  }
0x140: {  	[tilespmem:$0x1F970] =	vst v0  }
0x141: {  	[tilespmem:$0x1F980] =	vst v0  }
0x142: {  	[tilespmem:$0x1F990] =	vst v0  }
0x143: {  	[tilespmem:$0x1F9A0] =	vst v0  }
0x144: {  	[tilespmem:$0x1F9B0] =	vst v0  }
0x145: {  	[tilespmem:$0x1F9C0] =	vst v0  }
0x146: {  	[tilespmem:$0x1F9D0] =	vst v0  }
0x147: {  	[tilespmem:$0x1F9E0] =	vst v0  }
0x148: {  	[tilespmem:$0x1F9F0] =	vst v0  }
0x149: {  	[tilespmem:$0x1FA00] =	vst v0  }
0x14a: {  	[tilespmem:$0x1FA10] =	vst v0  }
0x14b: {  	[tilespmem:$0x1FA20] =	vst v0  }
0x14c: {  	[tilespmem:$0x1FA30] =	vst v0  }
0x14d: {  	[tilespmem:$0x1FA40] =	vst v0  }
0x14e: {  	[tilespmem:$0x1FA50] =	vst v0  }
0x14f: {  	[tilespmem:$0x1FA60] =	vst v0  }
0x150: {  	[tilespmem:$0x1FA70] =	vst v0  }
0x151: {  	[tilespmem:$0x1FA80] =	vst v0  }
0x152: {  	[tilespmem:$0x1FA90] =	vst v0  }
0x153: {  	[tilespmem:$0x1FAA0] =	vst v0  }
0x154: {  	[tilespmem:$0x1FAB0] =	vst v0  }
0x155: {  	[tilespmem:$0x1FAC0] =	vst v0  }
0x156: {  	[tilespmem:$0x1FAD0] =	vst v0  }
0x157: {  	[tilespmem:$0x1FAE0] =	vst v0  }
0x158: {  	[tilespmem:$0x1FAF0] =	vst v0  }
0x159: {  	[tilespmem:$0x1FB00] =	vst v0  }
0x15a: {  	[tilespmem:$0x1FB10] =	vst v0  }
0x15b: {  	[tilespmem:$0x1FB20] =	vst v0  }
0x15c: {  	[tilespmem:$0x1FB30] =	vst v0  }
0x15d: {  	[tilespmem:$0x1FB40] =	vst v0  }
0x15e: {  	[tilespmem:$0x1FB50] =	vst v0  }
0x15f: {  	[tilespmem:$0x1FB60] =	vst v0  }
0x160: {  	[tilespmem:$0x1FB70] =	vst v0  }
0x161: {  	[tilespmem:$0x1FB80] =	vst v0  }
0x162: {  	[tilespmem:$0x1FB90] =	vst v0  }
0x163: {  	[tilespmem:$0x1FBA0] =	vst v0  }
0x164: {  	[tilespmem:$0x1FBB0] =	vst v0  }
0x165: {  	[tilespmem:$0x1FBC0] =	vst v0  }
0x166: {  	[tilespmem:$0x1FBD0] =	vst v0  }
0x167: {  	[tilespmem:$0x1FBE0] =	vst v0  }
0x168: {  	[tilespmem:$0x1FBF0] =	vst v0  }
0x169: {  	[tilespmem:$0x1FC00] =	vst v0  }
0x16a: {  	[tilespmem:$0x1FC10] =	vst v0  }
0x16b: {  	[tilespmem:$0x1FC20] =	vst v0  }
0x16c: {  	[tilespmem:$0x1FC30] =	vst v0  }
0x16d: {  	s1 =	sld [smem:$0x7D8];
	[tilespmem:$0x1FC40] =	vst v0  }
0x16e: {  	[tilespmem:$0x1FC50] =	vst v0  }
0x16f: {  	s19 =	sld [smem:$0x7D7];
	[tilespmem:$0x1FC60] =	vst v0  }
0x170: {  	p0 =	seq.s32 s1, $0x1;
	[tilespmem:$0x1FC70] =	vst v0  }
0x171: {  	s1 =	simm.s32 @!p0 $0x0;
	[tilespmem:$0x1FC80] =	vst v0  }
0x172: {  	s1 =	simm.s32 @p0 $0x1;
	p0 =	seq.s32 s19, $0x1;
	[tilespmem:$0x1FC90] =	vst v0  }
0x173: {  	[smem:$0x7D8] =	sst s1;
	s1 =	simm.s32 @!p0 $0x0;
	[tilespmem:$0x1FCA0] =	vst v0  }
0x174: {  	[tilespmem:$0x1FCB0] =	vst v0;
	s1 =	simm.s32 @p0 $0x1  }
0x175: {  	[tilespmem:$0x1FCC0] =	vst v0;
	[smem:$0x7D7] =	sst s1  }
0x176: {  	_ =	swait.ge [sflag:s28], $0x400  }
0x177: {  	[sflag:s28] =	ssyncset.done $0x0  }
0x178: {  	[sflag:s28] =	ssyncadd.s32 $0xFFFFFC00  }
0x179: {  	_ =	swait.ge [sflag:s28], $0x400  }
0x17a: {  	[sflag:s28] =	ssyncset.done $0x0  }
0x17b: {  	[sflag:s28] =	ssyncadd.s32 $0xFFFFFC00  }
0x17c: {  	_ =	swait.ge [sflag:s28], $0x400  }
0x17d: {  	s26 =	sld [smem:$0x7D6];
	_ =	sdelay $0x2  }
0x17e: {  	p0 =	seq.s32 s26, $0x1  }
0x17f: {  	s1 =	simm.s32 @!p0 $0x0  }
0x180: {  	s1 =	simm.s32 @p0 $0x1  }
0x181: {  	[smem:$0x7D6] =	sst s1;
	s1 =	simm.s32 @!p2 $0x0  }
0x182: {  	s15 =	sld [smem:$0x7DA];
	s1 =	simm.s32 @p2 $0x1  }
0x183: {  	[smem:$0x7D4] =	sst s1;
	s1 =	simm.s32 @!p1 $0x0  }
0x184: {  	s1 =	simm.s32 @p1 $0x1  }
0x185: {  	[smem:$0x7D2] =	sst s1;
	s1 =	simm.s32 @!p4 $0x0  }
0x186: {  	s18 =	sld [smem:$0x7D9];
	p3 =	seq.s32 s15, $0x1;
	s1 =	simm.s32 @p4 $0x1  }
0x187: {  	[smem:$0x7DB] =	sst s1;
	s1 =	simm.s32 @!p3 $0x0  }
0x188: {  	s1 =	simm.s32 @p3 $0x1  }
0x189: {  	[smem:$0x7DA] =	sst s1;
	s1 =	simm.s32 @!p6 $0x0  }
0x18a: {  	p5 =	seq.s32 s18, $0x1;
	s1 =	simm.s32 @p6 $0x1  }
0x18b: {  	s16 =	simm.s32 $0x180;
	[smem:$0x7DC] =	sst s1;
	s1 =	simm.s32 @!p5 $0x0  }
0x18c: {  	[sflag:s28] =	ssyncset.done $0x0;
	s21 =	sld [smem:$0x7DF];
	s1 =	simm.s32 @p5 $0x1  }
0x18d: {  	s19 =	simm.s32 $0x30;
	[sflag:s28] =	ssyncadd.s32 $0xFFFFFC00;
	[smem:$0x7D9] =	sst s1  }
.LBB2_13:
0x18e: {  	p0 =	sne.s32 s9, $0x0  }
0x18f: {  	s12 =	simm.s32 @!p0 $0x1  }
0x190: {  	s1 =	simm.s32 @!p0 $0x0;
	_ =	swait.ge @!p0 [sflag:s12], $0x3D00  }
0x191: {  	s1 =	simm.s32 @p0 $0x1;
	[sflag:s12] =	ssyncset.done @!p0 $0x0  }
0x192: {  	[smem:$0x7D0] =	sst s1;
	[sflag:s12] =	ssyncadd.s32 @!p0 $0xFFFFC300;
	s12 =	simm.s32 @p1 $0x1  }
0x193: {  	_ =	swait.ge @p1 [sflag:s12], $0x3D00  }
0x194: {  	[sflag:s12] =	ssyncset.done @p1 $0x0  }
0x195: {  	[sflag:s12] =	ssyncadd.s32 @p1 $0xFFFFC300;
	s12 =	sld [smem:$0x7D7];
	_ =	sdelay $0x2  }
0x196: {  	p0 =	seq.s32 s12, $0x1  }
0x197: {  	s12 =	simm.s32 @p0 $0x1  }
0x198: {  	_ =	swait.ge @p0 [sflag:s12], $0x3D00  }
0x199: {  	s13 =	sld [smem:$0x7D6];
	_ =	sdelay $0x1  }
0x19a: {  	[sflag:s12] =	ssyncset.done @p0 $0x0  }
0x19b: {  	[sflag:s12] =	ssyncadd.s32 @p0 $0xFFFFC300;
	p0 =	seq.s32 s13, $0x1  }
0x19c: {  	s12 =	simm.s32 @p0 $0x1  }
0x19d: {  	_ =	swait.ge @p0 [sflag:s12], $0x3D00  }
0x19e: {  	[sflag:s12] =	ssyncset.done @p0 $0x0  }
0x19f: {  	[sflag:s12] =	ssyncadd.s32 @p0 $0xFFFFC300;
	s12 =	simm.s32 @p4 $0x1  }
0x1a0: {  	_ =	swait.ge @p4 [sflag:s12], $0x3D00  }
0x1a1: {  	[sflag:s12] =	ssyncset.done @p4 $0x0  }
0x1a2: {  	[sflag:s12] =	ssyncadd.s32 @p4 $0xFFFFC300;
	s12 =	simm.s32 @p2 $0x1  }
0x1a3: {  	_ =	swait.ge @p2 [sflag:s12], $0x3D00  }
0x1a4: {  	s15 =	sld [smem:$0x7D8];
	_ =	sdelay $0x2  }
0x1a5: {  	[sflag:s12] =	ssyncset.done @p2 $0x0;
	p0 =	seq.s32 s15, $0x1  }
0x1a6: {  	[sflag:s12] =	ssyncadd.s32 @p2 $0xFFFFC300;
	s12 =	simm.s32 @p0 $0x1  }
0x1a7: {  	_ =	swait.ge @p0 [sflag:s12], $0x3D00  }
0x1a8: {  	s18 =	sld [smem:$0x7D5];
	_ =	sdelay $0x1  }
0x1a9: {  	[sflag:s12] =	ssyncset.done @p0 $0x0  }
0x1aa: {  	[sflag:s12] =	ssyncadd.s32 @p0 $0xFFFFC300;
	p0 =	seq.s32 s18, $0x1  }
0x1ab: {  	s1 =	simm.s32 @!p0 $0x0  }
0x1ac: {  	s1 =	simm.s32 @p0 $0x1  }
0x1ad: {  	s12 =	simm.s32 @p0 $0x1;
	[smem:$0x7D5] =	sst s1  }
0x1ae: {  	_ =	swait.ge @p0 [sflag:s12], $0x3D00  }
0x1af: {  	[sflag:s12] =	ssyncset.done @p0 $0x0  }
0x1b0: {  	[sflag:s12] =	ssyncadd.s32 @p0 $0xFFFFC300;
	s12 =	simm.s32 @p5 $0x1  }
0x1b1: {  	_ =	swait.ge @p5 [sflag:s12], $0x40  }
0x1b2: {  	[sflag:s12] =	ssyncset.done @p5 $0x0  }
0x1b3: {  	[sflag:s12] =	ssyncadd.s32 @p5 $0xFFFFFFC0;
	s12 =	simm.s32 @p6 $0x1  }
0x1b4: {  	_ =	swait.ge @p6 [sflag:s12], $0x80  }
0x1b5: {  	[sflag:s12] =	ssyncset.done @p6 $0x0  }
0x1b6: {  	[sflag:s12] =	ssyncadd.s32 @p6 $0xFFFFFF80;
	s12 =	simm.s32 @p3 $0x1  }
0x1b7: {  	_ =	swait.ge @p3 [sflag:s12], $0x80  }
0x1b8: {  	s1 =	sld [smem:$0x7FC]  }
0x1b9: {  	[sflag:s12] =	ssyncset.done @p3 $0x0  }
0x1ba: {  	[sflag:s12] =	ssyncadd.s32 @p3 $0xFFFFFF80;
	s12 =	simm.s32 @p3 $0x1F7D0  }
0x1bb: {  	[spmem:s1] =	stream.linear.scatter @p3 [tilespmem:s12], [sflag:$0x5], $0x40, $0x38;
	[tilespmem:$0x1FCD0] =	vst v63  }
0x1bc: {  	s12 =	simm.s32 @p3 $0x5  }
0x1bd: {  	_ =	swait.ge @p3 [sflag:s12], $0x40  }
0x1be: {  	[sflag:s12] =	ssyncset.done @p3 $0x0  }
0x1bf: {  	[sflag:s12] =	ssyncadd.s32 @p3 $0xFFFFFFC0  }
0x1c0: {  	[bflag:$0x0] =	sbarrier.arrive $0xFFFF  }
0x1c1: {  	[tilespmem:s31], [sflag:$0x3] =	stream.indirect.gather [spmem:s2], $0x1, s29, s24, $0xb8;
	[tilespmem:$0x1FCD0] =	vst v63  }
0x1c2: {  	_ = 	snop  }
0x1c3: {  	[tilespmem:s25], [sflag:$0x3] =	stream.indirect.gather [spmem:s2], $0x1, s6, s24, $0xb8;
	[tilespmem:$0x1FCD0] =	vst v63  }
0x1c4: {  	_ = 	snop  }
0x1c5: {  	[tilespmem:s17], [sflag:$0x3] =	stream.indirect.gather [spmem:s3], $0x1, s22, s24, $0xb8;
	[tilespmem:$0x1FCD0] =	vst v63  }
0x1c6: {  	s26 =	simm.s32 $0x1E950  }
0x1c7: {  	[tilespmem:s14], [sflag:$0x4] =	stream.indirect.gather [spmem:s2], $0x1, s26, s24, $0xb8;
	[tilespmem:$0x1FCD0] =	vst v63  }
0x1c8: {  	s12 =	simm.s32 $0x1ED50  }
0x1c9: {  	[tilespmem:s23], [sflag:$0x4] =	stream.indirect.gather [spmem:s2], $0x1, s12, s24, $0xb8;
	[tilespmem:$0x1FCD0] =	vst v63  }
0x1ca: {  	s13 =	simm.s32 $0x1F150  }
0x1cb: {  	[tilespmem:s30], [sflag:$0x4] =	stream.indirect.gather [spmem:s3], $0x1, s13, s24, $0xb8;
	[tilespmem:$0x1FCD0] =	vst v63  }
0x1cc: {  	_ =	swait.ge [sflag:s28], $0x180  }
0x1cd: {  	[sflag:s28] =	ssyncset.done $0x0  }
0x1ce: {  	[sflag:s28] =	ssyncadd.s32 $0xFFFFFE80  }
0x1cf: {  	v1 =	vld [tilespmem:$0x1F4D0]  }
0x1d0: {  	v2 =	vld [tilespmem:$0x1F550]  }
0x1d1: {  	v3 =	vld [tilespmem:$0x1F5D0]  }
0x1d2: {  	v4 =	vld [tilespmem:$0x1F8D0]  }
0x1d3: {  	v5 =	vld [tilespmem:$0x1F4E0]  }
0x1d4: {  	v6 =	vld [tilespmem:$0x1F560]  }
0x1d5: {  	v7 =	vld [tilespmem:$0x1F5E0]  }
0x1d6: {  	v8 =	vld [tilespmem:$0x1F8E0]  }
0x1d7: {  	v9 =	vld [tilespmem:$0x1F4F0]  }
0x1d8: {  	v10 =	vld [tilespmem:$0x1F570]  }
0x1d9: {  	v11 =	vld [tilespmem:$0x1F5F0]  }
0x1da: {  	v12 =	vld [tilespmem:$0x1F8F0]  }
0x1db: {  	v13 =	vld [tilespmem:$0x1F500]  }
0x1dc: {  	v14 =	vld [tilespmem:$0x1F580]  }
0x1dd: {  	v15 =	vld [tilespmem:$0x1F600]  }
0x1de: {  	v16 =	vld [tilespmem:$0x1F900]  }
0x1df: {  	v17 =	vld [tilespmem:$0x1F510]  }
0x1e0: {  	v18 =	vld [tilespmem:$0x1F590]  }
0x1e1: {  	v19 =	vld [tilespmem:$0x1F610]  }
0x1e2: {  	v55 =	vld [tilespmem:$0x1F5A0]  }
0x1e3: {  	v56 =	vld [tilespmem:$0x1F530];
	v1 =	vadd.f32 v3, v1  }
0x1e4: {  	v20 =	vld [tilespmem:$0x1F630];
	v5 =	vadd.f32 v7, v5  }
0x1e5: {  	v3 =	vld [tilespmem:$0x1F520];
	v1 =	vsub.f32 v1, v2  }
0x1e6: {  	v2 =	vld [tilespmem:$0x1F620];
	v5 =	vsub.f32 v5, v6  }
0x1e7: {  	v21 =	vld [tilespmem:$0x1F540];
	v1 =	vmul.f32 v1, v1  }
0x1e8: {  	v58 =	vld [tilespmem:$0x1F640];
	v57 =	vadd.f32 v11, v9;
	v59 =	vadd.f32 v15, v13;
	v5 =	vmul.f32 v5, v5  }
0x1e9: {  	v60 =	vld [tilespmem:$0x1F5B0];
	v61 =	vadd.f32 v19, v17;
	v1 =	vadd.f32 v1, v4  }
0x1ea: {  	v62 =	vld [tilespmem:$0x1F5C0];
	v5 =	vadd.f32 v5, v8;
	v4 =	vsub.f32 v57, v10  }
0x1eb: {  	v63 =	vld [tilespmem:$0x1F910];
	v8 =	vsub.f32 v59, v14;
	v2 =	vadd.f32 v2, v3  }
0x1ec: {  	v17 =	vld [tilespmem:$0x1F920];
	v15 =	vsub.f32 v61, v18;
	v6 =	vadd.f32 v20, v56;
	v3 =	vmul.f32 v4, v4  }
0x1ed: {  	v9 =	vadd.f32 v58, v21;
	v18 =	vld [tilespmem:$0x1F930];
	v8 =	vmul.f32 v8, v8;
	v2 =	vsub.f32 v2, v55  }
0x1ee: {  	v20 =	vld [tilespmem:$0x1F940];
	v19 =	vsub.f32 v6, v60;
	[tilespmem:$0x1F8D0] =	vst v1;
	v1 =	vadd.f32 v3, v12;
	v3 =	vmul.f32 v15, v15  }
0x1ef: {  	v22 =	vsub.f32 v9, v62;
	[tilespmem:$0x1F8E0] =	vst v5;
	v21 =	vadd.f32 v8, v16;
	v2 =	vmul.f32 v2, v2  }
0x1f0: {  	[tilespmem:$0x1F8F0] =	vst v1;
	v1 =	vadd.f32 v3, v63;
	v3 =	vmul.f32 v19, v19  }
0x1f1: {  	v23 =	vmul.f32 v22, v22;
	[tilespmem:$0x1F900] =	vst v21;
	v2 =	vadd.f32 v2, v17  }
0x1f2: {  	[tilespmem:$0x1F910] =	vst v1;
	v1 =	vadd.f32 v3, v18  }
0x1f3: {  	[tilespmem:$0x1F920] =	vst v2;
	v2 =	vadd.f32 v23, v20  }
0x1f4: {  	[tilespmem:$0x1F930] =	vst v1  }
0x1f5: {  	s15 =	simm.s32 $0x1E9D0;
	[tilespmem:$0x1F940] =	vst v2  }
0x1f6: {  	[tilespmem:s31], [sflag:$0x3] =	stream.indirect.gather [spmem:s2], $0x1, s15, s24, $0xb8;
	[tilespmem:$0x1FCD0] =	vst v63  }
0x1f7: {  	s18 =	simm.s32 $0x1EDD0  }
0x1f8: {  	[tilespmem:s25], [sflag:$0x3] =	stream.indirect.gather [spmem:s2], $0x1, s18, s24, $0xb8;
	[tilespmem:$0x1FCD0] =	vst v63  }
0x1f9: {  	s26 =	simm.s32 $0x1F1D0  }
0x1fa: {  	[tilespmem:s17], [sflag:$0x3] =	stream.indirect.gather [spmem:s3], $0x1, s26, s24, $0xb8;
	[tilespmem:$0x1FCD0] =	vst v63  }
0x1fb: {  	_ =	swait.ge [sflag:s20], $0x180  }
0x1fc: {  	[sflag:s20] =	ssyncset.done $0x0  }
0x1fd: {  	[sflag:s20] =	ssyncadd.s32 $0xFFFFFE80  }
0x1fe: {  	v1 =	vld [tilespmem:$0x1F650]  }
0x1ff: {  	v2 =	vld [tilespmem:$0x1F6D0]  }
0x200: {  	v3 =	vld [tilespmem:$0x1F750]  }
0x201: {  	v24 =	vld [tilespmem:$0x1F950]  }
0x202: {  	v25 =	vld [tilespmem:$0x1F660]  }
0x203: {  	v26 =	vld [tilespmem:$0x1F6E0]  }
0x204: {  	v27 =	vld [tilespmem:$0x1F760]  }
0x205: {  	v28 =	vld [tilespmem:$0x1F960]  }
0x206: {  	v29 =	vld [tilespmem:$0x1F670]  }
0x207: {  	v30 =	vld [tilespmem:$0x1F6F0]  }
0x208: {  	v31 =	vld [tilespmem:$0x1F770]  }
0x209: {  	v32 =	vld [tilespmem:$0x1F970]  }
0x20a: {  	v33 =	vld [tilespmem:$0x1F680]  }
0x20b: {  	v34 =	vld [tilespmem:$0x1F700]  }
0x20c: {  	v35 =	vld [tilespmem:$0x1F780]  }
0x20d: {  	v36 =	vld [tilespmem:$0x1F980]  }
0x20e: {  	v37 =	vld [tilespmem:$0x1F690]  }
0x20f: {  	v39 =	vld [tilespmem:$0x1F790]  }
0x210: {  	v41 =	vld [tilespmem:$0x1F6B0]  }
0x211: {  	v42 =	vld [tilespmem:$0x1F7B0]  }
0x212: {  	v43 =	vld [tilespmem:$0x1F6C0]  }
0x213: {  	v45 =	vld [tilespmem:$0x1F7C0];
	v1 =	vadd.f32 v3, v1  }
0x214: {  	v3 =	vld [tilespmem:$0x1F6A0]  }
0x215: {  	v1 =	vsub.f32 v1, v2;
	v2 =	vld [tilespmem:$0x1F7A0]  }
0x216: {  	v38 =	vld [tilespmem:$0x1F710];
	v5 =	vadd.f32 v27, v25;
	v44 =	vadd.f32 v31, v29  }
0x217: {  	v40 =	vld [tilespmem:$0x1F720];
	v46 =	vadd.f32 v35, v33;
	v48 =	vadd.f32 v39, v37  }
0x218: {  	v47 =	vld [tilespmem:$0x1F730];
	v6 =	vadd.f32 v42, v41;
	v5 =	vsub.f32 v5, v26  }
0x219: {  	v49 =	vld [tilespmem:$0x1F740];
	v9 =	vadd.f32 v45, v43;
	v4 =	vsub.f32 v44, v30;
	v1 =	vmul.f32 v1, v1  }
0x21a: {  	v50 =	vld [tilespmem:$0x1F990];
	v8 =	vsub.f32 v46, v34;
	v5 =	vmul.f32 v5, v5;
	v2 =	vadd.f32 v2, v3  }
0x21b: {  	v52 =	vld [tilespmem:$0x1F9A0];
	v51 =	vsub.f32 v48, v38;
	v1 =	vadd.f32 v1, v24;
	v3 =	vmul.f32 v4, v4  }
0x21c: {  	v53 =	vld [tilespmem:$0x1F9B0];
	v8 =	vmul.f32 v8, v8;
	v5 =	vadd.f32 v5, v28;
	v2 =	vsub.f32 v2, v40  }
0x21d: {  	v55 =	vld [tilespmem:$0x1F9C0];
	v54 =	vsub.f32 v6, v47;
	[tilespmem:$0x1F950] =	vst v1;
	v1 =	vadd.f32 v3, v32;
	v3 =	vmul.f32 v51, v51  }
0x21e: {  	v57 =	vsub.f32 v9, v49;
	v56 =	vadd.f32 v8, v36;
	[tilespmem:$0x1F960] =	vst v5;
	v2 =	vmul.f32 v2, v2  }
0x21f: {  	[tilespmem:$0x1F970] =	vst v1;
	v1 =	vadd.f32 v3, v50;
	v3 =	vmul.f32 v54, v54  }
0x220: {  	v58 =	vmul.f32 v57, v57;
	[tilespmem:$0x1F980] =	vst v56;
	v2 =	vadd.f32 v2, v52  }
0x221: {  	[tilespmem:$0x1F990] =	vst v1;
	v1 =	vadd.f32 v3, v53  }
0x222: {  	[tilespmem:$0x1F9A0] =	vst v2;
	v2 =	vadd.f32 v58, v55  }
0x223: {  	[tilespmem:$0x1F9B0] =	vst v1  }
0x224: {  	s12 =	simm.s32 $0x1EA50;
	[tilespmem:$0x1F9C0] =	vst v2  }
0x225: {  	[tilespmem:s14], [sflag:$0x4] =	stream.indirect.gather [spmem:s2], $0x1, s12, s24, $0xb8;
	[tilespmem:$0x1FCD0] =	vst v63  }
0x226: {  	s13 =	simm.s32 $0x1EE50  }
0x227: {  	[tilespmem:s23], [sflag:$0x4] =	stream.indirect.gather [spmem:s2], $0x1, s13, s24, $0xb8;
	[tilespmem:$0x1FCD0] =	vst v63  }
0x228: {  	s15 =	simm.s32 $0x1F250  }
0x229: {  	[tilespmem:s30], [sflag:$0x4] =	stream.indirect.gather [spmem:s3], $0x1, s15, s24, $0xb8;
	[tilespmem:$0x1FCD0] =	vst v63  }
0x22a: {  	_ =	swait.ge [sflag:s28], $0x180  }
0x22b: {  	[sflag:s28] =	ssyncset.done $0x0  }
0x22c: {  	[sflag:s28] =	ssyncadd.s32 $0xFFFFFE80  }
0x22d: {  	v1 =	vld [tilespmem:$0x1F4D0]  }
0x22e: {  	v2 =	vld [tilespmem:$0x1F550]  }
0x22f: {  	v3 =	vld [tilespmem:$0x1F5D0]  }
0x230: {  	v59 =	vld [tilespmem:$0x1F9D0]  }
0x231: {  	v60 =	vld [tilespmem:$0x1F4E0]  }
0x232: {  	v61 =	vld [tilespmem:$0x1F560]  }
0x233: {  	v62 =	vld [tilespmem:$0x1F5E0]  }
0x234: {  	v63 =	vld [tilespmem:$0x1F9E0]  }
0x235: {  	v24 =	vld [tilespmem:$0x1F4F0]  }
0x236: {  	v25 =	vld [tilespmem:$0x1F570]  }
0x237: {  	v26 =	vld [tilespmem:$0x1F5F0]  }
0x238: {  	v27 =	vld [tilespmem:$0x1F9F0]  }
0x239: {  	v28 =	vld [tilespmem:$0x1F500]  }
0x23a: {  	v29 =	vld [tilespmem:$0x1F580]  }
0x23b: {  	v30 =	vld [tilespmem:$0x1F600]  }
0x23c: {  	v31 =	vld [tilespmem:$0x1FA00]  }
0x23d: {  	v32 =	vld [tilespmem:$0x1F510]  }
0x23e: {  	v34 =	vld [tilespmem:$0x1F610]  }
0x23f: {  	v36 =	vld [tilespmem:$0x1F530]  }
0x240: {  	v37 =	vld [tilespmem:$0x1F630]  }
0x241: {  	v38 =	vld [tilespmem:$0x1F540]  }
0x242: {  	v40 =	vld [tilespmem:$0x1F640];
	v1 =	vadd.f32 v3, v1  }
0x243: {  	v3 =	vld [tilespmem:$0x1F520]  }
0x244: {  	v1 =	vsub.f32 v1, v2;
	v2 =	vld [tilespmem:$0x1F620]  }
0x245: {  	v33 =	vld [tilespmem:$0x1F590];
	v5 =	vadd.f32 v62, v60;
	v39 =	vadd.f32 v26, v24  }
0x246: {  	v35 =	vld [tilespmem:$0x1F5A0];
	v41 =	vadd.f32 v30, v28;
	v43 =	vadd.f32 v34, v32  }
0x247: {  	v42 =	vld [tilespmem:$0x1F5B0];
	v6 =	vadd.f32 v37, v36;
	v5 =	vsub.f32 v5, v61  }
0x248: {  	v44 =	vld [tilespmem:$0x1F5C0];
	v9 =	vadd.f32 v40, v38;
	v4 =	vsub.f32 v39, v25;
	v1 =	vmul.f32 v1, v1  }
0x249: {  	v45 =	vld [tilespmem:$0x1FA10];
	v8 =	vsub.f32 v41, v29;
	v5 =	vmul.f32 v5, v5;
	v2 =	vadd.f32 v2, v3  }
0x24a: {  	v47 =	vld [tilespmem:$0x1FA20];
	v46 =	vsub.f32 v43, v33;
	v1 =	vadd.f32 v1, v59;
	v3 =	vmul.f32 v4, v4  }
0x24b: {  	v48 =	vld [tilespmem:$0x1FA30];
	v8 =	vmul.f32 v8, v8;
	v5 =	vadd.f32 v5, v63;
	v2 =	vsub.f32 v2, v35  }
0x24c: {  	v50 =	vld [tilespmem:$0x1FA40];
	v49 =	vsub.f32 v6, v42;
	[tilespmem:$0x1F9D0] =	vst v1;
	v1 =	vadd.f32 v3, v27;
	v3 =	vmul.f32 v46, v46  }
0x24d: {  	v52 =	vsub.f32 v9, v44;
	v51 =	vadd.f32 v8, v31;
	[tilespmem:$0x1F9E0] =	vst v5;
	v2 =	vmul.f32 v2, v2  }
0x24e: {  	[tilespmem:$0x1F9F0] =	vst v1;
	v1 =	vadd.f32 v3, v45;
	v3 =	vmul.f32 v49, v49  }
0x24f: {  	v53 =	vmul.f32 v52, v52;
	[tilespmem:$0x1FA00] =	vst v51;
	v2 =	vadd.f32 v2, v47  }
0x250: {  	[tilespmem:$0x1FA10] =	vst v1;
	v1 =	vadd.f32 v3, v48  }
0x251: {  	[tilespmem:$0x1FA20] =	vst v2;
	v2 =	vadd.f32 v53, v50  }
0x252: {  	[tilespmem:$0x1FA30] =	vst v1  }
0x253: {  	s18 =	simm.s32 $0x1EAD0;
	[tilespmem:$0x1FA40] =	vst v2  }
0x254: {  	[tilespmem:s31], [sflag:$0x3] =	stream.indirect.gather [spmem:s2], $0x1, s18, s24, $0xb8;
	[tilespmem:$0x1FCD0] =	vst v63  }
0x255: {  	s26 =	simm.s32 $0x1EED0  }
0x256: {  	[tilespmem:s25], [sflag:$0x3] =	stream.indirect.gather [spmem:s2], $0x1, s26, s24, $0xb8;
	[tilespmem:$0x1FCD0] =	vst v63  }
0x257: {  	s12 =	simm.s32 $0x1F2D0  }
0x258: {  	[tilespmem:s17], [sflag:$0x3] =	stream.indirect.gather [spmem:s3], $0x1, s12, s24, $0xb8;
	[tilespmem:$0x1FCD0] =	vst v63  }
0x259: {  	_ =	swait.ge [sflag:s20], $0x180  }
0x25a: {  	[sflag:s20] =	ssyncset.done $0x0  }
0x25b: {  	[sflag:s20] =	ssyncadd.s32 $0xFFFFFE80  }
0x25c: {  	v1 =	vld [tilespmem:$0x1F650]  }
0x25d: {  	v2 =	vld [tilespmem:$0x1F6D0]  }
0x25e: {  	v3 =	vld [tilespmem:$0x1F750]  }
0x25f: {  	v54 =	vld [tilespmem:$0x1FA50]  }
0x260: {  	v55 =	vld [tilespmem:$0x1F660]  }
0x261: {  	v56 =	vld [tilespmem:$0x1F6E0]  }
0x262: {  	v57 =	vld [tilespmem:$0x1F760]  }
0x263: {  	v58 =	vld [tilespmem:$0x1FA60]  }
0x264: {  	v59 =	vld [tilespmem:$0x1F670]  }
0x265: {  	v60 =	vld [tilespmem:$0x1F6F0]  }
0x266: {  	v61 =	vld [tilespmem:$0x1F770]  }
0x267: {  	v62 =	vld [tilespmem:$0x1FA70]  }
0x268: {  	v63 =	vld [tilespmem:$0x1F680]  }
0x269: {  	v24 =	vld [tilespmem:$0x1F700]  }
0x26a: {  	v25 =	vld [tilespmem:$0x1F780]  }
0x26b: {  	v26 =	vld [tilespmem:$0x1FA80]  }
0x26c: {  	v27 =	vld [tilespmem:$0x1F690]  }
0x26d: {  	v29 =	vld [tilespmem:$0x1F790]  }
0x26e: {  	v31 =	vld [tilespmem:$0x1F6B0]  }
0x26f: {  	v32 =	vld [tilespmem:$0x1F7B0]  }
0x270: {  	v33 =	vld [tilespmem:$0x1F6C0]  }
0x271: {  	v35 =	vld [tilespmem:$0x1F7C0];
	v1 =	vadd.f32 v3, v1  }
0x272: {  	v3 =	vld [tilespmem:$0x1F6A0]  }
0x273: {  	v1 =	vsub.f32 v1, v2;
	v2 =	vld [tilespmem:$0x1F7A0]  }
0x274: {  	v28 =	vld [tilespmem:$0x1F710];
	v5 =	vadd.f32 v57, v55;
	v34 =	vadd.f32 v61, v59  }
0x275: {  	v30 =	vld [tilespmem:$0x1F720];
	v36 =	vadd.f32 v25, v63;
	v38 =	vadd.f32 v29, v27  }
0x276: {  	v37 =	vld [tilespmem:$0x1F730];
	v6 =	vadd.f32 v32, v31;
	v5 =	vsub.f32 v5, v56  }
0x277: {  	v39 =	vld [tilespmem:$0x1F740];
	v9 =	vadd.f32 v35, v33;
	v4 =	vsub.f32 v34, v60;
	v1 =	vmul.f32 v1, v1  }
0x278: {  	v40 =	vld [tilespmem:$0x1FA90];
	v8 =	vsub.f32 v36, v24;
	v5 =	vmul.f32 v5, v5;
	v2 =	vadd.f32 v2, v3  }
0x279: {  	v42 =	vld [tilespmem:$0x1FAA0];
	v41 =	vsub.f32 v38, v28;
	v1 =	vadd.f32 v1, v54;
	v3 =	vmul.f32 v4, v4  }
0x27a: {  	v43 =	vld [tilespmem:$0x1FAB0];
	v8 =	vmul.f32 v8, v8;
	v5 =	vadd.f32 v5, v58;
	v2 =	vsub.f32 v2, v30  }
0x27b: {  	v45 =	vld [tilespmem:$0x1FAC0];
	v44 =	vsub.f32 v6, v37;
	[tilespmem:$0x1FA50] =	vst v1;
	v1 =	vadd.f32 v3, v62;
	v3 =	vmul.f32 v41, v41  }
0x27c: {  	v47 =	vsub.f32 v9, v39;
	v46 =	vadd.f32 v8, v26;
	[tilespmem:$0x1FA60] =	vst v5;
	v2 =	vmul.f32 v2, v2  }
0x27d: {  	[tilespmem:$0x1FA70] =	vst v1;
	v1 =	vadd.f32 v3, v40;
	v3 =	vmul.f32 v44, v44  }
0x27e: {  	v48 =	vmul.f32 v47, v47;
	[tilespmem:$0x1FA80] =	vst v46;
	v2 =	vadd.f32 v2, v42  }
0x27f: {  	[tilespmem:$0x1FA90] =	vst v1;
	v1 =	vadd.f32 v3, v43  }
0x280: {  	[tilespmem:$0x1FAA0] =	vst v2;
	v2 =	vadd.f32 v48, v45  }
0x281: {  	[tilespmem:$0x1FAB0] =	vst v1  }
0x282: {  	s13 =	simm.s32 $0x1EB50;
	[tilespmem:$0x1FAC0] =	vst v2  }
0x283: {  	[tilespmem:s14], [sflag:$0x4] =	stream.indirect.gather [spmem:s2], $0x1, s13, s24, $0xb8;
	[tilespmem:$0x1FCD0] =	vst v63  }
0x284: {  	s15 =	simm.s32 $0x1EF50  }
0x285: {  	[tilespmem:s23], [sflag:$0x4] =	stream.indirect.gather [spmem:s2], $0x1, s15, s24, $0xb8;
	[tilespmem:$0x1FCD0] =	vst v63  }
0x286: {  	s18 =	simm.s32 $0x1F350  }
0x287: {  	[tilespmem:s30], [sflag:$0x4] =	stream.indirect.gather [spmem:s3], $0x1, s18, s24, $0xb8;
	[tilespmem:$0x1FCD0] =	vst v63  }
0x288: {  	_ =	swait.ge [sflag:s28], $0x180  }
0x289: {  	[sflag:s28] =	ssyncset.done $0x0  }
0x28a: {  	[sflag:s28] =	ssyncadd.s32 $0xFFFFFE80  }
0x28b: {  	v1 =	vld [tilespmem:$0x1F4D0]  }
0x28c: {  	v2 =	vld [tilespmem:$0x1F550]  }
0x28d: {  	v3 =	vld [tilespmem:$0x1F5D0]  }
0x28e: {  	v49 =	vld [tilespmem:$0x1FAD0]  }
0x28f: {  	v50 =	vld [tilespmem:$0x1F4E0]  }
0x290: {  	v51 =	vld [tilespmem:$0x1F560]  }
0x291: {  	v52 =	vld [tilespmem:$0x1F5E0]  }
0x292: {  	v53 =	vld [tilespmem:$0x1FAE0]  }
0x293: {  	v54 =	vld [tilespmem:$0x1F4F0]  }
0x294: {  	v55 =	vld [tilespmem:$0x1F570]  }
0x295: {  	v56 =	vld [tilespmem:$0x1F5F0]  }
0x296: {  	v57 =	vld [tilespmem:$0x1FAF0]  }
0x297: {  	v58 =	vld [tilespmem:$0x1F500]  }
0x298: {  	v59 =	vld [tilespmem:$0x1F580]  }
0x299: {  	v60 =	vld [tilespmem:$0x1F600]  }
0x29a: {  	v61 =	vld [tilespmem:$0x1FB00]  }
0x29b: {  	v62 =	vld [tilespmem:$0x1F510]  }
0x29c: {  	v24 =	vld [tilespmem:$0x1F610]  }
0x29d: {  	v26 =	vld [tilespmem:$0x1F530]  }
0x29e: {  	v27 =	vld [tilespmem:$0x1F630]  }
0x29f: {  	v28 =	vld [tilespmem:$0x1F540]  }
0x2a0: {  	v30 =	vld [tilespmem:$0x1F640];
	v1 =	vadd.f32 v3, v1  }
0x2a1: {  	v3 =	vld [tilespmem:$0x1F520]  }
0x2a2: {  	v1 =	vsub.f32 v1, v2;
	v2 =	vld [tilespmem:$0x1F620]  }
0x2a3: {  	v63 =	vld [tilespmem:$0x1F590];
	v5 =	vadd.f32 v52, v50;
	v29 =	vadd.f32 v56, v54  }
0x2a4: {  	v25 =	vld [tilespmem:$0x1F5A0];
	v31 =	vadd.f32 v60, v58;
	v33 =	vadd.f32 v24, v62  }
0x2a5: {  	v32 =	vld [tilespmem:$0x1F5B0];
	v6 =	vadd.f32 v27, v26;
	v5 =	vsub.f32 v5, v51  }
0x2a6: {  	v34 =	vld [tilespmem:$0x1F5C0];
	v9 =	vadd.f32 v30, v28;
	v4 =	vsub.f32 v29, v55;
	v1 =	vmul.f32 v1, v1  }
0x2a7: {  	v35 =	vld [tilespmem:$0x1FB10];
	v8 =	vsub.f32 v31, v59;
	v5 =	vmul.f32 v5, v5;
	v2 =	vadd.f32 v2, v3  }
0x2a8: {  	v37 =	vld [tilespmem:$0x1FB20];
	v36 =	vsub.f32 v33, v63;
	v1 =	vadd.f32 v1, v49;
	v3 =	vmul.f32 v4, v4  }
0x2a9: {  	v38 =	vld [tilespmem:$0x1FB30];
	v8 =	vmul.f32 v8, v8;
	v5 =	vadd.f32 v5, v53;
	v2 =	vsub.f32 v2, v25  }
0x2aa: {  	v40 =	vld [tilespmem:$0x1FB40];
	v39 =	vsub.f32 v6, v32;
	[tilespmem:$0x1FAD0] =	vst v1;
	v1 =	vadd.f32 v3, v57;
	v3 =	vmul.f32 v36, v36  }
0x2ab: {  	v42 =	vsub.f32 v9, v34;
	v41 =	vadd.f32 v8, v61;
	[tilespmem:$0x1FAE0] =	vst v5;
	v2 =	vmul.f32 v2, v2  }
0x2ac: {  	[tilespmem:$0x1FAF0] =	vst v1;
	v1 =	vadd.f32 v3, v35;
	v3 =	vmul.f32 v39, v39  }
0x2ad: {  	v43 =	vmul.f32 v42, v42;
	[tilespmem:$0x1FB00] =	vst v41;
	v2 =	vadd.f32 v2, v37  }
0x2ae: {  	[tilespmem:$0x1FB10] =	vst v1;
	v1 =	vadd.f32 v3, v38  }
0x2af: {  	[tilespmem:$0x1FB20] =	vst v2;
	v2 =	vadd.f32 v43, v40  }
0x2b0: {  	[tilespmem:$0x1FB30] =	vst v1  }
0x2b1: {  	s26 =	simm.s32 $0x1EBD0;
	[tilespmem:$0x1FB40] =	vst v2  }
0x2b2: {  	[tilespmem:s31], [sflag:$0x3] =	stream.indirect.gather [spmem:s2], $0x1, s26, s24, $0xb8;
	[tilespmem:$0x1FCD0] =	vst v63  }
0x2b3: {  	s12 =	simm.s32 $0x1EFD0  }
0x2b4: {  	[tilespmem:s25], [sflag:$0x3] =	stream.indirect.gather [spmem:s2], $0x1, s12, s24, $0xb8;
	[tilespmem:$0x1FCD0] =	vst v63  }
0x2b5: {  	s13 =	simm.s32 $0x1F3D0  }
0x2b6: {  	[tilespmem:s17], [sflag:$0x3] =	stream.indirect.gather [spmem:s3], $0x1, s13, s24, $0xb8;
	[tilespmem:$0x1FCD0] =	vst v63  }
0x2b7: {  	_ =	swait.ge [sflag:s20], $0x180  }
0x2b8: {  	[sflag:s20] =	ssyncset.done $0x0  }
0x2b9: {  	[sflag:s20] =	ssyncadd.s32 $0xFFFFFE80  }
0x2ba: {  	v1 =	vld [tilespmem:$0x1F650]  }
0x2bb: {  	v2 =	vld [tilespmem:$0x1F6D0]  }
0x2bc: {  	v3 =	vld [tilespmem:$0x1F750]  }
0x2bd: {  	v44 =	vld [tilespmem:$0x1FB50]  }
0x2be: {  	v45 =	vld [tilespmem:$0x1F660]  }
0x2bf: {  	v46 =	vld [tilespmem:$0x1F6E0]  }
0x2c0: {  	v47 =	vld [tilespmem:$0x1F760]  }
0x2c1: {  	v48 =	vld [tilespmem:$0x1FB60]  }
0x2c2: {  	v49 =	vld [tilespmem:$0x1F670]  }
0x2c3: {  	v50 =	vld [tilespmem:$0x1F6F0]  }
0x2c4: {  	v51 =	vld [tilespmem:$0x1F770]  }
0x2c5: {  	v52 =	vld [tilespmem:$0x1FB70]  }
0x2c6: {  	v53 =	vld [tilespmem:$0x1F680]  }
0x2c7: {  	v54 =	vld [tilespmem:$0x1F700]  }
0x2c8: {  	v55 =	vld [tilespmem:$0x1F780]  }
0x2c9: {  	v56 =	vld [tilespmem:$0x1FB80]  }
0x2ca: {  	v57 =	vld [tilespmem:$0x1F690]  }
0x2cb: {  	v59 =	vld [tilespmem:$0x1F790]  }
0x2cc: {  	v61 =	vld [tilespmem:$0x1F6B0]  }
0x2cd: {  	v62 =	vld [tilespmem:$0x1F7B0]  }
0x2ce: {  	v63 =	vld [tilespmem:$0x1F6C0]  }
0x2cf: {  	v24 =	vld [tilespmem:$0x1F7C0];
	v1 =	vadd.f32 v3, v1  }
0x2d0: {  	v3 =	vld [tilespmem:$0x1F6A0]  }
0x2d1: {  	v1 =	vsub.f32 v1, v2;
	v2 =	vld [tilespmem:$0x1F7A0]  }
0x2d2: {  	v58 =	vld [tilespmem:$0x1F710];
	v5 =	vadd.f32 v47, v45;
	v23 =	vadd.f32 v51, v49  }
0x2d3: {  	v60 =	vld [tilespmem:$0x1F720];
	v25 =	vadd.f32 v55, v53;
	v27 =	vadd.f32 v59, v57  }
0x2d4: {  	v26 =	vld [tilespmem:$0x1F730];
	v6 =	vadd.f32 v62, v61;
	v5 =	vsub.f32 v5, v46  }
0x2d5: {  	v28 =	vld [tilespmem:$0x1F740];
	v9 =	vadd.f32 v24, v63;
	v4 =	vsub.f32 v23, v50;
	v1 =	vmul.f32 v1, v1  }
0x2d6: {  	v29 =	vld [tilespmem:$0x1FB90];
	v8 =	vsub.f32 v25, v54;
	v5 =	vmul.f32 v5, v5;
	v2 =	vadd.f32 v2, v3  }
0x2d7: {  	v31 =	vld [tilespmem:$0x1FBA0];
	v30 =	vsub.f32 v27, v58;
	v1 =	vadd.f32 v1, v44;
	v3 =	vmul.f32 v4, v4  }
0x2d8: {  	v32 =	vld [tilespmem:$0x1FBB0];
	v8 =	vmul.f32 v8, v8;
	v5 =	vadd.f32 v5, v48;
	v2 =	vsub.f32 v2, v60  }
0x2d9: {  	v34 =	vld [tilespmem:$0x1FBC0];
	v33 =	vsub.f32 v6, v26;
	[tilespmem:$0x1FB50] =	vst v1;
	v1 =	vadd.f32 v3, v52;
	v3 =	vmul.f32 v30, v30  }
0x2da: {  	v36 =	vsub.f32 v9, v28;
	v35 =	vadd.f32 v8, v56;
	[tilespmem:$0x1FB60] =	vst v5;
	v2 =	vmul.f32 v2, v2  }
0x2db: {  	[tilespmem:$0x1FB70] =	vst v1;
	v1 =	vadd.f32 v3, v29;
	v3 =	vmul.f32 v33, v33  }
0x2dc: {  	v37 =	vmul.f32 v36, v36;
	[tilespmem:$0x1FB80] =	vst v35;
	v2 =	vadd.f32 v2, v31  }
0x2dd: {  	[tilespmem:$0x1FB90] =	vst v1;
	v1 =	vadd.f32 v3, v32  }
0x2de: {  	[tilespmem:$0x1FBA0] =	vst v2;
	v2 =	vadd.f32 v37, v34  }
0x2df: {  	[tilespmem:$0x1FBB0] =	vst v1  }
0x2e0: {  	s15 =	simm.s32 $0x1EC50;
	[tilespmem:$0x1FBC0] =	vst v2  }
0x2e1: {  	[tilespmem:s14], [sflag:$0x4] =	stream.indirect.gather [spmem:s2], $0x1, s15, s24, $0xb8;
	[tilespmem:$0x1FCD0] =	vst v63  }
0x2e2: {  	s18 =	simm.s32 $0x1F050  }
0x2e3: {  	[tilespmem:s23], [sflag:$0x4] =	stream.indirect.gather [spmem:s2], $0x1, s18, s24, $0xb8;
	[tilespmem:$0x1FCD0] =	vst v63  }
0x2e4: {  	s26 =	simm.s32 $0x1F450  }
0x2e5: {  	[tilespmem:s30], [sflag:$0x4] =	stream.indirect.gather [spmem:s3], $0x1, s26, s24, $0xb8;
	[tilespmem:$0x1FCD0] =	vst v63  }
0x2e6: {  	_ =	swait.ge [sflag:s28], $0x180  }
0x2e7: {  	[sflag:s28] =	ssyncset.done $0x0  }
0x2e8: {  	[sflag:s28] =	ssyncadd.s32 $0xFFFFFE80  }
0x2e9: {  	v1 =	vld [tilespmem:$0x1F4D0]  }
0x2ea: {  	v2 =	vld [tilespmem:$0x1F550]  }
0x2eb: {  	v3 =	vld [tilespmem:$0x1F5D0]  }
0x2ec: {  	v38 =	vld [tilespmem:$0x1FBD0]  }
0x2ed: {  	v39 =	vld [tilespmem:$0x1F4E0]  }
0x2ee: {  	v40 =	vld [tilespmem:$0x1F560]  }
0x2ef: {  	v41 =	vld [tilespmem:$0x1F5E0]  }
0x2f0: {  	v42 =	vld [tilespmem:$0x1FBE0]  }
0x2f1: {  	v43 =	vld [tilespmem:$0x1F4F0]  }
0x2f2: {  	v44 =	vld [tilespmem:$0x1F570]  }
0x2f3: {  	v45 =	vld [tilespmem:$0x1F5F0]  }
0x2f4: {  	v46 =	vld [tilespmem:$0x1FBF0]  }
0x2f5: {  	v47 =	vld [tilespmem:$0x1F500]  }
0x2f6: {  	v48 =	vld [tilespmem:$0x1F580]  }
0x2f7: {  	v49 =	vld [tilespmem:$0x1F600]  }
0x2f8: {  	v50 =	vld [tilespmem:$0x1FC00]  }
0x2f9: {  	v51 =	vld [tilespmem:$0x1F510]  }
0x2fa: {  	v53 =	vld [tilespmem:$0x1F610]  }
0x2fb: {  	v55 =	vld [tilespmem:$0x1F530]  }
0x2fc: {  	v56 =	vld [tilespmem:$0x1F630]  }
0x2fd: {  	v57 =	vld [tilespmem:$0x1F540]  }
0x2fe: {  	v59 =	vld [tilespmem:$0x1F640];
	v1 =	vadd.f32 v3, v1  }
0x2ff: {  	v3 =	vld [tilespmem:$0x1F520]  }
0x300: {  	v1 =	vsub.f32 v1, v2;
	v2 =	vld [tilespmem:$0x1F620]  }
0x301: {  	v52 =	vld [tilespmem:$0x1F590];
	v5 =	vadd.f32 v41, v39;
	v58 =	vadd.f32 v45, v43  }
0x302: {  	v54 =	vld [tilespmem:$0x1F5A0];
	v60 =	vadd.f32 v49, v47;
	v62 =	vadd.f32 v53, v51  }
0x303: {  	v61 =	vld [tilespmem:$0x1F5B0];
	v6 =	vadd.f32 v56, v55;
	v5 =	vsub.f32 v5, v40  }
0x304: {  	v63 =	vld [tilespmem:$0x1F5C0];
	v9 =	vadd.f32 v59, v57;
	v4 =	vsub.f32 v58, v44;
	v1 =	vmul.f32 v1, v1  }
0x305: {  	v17 =	vld [tilespmem:$0x1FC10];
	v8 =	vsub.f32 v60, v48;
	v5 =	vmul.f32 v5, v5;
	v2 =	vadd.f32 v2, v3  }
0x306: {  	v22 =	vld [tilespmem:$0x1FC20];
	v19 =	vsub.f32 v62, v52;
	v1 =	vadd.f32 v1, v38;
	v3 =	vmul.f32 v4, v4  }
0x307: {  	v23 =	vld [tilespmem:$0x1FC30];
	v8 =	vmul.f32 v8, v8;
	v5 =	vadd.f32 v5, v42;
	v2 =	vsub.f32 v2, v54  }
0x308: {  	v25 =	vld [tilespmem:$0x1FC40];
	v24 =	vsub.f32 v6, v61;
	[tilespmem:$0x1FBD0] =	vst v1;
	v1 =	vadd.f32 v3, v46;
	v3 =	vmul.f32 v19, v19  }
0x309: {  	v27 =	vsub.f32 v9, v63;
	v26 =	vadd.f32 v8, v50;
	[tilespmem:$0x1FBE0] =	vst v5;
	v2 =	vmul.f32 v2, v2  }
0x30a: {  	[tilespmem:$0x1FBF0] =	vst v1;
	v1 =	vadd.f32 v3, v17;
	v3 =	vmul.f32 v24, v24  }
0x30b: {  	v28 =	vmul.f32 v27, v27;
	[tilespmem:$0x1FC00] =	vst v26;
	v2 =	vadd.f32 v2, v22  }
0x30c: {  	[tilespmem:$0x1FC10] =	vst v1;
	v1 =	vadd.f32 v3, v23  }
0x30d: {  	[tilespmem:$0x1FC20] =	vst v2;
	v2 =	vadd.f32 v28, v25  }
0x30e: {  	[tilespmem:$0x1FC30] =	vst v1  }
0x30f: {  	[tilespmem:$0x1FC40] =	vst v2  }
0x310: {  	_ =	swait.ge [sflag:s20], $0x180  }
0x311: {  	[sflag:s20] =	ssyncset.done $0x0  }
0x312: {  	[sflag:s20] =	ssyncadd.s32 $0xFFFFFE80  }
0x313: {  	v1 =	vld [tilespmem:$0x1F650]  }
0x314: {  	v2 =	vld [tilespmem:$0x1F6D0]  }
0x315: {  	v3 =	vld [tilespmem:$0x1F750]  }
0x316: {  	v29 =	vld [tilespmem:$0x1FC50]  }
0x317: {  	v30 =	vld [tilespmem:$0x1F660]  }
0x318: {  	v31 =	vld [tilespmem:$0x1F6E0]  }
0x319: {  	v32 =	vld [tilespmem:$0x1F760]  }
0x31a: {  	v33 =	vld [tilespmem:$0x1FC60]  }
0x31b: {  	v34 =	vld [tilespmem:$0x1F670]  }
0x31c: {  	v35 =	vld [tilespmem:$0x1F6F0]  }
0x31d: {  	v36 =	vld [tilespmem:$0x1F770]  }
0x31e: {  	v37 =	vld [tilespmem:$0x1FC70]  }
0x31f: {  	v38 =	vld [tilespmem:$0x1F680]  }
0x320: {  	v39 =	vld [tilespmem:$0x1F700]  }
0x321: {  	v40 =	vld [tilespmem:$0x1F780]  }
0x322: {  	v41 =	vld [tilespmem:$0x1FC80]  }
0x323: {  	v42 =	vld [tilespmem:$0x1F690]  }
0x324: {  	v44 =	vld [tilespmem:$0x1F790]  }
0x325: {  	v46 =	vld [tilespmem:$0x1F6B0]  }
0x326: {  	v47 =	vld [tilespmem:$0x1F7B0]  }
0x327: {  	v48 =	vld [tilespmem:$0x1F6C0]  }
0x328: {  	v50 =	vld [tilespmem:$0x1F7C0];
	v1 =	vadd.f32 v3, v1  }
0x329: {  	v3 =	vld [tilespmem:$0x1F6A0]  }
0x32a: {  	v1 =	vsub.f32 v1, v2;
	v2 =	vld [tilespmem:$0x1F7A0]  }
0x32b: {  	v43 =	vld [tilespmem:$0x1F710];
	v5 =	vadd.f32 v32, v30;
	v49 =	vadd.f32 v36, v34  }
0x32c: {  	v45 =	vld [tilespmem:$0x1F720];
	v51 =	vadd.f32 v40, v38;
	v53 =	vadd.f32 v44, v42  }
0x32d: {  	v52 =	vld [tilespmem:$0x1F730];
	v6 =	vadd.f32 v47, v46;
	v5 =	vsub.f32 v5, v31  }
0x32e: {  	v54 =	vld [tilespmem:$0x1F740];
	v57 =	vadd.f32 v50, v48;
	v4 =	vsub.f32 v49, v35;
	v1 =	vmul.f32 v1, v1  }
0x32f: {  	v8 =	vsub.f32 v51, v39;
	v5 =	vmul.f32 v5, v5;
	v2 =	vadd.f32 v2, v3;
	v3 =	vld [tilespmem:$0x1FC90]  }
0x330: {  	v55 =	vld [tilespmem:$0x1FCA0];
	v10 =	vsub.f32 v53, v43;
	v4 =	vmul.f32 v4, v4;
	v1 =	vadd.f32 v1, v29  }
0x331: {  	v58 =	vld [tilespmem:$0x1FCB0];
	v56 =	vmul.f32 v8, v8;
	v5 =	vadd.f32 v5, v33;
	v2 =	vsub.f32 v2, v45  }
0x332: {  	p0 =	seq.s32 s16, $0x1080;
	s12 =	sld [smem:$0x7D2];
	v60 =	vld [tilespmem:$0x1FCC0];
	v6 =	vsub.f32 v6, v52;
	v59 =	vmul.f32 v10, v10;
	[tilespmem:$0x1FC50] =	vst v1;
	v1 =	vadd.f32 v4, v37  }
0x333: {  	p4 =	sne.s32 @!p0 s9, $0x0;
	s15 =	sld [smem:$0x7DB];
	v62 =	vsub.f32 v57, v54;
	v61 =	vadd.f32 v56, v41;
	[tilespmem:$0x1FC60] =	vst v5;
	v2 =	vmul.f32 v2, v2  }
0x334: {  	p4 =	por p4, p0;
	p6 =	por p2, p2;
	s13 =	sld [smem:$0x7D7];
	[tilespmem:$0x1FC70] =	vst v1;
	v1 =	vadd.f32 v59, v3;
	v3 =	vmul.f32 v6, v6  }
0x335: {  	s18 =	sld [smem:$0x7D6];
	p1 =	seq.s32 s12, $0x1;
	s12 =	sshrl.u32 @!p4 s21, $0x3;
	v63 =	vmul.f32 v62, v62;
	[tilespmem:$0x1FC80] =	vst v61;
	v2 =	vadd.f32 v2, v55  }
0x336: {  	p5 =	seq.s32 s15, $0x1;
	s15 =	sadd.s32 @!p4 $0xFFFFFF80, s16;
	s12 =	smul.u32 @!p4 $0x7A1400, s12;
	[tilespmem:$0x1FC90] =	vst v1;
	v1 =	vadd.f32 v3, v58  }
0x337: {  	s1 =	simm.s32 @!p4 $0x1;
	s26 =	simm.s32 @!p4 $0x1C01;
	s15 =	sand.u32 @!p4 $0x300, s15;
	[tilespmem:$0x1FCA0] =	vst v2;
	v2 =	vadd.f32 v63, v60  }
0x338: {  	p2 =	seq.s32 s13, $0x1;
	p3 =	seq.s32 s18, $0x1;
	s12 =	sor.u32 @!p4 s15, s12;
	[tilespmem:$0x1FCB0] =	vst v1  }
0x339: {  	s13 =	simm.s32 @!p4 $0x10;
	s18 =	simm.s32 @!p4 $0x80;
	s12 =	sshrl.u32 @!p4 s12, $0x3;
	[tilespmem:$0x1FCC0] =	vst v2  }
0x33a: {  	s15 =	sshrl.u32 @!p4 s2, $0x3;
	s12 =	sadd.s32 @!p4 s0, s12;
	[bflag:$0x0] =	sbarrier.arrive $0xFFFF  }
0x33b: {  	[spmem:s15@s13], [sflag:s26] =	dma.strided @!p4 [hbm:s12@s18], $0x3D00, s1, $0x10   }
0x33c: {  	p4 =	por !p1, p0  }
0x33d: {  	s1 =	sshrl.u32 @!p4 s21, $0x3  }
0x33e: {  	s12 =	sadd.s32 @!p4 $0xFFFFFF80, s16;
	s1 =	smul.u32 @!p4 $0x7A1400, s1  }
0x33f: {  	s12 =	sand.u32 @!p4 $0x300, s12  }
0x340: {  	s13 =	sld [smem:$0x7F7];
	s1 =	sor.u32 @!p4 s12, s1  }
0x341: {  	s15 =	simm.s32 @!p4 $0x1;
	s18 =	simm.s32 @!p4 $0x10;
	s1 =	sadd.s32 @!p4 $0xF4000, s1  }
0x342: {  	s26 =	simm.s32 @!p4 $0x80;
	s12 =	sshll.u32 @!p4 s9, $0x6;
	s1 =	sshrl.u32 @!p4 s1, $0x3  }
0x343: {  	s13 =	sshrl.u32 @!p4 s13, $0x3;
	s12 =	sor.u32 @!p4 $0x1C01, s12;
	s1 =	sadd.s32 @!p4 s0, s1  }
0x344: {  	[spmem:s13@s18], [sflag:s12] =	dma.strided @!p4 [hbm:s1@s26], $0x3D00, s15, $0x10   }
0x345: {  	p4 =	por !p2, p0  }
0x346: {  	s1 =	sshrl.u32 @!p4 s21, $0x3  }
0x347: {  	s12 =	sadd.s32 @!p4 $0xFFFFFF80, s16;
	s1 =	smul.u32 @!p4 $0x7A1400, s1  }
0x348: {  	s12 =	sand.u32 @!p4 $0x300, s12  }
0x349: {  	s13 =	sld [smem:$0x7F6];
	s1 =	sor.u32 @!p4 s12, s1  }
0x34a: {  	s15 =	simm.s32 @!p4 $0x1;
	s18 =	simm.s32 @!p4 $0x10;
	s1 =	sadd.s32 @!p4 $0x1E8000, s1  }
0x34b: {  	s26 =	simm.s32 @!p4 $0x80;
	s12 =	sshll.u32 @!p4 s9, $0x6;
	s1 =	sshrl.u32 @!p4 s1, $0x3  }
0x34c: {  	s13 =	sshrl.u32 @!p4 s13, $0x3;
	s12 =	sor.u32 @!p4 $0x1C01, s12;
	s1 =	sadd.s32 @!p4 s0, s1  }
0x34d: {  	[spmem:s13@s18], [sflag:s12] =	dma.strided @!p4 [hbm:s1@s26], $0x3D00, s15, $0x10   }
0x34e: {  	p4 =	por !p3, p0  }
0x34f: {  	s1 =	sshrl.u32 @!p4 s21, $0x3  }
0x350: {  	s12 =	sadd.s32 @!p4 $0xFFFFFF80, s16;
	s1 =	smul.u32 @!p4 $0x7A1400, s1  }
0x351: {  	s12 =	sand.u32 @!p4 $0x300, s12  }
0x352: {  	s13 =	sld [smem:$0x7F5];
	s1 =	sor.u32 @!p4 s12, s1  }
0x353: {  	s15 =	simm.s32 @!p4 $0x1;
	s18 =	simm.s32 @!p4 $0x10;
	s1 =	sadd.s32 @!p4 $0x2DC000, s1  }
0x354: {  	s26 =	simm.s32 @!p4 $0x80;
	s12 =	sshll.u32 @!p4 s9, $0x6;
	s1 =	sshrl.u32 @!p4 s1, $0x3  }
0x355: {  	s13 =	sshrl.u32 @!p4 s13, $0x3;
	s12 =	sor.u32 @!p4 $0x1C01, s12;
	s1 =	sadd.s32 @!p4 s0, s1  }
0x356: {  	[spmem:s13@s18], [sflag:s12] =	dma.strided @!p4 [hbm:s1@s26], $0x3D00, s15, $0x10   }
0x357: {  	p4 =	por !p5, p0  }
0x358: {  	s1 =	sshrl.u32 @!p4 s21, $0x3  }
0x359: {  	s12 =	sadd.s32 @!p4 $0xFFFFFF80, s16;
	s1 =	smul.u32 @!p4 $0x7A1400, s1  }
0x35a: {  	s12 =	sand.u32 @!p4 $0x300, s12  }
0x35b: {  	s13 =	sld [smem:$0x7F3];
	s1 =	sor.u32 @!p4 s12, s1  }
0x35c: {  	s15 =	simm.s32 @!p4 $0x1;
	s18 =	simm.s32 @!p4 $0x10;
	s1 =	sadd.s32 @!p4 $0x3D0000, s1  }
0x35d: {  	s26 =	simm.s32 @!p4 $0x80;
	s12 =	sshll.u32 @!p4 s9, $0x6;
	s1 =	sshrl.u32 @!p4 s1, $0x3  }
0x35e: {  	s13 =	sshrl.u32 @!p4 s13, $0x3;
	s12 =	sor.u32 @!p4 $0x1C01, s12;
	s1 =	sadd.s32 @!p4 s0, s1  }
0x35f: {  	[spmem:s13@s18], [sflag:s12] =	dma.strided @!p4 [hbm:s1@s26], $0x3D00, s15, $0x10   }
0x360: {  	p4 =	por !p6, p0  }
0x361: {  	s1 =	sshrl.u32 @!p4 s21, $0x3  }
0x362: {  	s12 =	sadd.s32 @!p4 $0xFFFFFF80, s16;
	s1 =	smul.u32 @!p4 $0x7A1400, s1  }
0x363: {  	s12 =	sand.u32 @!p4 $0x300, s12  }
0x364: {  	s13 =	sld [smem:$0x7F1];
	s1 =	sor.u32 @!p4 s12, s1  }
0x365: {  	s15 =	simm.s32 @!p4 $0x1;
	s18 =	simm.s32 @!p4 $0x10;
	s1 =	sadd.s32 @!p4 $0x4C4000, s1  }
0x366: {  	s26 =	simm.s32 @!p4 $0x80;
	s12 =	sshll.u32 @!p4 s9, $0x6;
	s1 =	sshrl.u32 @!p4 s1, $0x3  }
0x367: {  	s13 =	sshrl.u32 @!p4 s13, $0x3;
	s12 =	sor.u32 @!p4 $0x1C01, s12;
	s1 =	sadd.s32 @!p4 s0, s1  }
0x368: {  	[spmem:s13@s18], [sflag:s12] =	dma.strided @!p4 [hbm:s1@s26], $0x3D00, s15, $0x10   }
0x369: {  	s1 =	sld [smem:$0x7D8];
	_ =	sdelay $0x2  }
0x36a: {  	p1 =	seq.s32 s1, $0x1  }
0x36b: {  	p4 =	por !p1, p0  }
0x36c: {  	s1 =	sshrl.u32 @!p4 s21, $0x3  }
0x36d: {  	s13 =	sld [smem:$0x7EF];
	s12 =	sadd.s32 @!p4 $0xFFFFFF80, s16;
	s1 =	smul.u32 @!p4 $0x7A1400, s1  }
0x36e: {  	s12 =	sand.u32 @!p4 $0x300, s12  }
0x36f: {  	s1 =	sor.u32 @!p4 s12, s1  }
0x370: {  	s13 =	sshrl.u32 @!p4 s13, $0x3;
	s15 =	simm.s32 @!p4 $0x1;
	s1 =	sadd.s32 @!p4 $0x5B8000, s1  }
0x371: {  	s18 =	simm.s32 @!p4 $0x10;
	s12 =	sshll.u32 @!p4 s9, $0x6;
	s1 =	sshrl.u32 @!p4 s1, $0x3  }
0x372: {  	s26 =	simm.s32 @!p4 $0x80;
	s12 =	sor.u32 @!p4 $0x1C01, s12;
	s1 =	sadd.s32 @!p4 s0, s1  }
0x373: {  	[spmem:s13@s18], [sflag:s12] =	dma.strided @!p4 [hbm:s1@s26], $0x3D00, s15, $0x10   }
0x374: {  	s1 =	sld [smem:$0x7D5];
	_ =	sdelay $0x2  }
0x375: {  	p2 =	seq.s32 s1, $0x1  }
0x376: {  	p4 =	por !p2, p0  }
0x377: {  	s1 =	sshrl.u32 @!p4 s21, $0x3  }
0x378: {  	s13 =	sld [smem:$0x7ED];
	s12 =	sadd.s32 @!p4 $0xFFFFFF80, s16;
	s1 =	smul.u32 @!p4 $0x7A1400, s1  }
0x379: {  	s12 =	sand.u32 @!p4 $0x300, s12  }
0x37a: {  	s1 =	sor.u32 @!p4 s12, s1  }
0x37b: {  	s13 =	sshrl.u32 @!p4 s13, $0x3;
	s15 =	simm.s32 @!p4 $0x1;
	s1 =	sadd.s32 @!p4 $0x6AC000, s1  }
0x37c: {  	s18 =	simm.s32 @!p4 $0x10;
	s12 =	sshll.u32 @!p4 s9, $0x6;
	s1 =	sshrl.u32 @!p4 s1, $0x3  }
0x37d: {  	s26 =	simm.s32 @!p4 $0x80;
	s12 =	sor.u32 @!p4 $0x1C01, s12;
	s1 =	sadd.s32 @!p4 s0, s1  }
0x37e: {  	[spmem:s13@s18], [sflag:s12] =	dma.strided @!p4 [hbm:s1@s26], $0x3D00, s15, $0x10   }
0x37f: {  	s1 =	sld [smem:$0x7D9];
	_ =	sdelay $0x2  }
0x380: {  	p3 =	seq.s32 s1, $0x1  }
0x381: {  	p4 =	por !p3, p0  }
0x382: {  	s1 =	sshrl.u32 @!p4 s21, $0x3  }
0x383: {  	s13 =	sld [smem:$0x7EB];
	s12 =	sadd.s32 @!p4 $0xFFFFFF80, s16;
	s1 =	smul.u32 @!p4 $0x7A1400, s1  }
0x384: {  	s12 =	sand.u32 @!p4 $0x300, s12  }
0x385: {  	s1 =	sor.u32 @!p4 s12, s1  }
0x386: {  	s13 =	sshrl.u32 @!p4 s13, $0x3;
	s15 =	simm.s32 @!p4 $0x1;
	s1 =	sadd.s32 @!p4 $0x7A0000, s1  }
0x387: {  	s18 =	simm.s32 @!p4 $0x10;
	s12 =	sshll.u32 @!p4 s9, $0x6;
	s1 =	sshrl.u32 @!p4 s1, $0x3  }
0x388: {  	s26 =	simm.s32 @!p4 $0x80;
	s12 =	sor.u32 @!p4 $0x1C01, s12;
	s1 =	sadd.s32 @!p4 s0, s1  }
0x389: {  	[spmem:s13@s18], [sflag:s12] =	dma.strided @!p4 [hbm:s1@s26], $0x40, s15, $0x10   }
0x38a: {  	s1 =	sld [smem:$0x7DC];
	_ =	sdelay $0x2  }
0x38b: {  	p4 =	seq.s32 s1, $0x1  }
0x38c: {  	p1 =	por p4, p4;
	p4 =	por !p4, p0  }
0x38d: {  	s1 =	sadd.s32 @!p4 s16, s11  }
0x38e: {  	s12 =	sadd.s32 @!p4 $0xFFFFFFF0, s19;
	s13 =	sshll.u32 @!p4 s9, $0x6;
	s15 =	simm.s32 @!p4 $0x1  }
0x38f: {  	s18 =	simm.s32 @!p4 $0x10;
	s1 =	sadd.s32 @!p4 $0xFFFFFF80, s1;
	s12 =	sand.u32 @!p4 $0x60, s12  }
0x390: {  	s26 =	simm.s32 @!p4 $0x80;
	s1 =	sand.u32 @!p4 $0x3C00, s1;
	s12 =	sadd.s32 @!p4 s7, s12  }
0x391: {  	s1 =	sadd.s32 @!p4 s1, s12;
	s12 =	sor.u32 @!p4 $0x1C01, s13;
	s13 =	sshrl.u32 @!p4 s3, $0x3  }
0x392: {  	[spmem:s13@s18], [sflag:s12] =	dma.strided @!p4 [hbm:s1@s26], $0x80, s15, $0x10   }
0x393: {  	s26 =	sld [smem:$0x7DA];
	_ =	sdelay $0x2  }
0x394: {  	p5 =	seq.s32 s26, $0x1  }
0x395: {  	p4 =	por p0, !p5  }
.Ltmp12:
0x396: {  	_ = 	snop;
	(pc) =	sbr.rel @p4 .LBB2_15-.Ltmp12, $4  }
0x397: {  	_ = 	snop  }
0x398: {  	s1 =	simm.s32 @!p0 $0x0  }
0x399: {  	s1 =	simm.s32 @p0 $0x1  }
0x39a: {  	p6 =	por p2, p2;
	[smem:$0x7D1] =	sst s1  }
.Ltmp13:
0x39b: {  	s1 =	sadd.s32 $0xFFFFFFF0, s19;
	(pc) =	sbr.rel .LBB2_16-.Ltmp13, $4  }
0x39c: {  	s12 =	sadd.s32 s10, s1;
	s1 =	sand.u32 $0x60, s1  }
0x39d: {  	s12 =	sand.u32 $0x780, s12;
	s1 =	sadd.s32 s8, s1  }
0x39e: {  	s26 =	simm.s32 $0x0;
	s13 =	simm.s32 $0x1F7D0;
	s1 =	sadd.s32 s12, s1  }
0x39f: {  	[tilespmem:s13], [sflag:$0x1] =	stream.linear.gather [hbm4b:s1+s26], $0x80, $0x38;
	[tilespmem:$0x1FCD0] =	vst v63  }
.LBB2_15:
0x3a0: {  	s1 =	sld [smem:$0x7D0];
	_ =	sdelay $0x2  }
0x3a1: {  	p0 =	seq.s32 s1, $0x1  }
0x3a2: {  	s1 =	simm.s32 @!p0 $0x2  }
0x3a3: {  	_ =	swait.ge @!p0 [sflag:s1], $0x3D00  }
0x3a4: {  	[sflag:s1] =	ssyncset.done @!p0 $0x0  }
0x3a5: {  	[sflag:s1] =	ssyncadd.s32 @!p0 $0xFFFFC300  }
.LBB2_16:
0x3a6: {  	s1 =	sld [smem:$0x7D2];
	_ =	sdelay $0x2  }
0x3a7: {  	p3 =	seq.s32 s1, $0x1  }
0x3a8: {  	s1 =	simm.s32 @p3 $0x2  }
0x3a9: {  	_ =	swait.ge @p3 [sflag:s1], $0x3D00  }
0x3aa: {  	s13 =	sld [smem:$0x7D7];
	_ =	sdelay $0x2  }
0x3ab: {  	[sflag:s1] =	ssyncset.done @p3 $0x0;
	p0 =	seq.s32 s13, $0x1  }
0x3ac: {  	[sflag:s1] =	ssyncadd.s32 @p3 $0xFFFFC300;
	s1 =	simm.s32 @p0 $0x2  }
0x3ad: {  	_ =	swait.ge @p0 [sflag:s1], $0x3D00  }
0x3ae: {  	s15 =	sld [smem:$0x7D6];
	_ =	sdelay $0x1  }
0x3af: {  	[sflag:s1] =	ssyncset.done @p0 $0x0  }
0x3b0: {  	[sflag:s1] =	ssyncadd.s32 @p0 $0xFFFFC300;
	p0 =	seq.s32 s15, $0x1  }
0x3b1: {  	s1 =	simm.s32 @p0 $0x2  }
0x3b2: {  	_ =	swait.ge @p0 [sflag:s1], $0x3D00  }
0x3b3: {  	s18 =	sld [smem:$0x7DB];
	_ =	sdelay $0x2  }
0x3b4: {  	[sflag:s1] =	ssyncset.done @p0 $0x0;
	p4 =	seq.s32 s18, $0x1  }
0x3b5: {  	[sflag:s1] =	ssyncadd.s32 @p0 $0xFFFFC300;
	s1 =	simm.s32 @p4 $0x2  }
0x3b6: {  	_ =	swait.ge @p4 [sflag:s1], $0x3D00  }
0x3b7: {  	s26 =	sld [smem:$0x7D4];
	_ =	sdelay $0x2  }
0x3b8: {  	[sflag:s1] =	ssyncset.done @p4 $0x0;
	p2 =	seq.s32 s26, $0x1  }
0x3b9: {  	[sflag:s1] =	ssyncadd.s32 @p4 $0xFFFFC300;
	s1 =	simm.s32 @p2 $0x2  }
0x3ba: {  	_ =	swait.ge @p2 [sflag:s1], $0x3D00  }
0x3bb: {  	s12 =	sld [smem:$0x7D8];
	_ =	sdelay $0x2  }
0x3bc: {  	[sflag:s1] =	ssyncset.done @p2 $0x0;
	p0 =	seq.s32 s12, $0x1  }
0x3bd: {  	[sflag:s1] =	ssyncadd.s32 @p2 $0xFFFFC300;
	s1 =	simm.s32 @p0 $0x2  }
0x3be: {  	_ =	swait.ge @p0 [sflag:s1], $0x3D00  }
0x3bf: {  	[sflag:s1] =	ssyncset.done @p0 $0x0  }
0x3c0: {  	[sflag:s1] =	ssyncadd.s32 @p0 $0xFFFFC300;
	s1 =	simm.s32 @p6 $0x2  }
0x3c1: {  	_ =	swait.ge @p6 [sflag:s1], $0x3D00  }
0x3c2: {  	s13 =	sld [smem:$0x7D9];
	_ =	sdelay $0x2  }
0x3c3: {  	[sflag:s1] =	ssyncset.done @p6 $0x0;
	p5 =	seq.s32 s13, $0x1  }
0x3c4: {  	[sflag:s1] =	ssyncadd.s32 @p6 $0xFFFFC300;
	s1 =	simm.s32 @p5 $0x2  }
0x3c5: {  	_ =	swait.ge @p5 [sflag:s1], $0x40  }
0x3c6: {  	[sflag:s1] =	ssyncset.done @p5 $0x0  }
0x3c7: {  	[sflag:s1] =	ssyncadd.s32 @p5 $0xFFFFFFC0;
	s1 =	simm.s32 @p1 $0x2  }
0x3c8: {  	_ =	swait.ge @p1 [sflag:s1], $0x80  }
0x3c9: {  	s15 =	sld [smem:$0x7DA];
	_ =	sdelay $0x2  }
0x3ca: {  	[sflag:s1] =	ssyncset.done @p1 $0x0;
	p0 =	seq.s32 s15, $0x1  }
0x3cb: {  	[sflag:s1] =	ssyncadd.s32 @p1 $0xFFFFFF80;
	s1 =	simm.s32 @p0 $0x2  }
0x3cc: {  	_ =	swait.ge @p0 [sflag:s1], $0x80  }
0x3cd: {  	[sflag:s1] =	ssyncset.done @p0 $0x0  }
0x3ce: {  	[sflag:s1] =	ssyncadd.s32 @p0 $0xFFFFFF80;
	s1 =	sld [smem:$0x7FD];
	_ =	sdelay $0x1  }
0x3cf: {  	s12 =	simm.s32 @p0 $0x1F850  }
0x3d0: {  	[spmem:s1] =	stream.linear.scatter @p0 [tilespmem:s12], [sflag:$0x5], $0x40, $0x38;
	[tilespmem:$0x1FCD0] =	vst v63  }
0x3d1: {  	s1 =	simm.s32 @p0 $0x5  }
0x3d2: {  	_ =	swait.ge @p0 [sflag:s1], $0x40  }
0x3d3: {  	[sflag:s1] =	ssyncset.done @p0 $0x0  }
0x3d4: {  	[sflag:s1] =	ssyncadd.s32 @p0 $0xFFFFFFC0  }
0x3d5: {  	[bflag:$0x0] =	sbarrier.arrive $0xFFFF  }
0x3d6: {  	[tilespmem:s31], [sflag:$0x3] =	stream.indirect.gather [spmem:s4], $0x1, s29, s24, $0xb8;
	[tilespmem:$0x1FCD0] =	vst v63  }
0x3d7: {  	_ = 	snop  }
0x3d8: {  	[tilespmem:s25], [sflag:$0x3] =	stream.indirect.gather [spmem:s4], $0x1, s6, s24, $0xb8;
	[tilespmem:$0x1FCD0] =	vst v63  }
0x3d9: {  	_ = 	snop  }
0x3da: {  	[tilespmem:s17], [sflag:$0x3] =	stream.indirect.gather [spmem:s5], $0x1, s22, s24, $0xb8;
	[tilespmem:$0x1FCD0] =	vst v63  }
0x3db: {  	s18 =	simm.s32 $0x1E950  }
0x3dc: {  	[tilespmem:s14], [sflag:$0x4] =	stream.indirect.gather [spmem:s4], $0x1, s18, s24, $0xb8;
	[tilespmem:$0x1FCD0] =	vst v63  }
0x3dd: {  	s26 =	simm.s32 $0x1ED50  }
0x3de: {  	[tilespmem:s23], [sflag:$0x4] =	stream.indirect.gather [spmem:s4], $0x1, s26, s24, $0xb8;
	[tilespmem:$0x1FCD0] =	vst v63  }
0x3df: {  	s13 =	simm.s32 $0x1F150  }
0x3e0: {  	[tilespmem:s30], [sflag:$0x4] =	stream.indirect.gather [spmem:s5], $0x1, s13, s24, $0xb8;
	[tilespmem:$0x1FCD0] =	vst v63  }
0x3e1: {  	_ =	swait.ge [sflag:s28], $0x180  }
0x3e2: {  	[sflag:s28] =	ssyncset.done $0x0  }
0x3e3: {  	[sflag:s28] =	ssyncadd.s32 $0xFFFFFE80  }
0x3e4: {  	v1 =	vld [tilespmem:$0x1F4D0]  }
0x3e5: {  	v2 =	vld [tilespmem:$0x1F550]  }
0x3e6: {  	v3 =	vld [tilespmem:$0x1F5D0]  }
0x3e7: {  	v4 =	vld [tilespmem:$0x1F8D0]  }
0x3e8: {  	v5 =	vld [tilespmem:$0x1F4E0]  }
0x3e9: {  	v6 =	vld [tilespmem:$0x1F560]  }
0x3ea: {  	v7 =	vld [tilespmem:$0x1F5E0]  }
0x3eb: {  	v8 =	vld [tilespmem:$0x1F8E0]  }
0x3ec: {  	v9 =	vld [tilespmem:$0x1F4F0]  }
0x3ed: {  	v10 =	vld [tilespmem:$0x1F570]  }
0x3ee: {  	v11 =	vld [tilespmem:$0x1F5F0]  }
0x3ef: {  	v12 =	vld [tilespmem:$0x1F8F0]  }
0x3f0: {  	v13 =	vld [tilespmem:$0x1F500]  }
0x3f1: {  	v14 =	vld [tilespmem:$0x1F580]  }
0x3f2: {  	v15 =	vld [tilespmem:$0x1F600]  }
0x3f3: {  	v16 =	vld [tilespmem:$0x1F900]  }
0x3f4: {  	v17 =	vld [tilespmem:$0x1F510]  }
0x3f5: {  	v18 =	vld [tilespmem:$0x1F590]  }
0x3f6: {  	v19 =	vld [tilespmem:$0x1F610]  }
0x3f7: {  	v55 =	vld [tilespmem:$0x1F5A0]  }
0x3f8: {  	v56 =	vld [tilespmem:$0x1F530];
	v1 =	vadd.f32 v3, v1  }
0x3f9: {  	v20 =	vld [tilespmem:$0x1F630];
	v5 =	vadd.f32 v7, v5  }
0x3fa: {  	v3 =	vld [tilespmem:$0x1F520];
	v1 =	vsub.f32 v1, v2  }
0x3fb: {  	v2 =	vld [tilespmem:$0x1F620];
	v5 =	vsub.f32 v5, v6  }
0x3fc: {  	v21 =	vld [tilespmem:$0x1F540];
	v1 =	vmul.f32 v1, v1  }
0x3fd: {  	v58 =	vld [tilespmem:$0x1F640];
	v57 =	vadd.f32 v11, v9;
	v59 =	vadd.f32 v15, v13;
	v5 =	vmul.f32 v5, v5  }
0x3fe: {  	v60 =	vld [tilespmem:$0x1F5B0];
	v61 =	vadd.f32 v19, v17;
	v1 =	vadd.f32 v1, v4  }
0x3ff: {  	v62 =	vld [tilespmem:$0x1F5C0];
	v5 =	vadd.f32 v5, v8;
	v4 =	vsub.f32 v57, v10  }
0x400: {  	v63 =	vld [tilespmem:$0x1F910];
	v8 =	vsub.f32 v59, v14;
	v2 =	vadd.f32 v2, v3  }
0x401: {  	v17 =	vld [tilespmem:$0x1F920];
	v15 =	vsub.f32 v61, v18;
	v6 =	vadd.f32 v20, v56;
	v3 =	vmul.f32 v4, v4  }
0x402: {  	v9 =	vadd.f32 v58, v21;
	v18 =	vld [tilespmem:$0x1F930];
	v8 =	vmul.f32 v8, v8;
	v2 =	vsub.f32 v2, v55  }
0x403: {  	v20 =	vld [tilespmem:$0x1F940];
	v19 =	vsub.f32 v6, v60;
	[tilespmem:$0x1F8D0] =	vst v1;
	v1 =	vadd.f32 v3, v12;
	v3 =	vmul.f32 v15, v15  }
0x404: {  	v22 =	vsub.f32 v9, v62;
	[tilespmem:$0x1F8E0] =	vst v5;
	v21 =	vadd.f32 v8, v16;
	v2 =	vmul.f32 v2, v2  }
0x405: {  	[tilespmem:$0x1F8F0] =	vst v1;
	v1 =	vadd.f32 v3, v63;
	v3 =	vmul.f32 v19, v19  }
0x406: {  	v23 =	vmul.f32 v22, v22;
	[tilespmem:$0x1F900] =	vst v21;
	v2 =	vadd.f32 v2, v17  }
0x407: {  	[tilespmem:$0x1F910] =	vst v1;
	v1 =	vadd.f32 v3, v18  }
0x408: {  	[tilespmem:$0x1F920] =	vst v2;
	v2 =	vadd.f32 v23, v20  }
0x409: {  	[tilespmem:$0x1F930] =	vst v1  }
0x40a: {  	s15 =	simm.s32 $0x1E9D0;
	[tilespmem:$0x1F940] =	vst v2  }
0x40b: {  	[tilespmem:s31], [sflag:$0x3] =	stream.indirect.gather [spmem:s4], $0x1, s15, s24, $0xb8;
	[tilespmem:$0x1FCD0] =	vst v63  }
0x40c: {  	s18 =	simm.s32 $0x1EDD0  }
0x40d: {  	[tilespmem:s25], [sflag:$0x3] =	stream.indirect.gather [spmem:s4], $0x1, s18, s24, $0xb8;
	[tilespmem:$0x1FCD0] =	vst v63  }
0x40e: {  	s26 =	simm.s32 $0x1F1D0  }
0x40f: {  	[tilespmem:s17], [sflag:$0x3] =	stream.indirect.gather [spmem:s5], $0x1, s26, s24, $0xb8;
	[tilespmem:$0x1FCD0] =	vst v63  }
0x410: {  	_ =	swait.ge [sflag:s20], $0x180  }
0x411: {  	[sflag:s20] =	ssyncset.done $0x0  }
0x412: {  	[sflag:s20] =	ssyncadd.s32 $0xFFFFFE80  }
0x413: {  	v1 =	vld [tilespmem:$0x1F650]  }
0x414: {  	v2 =	vld [tilespmem:$0x1F6D0]  }
0x415: {  	v3 =	vld [tilespmem:$0x1F750]  }
0x416: {  	v24 =	vld [tilespmem:$0x1F950]  }
0x417: {  	v25 =	vld [tilespmem:$0x1F660]  }
0x418: {  	v26 =	vld [tilespmem:$0x1F6E0]  }
0x419: {  	v27 =	vld [tilespmem:$0x1F760]  }
0x41a: {  	v28 =	vld [tilespmem:$0x1F960]  }
0x41b: {  	v29 =	vld [tilespmem:$0x1F670]  }
0x41c: {  	v30 =	vld [tilespmem:$0x1F6F0]  }
0x41d: {  	v31 =	vld [tilespmem:$0x1F770]  }
0x41e: {  	v32 =	vld [tilespmem:$0x1F970]  }
0x41f: {  	v33 =	vld [tilespmem:$0x1F680]  }
0x420: {  	v34 =	vld [tilespmem:$0x1F700]  }
0x421: {  	v35 =	vld [tilespmem:$0x1F780]  }
0x422: {  	v36 =	vld [tilespmem:$0x1F980]  }
0x423: {  	v37 =	vld [tilespmem:$0x1F690]  }
0x424: {  	v39 =	vld [tilespmem:$0x1F790]  }
0x425: {  	v41 =	vld [tilespmem:$0x1F6B0]  }
0x426: {  	v42 =	vld [tilespmem:$0x1F7B0]  }
0x427: {  	v43 =	vld [tilespmem:$0x1F6C0]  }
0x428: {  	v45 =	vld [tilespmem:$0x1F7C0];
	v1 =	vadd.f32 v3, v1  }
0x429: {  	v3 =	vld [tilespmem:$0x1F6A0]  }
0x42a: {  	v1 =	vsub.f32 v1, v2;
	v2 =	vld [tilespmem:$0x1F7A0]  }
0x42b: {  	v38 =	vld [tilespmem:$0x1F710];
	v5 =	vadd.f32 v27, v25;
	v44 =	vadd.f32 v31, v29  }
0x42c: {  	v40 =	vld [tilespmem:$0x1F720];
	v46 =	vadd.f32 v35, v33;
	v48 =	vadd.f32 v39, v37  }
0x42d: {  	v47 =	vld [tilespmem:$0x1F730];
	v6 =	vadd.f32 v42, v41;
	v5 =	vsub.f32 v5, v26  }
0x42e: {  	v49 =	vld [tilespmem:$0x1F740];
	v9 =	vadd.f32 v45, v43;
	v4 =	vsub.f32 v44, v30;
	v1 =	vmul.f32 v1, v1  }
0x42f: {  	v50 =	vld [tilespmem:$0x1F990];
	v8 =	vsub.f32 v46, v34;
	v5 =	vmul.f32 v5, v5;
	v2 =	vadd.f32 v2, v3  }
0x430: {  	v52 =	vld [tilespmem:$0x1F9A0];
	v51 =	vsub.f32 v48, v38;
	v1 =	vadd.f32 v1, v24;
	v3 =	vmul.f32 v4, v4  }
0x431: {  	v53 =	vld [tilespmem:$0x1F9B0];
	v8 =	vmul.f32 v8, v8;
	v5 =	vadd.f32 v5, v28;
	v2 =	vsub.f32 v2, v40  }
0x432: {  	v55 =	vld [tilespmem:$0x1F9C0];
	v54 =	vsub.f32 v6, v47;
	[tilespmem:$0x1F950] =	vst v1;
	v1 =	vadd.f32 v3, v32;
	v3 =	vmul.f32 v51, v51  }
0x433: {  	v57 =	vsub.f32 v9, v49;
	v56 =	vadd.f32 v8, v36;
	[tilespmem:$0x1F960] =	vst v5;
	v2 =	vmul.f32 v2, v2  }
0x434: {  	[tilespmem:$0x1F970] =	vst v1;
	v1 =	vadd.f32 v3, v50;
	v3 =	vmul.f32 v54, v54  }
0x435: {  	v58 =	vmul.f32 v57, v57;
	[tilespmem:$0x1F980] =	vst v56;
	v2 =	vadd.f32 v2, v52  }
0x436: {  	[tilespmem:$0x1F990] =	vst v1;
	v1 =	vadd.f32 v3, v53  }
0x437: {  	[tilespmem:$0x1F9A0] =	vst v2;
	v2 =	vadd.f32 v58, v55  }
0x438: {  	[tilespmem:$0x1F9B0] =	vst v1  }
0x439: {  	s13 =	simm.s32 $0x1EA50;
	[tilespmem:$0x1F9C0] =	vst v2  }
0x43a: {  	[tilespmem:s14], [sflag:$0x4] =	stream.indirect.gather [spmem:s4], $0x1, s13, s24, $0xb8;
	[tilespmem:$0x1FCD0] =	vst v63  }
0x43b: {  	s15 =	simm.s32 $0x1EE50  }
0x43c: {  	[tilespmem:s23], [sflag:$0x4] =	stream.indirect.gather [spmem:s4], $0x1, s15, s24, $0xb8;
	[tilespmem:$0x1FCD0] =	vst v63  }
0x43d: {  	s18 =	simm.s32 $0x1F250  }
0x43e: {  	[tilespmem:s30], [sflag:$0x4] =	stream.indirect.gather [spmem:s5], $0x1, s18, s24, $0xb8;
	[tilespmem:$0x1FCD0] =	vst v63  }
0x43f: {  	_ =	swait.ge [sflag:s28], $0x180  }
0x440: {  	[sflag:s28] =	ssyncset.done $0x0  }
0x441: {  	[sflag:s28] =	ssyncadd.s32 $0xFFFFFE80  }
0x442: {  	v1 =	vld [tilespmem:$0x1F4D0]  }
0x443: {  	v2 =	vld [tilespmem:$0x1F550]  }
0x444: {  	v3 =	vld [tilespmem:$0x1F5D0]  }
0x445: {  	v59 =	vld [tilespmem:$0x1F9D0]  }
0x446: {  	v60 =	vld [tilespmem:$0x1F4E0]  }
0x447: {  	v61 =	vld [tilespmem:$0x1F560]  }
0x448: {  	v62 =	vld [tilespmem:$0x1F5E0]  }
0x449: {  	v63 =	vld [tilespmem:$0x1F9E0]  }
0x44a: {  	v24 =	vld [tilespmem:$0x1F4F0]  }
0x44b: {  	v25 =	vld [tilespmem:$0x1F570]  }
0x44c: {  	v26 =	vld [tilespmem:$0x1F5F0]  }
0x44d: {  	v27 =	vld [tilespmem:$0x1F9F0]  }
0x44e: {  	v28 =	vld [tilespmem:$0x1F500]  }
0x44f: {  	v29 =	vld [tilespmem:$0x1F580]  }
0x450: {  	v30 =	vld [tilespmem:$0x1F600]  }
0x451: {  	v31 =	vld [tilespmem:$0x1FA00]  }
0x452: {  	v32 =	vld [tilespmem:$0x1F510]  }
0x453: {  	v34 =	vld [tilespmem:$0x1F610]  }
0x454: {  	v36 =	vld [tilespmem:$0x1F530]  }
0x455: {  	v37 =	vld [tilespmem:$0x1F630]  }
0x456: {  	v38 =	vld [tilespmem:$0x1F540]  }
0x457: {  	v40 =	vld [tilespmem:$0x1F640];
	v1 =	vadd.f32 v3, v1  }
0x458: {  	v3 =	vld [tilespmem:$0x1F520]  }
0x459: {  	v1 =	vsub.f32 v1, v2;
	v2 =	vld [tilespmem:$0x1F620]  }
0x45a: {  	v33 =	vld [tilespmem:$0x1F590];
	v5 =	vadd.f32 v62, v60;
	v39 =	vadd.f32 v26, v24  }
0x45b: {  	v35 =	vld [tilespmem:$0x1F5A0];
	v41 =	vadd.f32 v30, v28;
	v43 =	vadd.f32 v34, v32  }
0x45c: {  	v42 =	vld [tilespmem:$0x1F5B0];
	v6 =	vadd.f32 v37, v36;
	v5 =	vsub.f32 v5, v61  }
0x45d: {  	v44 =	vld [tilespmem:$0x1F5C0];
	v9 =	vadd.f32 v40, v38;
	v4 =	vsub.f32 v39, v25;
	v1 =	vmul.f32 v1, v1  }
0x45e: {  	v45 =	vld [tilespmem:$0x1FA10];
	v8 =	vsub.f32 v41, v29;
	v5 =	vmul.f32 v5, v5;
	v2 =	vadd.f32 v2, v3  }
0x45f: {  	v47 =	vld [tilespmem:$0x1FA20];
	v46 =	vsub.f32 v43, v33;
	v1 =	vadd.f32 v1, v59;
	v3 =	vmul.f32 v4, v4  }
0x460: {  	v48 =	vld [tilespmem:$0x1FA30];
	v8 =	vmul.f32 v8, v8;
	v5 =	vadd.f32 v5, v63;
	v2 =	vsub.f32 v2, v35  }
0x461: {  	v50 =	vld [tilespmem:$0x1FA40];
	v49 =	vsub.f32 v6, v42;
	[tilespmem:$0x1F9D0] =	vst v1;
	v1 =	vadd.f32 v3, v27;
	v3 =	vmul.f32 v46, v46  }
0x462: {  	v52 =	vsub.f32 v9, v44;
	v51 =	vadd.f32 v8, v31;
	[tilespmem:$0x1F9E0] =	vst v5;
	v2 =	vmul.f32 v2, v2  }
0x463: {  	[tilespmem:$0x1F9F0] =	vst v1;
	v1 =	vadd.f32 v3, v45;
	v3 =	vmul.f32 v49, v49  }
0x464: {  	v53 =	vmul.f32 v52, v52;
	[tilespmem:$0x1FA00] =	vst v51;
	v2 =	vadd.f32 v2, v47  }
0x465: {  	[tilespmem:$0x1FA10] =	vst v1;
	v1 =	vadd.f32 v3, v48  }
0x466: {  	[tilespmem:$0x1FA20] =	vst v2;
	v2 =	vadd.f32 v53, v50  }
0x467: {  	[tilespmem:$0x1FA30] =	vst v1  }
0x468: {  	s26 =	simm.s32 $0x1EAD0;
	[tilespmem:$0x1FA40] =	vst v2  }
0x469: {  	[tilespmem:s31], [sflag:$0x3] =	stream.indirect.gather [spmem:s4], $0x1, s26, s24, $0xb8;
	[tilespmem:$0x1FCD0] =	vst v63  }
0x46a: {  	s13 =	simm.s32 $0x1EED0  }
0x46b: {  	[tilespmem:s25], [sflag:$0x3] =	stream.indirect.gather [spmem:s4], $0x1, s13, s24, $0xb8;
	[tilespmem:$0x1FCD0] =	vst v63  }
0x46c: {  	s15 =	simm.s32 $0x1F2D0  }
0x46d: {  	[tilespmem:s17], [sflag:$0x3] =	stream.indirect.gather [spmem:s5], $0x1, s15, s24, $0xb8;
	[tilespmem:$0x1FCD0] =	vst v63  }
0x46e: {  	_ =	swait.ge [sflag:s20], $0x180  }
0x46f: {  	[sflag:s20] =	ssyncset.done $0x0  }
0x470: {  	[sflag:s20] =	ssyncadd.s32 $0xFFFFFE80  }
0x471: {  	v1 =	vld [tilespmem:$0x1F650]  }
0x472: {  	v2 =	vld [tilespmem:$0x1F6D0]  }
0x473: {  	v3 =	vld [tilespmem:$0x1F750]  }
0x474: {  	v54 =	vld [tilespmem:$0x1FA50]  }
0x475: {  	v55 =	vld [tilespmem:$0x1F660]  }
0x476: {  	v56 =	vld [tilespmem:$0x1F6E0]  }
0x477: {  	v57 =	vld [tilespmem:$0x1F760]  }
0x478: {  	v58 =	vld [tilespmem:$0x1FA60]  }
0x479: {  	v59 =	vld [tilespmem:$0x1F670]  }
0x47a: {  	v60 =	vld [tilespmem:$0x1F6F0]  }
0x47b: {  	v61 =	vld [tilespmem:$0x1F770]  }
0x47c: {  	v62 =	vld [tilespmem:$0x1FA70]  }
0x47d: {  	v63 =	vld [tilespmem:$0x1F680]  }
0x47e: {  	v24 =	vld [tilespmem:$0x1F700]  }
0x47f: {  	v25 =	vld [tilespmem:$0x1F780]  }
0x480: {  	v26 =	vld [tilespmem:$0x1FA80]  }
0x481: {  	v27 =	vld [tilespmem:$0x1F690]  }
0x482: {  	v29 =	vld [tilespmem:$0x1F790]  }
0x483: {  	v31 =	vld [tilespmem:$0x1F6B0]  }
0x484: {  	v32 =	vld [tilespmem:$0x1F7B0]  }
0x485: {  	v33 =	vld [tilespmem:$0x1F6C0]  }
0x486: {  	v35 =	vld [tilespmem:$0x1F7C0];
	v1 =	vadd.f32 v3, v1  }
0x487: {  	v3 =	vld [tilespmem:$0x1F6A0]  }
0x488: {  	v1 =	vsub.f32 v1, v2;
	v2 =	vld [tilespmem:$0x1F7A0]  }
0x489: {  	v28 =	vld [tilespmem:$0x1F710];
	v5 =	vadd.f32 v57, v55;
	v34 =	vadd.f32 v61, v59  }
0x48a: {  	v30 =	vld [tilespmem:$0x1F720];
	v36 =	vadd.f32 v25, v63;
	v38 =	vadd.f32 v29, v27  }
0x48b: {  	v37 =	vld [tilespmem:$0x1F730];
	v6 =	vadd.f32 v32, v31;
	v5 =	vsub.f32 v5, v56  }
0x48c: {  	v39 =	vld [tilespmem:$0x1F740];
	v9 =	vadd.f32 v35, v33;
	v4 =	vsub.f32 v34, v60;
	v1 =	vmul.f32 v1, v1  }
0x48d: {  	v40 =	vld [tilespmem:$0x1FA90];
	v8 =	vsub.f32 v36, v24;
	v5 =	vmul.f32 v5, v5;
	v2 =	vadd.f32 v2, v3  }
0x48e: {  	v42 =	vld [tilespmem:$0x1FAA0];
	v41 =	vsub.f32 v38, v28;
	v1 =	vadd.f32 v1, v54;
	v3 =	vmul.f32 v4, v4  }
0x48f: {  	v43 =	vld [tilespmem:$0x1FAB0];
	v8 =	vmul.f32 v8, v8;
	v5 =	vadd.f32 v5, v58;
	v2 =	vsub.f32 v2, v30  }
0x490: {  	v45 =	vld [tilespmem:$0x1FAC0];
	v44 =	vsub.f32 v6, v37;
	[tilespmem:$0x1FA50] =	vst v1;
	v1 =	vadd.f32 v3, v62;
	v3 =	vmul.f32 v41, v41  }
0x491: {  	v47 =	vsub.f32 v9, v39;
	v46 =	vadd.f32 v8, v26;
	[tilespmem:$0x1FA60] =	vst v5;
	v2 =	vmul.f32 v2, v2  }
0x492: {  	[tilespmem:$0x1FA70] =	vst v1;
	v1 =	vadd.f32 v3, v40;
	v3 =	vmul.f32 v44, v44  }
0x493: {  	v48 =	vmul.f32 v47, v47;
	[tilespmem:$0x1FA80] =	vst v46;
	v2 =	vadd.f32 v2, v42  }
0x494: {  	[tilespmem:$0x1FA90] =	vst v1;
	v1 =	vadd.f32 v3, v43  }
0x495: {  	[tilespmem:$0x1FAA0] =	vst v2;
	v2 =	vadd.f32 v48, v45  }
0x496: {  	[tilespmem:$0x1FAB0] =	vst v1  }
0x497: {  	s18 =	simm.s32 $0x1EB50;
	[tilespmem:$0x1FAC0] =	vst v2  }
0x498: {  	[tilespmem:s14], [sflag:$0x4] =	stream.indirect.gather [spmem:s4], $0x1, s18, s24, $0xb8;
	[tilespmem:$0x1FCD0] =	vst v63  }
0x499: {  	s26 =	simm.s32 $0x1EF50  }
0x49a: {  	[tilespmem:s23], [sflag:$0x4] =	stream.indirect.gather [spmem:s4], $0x1, s26, s24, $0xb8;
	[tilespmem:$0x1FCD0] =	vst v63  }
0x49b: {  	s13 =	simm.s32 $0x1F350  }
0x49c: {  	[tilespmem:s30], [sflag:$0x4] =	stream.indirect.gather [spmem:s5], $0x1, s13, s24, $0xb8;
	[tilespmem:$0x1FCD0] =	vst v63  }
0x49d: {  	_ =	swait.ge [sflag:s28], $0x180  }
0x49e: {  	[sflag:s28] =	ssyncset.done $0x0  }
0x49f: {  	[sflag:s28] =	ssyncadd.s32 $0xFFFFFE80  }
0x4a0: {  	v1 =	vld [tilespmem:$0x1F4D0]  }
0x4a1: {  	v2 =	vld [tilespmem:$0x1F550]  }
0x4a2: {  	v3 =	vld [tilespmem:$0x1F5D0]  }
0x4a3: {  	v49 =	vld [tilespmem:$0x1FAD0]  }
0x4a4: {  	v50 =	vld [tilespmem:$0x1F4E0]  }
0x4a5: {  	v51 =	vld [tilespmem:$0x1F560]  }
0x4a6: {  	v52 =	vld [tilespmem:$0x1F5E0]  }
0x4a7: {  	v53 =	vld [tilespmem:$0x1FAE0]  }
0x4a8: {  	v54 =	vld [tilespmem:$0x1F4F0]  }
0x4a9: {  	v55 =	vld [tilespmem:$0x1F570]  }
0x4aa: {  	v56 =	vld [tilespmem:$0x1F5F0]  }
0x4ab: {  	v57 =	vld [tilespmem:$0x1FAF0]  }
0x4ac: {  	v58 =	vld [tilespmem:$0x1F500]  }
0x4ad: {  	v59 =	vld [tilespmem:$0x1F580]  }
0x4ae: {  	v60 =	vld [tilespmem:$0x1F600]  }
0x4af: {  	v61 =	vld [tilespmem:$0x1FB00]  }
0x4b0: {  	v62 =	vld [tilespmem:$0x1F510]  }
0x4b1: {  	v24 =	vld [tilespmem:$0x1F610]  }
0x4b2: {  	v26 =	vld [tilespmem:$0x1F530]  }
0x4b3: {  	v27 =	vld [tilespmem:$0x1F630]  }
0x4b4: {  	v28 =	vld [tilespmem:$0x1F540]  }
0x4b5: {  	v30 =	vld [tilespmem:$0x1F640];
	v1 =	vadd.f32 v3, v1  }
0x4b6: {  	v3 =	vld [tilespmem:$0x1F520]  }
0x4b7: {  	v1 =	vsub.f32 v1, v2;
	v2 =	vld [tilespmem:$0x1F620]  }
0x4b8: {  	v63 =	vld [tilespmem:$0x1F590];
	v5 =	vadd.f32 v52, v50;
	v29 =	vadd.f32 v56, v54  }
0x4b9: {  	v25 =	vld [tilespmem:$0x1F5A0];
	v31 =	vadd.f32 v60, v58;
	v33 =	vadd.f32 v24, v62  }
0x4ba: {  	v32 =	vld [tilespmem:$0x1F5B0];
	v6 =	vadd.f32 v27, v26;
	v5 =	vsub.f32 v5, v51  }
0x4bb: {  	v34 =	vld [tilespmem:$0x1F5C0];
	v9 =	vadd.f32 v30, v28;
	v4 =	vsub.f32 v29, v55;
	v1 =	vmul.f32 v1, v1  }
0x4bc: {  	v35 =	vld [tilespmem:$0x1FB10];
	v8 =	vsub.f32 v31, v59;
	v5 =	vmul.f32 v5, v5;
	v2 =	vadd.f32 v2, v3  }
0x4bd: {  	v37 =	vld [tilespmem:$0x1FB20];
	v36 =	vsub.f32 v33, v63;
	v1 =	vadd.f32 v1, v49;
	v3 =	vmul.f32 v4, v4  }
0x4be: {  	v38 =	vld [tilespmem:$0x1FB30];
	v8 =	vmul.f32 v8, v8;
	v5 =	vadd.f32 v5, v53;
	v2 =	vsub.f32 v2, v25  }
0x4bf: {  	v40 =	vld [tilespmem:$0x1FB40];
	v39 =	vsub.f32 v6, v32;
	[tilespmem:$0x1FAD0] =	vst v1;
	v1 =	vadd.f32 v3, v57;
	v3 =	vmul.f32 v36, v36  }
0x4c0: {  	v42 =	vsub.f32 v9, v34;
	v41 =	vadd.f32 v8, v61;
	[tilespmem:$0x1FAE0] =	vst v5;
	v2 =	vmul.f32 v2, v2  }
0x4c1: {  	[tilespmem:$0x1FAF0] =	vst v1;
	v1 =	vadd.f32 v3, v35;
	v3 =	vmul.f32 v39, v39  }
0x4c2: {  	v43 =	vmul.f32 v42, v42;
	[tilespmem:$0x1FB00] =	vst v41;
	v2 =	vadd.f32 v2, v37  }
0x4c3: {  	[tilespmem:$0x1FB10] =	vst v1;
	v1 =	vadd.f32 v3, v38  }
0x4c4: {  	[tilespmem:$0x1FB20] =	vst v2;
	v2 =	vadd.f32 v43, v40  }
0x4c5: {  	[tilespmem:$0x1FB30] =	vst v1  }
0x4c6: {  	s15 =	simm.s32 $0x1EBD0;
	[tilespmem:$0x1FB40] =	vst v2  }
0x4c7: {  	[tilespmem:s31], [sflag:$0x3] =	stream.indirect.gather [spmem:s4], $0x1, s15, s24, $0xb8;
	[tilespmem:$0x1FCD0] =	vst v63  }
0x4c8: {  	s18 =	simm.s32 $0x1EFD0  }
0x4c9: {  	[tilespmem:s25], [sflag:$0x3] =	stream.indirect.gather [spmem:s4], $0x1, s18, s24, $0xb8;
	[tilespmem:$0x1FCD0] =	vst v63  }
0x4ca: {  	s26 =	simm.s32 $0x1F3D0  }
0x4cb: {  	[tilespmem:s17], [sflag:$0x3] =	stream.indirect.gather [spmem:s5], $0x1, s26, s24, $0xb8;
	[tilespmem:$0x1FCD0] =	vst v63  }
0x4cc: {  	_ =	swait.ge [sflag:s20], $0x180  }
0x4cd: {  	[sflag:s20] =	ssyncset.done $0x0  }
0x4ce: {  	[sflag:s20] =	ssyncadd.s32 $0xFFFFFE80  }
0x4cf: {  	v1 =	vld [tilespmem:$0x1F650]  }
0x4d0: {  	v2 =	vld [tilespmem:$0x1F6D0]  }
0x4d1: {  	v3 =	vld [tilespmem:$0x1F750]  }
0x4d2: {  	v44 =	vld [tilespmem:$0x1FB50]  }
0x4d3: {  	v45 =	vld [tilespmem:$0x1F660]  }
0x4d4: {  	v46 =	vld [tilespmem:$0x1F6E0]  }
0x4d5: {  	v47 =	vld [tilespmem:$0x1F760]  }
0x4d6: {  	v48 =	vld [tilespmem:$0x1FB60]  }
0x4d7: {  	v49 =	vld [tilespmem:$0x1F670]  }
0x4d8: {  	v50 =	vld [tilespmem:$0x1F6F0]  }
0x4d9: {  	v51 =	vld [tilespmem:$0x1F770]  }
0x4da: {  	v52 =	vld [tilespmem:$0x1FB70]  }
0x4db: {  	v53 =	vld [tilespmem:$0x1F680]  }
0x4dc: {  	v54 =	vld [tilespmem:$0x1F700]  }
0x4dd: {  	v55 =	vld [tilespmem:$0x1F780]  }
0x4de: {  	v56 =	vld [tilespmem:$0x1FB80]  }
0x4df: {  	v57 =	vld [tilespmem:$0x1F690]  }
0x4e0: {  	v59 =	vld [tilespmem:$0x1F790]  }
0x4e1: {  	v61 =	vld [tilespmem:$0x1F6B0]  }
0x4e2: {  	v62 =	vld [tilespmem:$0x1F7B0]  }
0x4e3: {  	v63 =	vld [tilespmem:$0x1F6C0]  }
0x4e4: {  	v24 =	vld [tilespmem:$0x1F7C0];
	v1 =	vadd.f32 v3, v1  }
0x4e5: {  	v3 =	vld [tilespmem:$0x1F6A0]  }
0x4e6: {  	v1 =	vsub.f32 v1, v2;
	v2 =	vld [tilespmem:$0x1F7A0]  }
0x4e7: {  	v58 =	vld [tilespmem:$0x1F710];
	v5 =	vadd.f32 v47, v45;
	v23 =	vadd.f32 v51, v49  }
0x4e8: {  	v60 =	vld [tilespmem:$0x1F720];
	v25 =	vadd.f32 v55, v53;
	v27 =	vadd.f32 v59, v57  }
0x4e9: {  	v26 =	vld [tilespmem:$0x1F730];
	v6 =	vadd.f32 v62, v61;
	v5 =	vsub.f32 v5, v46  }
0x4ea: {  	v28 =	vld [tilespmem:$0x1F740];
	v9 =	vadd.f32 v24, v63;
	v4 =	vsub.f32 v23, v50;
	v1 =	vmul.f32 v1, v1  }
0x4eb: {  	v29 =	vld [tilespmem:$0x1FB90];
	v8 =	vsub.f32 v25, v54;
	v5 =	vmul.f32 v5, v5;
	v2 =	vadd.f32 v2, v3  }
0x4ec: {  	v31 =	vld [tilespmem:$0x1FBA0];
	v30 =	vsub.f32 v27, v58;
	v1 =	vadd.f32 v1, v44;
	v3 =	vmul.f32 v4, v4  }
0x4ed: {  	v32 =	vld [tilespmem:$0x1FBB0];
	v8 =	vmul.f32 v8, v8;
	v5 =	vadd.f32 v5, v48;
	v2 =	vsub.f32 v2, v60  }
0x4ee: {  	v34 =	vld [tilespmem:$0x1FBC0];
	v33 =	vsub.f32 v6, v26;
	[tilespmem:$0x1FB50] =	vst v1;
	v1 =	vadd.f32 v3, v52;
	v3 =	vmul.f32 v30, v30  }
0x4ef: {  	v36 =	vsub.f32 v9, v28;
	v35 =	vadd.f32 v8, v56;
	[tilespmem:$0x1FB60] =	vst v5;
	v2 =	vmul.f32 v2, v2  }
0x4f0: {  	[tilespmem:$0x1FB70] =	vst v1;
	v1 =	vadd.f32 v3, v29;
	v3 =	vmul.f32 v33, v33  }
0x4f1: {  	v37 =	vmul.f32 v36, v36;
	[tilespmem:$0x1FB80] =	vst v35;
	v2 =	vadd.f32 v2, v31  }
0x4f2: {  	[tilespmem:$0x1FB90] =	vst v1;
	v1 =	vadd.f32 v3, v32  }
0x4f3: {  	[tilespmem:$0x1FBA0] =	vst v2;
	v2 =	vadd.f32 v37, v34  }
0x4f4: {  	[tilespmem:$0x1FBB0] =	vst v1  }
0x4f5: {  	s13 =	simm.s32 $0x1EC50;
	[tilespmem:$0x1FBC0] =	vst v2  }
0x4f6: {  	[tilespmem:s14], [sflag:$0x4] =	stream.indirect.gather [spmem:s4], $0x1, s13, s24, $0xb8;
	[tilespmem:$0x1FCD0] =	vst v63  }
0x4f7: {  	s15 =	simm.s32 $0x1F050  }
0x4f8: {  	[tilespmem:s23], [sflag:$0x4] =	stream.indirect.gather [spmem:s4], $0x1, s15, s24, $0xb8;
	[tilespmem:$0x1FCD0] =	vst v63  }
0x4f9: {  	s18 =	simm.s32 $0x1F450  }
0x4fa: {  	[tilespmem:s30], [sflag:$0x4] =	stream.indirect.gather [spmem:s5], $0x1, s18, s24, $0xb8;
	[tilespmem:$0x1FCD0] =	vst v63  }
0x4fb: {  	_ =	swait.ge [sflag:s28], $0x180  }
0x4fc: {  	[sflag:s28] =	ssyncset.done $0x0  }
0x4fd: {  	[sflag:s28] =	ssyncadd.s32 $0xFFFFFE80  }
0x4fe: {  	v1 =	vld [tilespmem:$0x1F4D0]  }
0x4ff: {  	v2 =	vld [tilespmem:$0x1F550]  }
0x500: {  	v3 =	vld [tilespmem:$0x1F5D0]  }
0x501: {  	v38 =	vld [tilespmem:$0x1FBD0]  }
0x502: {  	v39 =	vld [tilespmem:$0x1F4E0]  }
0x503: {  	v40 =	vld [tilespmem:$0x1F560]  }
0x504: {  	v41 =	vld [tilespmem:$0x1F5E0]  }
0x505: {  	v42 =	vld [tilespmem:$0x1FBE0]  }
0x506: {  	v43 =	vld [tilespmem:$0x1F4F0]  }
0x507: {  	v44 =	vld [tilespmem:$0x1F570]  }
0x508: {  	v45 =	vld [tilespmem:$0x1F5F0]  }
0x509: {  	v46 =	vld [tilespmem:$0x1FBF0]  }
0x50a: {  	v47 =	vld [tilespmem:$0x1F500]  }
0x50b: {  	v48 =	vld [tilespmem:$0x1F580]  }
0x50c: {  	v49 =	vld [tilespmem:$0x1F600]  }
0x50d: {  	v50 =	vld [tilespmem:$0x1FC00]  }
0x50e: {  	v51 =	vld [tilespmem:$0x1F510]  }
0x50f: {  	v53 =	vld [tilespmem:$0x1F610]  }
0x510: {  	v55 =	vld [tilespmem:$0x1F530]  }
0x511: {  	v56 =	vld [tilespmem:$0x1F630]  }
0x512: {  	v57 =	vld [tilespmem:$0x1F540]  }
0x513: {  	v59 =	vld [tilespmem:$0x1F640];
	v1 =	vadd.f32 v3, v1  }
0x514: {  	v3 =	vld [tilespmem:$0x1F520]  }
0x515: {  	v1 =	vsub.f32 v1, v2;
	v2 =	vld [tilespmem:$0x1F620]  }
0x516: {  	v52 =	vld [tilespmem:$0x1F590];
	v5 =	vadd.f32 v41, v39;
	v58 =	vadd.f32 v45, v43  }
0x517: {  	v54 =	vld [tilespmem:$0x1F5A0];
	v60 =	vadd.f32 v49, v47;
	v62 =	vadd.f32 v53, v51  }
0x518: {  	v61 =	vld [tilespmem:$0x1F5B0];
	v6 =	vadd.f32 v56, v55;
	v5 =	vsub.f32 v5, v40  }
0x519: {  	v63 =	vld [tilespmem:$0x1F5C0];
	v9 =	vadd.f32 v59, v57;
	v4 =	vsub.f32 v58, v44;
	v1 =	vmul.f32 v1, v1  }
0x51a: {  	v17 =	vld [tilespmem:$0x1FC10];
	v8 =	vsub.f32 v60, v48;
	v5 =	vmul.f32 v5, v5;
	v2 =	vadd.f32 v2, v3  }
0x51b: {  	v22 =	vld [tilespmem:$0x1FC20];
	v19 =	vsub.f32 v62, v52;
	v1 =	vadd.f32 v1, v38;
	v3 =	vmul.f32 v4, v4  }
0x51c: {  	v23 =	vld [tilespmem:$0x1FC30];
	v8 =	vmul.f32 v8, v8;
	v5 =	vadd.f32 v5, v42;
	v2 =	vsub.f32 v2, v54  }
0x51d: {  	v25 =	vld [tilespmem:$0x1FC40];
	v24 =	vsub.f32 v6, v61;
	[tilespmem:$0x1FBD0] =	vst v1;
	v1 =	vadd.f32 v3, v46;
	v3 =	vmul.f32 v19, v19  }
0x51e: {  	v27 =	vsub.f32 v9, v63;
	v26 =	vadd.f32 v8, v50;
	[tilespmem:$0x1FBE0] =	vst v5;
	v2 =	vmul.f32 v2, v2  }
0x51f: {  	[tilespmem:$0x1FBF0] =	vst v1;
	v1 =	vadd.f32 v3, v17;
	v3 =	vmul.f32 v24, v24  }
0x520: {  	v28 =	vmul.f32 v27, v27;
	[tilespmem:$0x1FC00] =	vst v26;
	v2 =	vadd.f32 v2, v22  }
0x521: {  	[tilespmem:$0x1FC10] =	vst v1;
	v1 =	vadd.f32 v3, v23  }
0x522: {  	[tilespmem:$0x1FC20] =	vst v2;
	v2 =	vadd.f32 v28, v25  }
0x523: {  	[tilespmem:$0x1FC30] =	vst v1  }
0x524: {  	[tilespmem:$0x1FC40] =	vst v2  }
0x525: {  	_ =	swait.ge [sflag:s20], $0x180  }
0x526: {  	[sflag:s20] =	ssyncset.done $0x0  }
0x527: {  	[sflag:s20] =	ssyncadd.s32 $0xFFFFFE80  }
0x528: {  	v1 =	vld [tilespmem:$0x1F650]  }
0x529: {  	v2 =	vld [tilespmem:$0x1F6D0]  }
0x52a: {  	v3 =	vld [tilespmem:$0x1F750]  }
0x52b: {  	v29 =	vld [tilespmem:$0x1FC50]  }
0x52c: {  	v30 =	vld [tilespmem:$0x1F660]  }
0x52d: {  	v31 =	vld [tilespmem:$0x1F6E0]  }
0x52e: {  	v32 =	vld [tilespmem:$0x1F760]  }
0x52f: {  	v33 =	vld [tilespmem:$0x1FC60]  }
0x530: {  	v34 =	vld [tilespmem:$0x1F670]  }
0x531: {  	v35 =	vld [tilespmem:$0x1F6F0]  }
0x532: {  	v36 =	vld [tilespmem:$0x1F770]  }
0x533: {  	v37 =	vld [tilespmem:$0x1FC70]  }
0x534: {  	v38 =	vld [tilespmem:$0x1F680]  }
0x535: {  	v39 =	vld [tilespmem:$0x1F700]  }
0x536: {  	v40 =	vld [tilespmem:$0x1F780]  }
0x537: {  	v41 =	vld [tilespmem:$0x1FC80]  }
0x538: {  	v42 =	vld [tilespmem:$0x1F690]  }
0x539: {  	v44 =	vld [tilespmem:$0x1F790]  }
0x53a: {  	v46 =	vld [tilespmem:$0x1F6B0]  }
0x53b: {  	v47 =	vld [tilespmem:$0x1F7B0]  }
0x53c: {  	v48 =	vld [tilespmem:$0x1F6C0]  }
0x53d: {  	v50 =	vld [tilespmem:$0x1F7C0];
	v1 =	vadd.f32 v3, v1  }
0x53e: {  	v3 =	vld [tilespmem:$0x1F6A0]  }
0x53f: {  	v1 =	vsub.f32 v1, v2;
	v2 =	vld [tilespmem:$0x1F7A0]  }
0x540: {  	v43 =	vld [tilespmem:$0x1F710];
	v5 =	vadd.f32 v32, v30;
	v49 =	vadd.f32 v36, v34  }
0x541: {  	v45 =	vld [tilespmem:$0x1F720];
	v51 =	vadd.f32 v40, v38;
	v53 =	vadd.f32 v44, v42  }
0x542: {  	v52 =	vld [tilespmem:$0x1F730];
	v6 =	vadd.f32 v47, v46;
	v5 =	vsub.f32 v5, v31  }
0x543: {  	v54 =	vld [tilespmem:$0x1F740];
	v57 =	vadd.f32 v50, v48;
	v4 =	vsub.f32 v49, v35;
	v1 =	vmul.f32 v1, v1  }
0x544: {  	v8 =	vsub.f32 v51, v39;
	v5 =	vmul.f32 v5, v5;
	v2 =	vadd.f32 v2, v3;
	v3 =	vld [tilespmem:$0x1FC90]  }
0x545: {  	v55 =	vld [tilespmem:$0x1FCA0];
	v10 =	vsub.f32 v53, v43;
	v4 =	vmul.f32 v4, v4;
	v1 =	vadd.f32 v1, v29  }
0x546: {  	v58 =	vld [tilespmem:$0x1FCB0];
	v56 =	vmul.f32 v8, v8;
	v5 =	vadd.f32 v5, v33;
	v2 =	vsub.f32 v2, v45  }
0x547: {  	v60 =	vld [tilespmem:$0x1FCC0];
	v6 =	vsub.f32 v6, v52;
	v59 =	vmul.f32 v10, v10;
	[tilespmem:$0x1FC50] =	vst v1;
	v1 =	vadd.f32 v4, v37  }
0x548: {  	v62 =	vsub.f32 v57, v54;
	v61 =	vadd.f32 v56, v41;
	[tilespmem:$0x1FC60] =	vst v5;
	v2 =	vmul.f32 v2, v2  }
0x549: {  	[tilespmem:$0x1FC70] =	vst v1;
	v1 =	vadd.f32 v59, v3;
	v3 =	vmul.f32 v6, v6  }
0x54a: {  	v63 =	vmul.f32 v62, v62;
	[tilespmem:$0x1FC80] =	vst v61;
	v2 =	vadd.f32 v2, v55  }
0x54b: {  	[tilespmem:$0x1FC90] =	vst v1;
	v1 =	vadd.f32 v3, v58  }
0x54c: {  	[tilespmem:$0x1FCA0] =	vst v2;
	v2 =	vadd.f32 v63, v60  }
0x54d: {  	[tilespmem:$0x1FCB0] =	vst v1  }
0x54e: {  	[tilespmem:$0x1FCC0] =	vst v2  }
0x54f: {  	[bflag:$0x0] =	sbarrier.arrive $0xFFFF  }
0x550: {  	s26 =	sld [smem:$0x7D1];
	_ =	sdelay $0x2  }
0x551: {  	p6 =	por p1, p1;
	p1 =	seq.s32 s26, $0x1  }
.Ltmp14:
0x552: {  	_ = 	snop;
	(pc) =	sbr.rel @p1 .LBB2_18-.Ltmp14, $1  }
0x553: {  	_ =	sdelay $0x3  }
0x554: {  	s1 =	sld [smem:$0x7D0];
	_ =	sdelay $0x2  }
0x555: {  	p1 =	seq.s32 s1, $0x1  }
0x556: {  	s1 =	sadd.s32 @!p1 $0x1, s21  }
0x557: {  	s1 =	sshrl.u32 @!p1 s1, $0x3  }
0x558: {  	s1 =	smul.u32 @!p1 $0x7A1400, s1  }
0x559: {  	s13 =	sand.u32 @!p1 $0x380, s16  }
0x55a: {  	s15 =	simm.s32 @!p1 $0x1;
	s1 =	sor.u32 @!p1 s13, s1  }
0x55b: {  	s18 =	simm.s32 @!p1 $0x10;
	s26 =	simm.s32 @!p1 $0x80;
	s1 =	sshrl.u32 @!p1 s1, $0x3  }
0x55c: {  	s29 =	simm.s32 @!p1 $0x1C02;
	s13 =	sshrl.u32 @!p1 s4, $0x3;
	s1 =	sadd.s32 @!p1 s0, s1  }
0x55d: {  	[spmem:s13@s18], [sflag:s29] =	dma.strided @!p1 [hbm:s1@s26], $0x3D00, s15, $0x10   }
0x55e: {  	s1 =	sadd.s32 @p3 $0x1, s21  }
0x55f: {  	s1 =	sshrl.u32 @p3 s1, $0x3  }
0x560: {  	s1 =	smul.u32 @p3 $0x7A1400, s1  }
0x561: {  	s13 =	sand.u32 @p3 $0x380, s16  }
0x562: {  	s15 =	sld [smem:$0x7F9];
	s1 =	sor.u32 @p3 s13, s1  }
0x563: {  	s18 =	simm.s32 @p3 $0x1;
	s26 =	simm.s32 @p3 $0x10;
	s1 =	sadd.s32 @p3 $0xF4000, s1  }
0x564: {  	s29 =	simm.s32 @p3 $0x80;
	s13 =	sshll.u32 @p3 s9, $0x6;
	s1 =	sshrl.u32 @p3 s1, $0x3  }
0x565: {  	s15 =	sshrl.u32 @p3 s15, $0x3;
	s13 =	sor.u32 @p3 $0x1C02, s13;
	s1 =	sadd.s32 @p3 s0, s1  }
0x566: {  	[spmem:s15@s26], [sflag:s13] =	dma.strided @p3 [hbm:s1@s29], $0x3D00, s18, $0x10   }
0x567: {  	s1 =	sld [smem:$0x7D7];
	_ =	sdelay $0x2  }
0x568: {  	p1 =	seq.s32 s1, $0x1  }
0x569: {  	s1 =	sadd.s32 @p1 $0x1, s21  }
0x56a: {  	s1 =	sshrl.u32 @p1 s1, $0x3  }
0x56b: {  	s15 =	sld [smem:$0x7FA];
	s1 =	smul.u32 @p1 $0x7A1400, s1  }
0x56c: {  	s13 =	sand.u32 @p1 $0x380, s16  }
0x56d: {  	s1 =	sor.u32 @p1 s13, s1  }
0x56e: {  	s15 =	sshrl.u32 @p1 s15, $0x3;
	s18 =	simm.s32 @p1 $0x1;
	s1 =	sadd.s32 @p1 $0x1E8000, s1  }
0x56f: {  	s26 =	simm.s32 @p1 $0x10;
	s13 =	sshll.u32 @p1 s9, $0x6;
	s1 =	sshrl.u32 @p1 s1, $0x3  }
0x570: {  	s29 =	simm.s32 @p1 $0x80;
	s13 =	sor.u32 @p1 $0x1C02, s13;
	s1 =	sadd.s32 @p1 s0, s1  }
0x571: {  	[spmem:s15@s26], [sflag:s13] =	dma.strided @p1 [hbm:s1@s29], $0x3D00, s18, $0x10   }
0x572: {  	s1 =	sld [smem:$0x7D6];
	_ =	sdelay $0x2  }
0x573: {  	p1 =	seq.s32 s1, $0x1  }
0x574: {  	s1 =	sadd.s32 @p1 $0x1, s21  }
0x575: {  	s1 =	sshrl.u32 @p1 s1, $0x3  }
0x576: {  	s15 =	sld [smem:$0x7FB];
	s1 =	smul.u32 @p1 $0x7A1400, s1  }
0x577: {  	s13 =	sand.u32 @p1 $0x380, s16  }
0x578: {  	s1 =	sor.u32 @p1 s13, s1  }
0x579: {  	s15 =	sshrl.u32 @p1 s15, $0x3;
	s18 =	simm.s32 @p1 $0x1;
	s1 =	sadd.s32 @p1 $0x2DC000, s1  }
0x57a: {  	s26 =	simm.s32 @p1 $0x10;
	s13 =	sshll.u32 @p1 s9, $0x6;
	s1 =	sshrl.u32 @p1 s1, $0x3  }
0x57b: {  	s29 =	simm.s32 @p1 $0x80;
	s13 =	sor.u32 @p1 $0x1C02, s13;
	s1 =	sadd.s32 @p1 s0, s1  }
0x57c: {  	[spmem:s15@s26], [sflag:s13] =	dma.strided @p1 [hbm:s1@s29], $0x3D00, s18, $0x10   }
0x57d: {  	s1 =	sadd.s32 @p4 $0x1, s21  }
0x57e: {  	s1 =	sshrl.u32 @p4 s1, $0x3  }
0x57f: {  	s1 =	smul.u32 @p4 $0x7A1400, s1  }
0x580: {  	s13 =	sand.u32 @p4 $0x380, s16  }
0x581: {  	s15 =	sld [smem:$0x7F4];
	s1 =	sor.u32 @p4 s13, s1  }
0x582: {  	s18 =	simm.s32 @p4 $0x1;
	s26 =	simm.s32 @p4 $0x10;
	s1 =	sadd.s32 @p4 $0x3D0000, s1  }
0x583: {  	s29 =	simm.s32 @p4 $0x80;
	s13 =	sshll.u32 @p4 s9, $0x6;
	s1 =	sshrl.u32 @p4 s1, $0x3  }
0x584: {  	s15 =	sshrl.u32 @p4 s15, $0x3;
	s13 =	sor.u32 @p4 $0x1C02, s13;
	s1 =	sadd.s32 @p4 s0, s1  }
0x585: {  	[spmem:s15@s26], [sflag:s13] =	dma.strided @p4 [hbm:s1@s29], $0x3D00, s18, $0x10   }
0x586: {  	s1 =	sadd.s32 @p2 $0x1, s21  }
0x587: {  	s1 =	sshrl.u32 @p2 s1, $0x3  }
0x588: {  	s1 =	smul.u32 @p2 $0x7A1400, s1  }
0x589: {  	s13 =	sand.u32 @p2 $0x380, s16  }
0x58a: {  	s15 =	sld [smem:$0x7F2];
	s1 =	sor.u32 @p2 s13, s1  }
0x58b: {  	s18 =	simm.s32 @p2 $0x1;
	s26 =	simm.s32 @p2 $0x10;
	s1 =	sadd.s32 @p2 $0x4C4000, s1  }
0x58c: {  	s29 =	simm.s32 @p2 $0x80;
	s13 =	sshll.u32 @p2 s9, $0x6;
	s1 =	sshrl.u32 @p2 s1, $0x3  }
0x58d: {  	s15 =	sshrl.u32 @p2 s15, $0x3;
	s13 =	sor.u32 @p2 $0x1C02, s13;
	s1 =	sadd.s32 @p2 s0, s1  }
0x58e: {  	[spmem:s15@s26], [sflag:s13] =	dma.strided @p2 [hbm:s1@s29], $0x3D00, s18, $0x10   }
0x58f: {  	s1 =	sld [smem:$0x7D8];
	_ =	sdelay $0x2  }
0x590: {  	p1 =	seq.s32 s1, $0x1  }
0x591: {  	s1 =	sadd.s32 @p1 $0x1, s21  }
0x592: {  	s1 =	sshrl.u32 @p1 s1, $0x3  }
0x593: {  	s15 =	sld [smem:$0x7F0];
	s1 =	smul.u32 @p1 $0x7A1400, s1  }
0x594: {  	s13 =	sand.u32 @p1 $0x380, s16  }
0x595: {  	s1 =	sor.u32 @p1 s13, s1  }
0x596: {  	s15 =	sshrl.u32 @p1 s15, $0x3;
	s18 =	simm.s32 @p1 $0x1;
	s1 =	sadd.s32 @p1 $0x5B8000, s1  }
0x597: {  	s26 =	simm.s32 @p1 $0x10;
	s13 =	sshll.u32 @p1 s9, $0x6;
	s1 =	sshrl.u32 @p1 s1, $0x3  }
0x598: {  	s29 =	simm.s32 @p1 $0x80;
	s13 =	sor.u32 @p1 $0x1C02, s13;
	s1 =	sadd.s32 @p1 s0, s1  }
0x599: {  	[spmem:s15@s26], [sflag:s13] =	dma.strided @p1 [hbm:s1@s29], $0x3D00, s18, $0x10   }
0x59a: {  	s1 =	sld [smem:$0x7D5];
	_ =	sdelay $0x2  }
0x59b: {  	p1 =	por p5, p5;
	p5 =	por p6, p6;
	p6 =	seq.s32 s1, $0x1  }
0x59c: {  	s1 =	sadd.s32 @p6 $0x1, s21  }
0x59d: {  	s1 =	sshrl.u32 @p6 s1, $0x3  }
0x59e: {  	s15 =	sld [smem:$0x7EE];
	s1 =	smul.u32 @p6 $0x7A1400, s1  }
0x59f: {  	s13 =	sand.u32 @p6 $0x380, s16  }
0x5a0: {  	s1 =	sor.u32 @p6 s13, s1  }
0x5a1: {  	s15 =	sshrl.u32 @p6 s15, $0x3;
	s18 =	simm.s32 @p6 $0x1;
	s1 =	sadd.s32 @p6 $0x6AC000, s1  }
0x5a2: {  	s26 =	simm.s32 @p6 $0x10;
	s13 =	sshll.u32 @p6 s9, $0x6;
	s1 =	sshrl.u32 @p6 s1, $0x3  }
0x5a3: {  	s29 =	simm.s32 @p6 $0x80;
	s13 =	sor.u32 @p6 $0x1C02, s13;
	s1 =	sadd.s32 @p6 s0, s1  }
0x5a4: {  	[spmem:s15@s26], [sflag:s13] =	dma.strided @p6 [hbm:s1@s29], $0x3D00, s18, $0x10   }
0x5a5: {  	s1 =	sadd.s32 @p1 $0x1, s21  }
0x5a6: {  	s1 =	sshrl.u32 @p1 s1, $0x3  }
0x5a7: {  	s1 =	smul.u32 @p1 $0x7A1400, s1  }
0x5a8: {  	p6 =	por p5, p5;
	s13 =	sand.u32 @p1 $0x380, s16  }
0x5a9: {  	p5 =	por p1, p1;
	s15 =	sld [smem:$0x7EC];
	s1 =	sor.u32 @p1 s13, s1  }
0x5aa: {  	s18 =	simm.s32 @p1 $0x1;
	s26 =	simm.s32 @p1 $0x10;
	s1 =	sadd.s32 @p1 $0x7A0000, s1  }
0x5ab: {  	s29 =	simm.s32 @p1 $0x80;
	s13 =	sshll.u32 @p1 s9, $0x6;
	s1 =	sshrl.u32 @p1 s1, $0x3  }
0x5ac: {  	s15 =	sshrl.u32 @p1 s15, $0x3;
	s13 =	sor.u32 @p1 $0x1C02, s13;
	s1 =	sadd.s32 @p1 s0, s1  }
0x5ad: {  	[spmem:s15@s26], [sflag:s13] =	dma.strided @p1 [hbm:s1@s29], $0x40, s18, $0x10   }
0x5ae: {  	s21 =	sadd.s32 $0x2, s21;
	s1 =	sadd.s32 @p6 s16, s11;
	s13 =	sand.u32 @p6 $0x70, s19  }
0x5af: {  	s15 =	sshll.u32 @p6 s9, $0x6;
	s18 =	simm.s32 @p6 $0x1;
	s26 =	simm.s32 @p6 $0x10  }
0x5b0: {  	s29 =	simm.s32 @p6 $0x80;
	s1 =	sand.u32 @p6 $0x3C00, s1;
	s13 =	sadd.s32 @p6 s7, s13  }
0x5b1: {  	s1 =	sadd.s32 @p6 s1, s13;
	s13 =	sor.u32 @p6 $0x1C02, s15;
	s15 =	sshrl.u32 @p6 s5, $0x3  }
0x5b2: {  	[spmem:s15@s26], [sflag:s13] =	dma.strided @p6 [hbm:s1@s29], $0x80, s18, $0x10   }
.Ltmp15:
0x5b3: {  	s16 =	sadd.s32 $0x100, s16;
	p1 =	por p3, p3;
	(pc) =	sbr.rel .LBB2_13-.Ltmp15, $4  }
0x5b4: {  	p3 =	por p0, p0;
	s1 =	sadd.s32 @p0 s19, s10;
	s13 =	sand.u32 @p0 $0x70, s19  }
0x5b5: {  	s29 =	simm.s32 $0x1E8D0;
	s1 =	sand.u32 @p0 $0x780, s1;
	s13 =	sadd.s32 @p0 s8, s13  }
0x5b6: {  	s19 =	sadd.s32 $0x20, s19;
	s1 =	sadd.s32 @p0 s1, s13;
	s13 =	simm.s32 @p0 $0x0  }
0x5b7: {  	[tilespmem:s12], [sflag:$0x2] =	stream.linear.gather @p0 [hbm4b:s1+s13], $0x80, $0x38;
	[tilespmem:$0x1FCD0] =	vst v63  }
.LBB2_19:
0x5b8: {  	_ =	sfence.sel $0x180000  }
0x5b9: {  	[bflag:$0x0] =	sbarrier.arrive $0xFFFF  }
0x5ba: {  	_ =	strace $0x90000047  }
0x5bb: {  	[bflag:$0x2] =	sbarrier.arrive $0xFFFF  }
0x5bc: {  	s0 =	rddreg [dreg:$0xa]  }
0x5bd: {  	s0 =	sadd.s32 @!p1 $0x100000, s0  }
0x5be: {  	[sflag:s0] =	ssyncadd.tile.s32 @!p1 $0x1;
	_ =	shalt  }
.Lfunc_end2:
_tile_overlayer_lowered:
.L_overlay_start_2:
0x5bf: {  	(tag) =	ssettag $0x2  }
0x5c0: {  	s0 =	rddreg [dreg:$0x0];
	s2 =	stileid.u32  }
0x5c1: {  	s1 =	rddreg [dreg:$0x1];
	p0 =	sne.s32 s2, $0x0  }
0x5c2: {  	s3 =	rddreg [dreg:$0x2];
	[bflag:$0x3] =	sbarrier.arrive $0xFFFF;
	s2 =	simm.s32 @!p0 $0x1C05  }
0x5c3: {  	[timem:s3], [sflag:s2] =	dma.local @!p0 [hbm:s0], s1  }
0x5c4: {  	s0 =	simm.s32 @!p0 $0x5  }
0x5c5: {  	_ =	swait.ge @!p0 [sflag:s0], s1  }
0x5c6: {  	s1 =	ssub.s32 @!p0 $0x0, s1;
	[sflag:s0] =	ssyncset.done @!p0 $0x0  }
0x5c7: {  	[sflag:s0] =	ssyncadd.s32 @!p0 s1  }
0x5c8: {  	[bflag:$0x3] =	sbarrier.arrive $0xFFFF  }
0x5c9: {  	_ =	shalt  }

</sc_bundles>
